<compile_context>
chip_gen: v7x
topology: tpu7x:2x2x1
jax: 0.10.2.dev20260603
libtpu: 0.0.44.dev20260713+nightly
codegen_flags: <defaults>
</compile_context>

<pallas_src>
import jax
import jax.numpy as jnp
from jax import lax
from jax.experimental import pallas as pl
from jax.experimental.pallas import tpu as pltpu
from jax.experimental.pallas import tpu_sc as plsc

_NC = 2
_NS = 16
_NW = _NC * _NS

_HALF = 5120
_FULL = 2 * _HALF
_LSTRIDE = _HALF + 1

_RB = 1000


def _sc_mesh():
    return plsc.VectorSubcoreMesh(core_axis_name="c", subcore_axis_name="s",
                                  num_cores=_NC, num_subcores=_NS)



def _deg_body(dst_hbm, zeros_hbm, out_hbm, dst_v, hist_v, deg_v):
    cid = lax.axis_index("c")
    sid = lax.axis_index("s")
    wid = sid * _NC + cid
    epw = dst_v.shape[0]

    pltpu.sync_copy(dst_hbm.at[wid], dst_v)

    lane_base = lax.iota(jnp.int32, 16) * _LSTRIDE
    ones = jnp.ones((16,), jnp.float32)

    for p in range(2):
        lo = p * _HALF
        pltpu.sync_copy(zeros_hbm, hist_v)

        def hist16(base, lo=lo):
            dvec = dst_v[pl.ds(base, 16)]
            m = (dvec >= lo) & (dvec < lo + _HALF)
            idx = jnp.where(m, dvec - lo, 0) + lane_base
            plsc.addupdate_scatter(hist_v, [idx], ones, mask=m)

        def body(i, carry):
            for u in range(4):
                hist16(i * 64 + u * 16)
            return carry

        lax.fori_loop(0, epw // 64, body, 0)
        for t in range((epw // 64) * 64, epw, 16):
            hist16(t)

        def red(q, carry):
            vals = [hist_v[pl.ds(l * _LSTRIDE + q * 16, 16)]
                    for l in range(16)]
            while len(vals) > 1:
                vals = [vals[i] + vals[i + 1] for i in range(0, len(vals), 2)]
            deg_v[pl.ds(q * 16, 16)] = vals[0]
            return carry

        lax.fori_loop(0, _HALF // 16, red, 0)
        pltpu.sync_copy(deg_v, out_hbm.at[wid, pl.ds(p * _HALF, _HALF)])



_NBUF = 8


def _acc_body(g_hbm, src_hbm, dst_hbm, zeros_hbm, out_hbm,
              src_v, dst_v, bufs, gsems, ssems, shared_acc):
    npad = shared_acc.shape[0]
    nchunk = src_v.shape[0]
    cid = lax.axis_index("c")
    sid = lax.axis_index("s")
    wid = sid * _NC + cid
    rpt = npad // _NS
    r0 = pl.multiple_of(sid * rpt, 8)

    pltpu.sync_copy(src_hbm.at[wid], src_v)
    pltpu.sync_copy(dst_hbm.at[wid], dst_v)
    pltpu.sync_copy(zeros_hbm.at[pl.ds(r0, rpt)], shared_acc.at[pl.ds(r0, rpt)])
    plsc.subcore_barrier()

    def gather(c, b):
        pltpu.async_copy(g_hbm.at[src_v.at[c]], bufs[b], gsems[b])

    def wait_gather(c, b):
        pltpu.make_async_copy(g_hbm.at[src_v.at[c]], bufs[b], gsems[b]).wait()

    def scatter(c, b):
        pltpu.async_copy(bufs[b], shared_acc.at[dst_v.at[c]], ssems[b],
                         add=True)

    def wait_scatter(c, b):
        pltpu.make_async_copy(bufs[b], shared_acc.at[dst_v.at[c]],
                              ssems[b]).wait()

    depth = _NBUF // 2
    for c in range(depth):
        gather(c, c)

    def outer(gidx, carry):
        for b in range(_NBUF):
            c = gidx * _NBUF + b
            wait_gather(c, b)
            scatter(c, b)

            @pl.when(c >= depth)
            def _(c=c, b=b):
                wait_scatter(c - depth, (b + depth) % _NBUF)

            @pl.when(c + depth < nchunk)
            def _(c=c, b=b):
                gather(c + depth, (b + depth) % _NBUF)
        return carry

    lax.fori_loop(0, nchunk // _NBUF, outer, 0)
    for c in range(nchunk - depth, nchunk):
        wait_scatter(c, c % _NBUF)

    plsc.subcore_barrier()
    pltpu.sync_copy(shared_acc.at[pl.ds(r0, rpt)],
                    out_hbm.at[cid, pl.ds(r0, rpt)])


def _make_acc_call(dc, nchunk, ch):
    return pl.kernel(
        _acc_body,
        out_type=jax.ShapeDtypeStruct((_NC, _FULL, dc), jnp.bfloat16),
        mesh=_sc_mesh(),
        scratch_types=[
            pltpu.VMEM((nchunk, ch), jnp.int32),
            pltpu.VMEM((nchunk, ch), jnp.int32),
            tuple(pltpu.VMEM((ch, dc), jnp.bfloat16) for _ in range(_NBUF)),
            tuple(pltpu.SemaphoreType.DMA for _ in range(_NBUF)),
            tuple(pltpu.SemaphoreType.DMA for _ in range(_NBUF)),
            pltpu.VMEM_SHARED((_FULL, dc), jnp.bfloat16),
        ],
        compiler_params=pltpu.CompilerParams(needs_layout_passes=False,
                                             use_tc_tiling_on_sc=False),
    )



def _tc_h1_body(x_ref, w_ref, h_ref):
    h_ref[...] = jnp.dot(x_ref[...], w_ref[...],
                         preferred_element_type=jnp.float32)


def _tc_first_body(deg_ref, h_ref, g_ref, inv_ref):
    deg = jnp.sum(deg_ref[...], axis=1) + 1.0
    inv = lax.rsqrt(deg)[:, None]
    inv_ref[...] = inv
    g_ref[...] = (h_ref[...] * inv).astype(jnp.bfloat16)


def _tc_mid_body(acc_ref, g_ref, inv_ref, b_ref, w_ref, o_ref):
    inv = inv_ref[...]
    s = (acc_ref[0].astype(jnp.float32) + acc_ref[1].astype(jnp.float32)
         + g_ref[...].astype(jnp.float32))
    x = jnp.maximum(inv * s + b_ref[...], 0.0)
    h = jnp.dot(x * inv, w_ref[...], preferred_element_type=jnp.float32)
    o_ref[...] = h.astype(jnp.bfloat16)


def _tc_final_body(acc_ref, g_ref, inv_ref, b_ref, o_ref):
    s = (acc_ref[0].astype(jnp.float32) + acc_ref[1].astype(jnp.float32)
         + g_ref[...].astype(jnp.float32))
    o_ref[...] = inv_ref[...] * s + b_ref[...]


def _tc_h1(x, W):
    n, d_in = x.shape
    d_out = W.shape[1]
    return pl.pallas_call(
        _tc_h1_body,
        grid=(n // _RB,),
        in_specs=[
            pl.BlockSpec((_RB, d_in), lambda i: (i, 0)),
            pl.BlockSpec((d_in, d_out), lambda i: (0, 0)),
        ],
        out_specs=pl.BlockSpec((_RB, d_out), lambda i: (i, 0)),
        out_shape=jax.ShapeDtypeStruct((n, d_out), jnp.float32),
    )(x, W)


def _tc_first(deg_p, h1):
    n, d_out = h1.shape
    return pl.pallas_call(
        _tc_first_body,
        grid=(n // _RB,),
        in_specs=[
            pl.BlockSpec((_RB, _NW), lambda i: (i, 0)),
            pl.BlockSpec((_RB, d_out), lambda i: (i, 0)),
        ],
        out_specs=[
            pl.BlockSpec((_RB, d_out), lambda i: (i, 0)),
            pl.BlockSpec((_RB, 1), lambda i: (i, 0)),
        ],
        out_shape=[
            jax.ShapeDtypeStruct((n, d_out), jnp.bfloat16),
            jax.ShapeDtypeStruct((n, 1), jnp.float32),
        ],
    )(deg_p, h1)


def _tc_mid(acc_p, g, inv, b, W):
    n, d = g.shape
    d_out = W.shape[1]
    return pl.pallas_call(
        _tc_mid_body,
        grid=(n // _RB,),
        in_specs=[
            pl.BlockSpec((_NC, _RB, d), lambda i: (0, i, 0)),
            pl.BlockSpec((_RB, d), lambda i: (i, 0)),
            pl.BlockSpec((_RB, 1), lambda i: (i, 0)),
            pl.BlockSpec((1, d), lambda i: (0, 0)),
            pl.BlockSpec((d, d_out), lambda i: (0, 0)),
        ],
        out_specs=pl.BlockSpec((_RB, d_out), lambda i: (i, 0)),
        out_shape=jax.ShapeDtypeStruct((n, d_out), jnp.bfloat16),
    )(acc_p, g, inv, b, W)


def _tc_final(acc_p, g, inv, b):
    n, d = g.shape
    return pl.pallas_call(
        _tc_final_body,
        grid=(n // _RB,),
        in_specs=[
            pl.BlockSpec((_NC, _RB, d), lambda i: (0, i, 0)),
            pl.BlockSpec((_RB, d), lambda i: (i, 0)),
            pl.BlockSpec((_RB, 1), lambda i: (i, 0)),
            pl.BlockSpec((1, d), lambda i: (0, 0)),
        ],
        out_specs=pl.BlockSpec((_RB, d), lambda i: (i, 0)),
        out_shape=jax.ShapeDtypeStruct((n, d), jnp.float32),
    )(acc_p, g, inv, b)



def kernel(node_features, edge_index, W1, b1, W2, b2, W3, b3):
    n, d_in = node_features.shape
    e = edge_index.shape[1]
    epw = e // _NW
    ch = 125
    nchunk = epw // ch

    src = edge_index[0].reshape(_NW, nchunk, ch)
    dst = edge_index[1].reshape(_NW, nchunk, ch)
    dst_flat = edge_index[1].reshape(_NW, epw)
    zeros_deg = jnp.zeros((_LSTRIDE * 16,), jnp.float32)
    zeros_h = jnp.zeros((_FULL, W1.shape[1]), jnp.bfloat16)
    zeros_o = jnp.zeros((_FULL, W3.shape[1]), jnp.bfloat16)

    deg_call = pl.kernel(
        _deg_body,
        out_type=jax.ShapeDtypeStruct((_NW, _FULL), jnp.float32),
        mesh=_sc_mesh(),
        scratch_types=[
            pltpu.VMEM((epw,), jnp.int32),
            pltpu.VMEM((_LSTRIDE * 16,), jnp.float32),
            pltpu.VMEM((_HALF,), jnp.float32),
        ],
        compiler_params=pltpu.CompilerParams(needs_layout_passes=False),
    )
    deg_p = deg_call(dst_flat, zeros_deg).T

    acc_h = _make_acc_call(W1.shape[1], nchunk, ch)
    acc_o = _make_acc_call(W3.shape[1], nchunk, ch)

    h1 = _tc_h1(node_features, W1)
    g1, inv = _tc_first(deg_p, h1)
    a1 = acc_h(g1, src, dst, zeros_h)
    g2 = _tc_mid(a1, g1, inv, b1.reshape(1, -1), W2)
    a2 = acc_h(g2, src, dst, zeros_h)
    g3 = _tc_mid(a2, g2, inv, b2.reshape(1, -1), W3)
    a3 = acc_o(g3, src, dst, zeros_o)
    return _tc_final(a3, g3, inv, b3.reshape(1, -1))

# --- scband reference (transcript-rebuilt; emitter-appended) ---
"""Pipeline reference for scband-federated-ppoagent-50757923504226 (READ-ONLY COPY).

The authoritative reference and input builder live on the scoring server;
editing this copy changes nothing except your own understanding.
"""

import jax, jax.numpy as jnp
import numpy as np

N = 10000
E = 320000
D_IN = 128
D_H = 128
D_OUT = 64


def _gcn_layer(x, src, dst, W, b):
    # GCNConv: add self-loops, symmetric deg^{-1/2} normalization, linear, scatter-add
    n = x.shape[0]
    h = x @ W
    loop = jnp.arange(n, dtype=src.dtype)
    src_f = jnp.concatenate([src, loop])
    dst_f = jnp.concatenate([dst, loop])
    deg = jnp.zeros((n,), jnp.float32).at[dst_f].add(1.0)
    inv_sqrt = jnp.where(deg > 0, deg ** -0.5, 0.0)
    coef = inv_sqrt[src_f] * inv_sqrt[dst_f]
    msg = h[src_f] * coef[:, None]
    out = jax.ops.segment_sum(msg, dst_f, num_segments=n) + b
    return out


def setup_inputs(seed: int = 0) -> dict:
    key = jax.random.key(seed)
    k1, k2, k3, k4, k5 = jax.random.split(key, 5)
    node_features = jax.random.normal(k1, (N, D_IN), dtype=jnp.float32)
    edge_index = jax.random.randint(k2, (2, E), 0, N, dtype=jnp.int32)
    W1 = jax.random.normal(k3, (D_IN, D_H), dtype=jnp.float32) * (1.0 / np.sqrt(D_IN))
    b1 = jnp.zeros((D_H,), dtype=jnp.float32)
    W2 = jax.random.normal(k4, (D_H, D_H), dtype=jnp.float32) * (1.0 / np.sqrt(D_H))
    b2 = jnp.zeros((D_H,), dtype=jnp.float32)
    W3 = jax.random.normal(k5, (D_H, D_OUT), dtype=jnp.float32) * (1.0 / np.sqrt(D_H))
    b3 = jnp.zeros((D_OUT,), dtype=jnp.float32)
    return {"node_features": node_features, "edge_index": edge_index,
            "W1": W1, "b1": b1, "W2": W2, "b2": b2, "W3": W3, "b3": b3}


def reference(node_features, edge_index, W1, b1, W2, b2, W3, b3):
    # forward_gnn: 3 stacked GCNConv layers, ReLU between (dropout is identity in eval)
    src = edge_index[0]
    dst = edge_index[1]
    x = jax.nn.relu(_gcn_layer(node_features, src, dst, W1, b1))
    x = jax.nn.relu(_gcn_layer(x, src, dst, W2, b2))
    x = _gcn_layer(x, src, dst, W3, b3)
    return x

if __name__ == "__main__":
    import jax
    _d = setup_inputs()
    print(jax.jit(kernel)(*tuple(_d.values())))

</pallas_src>

<mosaic_0001>
#map = affine_map<(d0, d1) -> (0, 0)>
#map1 = affine_map<(d0, d1) -> (0, 0, 0)>
module attributes {stable_mosaic.version = 14 : i64} {
  func.func @_acc_body(%arg0: i32, %arg1: i32, %arg2: memref<10000x128xbf16, #tpu.memory_space<hbm>>, %arg3: memref<32x80x125xi32, #tpu.memory_space<hbm>>, %arg4: memref<32x80x125xi32, #tpu.memory_space<hbm>>, %arg5: memref<10240x128xbf16, #tpu.memory_space<hbm>>, %arg6: memref<2x10240x128xbf16, #tpu.memory_space<hbm>>, %arg7: memref<80x125xi32, #tpu.memory_space<vmem>>, %arg8: memref<80x125xi32, #tpu.memory_space<vmem>>, %arg9: memref<125x128xbf16, #tpu.memory_space<vmem>>, %arg10: memref<125x128xbf16, #tpu.memory_space<vmem>>, %arg11: memref<125x128xbf16, #tpu.memory_space<vmem>>, %arg12: memref<125x128xbf16, #tpu.memory_space<vmem>>, %arg13: memref<125x128xbf16, #tpu.memory_space<vmem>>, %arg14: memref<125x128xbf16, #tpu.memory_space<vmem>>, %arg15: memref<125x128xbf16, #tpu.memory_space<vmem>>, %arg16: memref<125x128xbf16, #tpu.memory_space<vmem>>, %arg17: memref<!tpu.dma_semaphore, #tpu.memory_space<semaphore_mem>>, %arg18: memref<!tpu.dma_semaphore, #tpu.memory_space<semaphore_mem>>, %arg19: memref<!tpu.dma_semaphore, #tpu.memory_space<semaphore_mem>>, %arg20: memref<!tpu.dma_semaphore, #tpu.memory_space<semaphore_mem>>, %arg21: memref<!tpu.dma_semaphore, #tpu.memory_space<semaphore_mem>>, %arg22: memref<!tpu.dma_semaphore, #tpu.memory_space<semaphore_mem>>, %arg23: memref<!tpu.dma_semaphore, #tpu.memory_space<semaphore_mem>>, %arg24: memref<!tpu.dma_semaphore, #tpu.memory_space<semaphore_mem>>, %arg25: memref<!tpu.dma_semaphore, #tpu.memory_space<semaphore_mem>>, %arg26: memref<!tpu.dma_semaphore, #tpu.memory_space<semaphore_mem>>, %arg27: memref<!tpu.dma_semaphore, #tpu.memory_space<semaphore_mem>>, %arg28: memref<!tpu.dma_semaphore, #tpu.memory_space<semaphore_mem>>, %arg29: memref<!tpu.dma_semaphore, #tpu.memory_space<semaphore_mem>>, %arg30: memref<!tpu.dma_semaphore, #tpu.memory_space<semaphore_mem>>, %arg31: memref<!tpu.dma_semaphore, #tpu.memory_space<semaphore_mem>>, %arg32: memref<!tpu.dma_semaphore, #tpu.memory_space<semaphore_mem>>, %arg33: memref<10240x128xbf16, #tpu.memory_space<vmem_shared>>) attributes {dimension_semantics = [#tpu.dimension_semantics<core_parallel>, #tpu.dimension_semantics<subcore_parallel>], iteration_bounds = array<i64: 2, 16>, scalar_prefetch = 0 : i64, scratch_operands = 27 : i64, tpu.core_type = #tpu.core_type<sc_vector_subcore>, window_params = [{transform_indices = #map}, {transform_indices = #map1}, {transform_indices = #map1}, {transform_indices = #map}, {transform_indices = #map1}]} {
    %mul3A = arith.constant 2 : i32
    %mul3A_0 = arith.muli %arg1, %mul3A : i32
    %add3A = arith.addi %mul3A_0, %arg0 : i32
    %mul3A_1 = arith.constant 640 : i32
    %mul3A_2 = arith.muli %arg1, %mul3A_1 : i32
    %multiple_of3A = tpu.assume_multiple %mul3A_2, 8 : i32
    "tpu.region"() ({
      %run_scoped3A = tpu.sem_alloc : memref<!tpu.dma_semaphore, #tpu.memory_space<semaphore_mem>>
      %dma_start3A_63 = arith.constant 0 : i32
      %dma_start3A_64 = arith.constant 0 : i32
      %dma_start3A_65 = tpu.memref_slice %arg3[%add3A, %dma_start3A_63, %dma_start3A_64] : memref<32x80x125xi32, #tpu.memory_space<hbm>> -> memref<1x80x125xi32, #tpu.memory_space<hbm>>
      %dma_start3A_66 = tpu.memref_squeeze %dma_start3A_65 : memref<1x80x125xi32, #tpu.memory_space<hbm>> -> memref<80x125xi32, #tpu.memory_space<hbm>>
      %dma_start3A_67 = arith.constant 0 : i32
      %dma_start3A_68 = arith.constant 0 : i32
      %dma_start3A_69 = tpu.memref_slice %arg3[%add3A, %dma_start3A_67, %dma_start3A_68] : memref<32x80x125xi32, #tpu.memory_space<hbm>> -> memref<1x80x125xi32, #tpu.memory_space<hbm>>
      %dma_start3A_70 = tpu.memref_squeeze %dma_start3A_69 : memref<1x80x125xi32, #tpu.memory_space<hbm>> -> memref<80x125xi32, #tpu.memory_space<hbm>>
      tpu.enqueue_dma source(%dma_start3A_70 : memref<80x125xi32, #tpu.memory_space<hbm>>) target(%arg7 : memref<80x125xi32, #tpu.memory_space<vmem>>) target_semaphore(%run_scoped3A : memref<!tpu.dma_semaphore, #tpu.memory_space<semaphore_mem>>)
      %dma_wait3A_71 = arith.constant 0 : i32
      %dma_wait3A_72 = arith.constant 0 : i32
      %dma_wait3A_73 = tpu.memref_slice %arg3[%add3A, %dma_wait3A_71, %dma_wait3A_72] : memref<32x80x125xi32, #tpu.memory_space<hbm>> -> memref<1x80x125xi32, #tpu.memory_space<hbm>>
      %dma_wait3A_74 = tpu.memref_squeeze %dma_wait3A_73 : memref<1x80x125xi32, #tpu.memory_space<hbm>> -> memref<80x125xi32, #tpu.memory_space<hbm>>
      %dma_wait3A_75 = arith.constant 0 : i32
      %dma_wait3A_76 = arith.constant 0 : i32
      %dma_wait3A_77 = tpu.memref_slice %arg3[%add3A, %dma_wait3A_75, %dma_wait3A_76] : memref<32x80x125xi32, #tpu.memory_space<hbm>> -> memref<1x80x125xi32, #tpu.memory_space<hbm>>
      %dma_wait3A_78 = tpu.memref_squeeze %dma_wait3A_77 : memref<1x80x125xi32, #tpu.memory_space<hbm>> -> memref<80x125xi32, #tpu.memory_space<hbm>>
      tpu.wait_dma2 semaphore(%run_scoped3A : memref<!tpu.dma_semaphore, #tpu.memory_space<semaphore_mem>>) src(%dma_wait3A_78 : memref<80x125xi32, #tpu.memory_space<hbm>>) dst(%arg7 : memref<80x125xi32, #tpu.memory_space<vmem>>)
      tpu.yield
    }) : () -> ()
    "tpu.region"() ({
      %run_scoped3A = tpu.sem_alloc : memref<!tpu.dma_semaphore, #tpu.memory_space<semaphore_mem>>
      %dma_start3A_63 = arith.constant 0 : i32
      %dma_start3A_64 = arith.constant 0 : i32
      %dma_start3A_65 = tpu.memref_slice %arg4[%add3A, %dma_start3A_63, %dma_start3A_64] : memref<32x80x125xi32, #tpu.memory_space<hbm>> -> memref<1x80x125xi32, #tpu.memory_space<hbm>>
      %dma_start3A_66 = tpu.memref_squeeze %dma_start3A_65 : memref<1x80x125xi32, #tpu.memory_space<hbm>> -> memref<80x125xi32, #tpu.memory_space<hbm>>
      %dma_start3A_67 = arith.constant 0 : i32
      %dma_start3A_68 = arith.constant 0 : i32
      %dma_start3A_69 = tpu.memref_slice %arg4[%add3A, %dma_start3A_67, %dma_start3A_68] : memref<32x80x125xi32, #tpu.memory_space<hbm>> -> memref<1x80x125xi32, #tpu.memory_space<hbm>>
      %dma_start3A_70 = tpu.memref_squeeze %dma_start3A_69 : memref<1x80x125xi32, #tpu.memory_space<hbm>> -> memref<80x125xi32, #tpu.memory_space<hbm>>
      tpu.enqueue_dma source(%dma_start3A_70 : memref<80x125xi32, #tpu.memory_space<hbm>>) target(%arg8 : memref<80x125xi32, #tpu.memory_space<vmem>>) target_semaphore(%run_scoped3A : memref<!tpu.dma_semaphore, #tpu.memory_space<semaphore_mem>>)
      %dma_wait3A_71 = arith.constant 0 : i32
      %dma_wait3A_72 = arith.constant 0 : i32
      %dma_wait3A_73 = tpu.memref_slice %arg4[%add3A, %dma_wait3A_71, %dma_wait3A_72] : memref<32x80x125xi32, #tpu.memory_space<hbm>> -> memref<1x80x125xi32, #tpu.memory_space<hbm>>
      %dma_wait3A_74 = tpu.memref_squeeze %dma_wait3A_73 : memref<1x80x125xi32, #tpu.memory_space<hbm>> -> memref<80x125xi32, #tpu.memory_space<hbm>>
      %dma_wait3A_75 = arith.constant 0 : i32
      %dma_wait3A_76 = arith.constant 0 : i32
      %dma_wait3A_77 = tpu.memref_slice %arg4[%add3A, %dma_wait3A_75, %dma_wait3A_76] : memref<32x80x125xi32, #tpu.memory_space<hbm>> -> memref<1x80x125xi32, #tpu.memory_space<hbm>>
      %dma_wait3A_78 = tpu.memref_squeeze %dma_wait3A_77 : memref<1x80x125xi32, #tpu.memory_space<hbm>> -> memref<80x125xi32, #tpu.memory_space<hbm>>
      tpu.wait_dma2 semaphore(%run_scoped3A : memref<!tpu.dma_semaphore, #tpu.memory_space<semaphore_mem>>) src(%dma_wait3A_78 : memref<80x125xi32, #tpu.memory_space<hbm>>) dst(%arg8 : memref<80x125xi32, #tpu.memory_space<vmem>>)
      tpu.yield
    }) : () -> ()
    "tpu.region"() ({
      %run_scoped3A = tpu.sem_alloc : memref<!tpu.dma_semaphore, #tpu.memory_space<semaphore_mem>>
      %dma_start3A_63 = arith.constant 0 : i32
      %dma_start3A_64 = tpu.memref_slice %arg33[%multiple_of3A, %dma_start3A_63] : memref<10240x128xbf16, #tpu.memory_space<vmem_shared>> -> memref<640x128xbf16, #tpu.memory_space<vmem_shared>>
      %dma_start3A_65 = arith.constant 0 : i32
      %dma_start3A_66 = tpu.memref_slice %arg5[%multiple_of3A, %dma_start3A_65] : memref<10240x128xbf16, #tpu.memory_space<hbm>> -> memref<640x128xbf16, #tpu.memory_space<hbm>>
      tpu.enqueue_dma source(%dma_start3A_66 : memref<640x128xbf16, #tpu.memory_space<hbm>>) target(%dma_start3A_64 : memref<640x128xbf16, #tpu.memory_space<vmem_shared>>) target_semaphore(%run_scoped3A : memref<!tpu.dma_semaphore, #tpu.memory_space<semaphore_mem>>)
      %dma_wait3A_67 = arith.constant 0 : i32
      %dma_wait3A_68 = tpu.memref_slice %arg33[%multiple_of3A, %dma_wait3A_67] : memref<10240x128xbf16, #tpu.memory_space<vmem_shared>> -> memref<640x128xbf16, #tpu.memory_space<vmem_shared>>
      %dma_wait3A_69 = arith.constant 0 : i32
      %dma_wait3A_70 = tpu.memref_slice %arg5[%multiple_of3A, %dma_wait3A_69] : memref<10240x128xbf16, #tpu.memory_space<hbm>> -> memref<640x128xbf16, #tpu.memory_space<hbm>>
      tpu.wait_dma2 semaphore(%run_scoped3A : memref<!tpu.dma_semaphore, #tpu.memory_space<semaphore_mem>>) src(%dma_wait3A_70 : memref<640x128xbf16, #tpu.memory_space<hbm>>) dst(%dma_wait3A_68 : memref<640x128xbf16, #tpu.memory_space<vmem_shared>>)
      tpu.yield
    }) : () -> ()
    %barrier3A = arith.constant 0 : index
    tpu.barrier barrier_id(%barrier3A)
    %dma_start3A = arith.constant 0 : i32
    %dma_start3A_3 = arith.constant 0 : i32
    %dma_start3A_4 = tpu.memref_slice %arg7[%dma_start3A, %dma_start3A_3] : memref<80x125xi32, #tpu.memory_space<vmem>> -> memref<1x125xi32, #tpu.memory_space<vmem>>
    %dma_start3A_5 = tpu.memref_squeeze %dma_start3A_4 : memref<1x125xi32, #tpu.memory_space<vmem>> -> memref<125xi32, #tpu.memory_space<vmem>>
    %dma_start3A_6 = arith.constant 0 : i32
    %dma_start3A_7 = arith.constant 0 : i32
    %dma_start3A_8 = tpu.memref_slice %arg2[%dma_start3A_6, %dma_start3A_7] : memref<10000x128xbf16, #tpu.memory_space<hbm>> -> memref<10000x128xbf16, #tpu.memory_space<hbm>>
    tpu.enqueue_indirect_dma source(%dma_start3A_8 : memref<10000x128xbf16, #tpu.memory_space<hbm>>) target(%arg9 : memref<125x128xbf16, #tpu.memory_space<vmem>>) offsets(%dma_start3A_5 : memref<125xi32, #tpu.memory_space<vmem>>) semaphore(%arg17 : memref<!tpu.dma_semaphore, #tpu.memory_space<semaphore_mem>>)
    %dma_start3A_9 = arith.constant 1 : i32
    %dma_start3A_10 = arith.constant 0 : i32
    %dma_start3A_11 = tpu.memref_slice %arg7[%dma_start3A_9, %dma_start3A_10] : memref<80x125xi32, #tpu.memory_space<vmem>> -> memref<1x125xi32, #tpu.memory_space<vmem>>
    %dma_start3A_12 = tpu.memref_squeeze %dma_start3A_11 : memref<1x125xi32, #tpu.memory_space<vmem>> -> memref<125xi32, #tpu.memory_space<vmem>>
    %dma_start3A_13 = arith.constant 0 : i32
    %dma_start3A_14 = arith.constant 0 : i32
    %dma_start3A_15 = tpu.memref_slice %arg2[%dma_start3A_13, %dma_start3A_14] : memref<10000x128xbf16, #tpu.memory_space<hbm>> -> memref<10000x128xbf16, #tpu.memory_space<hbm>>
    tpu.enqueue_indirect_dma source(%dma_start3A_15 : memref<10000x128xbf16, #tpu.memory_space<hbm>>) target(%arg10 : memref<125x128xbf16, #tpu.memory_space<vmem>>) offsets(%dma_start3A_12 : memref<125xi32, #tpu.memory_space<vmem>>) semaphore(%arg18 : memref<!tpu.dma_semaphore, #tpu.memory_space<semaphore_mem>>)
    %dma_start3A_16 = arith.constant 2 : i32
    %dma_start3A_17 = arith.constant 0 : i32
    %dma_start3A_18 = tpu.memref_slice %arg7[%dma_start3A_16, %dma_start3A_17] : memref<80x125xi32, #tpu.memory_space<vmem>> -> memref<1x125xi32, #tpu.memory_space<vmem>>
    %dma_start3A_19 = tpu.memref_squeeze %dma_start3A_18 : memref<1x125xi32, #tpu.memory_space<vmem>> -> memref<125xi32, #tpu.memory_space<vmem>>
    %dma_start3A_20 = arith.constant 0 : i32
    %dma_start3A_21 = arith.constant 0 : i32
    %dma_start3A_22 = tpu.memref_slice %arg2[%dma_start3A_20, %dma_start3A_21] : memref<10000x128xbf16, #tpu.memory_space<hbm>> -> memref<10000x128xbf16, #tpu.memory_space<hbm>>
    tpu.enqueue_indirect_dma source(%dma_start3A_22 : memref<10000x128xbf16, #tpu.memory_space<hbm>>) target(%arg11 : memref<125x128xbf16, #tpu.memory_space<vmem>>) offsets(%dma_start3A_19 : memref<125xi32, #tpu.memory_space<vmem>>) semaphore(%arg19 : memref<!tpu.dma_semaphore, #tpu.memory_space<semaphore_mem>>)
    %dma_start3A_23 = arith.constant 3 : i32
    %dma_start3A_24 = arith.constant 0 : i32
    %dma_start3A_25 = tpu.memref_slice %arg7[%dma_start3A_23, %dma_start3A_24] : memref<80x125xi32, #tpu.memory_space<vmem>> -> memref<1x125xi32, #tpu.memory_space<vmem>>
    %dma_start3A_26 = tpu.memref_squeeze %dma_start3A_25 : memref<1x125xi32, #tpu.memory_space<vmem>> -> memref<125xi32, #tpu.memory_space<vmem>>
    %dma_start3A_27 = arith.constant 0 : i32
    %dma_start3A_28 = arith.constant 0 : i32
    %dma_start3A_29 = tpu.memref_slice %arg2[%dma_start3A_27, %dma_start3A_28] : memref<10000x128xbf16, #tpu.memory_space<hbm>> -> memref<10000x128xbf16, #tpu.memory_space<hbm>>
    tpu.enqueue_indirect_dma source(%dma_start3A_29 : memref<10000x128xbf16, #tpu.memory_space<hbm>>) target(%arg12 : memref<125x128xbf16, #tpu.memory_space<vmem>>) offsets(%dma_start3A_26 : memref<125xi32, #tpu.memory_space<vmem>>) semaphore(%arg20 : memref<!tpu.dma_semaphore, #tpu.memory_space<semaphore_mem>>)
    %scan3A = arith.constant 0 : i32
    %scan3A_30 = arith.constant 0 : i32
    %scan3A_31 = arith.constant 10 : i32
    %scan3A_32 = arith.addi %scan3A_30, %scan3A_31 : i32
    %scan3A_33 = arith.constant 1 : i32
    scf.for %scan3A_63 = %scan3A_30 to %scan3A_32 step %scan3A_33  : i32 {
      %mul3A_64 = arith.constant 8 : i32
      %mul3A_65 = arith.muli %scan3A_63, %mul3A_64 : i32
      %add3A_66 = arith.constant 0 : i32
      %add3A_67 = arith.addi %mul3A_65, %add3A_66 : i32
      %dma_wait3A_68 = arith.constant 0 : i32
      %dma_wait3A_69 = tpu.memref_slice %arg7[%add3A_67, %dma_wait3A_68] : memref<80x125xi32, #tpu.memory_space<vmem>> -> memref<1x125xi32, #tpu.memory_space<vmem>>
      %dma_wait3A_70 = tpu.memref_squeeze %dma_wait3A_69 : memref<1x125xi32, #tpu.memory_space<vmem>> -> memref<125xi32, #tpu.memory_space<vmem>>
      %dma_wait3A_71 = arith.constant 0 : i32
      %dma_wait3A_72 = arith.constant 0 : i32
      %dma_wait3A_73 = tpu.memref_slice %arg2[%dma_wait3A_71, %dma_wait3A_72] : memref<10000x128xbf16, #tpu.memory_space<hbm>> -> memref<10000x128xbf16, #tpu.memory_space<hbm>>
      tpu.wait_indirect_dma semaphore(%arg17 : memref<!tpu.dma_semaphore, #tpu.memory_space<semaphore_mem>>) src(%dma_wait3A_73 : memref<10000x128xbf16, #tpu.memory_space<hbm>>) dst(%arg9 : memref<125x128xbf16, #tpu.memory_space<vmem>>)
      %dma_start3A_74 = arith.constant 0 : i32
      %dma_start3A_75 = tpu.memref_slice %arg8[%add3A_67, %dma_start3A_74] : memref<80x125xi32, #tpu.memory_space<vmem>> -> memref<1x125xi32, #tpu.memory_space<vmem>>
      %dma_start3A_76 = tpu.memref_squeeze %dma_start3A_75 : memref<1x125xi32, #tpu.memory_space<vmem>> -> memref<125xi32, #tpu.memory_space<vmem>>
      %dma_start3A_77 = arith.constant 0 : i32
      %dma_start3A_78 = arith.constant 0 : i32
      %dma_start3A_79 = tpu.memref_slice %arg33[%dma_start3A_77, %dma_start3A_78] : memref<10240x128xbf16, #tpu.memory_space<vmem_shared>> -> memref<10240x128xbf16, #tpu.memory_space<vmem_shared>>
      tpu.enqueue_indirect_dma source(%arg9 : memref<125x128xbf16, #tpu.memory_space<vmem>>) target(%dma_start3A_79 : memref<10240x128xbf16, #tpu.memory_space<vmem_shared>>) offsets(%dma_start3A_76 : memref<125xi32, #tpu.memory_space<vmem>>) semaphore(%arg25 : memref<!tpu.dma_semaphore, #tpu.memory_space<semaphore_mem>>) {add = true}
      %ge3A = arith.constant 4 : i32
      %ge3A_80 = arith.cmpi sge, %add3A_67, %ge3A : i32
      %convert_element_type3A = arith.extui %ge3A_80 : i1 to i32
      %cond3A = arith.constant 0 : i32
      %cond3A_81 = arith.cmpi ne, %convert_element_type3A, %cond3A : i32
      scf.if %cond3A_81 {
        %sub3A = arith.constant 4 : i32
        %sub3A_284 = arith.subi %add3A_67, %sub3A : i32
        %dma_wait3A_285 = arith.constant 0 : i32
        %dma_wait3A_286 = tpu.memref_slice %arg8[%sub3A_284, %dma_wait3A_285] : memref<80x125xi32, #tpu.memory_space<vmem>> -> memref<1x125xi32, #tpu.memory_space<vmem>>
        %dma_wait3A_287 = tpu.memref_squeeze %dma_wait3A_286 : memref<1x125xi32, #tpu.memory_space<vmem>> -> memref<125xi32, #tpu.memory_space<vmem>>
        %dma_wait3A_288 = arith.constant 0 : i32
        %dma_wait3A_289 = arith.constant 0 : i32
        %dma_wait3A_290 = tpu.memref_slice %arg33[%dma_wait3A_288, %dma_wait3A_289] : memref<10240x128xbf16, #tpu.memory_space<vmem_shared>> -> memref<10240x128xbf16, #tpu.memory_space<vmem_shared>>
        tpu.wait_indirect_dma semaphore(%arg29 : memref<!tpu.dma_semaphore, #tpu.memory_space<semaphore_mem>>) src(%arg13 : memref<125x128xbf16, #tpu.memory_space<vmem>>) dst(%dma_wait3A_290 : memref<10240x128xbf16, #tpu.memory_space<vmem_shared>>)
      } else {
      }
      %add3A_82 = arith.constant 4 : i32
      %add3A_83 = arith.addi %add3A_67, %add3A_82 : i32
      %lt3A = arith.constant 80 : i32
      %lt3A_84 = arith.cmpi slt, %add3A_83, %lt3A : i32
      %convert_element_type3A_85 = arith.extui %lt3A_84 : i1 to i32
      %cond3A_86 = arith.constant 0 : i32
      %cond3A_87 = arith.cmpi ne, %convert_element_type3A_85, %cond3A_86 : i32
      scf.if %cond3A_87 {
        %add3A_284 = arith.constant 4 : i32
        %add3A_285 = arith.addi %add3A_67, %add3A_284 : i32
        %dma_start3A_286 = arith.constant 0 : i32
        %dma_start3A_287 = tpu.memref_slice %arg7[%add3A_285, %dma_start3A_286] : memref<80x125xi32, #tpu.memory_space<vmem>> -> memref<1x125xi32, #tpu.memory_space<vmem>>
        %dma_start3A_288 = tpu.memref_squeeze %dma_start3A_287 : memref<1x125xi32, #tpu.memory_space<vmem>> -> memref<125xi32, #tpu.memory_space<vmem>>
        %dma_start3A_289 = arith.constant 0 : i32
        %dma_start3A_290 = arith.constant 0 : i32
        %dma_start3A_291 = tpu.memref_slice %arg2[%dma_start3A_289, %dma_start3A_290] : memref<10000x128xbf16, #tpu.memory_space<hbm>> -> memref<10000x128xbf16, #tpu.memory_space<hbm>>
        tpu.enqueue_indirect_dma source(%dma_start3A_291 : memref<10000x128xbf16, #tpu.memory_space<hbm>>) target(%arg13 : memref<125x128xbf16, #tpu.memory_space<vmem>>) offsets(%dma_start3A_288 : memref<125xi32, #tpu.memory_space<vmem>>) semaphore(%arg21 : memref<!tpu.dma_semaphore, #tpu.memory_space<semaphore_mem>>)
      } else {
      }
      %mul3A_88 = arith.constant 8 : i32
      %mul3A_89 = arith.muli %scan3A_63, %mul3A_88 : i32
      %add3A_90 = arith.constant 1 : i32
      %add3A_91 = arith.addi %mul3A_89, %add3A_90 : i32
      %dma_wait3A_92 = arith.constant 0 : i32
      %dma_wait3A_93 = tpu.memref_slice %arg7[%add3A_91, %dma_wait3A_92] : memref<80x125xi32, #tpu.memory_space<vmem>> -> memref<1x125xi32, #tpu.memory_space<vmem>>
      %dma_wait3A_94 = tpu.memref_squeeze %dma_wait3A_93 : memref<1x125xi32, #tpu.memory_space<vmem>> -> memref<125xi32, #tpu.memory_space<vmem>>
      %dma_wait3A_95 = arith.constant 0 : i32
      %dma_wait3A_96 = arith.constant 0 : i32
      %dma_wait3A_97 = tpu.memref_slice %arg2[%dma_wait3A_95, %dma_wait3A_96] : memref<10000x128xbf16, #tpu.memory_space<hbm>> -> memref<10000x128xbf16, #tpu.memory_space<hbm>>
      tpu.wait_indirect_dma semaphore(%arg18 : memref<!tpu.dma_semaphore, #tpu.memory_space<semaphore_mem>>) src(%dma_wait3A_97 : memref<10000x128xbf16, #tpu.memory_space<hbm>>) dst(%arg10 : memref<125x128xbf16, #tpu.memory_space<vmem>>)
      %dma_start3A_98 = arith.constant 0 : i32
      %dma_start3A_99 = tpu.memref_slice %arg8[%add3A_91, %dma_start3A_98] : memref<80x125xi32, #tpu.memory_space<vmem>> -> memref<1x125xi32, #tpu.memory_space<vmem>>
      %dma_start3A_100 = tpu.memref_squeeze %dma_start3A_99 : memref<1x125xi32, #tpu.memory_space<vmem>> -> memref<125xi32, #tpu.memory_space<vmem>>
      %dma_start3A_101 = arith.constant 0 : i32
      %dma_start3A_102 = arith.constant 0 : i32
      %dma_start3A_103 = tpu.memref_slice %arg33[%dma_start3A_101, %dma_start3A_102] : memref<10240x128xbf16, #tpu.memory_space<vmem_shared>> -> memref<10240x128xbf16, #tpu.memory_space<vmem_shared>>
      tpu.enqueue_indirect_dma source(%arg10 : memref<125x128xbf16, #tpu.memory_space<vmem>>) target(%dma_start3A_103 : memref<10240x128xbf16, #tpu.memory_space<vmem_shared>>) offsets(%dma_start3A_100 : memref<125xi32, #tpu.memory_space<vmem>>) semaphore(%arg26 : memref<!tpu.dma_semaphore, #tpu.memory_space<semaphore_mem>>) {add = true}
      %ge3A_104 = arith.constant 4 : i32
      %ge3A_105 = arith.cmpi sge, %add3A_91, %ge3A_104 : i32
      %convert_element_type3A_106 = arith.extui %ge3A_105 : i1 to i32
      %cond3A_107 = arith.constant 0 : i32
      %cond3A_108 = arith.cmpi ne, %convert_element_type3A_106, %cond3A_107 : i32
      scf.if %cond3A_108 {
        %sub3A = arith.constant 4 : i32
        %sub3A_284 = arith.subi %add3A_91, %sub3A : i32
        %dma_wait3A_285 = arith.constant 0 : i32
        %dma_wait3A_286 = tpu.memref_slice %arg8[%sub3A_284, %dma_wait3A_285] : memref<80x125xi32, #tpu.memory_space<vmem>> -> memref<1x125xi32, #tpu.memory_space<vmem>>
        %dma_wait3A_287 = tpu.memref_squeeze %dma_wait3A_286 : memref<1x125xi32, #tpu.memory_space<vmem>> -> memref<125xi32, #tpu.memory_space<vmem>>
        %dma_wait3A_288 = arith.constant 0 : i32
        %dma_wait3A_289 = arith.constant 0 : i32
        %dma_wait3A_290 = tpu.memref_slice %arg33[%dma_wait3A_288, %dma_wait3A_289] : memref<10240x128xbf16, #tpu.memory_space<vmem_shared>> -> memref<10240x128xbf16, #tpu.memory_space<vmem_shared>>
        tpu.wait_indirect_dma semaphore(%arg30 : memref<!tpu.dma_semaphore, #tpu.memory_space<semaphore_mem>>) src(%arg14 : memref<125x128xbf16, #tpu.memory_space<vmem>>) dst(%dma_wait3A_290 : memref<10240x128xbf16, #tpu.memory_space<vmem_shared>>)
      } else {
      }
      %add3A_109 = arith.constant 4 : i32
      %add3A_110 = arith.addi %add3A_91, %add3A_109 : i32
      %lt3A_111 = arith.constant 80 : i32
      %lt3A_112 = arith.cmpi slt, %add3A_110, %lt3A_111 : i32
      %convert_element_type3A_113 = arith.extui %lt3A_112 : i1 to i32
      %cond3A_114 = arith.constant 0 : i32
      %cond3A_115 = arith.cmpi ne, %convert_element_type3A_113, %cond3A_114 : i32
      scf.if %cond3A_115 {
        %add3A_284 = arith.constant 4 : i32
        %add3A_285 = arith.addi %add3A_91, %add3A_284 : i32
        %dma_start3A_286 = arith.constant 0 : i32
        %dma_start3A_287 = tpu.memref_slice %arg7[%add3A_285, %dma_start3A_286] : memref<80x125xi32, #tpu.memory_space<vmem>> -> memref<1x125xi32, #tpu.memory_space<vmem>>
        %dma_start3A_288 = tpu.memref_squeeze %dma_start3A_287 : memref<1x125xi32, #tpu.memory_space<vmem>> -> memref<125xi32, #tpu.memory_space<vmem>>
        %dma_start3A_289 = arith.constant 0 : i32
        %dma_start3A_290 = arith.constant 0 : i32
        %dma_start3A_291 = tpu.memref_slice %arg2[%dma_start3A_289, %dma_start3A_290] : memref<10000x128xbf16, #tpu.memory_space<hbm>> -> memref<10000x128xbf16, #tpu.memory_space<hbm>>
        tpu.enqueue_indirect_dma source(%dma_start3A_291 : memref<10000x128xbf16, #tpu.memory_space<hbm>>) target(%arg14 : memref<125x128xbf16, #tpu.memory_space<vmem>>) offsets(%dma_start3A_288 : memref<125xi32, #tpu.memory_space<vmem>>) semaphore(%arg22 : memref<!tpu.dma_semaphore, #tpu.memory_space<semaphore_mem>>)
      } else {
      }
      %mul3A_116 = arith.constant 8 : i32
      %mul3A_117 = arith.muli %scan3A_63, %mul3A_116 : i32
      %add3A_118 = arith.constant 2 : i32
      %add3A_119 = arith.addi %mul3A_117, %add3A_118 : i32
      %dma_wait3A_120 = arith.constant 0 : i32
      %dma_wait3A_121 = tpu.memref_slice %arg7[%add3A_119, %dma_wait3A_120] : memref<80x125xi32, #tpu.memory_space<vmem>> -> memref<1x125xi32, #tpu.memory_space<vmem>>
      %dma_wait3A_122 = tpu.memref_squeeze %dma_wait3A_121 : memref<1x125xi32, #tpu.memory_space<vmem>> -> memref<125xi32, #tpu.memory_space<vmem>>
      %dma_wait3A_123 = arith.constant 0 : i32
      %dma_wait3A_124 = arith.constant 0 : i32
      %dma_wait3A_125 = tpu.memref_slice %arg2[%dma_wait3A_123, %dma_wait3A_124] : memref<10000x128xbf16, #tpu.memory_space<hbm>> -> memref<10000x128xbf16, #tpu.memory_space<hbm>>
      tpu.wait_indirect_dma semaphore(%arg19 : memref<!tpu.dma_semaphore, #tpu.memory_space<semaphore_mem>>) src(%dma_wait3A_125 : memref<10000x128xbf16, #tpu.memory_space<hbm>>) dst(%arg11 : memref<125x128xbf16, #tpu.memory_space<vmem>>)
      %dma_start3A_126 = arith.constant 0 : i32
      %dma_start3A_127 = tpu.memref_slice %arg8[%add3A_119, %dma_start3A_126] : memref<80x125xi32, #tpu.memory_space<vmem>> -> memref<1x125xi32, #tpu.memory_space<vmem>>
      %dma_start3A_128 = tpu.memref_squeeze %dma_start3A_127 : memref<1x125xi32, #tpu.memory_space<vmem>> -> memref<125xi32, #tpu.memory_space<vmem>>
      %dma_start3A_129 = arith.constant 0 : i32
      %dma_start3A_130 = arith.constant 0 : i32
      %dma_start3A_131 = tpu.memref_slice %arg33[%dma_start3A_129, %dma_start3A_130] : memref<10240x128xbf16, #tpu.memory_space<vmem_shared>> -> memref<10240x128xbf16, #tpu.memory_space<vmem_shared>>
      tpu.enqueue_indirect_dma source(%arg11 : memref<125x128xbf16, #tpu.memory_space<vmem>>) target(%dma_start3A_131 : memref<10240x128xbf16, #tpu.memory_space<vmem_shared>>) offsets(%dma_start3A_128 : memref<125xi32, #tpu.memory_space<vmem>>) semaphore(%arg27 : memref<!tpu.dma_semaphore, #tpu.memory_space<semaphore_mem>>) {add = true}
      %ge3A_132 = arith.constant 4 : i32
      %ge3A_133 = arith.cmpi sge, %add3A_119, %ge3A_132 : i32
      %convert_element_type3A_134 = arith.extui %ge3A_133 : i1 to i32
      %cond3A_135 = arith.constant 0 : i32
      %cond3A_136 = arith.cmpi ne, %convert_element_type3A_134, %cond3A_135 : i32
      scf.if %cond3A_136 {
        %sub3A = arith.constant 4 : i32
        %sub3A_284 = arith.subi %add3A_119, %sub3A : i32
        %dma_wait3A_285 = arith.constant 0 : i32
        %dma_wait3A_286 = tpu.memref_slice %arg8[%sub3A_284, %dma_wait3A_285] : memref<80x125xi32, #tpu.memory_space<vmem>> -> memref<1x125xi32, #tpu.memory_space<vmem>>
        %dma_wait3A_287 = tpu.memref_squeeze %dma_wait3A_286 : memref<1x125xi32, #tpu.memory_space<vmem>> -> memref<125xi32, #tpu.memory_space<vmem>>
        %dma_wait3A_288 = arith.constant 0 : i32
        %dma_wait3A_289 = arith.constant 0 : i32
        %dma_wait3A_290 = tpu.memref_slice %arg33[%dma_wait3A_288, %dma_wait3A_289] : memref<10240x128xbf16, #tpu.memory_space<vmem_shared>> -> memref<10240x128xbf16, #tpu.memory_space<vmem_shared>>
        tpu.wait_indirect_dma semaphore(%arg31 : memref<!tpu.dma_semaphore, #tpu.memory_space<semaphore_mem>>) src(%arg15 : memref<125x128xbf16, #tpu.memory_space<vmem>>) dst(%dma_wait3A_290 : memref<10240x128xbf16, #tpu.memory_space<vmem_shared>>)
      } else {
      }
      %add3A_137 = arith.constant 4 : i32
      %add3A_138 = arith.addi %add3A_119, %add3A_137 : i32
      %lt3A_139 = arith.constant 80 : i32
      %lt3A_140 = arith.cmpi slt, %add3A_138, %lt3A_139 : i32
      %convert_element_type3A_141 = arith.extui %lt3A_140 : i1 to i32
      %cond3A_142 = arith.constant 0 : i32
      %cond3A_143 = arith.cmpi ne, %convert_element_type3A_141, %cond3A_142 : i32
      scf.if %cond3A_143 {
        %add3A_284 = arith.constant 4 : i32
        %add3A_285 = arith.addi %add3A_119, %add3A_284 : i32
        %dma_start3A_286 = arith.constant 0 : i32
        %dma_start3A_287 = tpu.memref_slice %arg7[%add3A_285, %dma_start3A_286] : memref<80x125xi32, #tpu.memory_space<vmem>> -> memref<1x125xi32, #tpu.memory_space<vmem>>
        %dma_start3A_288 = tpu.memref_squeeze %dma_start3A_287 : memref<1x125xi32, #tpu.memory_space<vmem>> -> memref<125xi32, #tpu.memory_space<vmem>>
        %dma_start3A_289 = arith.constant 0 : i32
        %dma_start3A_290 = arith.constant 0 : i32
        %dma_start3A_291 = tpu.memref_slice %arg2[%dma_start3A_289, %dma_start3A_290] : memref<10000x128xbf16, #tpu.memory_space<hbm>> -> memref<10000x128xbf16, #tpu.memory_space<hbm>>
        tpu.enqueue_indirect_dma source(%dma_start3A_291 : memref<10000x128xbf16, #tpu.memory_space<hbm>>) target(%arg15 : memref<125x128xbf16, #tpu.memory_space<vmem>>) offsets(%dma_start3A_288 : memref<125xi32, #tpu.memory_space<vmem>>) semaphore(%arg23 : memref<!tpu.dma_semaphore, #tpu.memory_space<semaphore_mem>>)
      } else {
      }
      %mul3A_144 = arith.constant 8 : i32
      %mul3A_145 = arith.muli %scan3A_63, %mul3A_144 : i32
      %add3A_146 = arith.constant 3 : i32
      %add3A_147 = arith.addi %mul3A_145, %add3A_146 : i32
      %dma_wait3A_148 = arith.constant 0 : i32
      %dma_wait3A_149 = tpu.memref_slice %arg7[%add3A_147, %dma_wait3A_148] : memref<80x125xi32, #tpu.memory_space<vmem>> -> memref<1x125xi32, #tpu.memory_space<vmem>>
      %dma_wait3A_150 = tpu.memref_squeeze %dma_wait3A_149 : memref<1x125xi32, #tpu.memory_space<vmem>> -> memref<125xi32, #tpu.memory_space<vmem>>
      %dma_wait3A_151 = arith.constant 0 : i32
      %dma_wait3A_152 = arith.constant 0 : i32
      %dma_wait3A_153 = tpu.memref_slice %arg2[%dma_wait3A_151, %dma_wait3A_152] : memref<10000x128xbf16, #tpu.memory_space<hbm>> -> memref<10000x128xbf16, #tpu.memory_space<hbm>>
      tpu.wait_indirect_dma semaphore(%arg20 : memref<!tpu.dma_semaphore, #tpu.memory_space<semaphore_mem>>) src(%dma_wait3A_153 : memref<10000x128xbf16, #tpu.memory_space<hbm>>) dst(%arg12 : memref<125x128xbf16, #tpu.memory_space<vmem>>)
      %dma_start3A_154 = arith.constant 0 : i32
      %dma_start3A_155 = tpu.memref_slice %arg8[%add3A_147, %dma_start3A_154] : memref<80x125xi32, #tpu.memory_space<vmem>> -> memref<1x125xi32, #tpu.memory_space<vmem>>
      %dma_start3A_156 = tpu.memref_squeeze %dma_start3A_155 : memref<1x125xi32, #tpu.memory_space<vmem>> -> memref<125xi32, #tpu.memory_space<vmem>>
      %dma_start3A_157 = arith.constant 0 : i32
      %dma_start3A_158 = arith.constant 0 : i32
      %dma_start3A_159 = tpu.memref_slice %arg33[%dma_start3A_157, %dma_start3A_158] : memref<10240x128xbf16, #tpu.memory_space<vmem_shared>> -> memref<10240x128xbf16, #tpu.memory_space<vmem_shared>>
      tpu.enqueue_indirect_dma source(%arg12 : memref<125x128xbf16, #tpu.memory_space<vmem>>) target(%dma_start3A_159 : memref<10240x128xbf16, #tpu.memory_space<vmem_shared>>) offsets(%dma_start3A_156 : memref<125xi32, #tpu.memory_space<vmem>>) semaphore(%arg28 : memref<!tpu.dma_semaphore, #tpu.memory_space<semaphore_mem>>) {add = true}
      %ge3A_160 = arith.constant 4 : i32
      %ge3A_161 = arith.cmpi sge, %add3A_147, %ge3A_160 : i32
      %convert_element_type3A_162 = arith.extui %ge3A_161 : i1 to i32
      %cond3A_163 = arith.constant 0 : i32
      %cond3A_164 = arith.cmpi ne, %convert_element_type3A_162, %cond3A_163 : i32
      scf.if %cond3A_164 {
        %sub3A = arith.constant 4 : i32
        %sub3A_284 = arith.subi %add3A_147, %sub3A : i32
        %dma_wait3A_285 = arith.constant 0 : i32
        %dma_wait3A_286 = tpu.memref_slice %arg8[%sub3A_284, %dma_wait3A_285] : memref<80x125xi32, #tpu.memory_space<vmem>> -> memref<1x125xi32, #tpu.memory_space<vmem>>
        %dma_wait3A_287 = tpu.memref_squeeze %dma_wait3A_286 : memref<1x125xi32, #tpu.memory_space<vmem>> -> memref<125xi32, #tpu.memory_space<vmem>>
        %dma_wait3A_288 = arith.constant 0 : i32
        %dma_wait3A_289 = arith.constant 0 : i32
        %dma_wait3A_290 = tpu.memref_slice %arg33[%dma_wait3A_288, %dma_wait3A_289] : memref<10240x128xbf16, #tpu.memory_space<vmem_shared>> -> memref<10240x128xbf16, #tpu.memory_space<vmem_shared>>
        tpu.wait_indirect_dma semaphore(%arg32 : memref<!tpu.dma_semaphore, #tpu.memory_space<semaphore_mem>>) src(%arg16 : memref<125x128xbf16, #tpu.memory_space<vmem>>) dst(%dma_wait3A_290 : memref<10240x128xbf16, #tpu.memory_space<vmem_shared>>)
      } else {
      }
      %add3A_165 = arith.constant 4 : i32
      %add3A_166 = arith.addi %add3A_147, %add3A_165 : i32
      %lt3A_167 = arith.constant 80 : i32
      %lt3A_168 = arith.cmpi slt, %add3A_166, %lt3A_167 : i32
      %convert_element_type3A_169 = arith.extui %lt3A_168 : i1 to i32
      %cond3A_170 = arith.constant 0 : i32
      %cond3A_171 = arith.cmpi ne, %convert_element_type3A_169, %cond3A_170 : i32
      scf.if %cond3A_171 {
        %add3A_284 = arith.constant 4 : i32
        %add3A_285 = arith.addi %add3A_147, %add3A_284 : i32
        %dma_start3A_286 = arith.constant 0 : i32
        %dma_start3A_287 = tpu.memref_slice %arg7[%add3A_285, %dma_start3A_286] : memref<80x125xi32, #tpu.memory_space<vmem>> -> memref<1x125xi32, #tpu.memory_space<vmem>>
        %dma_start3A_288 = tpu.memref_squeeze %dma_start3A_287 : memref<1x125xi32, #tpu.memory_space<vmem>> -> memref<125xi32, #tpu.memory_space<vmem>>
        %dma_start3A_289 = arith.constant 0 : i32
        %dma_start3A_290 = arith.constant 0 : i32
        %dma_start3A_291 = tpu.memref_slice %arg2[%dma_start3A_289, %dma_start3A_290] : memref<10000x128xbf16, #tpu.memory_space<hbm>> -> memref<10000x128xbf16, #tpu.memory_space<hbm>>
        tpu.enqueue_indirect_dma source(%dma_start3A_291 : memref<10000x128xbf16, #tpu.memory_space<hbm>>) target(%arg16 : memref<125x128xbf16, #tpu.memory_space<vmem>>) offsets(%dma_start3A_288 : memref<125xi32, #tpu.memory_space<vmem>>) semaphore(%arg24 : memref<!tpu.dma_semaphore, #tpu.memory_space<semaphore_mem>>)
      } else {
      }
      %mul3A_172 = arith.constant 8 : i32
      %mul3A_173 = arith.muli %scan3A_63, %mul3A_172 : i32
      %add3A_174 = arith.constant 4 : i32
      %add3A_175 = arith.addi %mul3A_173, %add3A_174 : i32
      %dma_wait3A_176 = arith.constant 0 : i32
      %dma_wait3A_177 = tpu.memref_slice %arg7[%add3A_175, %dma_wait3A_176] : memref<80x125xi32, #tpu.memory_space<vmem>> -> memref<1x125xi32, #tpu.memory_space<vmem>>
      %dma_wait3A_178 = tpu.memref_squeeze %dma_wait3A_177 : memref<1x125xi32, #tpu.memory_space<vmem>> -> memref<125xi32, #tpu.memory_space<vmem>>
      %dma_wait3A_179 = arith.constant 0 : i32
      %dma_wait3A_180 = arith.constant 0 : i32
      %dma_wait3A_181 = tpu.memref_slice %arg2[%dma_wait3A_179, %dma_wait3A_180] : memref<10000x128xbf16, #tpu.memory_space<hbm>> -> memref<10000x128xbf16, #tpu.memory_space<hbm>>
      tpu.wait_indirect_dma semaphore(%arg21 : memref<!tpu.dma_semaphore, #tpu.memory_space<semaphore_mem>>) src(%dma_wait3A_181 : memref<10000x128xbf16, #tpu.memory_space<hbm>>) dst(%arg13 : memref<125x128xbf16, #tpu.memory_space<vmem>>)
      %dma_start3A_182 = arith.constant 0 : i32
      %dma_start3A_183 = tpu.memref_slice %arg8[%add3A_175, %dma_start3A_182] : memref<80x125xi32, #tpu.memory_space<vmem>> -> memref<1x125xi32, #tpu.memory_space<vmem>>
      %dma_start3A_184 = tpu.memref_squeeze %dma_start3A_183 : memref<1x125xi32, #tpu.memory_space<vmem>> -> memref<125xi32, #tpu.memory_space<vmem>>
      %dma_start3A_185 = arith.constant 0 : i32
      %dma_start3A_186 = arith.constant 0 : i32
      %dma_start3A_187 = tpu.memref_slice %arg33[%dma_start3A_185, %dma_start3A_186] : memref<10240x128xbf16, #tpu.memory_space<vmem_shared>> -> memref<10240x128xbf16, #tpu.memory_space<vmem_shared>>
      tpu.enqueue_indirect_dma source(%arg13 : memref<125x128xbf16, #tpu.memory_space<vmem>>) target(%dma_start3A_187 : memref<10240x128xbf16, #tpu.memory_space<vmem_shared>>) offsets(%dma_start3A_184 : memref<125xi32, #tpu.memory_space<vmem>>) semaphore(%arg29 : memref<!tpu.dma_semaphore, #tpu.memory_space<semaphore_mem>>) {add = true}
      %ge3A_188 = arith.constant 4 : i32
      %ge3A_189 = arith.cmpi sge, %add3A_175, %ge3A_188 : i32
      %convert_element_type3A_190 = arith.extui %ge3A_189 : i1 to i32
      %cond3A_191 = arith.constant 0 : i32
      %cond3A_192 = arith.cmpi ne, %convert_element_type3A_190, %cond3A_191 : i32
      scf.if %cond3A_192 {
        %sub3A = arith.constant 4 : i32
        %sub3A_284 = arith.subi %add3A_175, %sub3A : i32
        %dma_wait3A_285 = arith.constant 0 : i32
        %dma_wait3A_286 = tpu.memref_slice %arg8[%sub3A_284, %dma_wait3A_285] : memref<80x125xi32, #tpu.memory_space<vmem>> -> memref<1x125xi32, #tpu.memory_space<vmem>>
        %dma_wait3A_287 = tpu.memref_squeeze %dma_wait3A_286 : memref<1x125xi32, #tpu.memory_space<vmem>> -> memref<125xi32, #tpu.memory_space<vmem>>
        %dma_wait3A_288 = arith.constant 0 : i32
        %dma_wait3A_289 = arith.constant 0 : i32
        %dma_wait3A_290 = tpu.memref_slice %arg33[%dma_wait3A_288, %dma_wait3A_289] : memref<10240x128xbf16, #tpu.memory_space<vmem_shared>> -> memref<10240x128xbf16, #tpu.memory_space<vmem_shared>>
        tpu.wait_indirect_dma semaphore(%arg25 : memref<!tpu.dma_semaphore, #tpu.memory_space<semaphore_mem>>) src(%arg9 : memref<125x128xbf16, #tpu.memory_space<vmem>>) dst(%dma_wait3A_290 : memref<10240x128xbf16, #tpu.memory_space<vmem_shared>>)
      } else {
      }
      %add3A_193 = arith.constant 4 : i32
      %add3A_194 = arith.addi %add3A_175, %add3A_193 : i32
      %lt3A_195 = arith.constant 80 : i32
      %lt3A_196 = arith.cmpi slt, %add3A_194, %lt3A_195 : i32
      %convert_element_type3A_197 = arith.extui %lt3A_196 : i1 to i32
      %cond3A_198 = arith.constant 0 : i32
      %cond3A_199 = arith.cmpi ne, %convert_element_type3A_197, %cond3A_198 : i32
      scf.if %cond3A_199 {
        %add3A_284 = arith.constant 4 : i32
        %add3A_285 = arith.addi %add3A_175, %add3A_284 : i32
        %dma_start3A_286 = arith.constant 0 : i32
        %dma_start3A_287 = tpu.memref_slice %arg7[%add3A_285, %dma_start3A_286] : memref<80x125xi32, #tpu.memory_space<vmem>> -> memref<1x125xi32, #tpu.memory_space<vmem>>
        %dma_start3A_288 = tpu.memref_squeeze %dma_start3A_287 : memref<1x125xi32, #tpu.memory_space<vmem>> -> memref<125xi32, #tpu.memory_space<vmem>>
        %dma_start3A_289 = arith.constant 0 : i32
        %dma_start3A_290 = arith.constant 0 : i32
        %dma_start3A_291 = tpu.memref_slice %arg2[%dma_start3A_289, %dma_start3A_290] : memref<10000x128xbf16, #tpu.memory_space<hbm>> -> memref<10000x128xbf16, #tpu.memory_space<hbm>>
        tpu.enqueue_indirect_dma source(%dma_start3A_291 : memref<10000x128xbf16, #tpu.memory_space<hbm>>) target(%arg9 : memref<125x128xbf16, #tpu.memory_space<vmem>>) offsets(%dma_start3A_288 : memref<125xi32, #tpu.memory_space<vmem>>) semaphore(%arg17 : memref<!tpu.dma_semaphore, #tpu.memory_space<semaphore_mem>>)
      } else {
      }
      %mul3A_200 = arith.constant 8 : i32
      %mul3A_201 = arith.muli %scan3A_63, %mul3A_200 : i32
      %add3A_202 = arith.constant 5 : i32
      %add3A_203 = arith.addi %mul3A_201, %add3A_202 : i32
      %dma_wait3A_204 = arith.constant 0 : i32
      %dma_wait3A_205 = tpu.memref_slice %arg7[%add3A_203, %dma_wait3A_204] : memref<80x125xi32, #tpu.memory_space<vmem>> -> memref<1x125xi32, #tpu.memory_space<vmem>>
      %dma_wait3A_206 = tpu.memref_squeeze %dma_wait3A_205 : memref<1x125xi32, #tpu.memory_space<vmem>> -> memref<125xi32, #tpu.memory_space<vmem>>
      %dma_wait3A_207 = arith.constant 0 : i32
      %dma_wait3A_208 = arith.constant 0 : i32
      %dma_wait3A_209 = tpu.memref_slice %arg2[%dma_wait3A_207, %dma_wait3A_208] : memref<10000x128xbf16, #tpu.memory_space<hbm>> -> memref<10000x128xbf16, #tpu.memory_space<hbm>>
      tpu.wait_indirect_dma semaphore(%arg22 : memref<!tpu.dma_semaphore, #tpu.memory_space<semaphore_mem>>) src(%dma_wait3A_209 : memref<10000x128xbf16, #tpu.memory_space<hbm>>) dst(%arg14 : memref<125x128xbf16, #tpu.memory_space<vmem>>)
      %dma_start3A_210 = arith.constant 0 : i32
      %dma_start3A_211 = tpu.memref_slice %arg8[%add3A_203, %dma_start3A_210] : memref<80x125xi32, #tpu.memory_space<vmem>> -> memref<1x125xi32, #tpu.memory_space<vmem>>
      %dma_start3A_212 = tpu.memref_squeeze %dma_start3A_211 : memref<1x125xi32, #tpu.memory_space<vmem>> -> memref<125xi32, #tpu.memory_space<vmem>>
      %dma_start3A_213 = arith.constant 0 : i32
      %dma_start3A_214 = arith.constant 0 : i32
      %dma_start3A_215 = tpu.memref_slice %arg33[%dma_start3A_213, %dma_start3A_214] : memref<10240x128xbf16, #tpu.memory_space<vmem_shared>> -> memref<10240x128xbf16, #tpu.memory_space<vmem_shared>>
      tpu.enqueue_indirect_dma source(%arg14 : memref<125x128xbf16, #tpu.memory_space<vmem>>) target(%dma_start3A_215 : memref<10240x128xbf16, #tpu.memory_space<vmem_shared>>) offsets(%dma_start3A_212 : memref<125xi32, #tpu.memory_space<vmem>>) semaphore(%arg30 : memref<!tpu.dma_semaphore, #tpu.memory_space<semaphore_mem>>) {add = true}
      %ge3A_216 = arith.constant 4 : i32
      %ge3A_217 = arith.cmpi sge, %add3A_203, %ge3A_216 : i32
      %convert_element_type3A_218 = arith.extui %ge3A_217 : i1 to i32
      %cond3A_219 = arith.constant 0 : i32
      %cond3A_220 = arith.cmpi ne, %convert_element_type3A_218, %cond3A_219 : i32
      scf.if %cond3A_220 {
        %sub3A = arith.constant 4 : i32
        %sub3A_284 = arith.subi %add3A_203, %sub3A : i32
        %dma_wait3A_285 = arith.constant 0 : i32
        %dma_wait3A_286 = tpu.memref_slice %arg8[%sub3A_284, %dma_wait3A_285] : memref<80x125xi32, #tpu.memory_space<vmem>> -> memref<1x125xi32, #tpu.memory_space<vmem>>
        %dma_wait3A_287 = tpu.memref_squeeze %dma_wait3A_286 : memref<1x125xi32, #tpu.memory_space<vmem>> -> memref<125xi32, #tpu.memory_space<vmem>>
        %dma_wait3A_288 = arith.constant 0 : i32
        %dma_wait3A_289 = arith.constant 0 : i32
        %dma_wait3A_290 = tpu.memref_slice %arg33[%dma_wait3A_288, %dma_wait3A_289] : memref<10240x128xbf16, #tpu.memory_space<vmem_shared>> -> memref<10240x128xbf16, #tpu.memory_space<vmem_shared>>
        tpu.wait_indirect_dma semaphore(%arg26 : memref<!tpu.dma_semaphore, #tpu.memory_space<semaphore_mem>>) src(%arg10 : memref<125x128xbf16, #tpu.memory_space<vmem>>) dst(%dma_wait3A_290 : memref<10240x128xbf16, #tpu.memory_space<vmem_shared>>)
      } else {
      }
      %add3A_221 = arith.constant 4 : i32
      %add3A_222 = arith.addi %add3A_203, %add3A_221 : i32
      %lt3A_223 = arith.constant 80 : i32
      %lt3A_224 = arith.cmpi slt, %add3A_222, %lt3A_223 : i32
      %convert_element_type3A_225 = arith.extui %lt3A_224 : i1 to i32
      %cond3A_226 = arith.constant 0 : i32
      %cond3A_227 = arith.cmpi ne, %convert_element_type3A_225, %cond3A_226 : i32
      scf.if %cond3A_227 {
        %add3A_284 = arith.constant 4 : i32
        %add3A_285 = arith.addi %add3A_203, %add3A_284 : i32
        %dma_start3A_286 = arith.constant 0 : i32
        %dma_start3A_287 = tpu.memref_slice %arg7[%add3A_285, %dma_start3A_286] : memref<80x125xi32, #tpu.memory_space<vmem>> -> memref<1x125xi32, #tpu.memory_space<vmem>>
        %dma_start3A_288 = tpu.memref_squeeze %dma_start3A_287 : memref<1x125xi32, #tpu.memory_space<vmem>> -> memref<125xi32, #tpu.memory_space<vmem>>
        %dma_start3A_289 = arith.constant 0 : i32
        %dma_start3A_290 = arith.constant 0 : i32
        %dma_start3A_291 = tpu.memref_slice %arg2[%dma_start3A_289, %dma_start3A_290] : memref<10000x128xbf16, #tpu.memory_space<hbm>> -> memref<10000x128xbf16, #tpu.memory_space<hbm>>
        tpu.enqueue_indirect_dma source(%dma_start3A_291 : memref<10000x128xbf16, #tpu.memory_space<hbm>>) target(%arg10 : memref<125x128xbf16, #tpu.memory_space<vmem>>) offsets(%dma_start3A_288 : memref<125xi32, #tpu.memory_space<vmem>>) semaphore(%arg18 : memref<!tpu.dma_semaphore, #tpu.memory_space<semaphore_mem>>)
      } else {
      }
      %mul3A_228 = arith.constant 8 : i32
      %mul3A_229 = arith.muli %scan3A_63, %mul3A_228 : i32
      %add3A_230 = arith.constant 6 : i32
      %add3A_231 = arith.addi %mul3A_229, %add3A_230 : i32
      %dma_wait3A_232 = arith.constant 0 : i32
      %dma_wait3A_233 = tpu.memref_slice %arg7[%add3A_231, %dma_wait3A_232] : memref<80x125xi32, #tpu.memory_space<vmem>> -> memref<1x125xi32, #tpu.memory_space<vmem>>
      %dma_wait3A_234 = tpu.memref_squeeze %dma_wait3A_233 : memref<1x125xi32, #tpu.memory_space<vmem>> -> memref<125xi32, #tpu.memory_space<vmem>>
      %dma_wait3A_235 = arith.constant 0 : i32
      %dma_wait3A_236 = arith.constant 0 : i32
      %dma_wait3A_237 = tpu.memref_slice %arg2[%dma_wait3A_235, %dma_wait3A_236] : memref<10000x128xbf16, #tpu.memory_space<hbm>> -> memref<10000x128xbf16, #tpu.memory_space<hbm>>
      tpu.wait_indirect_dma semaphore(%arg23 : memref<!tpu.dma_semaphore, #tpu.memory_space<semaphore_mem>>) src(%dma_wait3A_237 : memref<10000x128xbf16, #tpu.memory_space<hbm>>) dst(%arg15 : memref<125x128xbf16, #tpu.memory_space<vmem>>)
      %dma_start3A_238 = arith.constant 0 : i32
      %dma_start3A_239 = tpu.memref_slice %arg8[%add3A_231, %dma_start3A_238] : memref<80x125xi32, #tpu.memory_space<vmem>> -> memref<1x125xi32, #tpu.memory_space<vmem>>
      %dma_start3A_240 = tpu.memref_squeeze %dma_start3A_239 : memref<1x125xi32, #tpu.memory_space<vmem>> -> memref<125xi32, #tpu.memory_space<vmem>>
      %dma_start3A_241 = arith.constant 0 : i32
      %dma_start3A_242 = arith.constant 0 : i32
      %dma_start3A_243 = tpu.memref_slice %arg33[%dma_start3A_241, %dma_start3A_242] : memref<10240x128xbf16, #tpu.memory_space<vmem_shared>> -> memref<10240x128xbf16, #tpu.memory_space<vmem_shared>>
      tpu.enqueue_indirect_dma source(%arg15 : memref<125x128xbf16, #tpu.memory_space<vmem>>) target(%dma_start3A_243 : memref<10240x128xbf16, #tpu.memory_space<vmem_shared>>) offsets(%dma_start3A_240 : memref<125xi32, #tpu.memory_space<vmem>>) semaphore(%arg31 : memref<!tpu.dma_semaphore, #tpu.memory_space<semaphore_mem>>) {add = true}
      %ge3A_244 = arith.constant 4 : i32
      %ge3A_245 = arith.cmpi sge, %add3A_231, %ge3A_244 : i32
      %convert_element_type3A_246 = arith.extui %ge3A_245 : i1 to i32
      %cond3A_247 = arith.constant 0 : i32
      %cond3A_248 = arith.cmpi ne, %convert_element_type3A_246, %cond3A_247 : i32
      scf.if %cond3A_248 {
        %sub3A = arith.constant 4 : i32
        %sub3A_284 = arith.subi %add3A_231, %sub3A : i32
        %dma_wait3A_285 = arith.constant 0 : i32
        %dma_wait3A_286 = tpu.memref_slice %arg8[%sub3A_284, %dma_wait3A_285] : memref<80x125xi32, #tpu.memory_space<vmem>> -> memref<1x125xi32, #tpu.memory_space<vmem>>
        %dma_wait3A_287 = tpu.memref_squeeze %dma_wait3A_286 : memref<1x125xi32, #tpu.memory_space<vmem>> -> memref<125xi32, #tpu.memory_space<vmem>>
        %dma_wait3A_288 = arith.constant 0 : i32
        %dma_wait3A_289 = arith.constant 0 : i32
        %dma_wait3A_290 = tpu.memref_slice %arg33[%dma_wait3A_288, %dma_wait3A_289] : memref<10240x128xbf16, #tpu.memory_space<vmem_shared>> -> memref<10240x128xbf16, #tpu.memory_space<vmem_shared>>
        tpu.wait_indirect_dma semaphore(%arg27 : memref<!tpu.dma_semaphore, #tpu.memory_space<semaphore_mem>>) src(%arg11 : memref<125x128xbf16, #tpu.memory_space<vmem>>) dst(%dma_wait3A_290 : memref<10240x128xbf16, #tpu.memory_space<vmem_shared>>)
      } else {
      }
      %add3A_249 = arith.constant 4 : i32
      %add3A_250 = arith.addi %add3A_231, %add3A_249 : i32
      %lt3A_251 = arith.constant 80 : i32
      %lt3A_252 = arith.cmpi slt, %add3A_250, %lt3A_251 : i32
      %convert_element_type3A_253 = arith.extui %lt3A_252 : i1 to i32
      %cond3A_254 = arith.constant 0 : i32
      %cond3A_255 = arith.cmpi ne, %convert_element_type3A_253, %cond3A_254 : i32
      scf.if %cond3A_255 {
        %add3A_284 = arith.constant 4 : i32
        %add3A_285 = arith.addi %add3A_231, %add3A_284 : i32
        %dma_start3A_286 = arith.constant 0 : i32
        %dma_start3A_287 = tpu.memref_slice %arg7[%add3A_285, %dma_start3A_286] : memref<80x125xi32, #tpu.memory_space<vmem>> -> memref<1x125xi32, #tpu.memory_space<vmem>>
        %dma_start3A_288 = tpu.memref_squeeze %dma_start3A_287 : memref<1x125xi32, #tpu.memory_space<vmem>> -> memref<125xi32, #tpu.memory_space<vmem>>
        %dma_start3A_289 = arith.constant 0 : i32
        %dma_start3A_290 = arith.constant 0 : i32
        %dma_start3A_291 = tpu.memref_slice %arg2[%dma_start3A_289, %dma_start3A_290] : memref<10000x128xbf16, #tpu.memory_space<hbm>> -> memref<10000x128xbf16, #tpu.memory_space<hbm>>
        tpu.enqueue_indirect_dma source(%dma_start3A_291 : memref<10000x128xbf16, #tpu.memory_space<hbm>>) target(%arg11 : memref<125x128xbf16, #tpu.memory_space<vmem>>) offsets(%dma_start3A_288 : memref<125xi32, #tpu.memory_space<vmem>>) semaphore(%arg19 : memref<!tpu.dma_semaphore, #tpu.memory_space<semaphore_mem>>)
      } else {
      }
      %mul3A_256 = arith.constant 8 : i32
      %mul3A_257 = arith.muli %scan3A_63, %mul3A_256 : i32
      %add3A_258 = arith.constant 7 : i32
      %add3A_259 = arith.addi %mul3A_257, %add3A_258 : i32
      %dma_wait3A_260 = arith.constant 0 : i32
      %dma_wait3A_261 = tpu.memref_slice %arg7[%add3A_259, %dma_wait3A_260] : memref<80x125xi32, #tpu.memory_space<vmem>> -> memref<1x125xi32, #tpu.memory_space<vmem>>
      %dma_wait3A_262 = tpu.memref_squeeze %dma_wait3A_261 : memref<1x125xi32, #tpu.memory_space<vmem>> -> memref<125xi32, #tpu.memory_space<vmem>>
      %dma_wait3A_263 = arith.constant 0 : i32
      %dma_wait3A_264 = arith.constant 0 : i32
      %dma_wait3A_265 = tpu.memref_slice %arg2[%dma_wait3A_263, %dma_wait3A_264] : memref<10000x128xbf16, #tpu.memory_space<hbm>> -> memref<10000x128xbf16, #tpu.memory_space<hbm>>
      tpu.wait_indirect_dma semaphore(%arg24 : memref<!tpu.dma_semaphore, #tpu.memory_space<semaphore_mem>>) src(%dma_wait3A_265 : memref<10000x128xbf16, #tpu.memory_space<hbm>>) dst(%arg16 : memref<125x128xbf16, #tpu.memory_space<vmem>>)
      %dma_start3A_266 = arith.constant 0 : i32
      %dma_start3A_267 = tpu.memref_slice %arg8[%add3A_259, %dma_start3A_266] : memref<80x125xi32, #tpu.memory_space<vmem>> -> memref<1x125xi32, #tpu.memory_space<vmem>>
      %dma_start3A_268 = tpu.memref_squeeze %dma_start3A_267 : memref<1x125xi32, #tpu.memory_space<vmem>> -> memref<125xi32, #tpu.memory_space<vmem>>
      %dma_start3A_269 = arith.constant 0 : i32
      %dma_start3A_270 = arith.constant 0 : i32
      %dma_start3A_271 = tpu.memref_slice %arg33[%dma_start3A_269, %dma_start3A_270] : memref<10240x128xbf16, #tpu.memory_space<vmem_shared>> -> memref<10240x128xbf16, #tpu.memory_space<vmem_shared>>
      tpu.enqueue_indirect_dma source(%arg16 : memref<125x128xbf16, #tpu.memory_space<vmem>>) target(%dma_start3A_271 : memref<10240x128xbf16, #tpu.memory_space<vmem_shared>>) offsets(%dma_start3A_268 : memref<125xi32, #tpu.memory_space<vmem>>) semaphore(%arg32 : memref<!tpu.dma_semaphore, #tpu.memory_space<semaphore_mem>>) {add = true}
      %ge3A_272 = arith.constant 4 : i32
      %ge3A_273 = arith.cmpi sge, %add3A_259, %ge3A_272 : i32
      %convert_element_type3A_274 = arith.extui %ge3A_273 : i1 to i32
      %cond3A_275 = arith.constant 0 : i32
      %cond3A_276 = arith.cmpi ne, %convert_element_type3A_274, %cond3A_275 : i32
      scf.if %cond3A_276 {
        %sub3A = arith.constant 4 : i32
        %sub3A_284 = arith.subi %add3A_259, %sub3A : i32
        %dma_wait3A_285 = arith.constant 0 : i32
        %dma_wait3A_286 = tpu.memref_slice %arg8[%sub3A_284, %dma_wait3A_285] : memref<80x125xi32, #tpu.memory_space<vmem>> -> memref<1x125xi32, #tpu.memory_space<vmem>>
        %dma_wait3A_287 = tpu.memref_squeeze %dma_wait3A_286 : memref<1x125xi32, #tpu.memory_space<vmem>> -> memref<125xi32, #tpu.memory_space<vmem>>
        %dma_wait3A_288 = arith.constant 0 : i32
        %dma_wait3A_289 = arith.constant 0 : i32
        %dma_wait3A_290 = tpu.memref_slice %arg33[%dma_wait3A_288, %dma_wait3A_289] : memref<10240x128xbf16, #tpu.memory_space<vmem_shared>> -> memref<10240x128xbf16, #tpu.memory_space<vmem_shared>>
        tpu.wait_indirect_dma semaphore(%arg28 : memref<!tpu.dma_semaphore, #tpu.memory_space<semaphore_mem>>) src(%arg12 : memref<125x128xbf16, #tpu.memory_space<vmem>>) dst(%dma_wait3A_290 : memref<10240x128xbf16, #tpu.memory_space<vmem_shared>>)
      } else {
      }
      %add3A_277 = arith.constant 4 : i32
      %add3A_278 = arith.addi %add3A_259, %add3A_277 : i32
      %lt3A_279 = arith.constant 80 : i32
      %lt3A_280 = arith.cmpi slt, %add3A_278, %lt3A_279 : i32
      %convert_element_type3A_281 = arith.extui %lt3A_280 : i1 to i32
      %cond3A_282 = arith.constant 0 : i32
      %cond3A_283 = arith.cmpi ne, %convert_element_type3A_281, %cond3A_282 : i32
      scf.if %cond3A_283 {
        %add3A_284 = arith.constant 4 : i32
        %add3A_285 = arith.addi %add3A_259, %add3A_284 : i32
        %dma_start3A_286 = arith.constant 0 : i32
        %dma_start3A_287 = tpu.memref_slice %arg7[%add3A_285, %dma_start3A_286] : memref<80x125xi32, #tpu.memory_space<vmem>> -> memref<1x125xi32, #tpu.memory_space<vmem>>
        %dma_start3A_288 = tpu.memref_squeeze %dma_start3A_287 : memref<1x125xi32, #tpu.memory_space<vmem>> -> memref<125xi32, #tpu.memory_space<vmem>>
        %dma_start3A_289 = arith.constant 0 : i32
        %dma_start3A_290 = arith.constant 0 : i32
        %dma_start3A_291 = tpu.memref_slice %arg2[%dma_start3A_289, %dma_start3A_290] : memref<10000x128xbf16, #tpu.memory_space<hbm>> -> memref<10000x128xbf16, #tpu.memory_space<hbm>>
        tpu.enqueue_indirect_dma source(%dma_start3A_291 : memref<10000x128xbf16, #tpu.memory_space<hbm>>) target(%arg12 : memref<125x128xbf16, #tpu.memory_space<vmem>>) offsets(%dma_start3A_288 : memref<125xi32, #tpu.memory_space<vmem>>) semaphore(%arg20 : memref<!tpu.dma_semaphore, #tpu.memory_space<semaphore_mem>>)
      } else {
      }
    }
    %scan3A_34 = arith.constant 10 : i32
    %dma_wait3A = arith.constant 76 : i32
    %dma_wait3A_35 = arith.constant 0 : i32
    %dma_wait3A_36 = tpu.memref_slice %arg8[%dma_wait3A, %dma_wait3A_35] : memref<80x125xi32, #tpu.memory_space<vmem>> -> memref<1x125xi32, #tpu.memory_space<vmem>>
    %dma_wait3A_37 = tpu.memref_squeeze %dma_wait3A_36 : memref<1x125xi32, #tpu.memory_space<vmem>> -> memref<125xi32, #tpu.memory_space<vmem>>
    %dma_wait3A_38 = arith.constant 0 : i32
    %dma_wait3A_39 = arith.constant 0 : i32
    %dma_wait3A_40 = tpu.memref_slice %arg33[%dma_wait3A_38, %dma_wait3A_39] : memref<10240x128xbf16, #tpu.memory_space<vmem_shared>> -> memref<10240x128xbf16, #tpu.memory_space<vmem_shared>>
    tpu.wait_indirect_dma semaphore(%arg29 : memref<!tpu.dma_semaphore, #tpu.memory_space<semaphore_mem>>) src(%arg13 : memref<125x128xbf16, #tpu.memory_space<vmem>>) dst(%dma_wait3A_40 : memref<10240x128xbf16, #tpu.memory_space<vmem_shared>>)
    %dma_wait3A_41 = arith.constant 77 : i32
    %dma_wait3A_42 = arith.constant 0 : i32
    %dma_wait3A_43 = tpu.memref_slice %arg8[%dma_wait3A_41, %dma_wait3A_42] : memref<80x125xi32, #tpu.memory_space<vmem>> -> memref<1x125xi32, #tpu.memory_space<vmem>>
    %dma_wait3A_44 = tpu.memref_squeeze %dma_wait3A_43 : memref<1x125xi32, #tpu.memory_space<vmem>> -> memref<125xi32, #tpu.memory_space<vmem>>
    %dma_wait3A_45 = arith.constant 0 : i32
    %dma_wait3A_46 = arith.constant 0 : i32
    %dma_wait3A_47 = tpu.memref_slice %arg33[%dma_wait3A_45, %dma_wait3A_46] : memref<10240x128xbf16, #tpu.memory_space<vmem_shared>> -> memref<10240x128xbf16, #tpu.memory_space<vmem_shared>>
    tpu.wait_indirect_dma semaphore(%arg30 : memref<!tpu.dma_semaphore, #tpu.memory_space<semaphore_mem>>) src(%arg14 : memref<125x128xbf16, #tpu.memory_space<vmem>>) dst(%dma_wait3A_47 : memref<10240x128xbf16, #tpu.memory_space<vmem_shared>>)
    %dma_wait3A_48 = arith.constant 78 : i32
    %dma_wait3A_49 = arith.constant 0 : i32
    %dma_wait3A_50 = tpu.memref_slice %arg8[%dma_wait3A_48, %dma_wait3A_49] : memref<80x125xi32, #tpu.memory_space<vmem>> -> memref<1x125xi32, #tpu.memory_space<vmem>>
    %dma_wait3A_51 = tpu.memref_squeeze %dma_wait3A_50 : memref<1x125xi32, #tpu.memory_space<vmem>> -> memref<125xi32, #tpu.memory_space<vmem>>
    %dma_wait3A_52 = arith.constant 0 : i32
    %dma_wait3A_53 = arith.constant 0 : i32
    %dma_wait3A_54 = tpu.memref_slice %arg33[%dma_wait3A_52, %dma_wait3A_53] : memref<10240x128xbf16, #tpu.memory_space<vmem_shared>> -> memref<10240x128xbf16, #tpu.memory_space<vmem_shared>>
    tpu.wait_indirect_dma semaphore(%arg31 : memref<!tpu.dma_semaphore, #tpu.memory_space<semaphore_mem>>) src(%arg15 : memref<125x128xbf16, #tpu.memory_space<vmem>>) dst(%dma_wait3A_54 : memref<10240x128xbf16, #tpu.memory_space<vmem_shared>>)
    %dma_wait3A_55 = arith.constant 79 : i32
    %dma_wait3A_56 = arith.constant 0 : i32
    %dma_wait3A_57 = tpu.memref_slice %arg8[%dma_wait3A_55, %dma_wait3A_56] : memref<80x125xi32, #tpu.memory_space<vmem>> -> memref<1x125xi32, #tpu.memory_space<vmem>>
    %dma_wait3A_58 = tpu.memref_squeeze %dma_wait3A_57 : memref<1x125xi32, #tpu.memory_space<vmem>> -> memref<125xi32, #tpu.memory_space<vmem>>
    %dma_wait3A_59 = arith.constant 0 : i32
    %dma_wait3A_60 = arith.constant 0 : i32
    %dma_wait3A_61 = tpu.memref_slice %arg33[%dma_wait3A_59, %dma_wait3A_60] : memref<10240x128xbf16, #tpu.memory_space<vmem_shared>> -> memref<10240x128xbf16, #tpu.memory_space<vmem_shared>>
    tpu.wait_indirect_dma semaphore(%arg32 : memref<!tpu.dma_semaphore, #tpu.memory_space<semaphore_mem>>) src(%arg16 : memref<125x128xbf16, #tpu.memory_space<vmem>>) dst(%dma_wait3A_61 : memref<10240x128xbf16, #tpu.memory_space<vmem_shared>>)
    %barrier3A_62 = arith.constant 0 : index
    tpu.barrier barrier_id(%barrier3A_62)
    "tpu.region"() ({
      %run_scoped3A = tpu.sem_alloc : memref<!tpu.dma_semaphore, #tpu.memory_space<semaphore_mem>>
      %dma_start3A_63 = arith.constant 0 : i32
      %dma_start3A_64 = tpu.memref_slice %arg6[%arg0, %multiple_of3A, %dma_start3A_63] : memref<2x10240x128xbf16, #tpu.memory_space<hbm>> -> memref<1x640x128xbf16, #tpu.memory_space<hbm>>
      %dma_start3A_65 = tpu.memref_squeeze %dma_start3A_64 : memref<1x640x128xbf16, #tpu.memory_space<hbm>> -> memref<640x128xbf16, #tpu.memory_space<hbm>>
      %dma_start3A_66 = arith.constant 0 : i32
      %dma_start3A_67 = tpu.memref_slice %arg33[%multiple_of3A, %dma_start3A_66] : memref<10240x128xbf16, #tpu.memory_space<vmem_shared>> -> memref<640x128xbf16, #tpu.memory_space<vmem_shared>>
      tpu.enqueue_dma source(%dma_start3A_67 : memref<640x128xbf16, #tpu.memory_space<vmem_shared>>) target(%dma_start3A_65 : memref<640x128xbf16, #tpu.memory_space<hbm>>) target_semaphore(%run_scoped3A : memref<!tpu.dma_semaphore, #tpu.memory_space<semaphore_mem>>)
      %dma_wait3A_68 = arith.constant 0 : i32
      %dma_wait3A_69 = tpu.memref_slice %arg6[%arg0, %multiple_of3A, %dma_wait3A_68] : memref<2x10240x128xbf16, #tpu.memory_space<hbm>> -> memref<1x640x128xbf16, #tpu.memory_space<hbm>>
      %dma_wait3A_70 = tpu.memref_squeeze %dma_wait3A_69 : memref<1x640x128xbf16, #tpu.memory_space<hbm>> -> memref<640x128xbf16, #tpu.memory_space<hbm>>
      %dma_wait3A_71 = arith.constant 0 : i32
      %dma_wait3A_72 = tpu.memref_slice %arg33[%multiple_of3A, %dma_wait3A_71] : memref<10240x128xbf16, #tpu.memory_space<vmem_shared>> -> memref<640x128xbf16, #tpu.memory_space<vmem_shared>>
      tpu.wait_dma2 semaphore(%run_scoped3A : memref<!tpu.dma_semaphore, #tpu.memory_space<semaphore_mem>>) src(%dma_wait3A_72 : memref<640x128xbf16, #tpu.memory_space<vmem_shared>>) dst(%dma_wait3A_70 : memref<640x128xbf16, #tpu.memory_space<hbm>>)
      tpu.yield
    }) : () -> ()
    return
  }
}

#map = affine_map<(d0, d1) -> (0, 0)>
#map1 = affine_map<(d0, d1) -> (0)>
module attributes {stable_mosaic.version = 14 : i64} {
  func.func @_deg_body(%arg0: i32, %arg1: i32, %arg2: memref<32x10000xi32, #tpu.memory_space<hbm>>, %arg3: memref<81936xf32, #tpu.memory_space<hbm>>, %arg4: memref<32x10240xf32, #tpu.memory_space<hbm>>, %arg5: memref<10000xi32, #tpu.memory_space<vmem>>, %arg6: memref<81936xf32, #tpu.memory_space<vmem>>, %arg7: memref<5120xf32, #tpu.memory_space<vmem>>) attributes {dimension_semantics = [#tpu.dimension_semantics<core_parallel>, #tpu.dimension_semantics<subcore_parallel>], iteration_bounds = array<i64: 2, 16>, scalar_prefetch = 0 : i64, scratch_operands = 3 : i64, tpu.core_type = #tpu.core_type<sc_vector_subcore>, window_params = [{transform_indices = #map}, {transform_indices = #map1}, {transform_indices = #map}]} {
    %mul3A = arith.constant 2 : i32
    %mul3A_0 = arith.muli %arg1, %mul3A : i32
    %add3A = arith.addi %mul3A_0, %arg0 : i32
    "tpu.region"() ({
      %run_scoped3A = tpu.sem_alloc : memref<!tpu.dma_semaphore, #tpu.memory_space<semaphore_mem>>
      %dma_start3A = arith.constant 0 : i32
      %dma_start3A_53 = tpu.memref_slice %arg2[%add3A, %dma_start3A] : memref<32x10000xi32, #tpu.memory_space<hbm>> -> memref<1x10000xi32, #tpu.memory_space<hbm>>
      %dma_start3A_54 = tpu.memref_squeeze %dma_start3A_53 : memref<1x10000xi32, #tpu.memory_space<hbm>> -> memref<10000xi32, #tpu.memory_space<hbm>>
      %dma_start3A_55 = arith.constant 0 : i32
      %dma_start3A_56 = tpu.memref_slice %arg2[%add3A, %dma_start3A_55] : memref<32x10000xi32, #tpu.memory_space<hbm>> -> memref<1x10000xi32, #tpu.memory_space<hbm>>
      %dma_start3A_57 = tpu.memref_squeeze %dma_start3A_56 : memref<1x10000xi32, #tpu.memory_space<hbm>> -> memref<10000xi32, #tpu.memory_space<hbm>>
      tpu.enqueue_dma source(%dma_start3A_57 : memref<10000xi32, #tpu.memory_space<hbm>>) target(%arg5 : memref<10000xi32, #tpu.memory_space<vmem>>) target_semaphore(%run_scoped3A : memref<!tpu.dma_semaphore, #tpu.memory_space<semaphore_mem>>)
      %dma_wait3A = arith.constant 0 : i32
      %dma_wait3A_58 = tpu.memref_slice %arg2[%add3A, %dma_wait3A] : memref<32x10000xi32, #tpu.memory_space<hbm>> -> memref<1x10000xi32, #tpu.memory_space<hbm>>
      %dma_wait3A_59 = tpu.memref_squeeze %dma_wait3A_58 : memref<1x10000xi32, #tpu.memory_space<hbm>> -> memref<10000xi32, #tpu.memory_space<hbm>>
      %dma_wait3A_60 = arith.constant 0 : i32
      %dma_wait3A_61 = tpu.memref_slice %arg2[%add3A, %dma_wait3A_60] : memref<32x10000xi32, #tpu.memory_space<hbm>> -> memref<1x10000xi32, #tpu.memory_space<hbm>>
      %dma_wait3A_62 = tpu.memref_squeeze %dma_wait3A_61 : memref<1x10000xi32, #tpu.memory_space<hbm>> -> memref<10000xi32, #tpu.memory_space<hbm>>
      tpu.wait_dma2 semaphore(%run_scoped3A : memref<!tpu.dma_semaphore, #tpu.memory_space<semaphore_mem>>) src(%dma_wait3A_62 : memref<10000xi32, #tpu.memory_space<hbm>>) dst(%arg5 : memref<10000xi32, #tpu.memory_space<vmem>>)
      tpu.yield
    }) : () -> ()
    %iota3A = tpu.iota {dimensions = array<i32: 0>} : vector<16xi32>
    %mul3A_1 = arith.constant 5121 : i32
    %mul3A_2 = vector.broadcast %mul3A_1 : i32 to vector<16xi32>
    %mul3A_3 = arith.muli %iota3A, %mul3A_2 : vector<16xi32>
    %broadcast_in_dim3A = arith.constant 1.000000e+00 : f32
    %broadcast_in_dim3A_4 = vector.broadcast %broadcast_in_dim3A : f32 to vector<16xf32>
    "tpu.region"() ({
      %run_scoped3A = tpu.sem_alloc : memref<!tpu.dma_semaphore, #tpu.memory_space<semaphore_mem>>
      tpu.enqueue_dma source(%arg3 : memref<81936xf32, #tpu.memory_space<hbm>>) target(%arg6 : memref<81936xf32, #tpu.memory_space<vmem>>) target_semaphore(%run_scoped3A : memref<!tpu.dma_semaphore, #tpu.memory_space<semaphore_mem>>)
      tpu.wait_dma2 semaphore(%run_scoped3A : memref<!tpu.dma_semaphore, #tpu.memory_space<semaphore_mem>>) src(%arg3 : memref<81936xf32, #tpu.memory_space<hbm>>) dst(%arg6 : memref<81936xf32, #tpu.memory_space<vmem>>)
      tpu.yield
    }) : () -> ()
    %scan3A = arith.constant 0 : i32
    %scan3A_5 = arith.constant 0 : i32
    %scan3A_6 = arith.constant 156 : i32
    %scan3A_7 = arith.addi %scan3A_5, %scan3A_6 : i32
    %scan3A_8 = arith.constant 1 : i32
    scf.for %scan3A_53 = %scan3A_5 to %scan3A_7 step %scan3A_8  : i32 {
      %mul3A_54 = arith.constant 64 : i32
      %mul3A_55 = arith.muli %scan3A_53, %mul3A_54 : i32
      %add3A_56 = arith.constant 0 : i32
      %add3A_57 = arith.addi %mul3A_55, %add3A_56 : i32
      %get3A_58 = arith.index_cast %add3A_57 : i32 to index
      %get3A_59 = tpu.vector_load %arg5[%get3A_58] {strides = array<i32>} : memref<10000xi32, #tpu.memory_space<vmem>>, vector<16xi32>,
      %ge3A_60 = arith.constant 0 : i32
      %ge3A_61 = vector.broadcast %ge3A_60 : i32 to vector<16xi32>
      %ge3A_62 = arith.cmpi sge, %get3A_59, %ge3A_61 : vector<16xi32>
      %lt3A_63 = arith.constant 5120 : i32
      %lt3A_64 = vector.broadcast %lt3A_63 : i32 to vector<16xi32>
      %lt3A_65 = arith.cmpi slt, %get3A_59, %lt3A_64 : vector<16xi32>
      %and3A_66 = arith.andi %ge3A_62, %lt3A_65 : vector<16xi1>
      %sub3A_67 = arith.constant 0 : i32
      %sub3A_68 = vector.broadcast %sub3A_67 : i32 to vector<16xi32>
      %sub3A_69 = arith.subi %get3A_59, %sub3A_68 : vector<16xi32>
      %jit3A_70 = arith.constant 0 : i32
      %broadcast_in_dim3A_71 = vector.broadcast %jit3A_70 : i32 to vector<16xi32>
      %select_n3A_72 = arith.select %and3A_66, %sub3A_69, %broadcast_in_dim3A_71 : vector<16xi1>, vector<16xi32>
      %add3A_73 = arith.addi %select_n3A_72, %mul3A_3 : vector<16xi32>
      tpu.vector_store_idx %arg6[%add3A_73], %broadcast_in_dim3A_4 masked %and3A_66 {add = true} : memref<81936xf32, #tpu.memory_space<vmem>>[vector<16xi32>], vector<16xf32>, vector<16xi1>
      %mul3A_74 = arith.constant 64 : i32
      %mul3A_75 = arith.muli %scan3A_53, %mul3A_74 : i32
      %add3A_76 = arith.constant 16 : i32
      %add3A_77 = arith.addi %mul3A_75, %add3A_76 : i32
      %get3A_78 = arith.index_cast %add3A_77 : i32 to index
      %get3A_79 = tpu.vector_load %arg5[%get3A_78] {strides = array<i32>} : memref<10000xi32, #tpu.memory_space<vmem>>, vector<16xi32>,
      %ge3A_80 = arith.constant 0 : i32
      %ge3A_81 = vector.broadcast %ge3A_80 : i32 to vector<16xi32>
      %ge3A_82 = arith.cmpi sge, %get3A_79, %ge3A_81 : vector<16xi32>
      %lt3A_83 = arith.constant 5120 : i32
      %lt3A_84 = vector.broadcast %lt3A_83 : i32 to vector<16xi32>
      %lt3A_85 = arith.cmpi slt, %get3A_79, %lt3A_84 : vector<16xi32>
      %and3A_86 = arith.andi %ge3A_82, %lt3A_85 : vector<16xi1>
      %sub3A_87 = arith.constant 0 : i32
      %sub3A_88 = vector.broadcast %sub3A_87 : i32 to vector<16xi32>
      %sub3A_89 = arith.subi %get3A_79, %sub3A_88 : vector<16xi32>
      %jit3A_90 = arith.constant 0 : i32
      %broadcast_in_dim3A_91 = vector.broadcast %jit3A_90 : i32 to vector<16xi32>
      %select_n3A_92 = arith.select %and3A_86, %sub3A_89, %broadcast_in_dim3A_91 : vector<16xi1>, vector<16xi32>
      %add3A_93 = arith.addi %select_n3A_92, %mul3A_3 : vector<16xi32>
      tpu.vector_store_idx %arg6[%add3A_93], %broadcast_in_dim3A_4 masked %and3A_86 {add = true} : memref<81936xf32, #tpu.memory_space<vmem>>[vector<16xi32>], vector<16xf32>, vector<16xi1>
      %mul3A_94 = arith.constant 64 : i32
      %mul3A_95 = arith.muli %scan3A_53, %mul3A_94 : i32
      %add3A_96 = arith.constant 32 : i32
      %add3A_97 = arith.addi %mul3A_95, %add3A_96 : i32
      %get3A_98 = arith.index_cast %add3A_97 : i32 to index
      %get3A_99 = tpu.vector_load %arg5[%get3A_98] {strides = array<i32>} : memref<10000xi32, #tpu.memory_space<vmem>>, vector<16xi32>,
      %ge3A_100 = arith.constant 0 : i32
      %ge3A_101 = vector.broadcast %ge3A_100 : i32 to vector<16xi32>
      %ge3A_102 = arith.cmpi sge, %get3A_99, %ge3A_101 : vector<16xi32>
      %lt3A_103 = arith.constant 5120 : i32
      %lt3A_104 = vector.broadcast %lt3A_103 : i32 to vector<16xi32>
      %lt3A_105 = arith.cmpi slt, %get3A_99, %lt3A_104 : vector<16xi32>
      %and3A_106 = arith.andi %ge3A_102, %lt3A_105 : vector<16xi1>
      %sub3A_107 = arith.constant 0 : i32
      %sub3A_108 = vector.broadcast %sub3A_107 : i32 to vector<16xi32>
      %sub3A_109 = arith.subi %get3A_99, %sub3A_108 : vector<16xi32>
      %jit3A_110 = arith.constant 0 : i32
      %broadcast_in_dim3A_111 = vector.broadcast %jit3A_110 : i32 to vector<16xi32>
      %select_n3A_112 = arith.select %and3A_106, %sub3A_109, %broadcast_in_dim3A_111 : vector<16xi1>, vector<16xi32>
      %add3A_113 = arith.addi %select_n3A_112, %mul3A_3 : vector<16xi32>
      tpu.vector_store_idx %arg6[%add3A_113], %broadcast_in_dim3A_4 masked %and3A_106 {add = true} : memref<81936xf32, #tpu.memory_space<vmem>>[vector<16xi32>], vector<16xf32>, vector<16xi1>
      %mul3A_114 = arith.constant 64 : i32
      %mul3A_115 = arith.muli %scan3A_53, %mul3A_114 : i32
      %add3A_116 = arith.constant 48 : i32
      %add3A_117 = arith.addi %mul3A_115, %add3A_116 : i32
      %get3A_118 = arith.index_cast %add3A_117 : i32 to index
      %get3A_119 = tpu.vector_load %arg5[%get3A_118] {strides = array<i32>} : memref<10000xi32, #tpu.memory_space<vmem>>, vector<16xi32>,
      %ge3A_120 = arith.constant 0 : i32
      %ge3A_121 = vector.broadcast %ge3A_120 : i32 to vector<16xi32>
      %ge3A_122 = arith.cmpi sge, %get3A_119, %ge3A_121 : vector<16xi32>
      %lt3A_123 = arith.constant 5120 : i32
      %lt3A_124 = vector.broadcast %lt3A_123 : i32 to vector<16xi32>
      %lt3A_125 = arith.cmpi slt, %get3A_119, %lt3A_124 : vector<16xi32>
      %and3A_126 = arith.andi %ge3A_122, %lt3A_125 : vector<16xi1>
      %sub3A_127 = arith.constant 0 : i32
      %sub3A_128 = vector.broadcast %sub3A_127 : i32 to vector<16xi32>
      %sub3A_129 = arith.subi %get3A_119, %sub3A_128 : vector<16xi32>
      %jit3A_130 = arith.constant 0 : i32
      %broadcast_in_dim3A_131 = vector.broadcast %jit3A_130 : i32 to vector<16xi32>
      %select_n3A_132 = arith.select %and3A_126, %sub3A_129, %broadcast_in_dim3A_131 : vector<16xi1>, vector<16xi32>
      %add3A_133 = arith.addi %select_n3A_132, %mul3A_3 : vector<16xi32>
      tpu.vector_store_idx %arg6[%add3A_133], %broadcast_in_dim3A_4 masked %and3A_126 {add = true} : memref<81936xf32, #tpu.memory_space<vmem>>[vector<16xi32>], vector<16xf32>, vector<16xi1>
    }
    %scan3A_9 = arith.constant 156 : i32
    %get3A = arith.constant 9984 : index
    %get3A_10 = tpu.vector_load %arg5[%get3A] {strides = array<i32>} : memref<10000xi32, #tpu.memory_space<vmem>>, vector<16xi32>,
    %ge3A = arith.constant 0 : i32
    %ge3A_11 = vector.broadcast %ge3A : i32 to vector<16xi32>
    %ge3A_12 = arith.cmpi sge, %get3A_10, %ge3A_11 : vector<16xi32>
    %lt3A = arith.constant 5120 : i32
    %lt3A_13 = vector.broadcast %lt3A : i32 to vector<16xi32>
    %lt3A_14 = arith.cmpi slt, %get3A_10, %lt3A_13 : vector<16xi32>
    %and3A = arith.andi %ge3A_12, %lt3A_14 : vector<16xi1>
    %sub3A = arith.constant 0 : i32
    %sub3A_15 = vector.broadcast %sub3A : i32 to vector<16xi32>
    %sub3A_16 = arith.subi %get3A_10, %sub3A_15 : vector<16xi32>
    %jit3A = arith.constant 0 : i32
    %broadcast_in_dim3A_17 = vector.broadcast %jit3A : i32 to vector<16xi32>
    %select_n3A = arith.select %and3A, %sub3A_16, %broadcast_in_dim3A_17 : vector<16xi1>, vector<16xi32>
    %add3A_18 = arith.addi %select_n3A, %mul3A_3 : vector<16xi32>
    tpu.vector_store_idx %arg6[%add3A_18], %broadcast_in_dim3A_4 masked %and3A {add = true} : memref<81936xf32, #tpu.memory_space<vmem>>[vector<16xi32>], vector<16xf32>, vector<16xi1>
    %scan3A_19 = arith.constant 0 : i32
    %scan3A_20 = arith.constant 0 : i32
    %scan3A_21 = arith.constant 320 : i32
    %scan3A_22 = arith.addi %scan3A_20, %scan3A_21 : i32
    %scan3A_23 = arith.constant 1 : i32
    scf.for %scan3A_53 = %scan3A_20 to %scan3A_22 step %scan3A_23  : i32 {
      %mul3A_54 = arith.constant 16 : i32
      %mul3A_55 = arith.muli %scan3A_53, %mul3A_54 : i32
      %add3A_56 = arith.constant 0 : i32
      %add3A_57 = arith.addi %add3A_56, %mul3A_55 : i32
      %get3A_58 = arith.index_cast %add3A_57 : i32 to index
      %get3A_59 = tpu.vector_load %arg6[%get3A_58] {strides = array<i32>} : memref<81936xf32, #tpu.memory_space<vmem>>, vector<16xf32>,
      %mul3A_60 = arith.constant 16 : i32
      %mul3A_61 = arith.muli %scan3A_53, %mul3A_60 : i32
      %add3A_62 = arith.constant 5121 : i32
      %add3A_63 = arith.addi %add3A_62, %mul3A_61 : i32
      %get3A_64 = arith.index_cast %add3A_63 : i32 to index
      %get3A_65 = tpu.vector_load %arg6[%get3A_64] {strides = array<i32>} : memref<81936xf32, #tpu.memory_space<vmem>>, vector<16xf32>,
      %mul3A_66 = arith.constant 16 : i32
      %mul3A_67 = arith.muli %scan3A_53, %mul3A_66 : i32
      %add3A_68 = arith.constant 10242 : i32
      %add3A_69 = arith.addi %add3A_68, %mul3A_67 : i32
      %get3A_70 = arith.index_cast %add3A_69 : i32 to index
      %get3A_71 = tpu.vector_load %arg6[%get3A_70] {strides = array<i32>} : memref<81936xf32, #tpu.memory_space<vmem>>, vector<16xf32>,
      %mul3A_72 = arith.constant 16 : i32
      %mul3A_73 = arith.muli %scan3A_53, %mul3A_72 : i32
      %add3A_74 = arith.constant 15363 : i32
      %add3A_75 = arith.addi %add3A_74, %mul3A_73 : i32
      %get3A_76 = arith.index_cast %add3A_75 : i32 to index
      %get3A_77 = tpu.vector_load %arg6[%get3A_76] {strides = array<i32>} : memref<81936xf32, #tpu.memory_space<vmem>>, vector<16xf32>,
      %mul3A_78 = arith.constant 16 : i32
      %mul3A_79 = arith.muli %scan3A_53, %mul3A_78 : i32
      %add3A_80 = arith.constant 20484 : i32
      %add3A_81 = arith.addi %add3A_80, %mul3A_79 : i32
      %get3A_82 = arith.index_cast %add3A_81 : i32 to index
      %get3A_83 = tpu.vector_load %arg6[%get3A_82] {strides = array<i32>} : memref<81936xf32, #tpu.memory_space<vmem>>, vector<16xf32>,
      %mul3A_84 = arith.constant 16 : i32
      %mul3A_85 = arith.muli %scan3A_53, %mul3A_84 : i32
      %add3A_86 = arith.constant 25605 : i32
      %add3A_87 = arith.addi %add3A_86, %mul3A_85 : i32
      %get3A_88 = arith.index_cast %add3A_87 : i32 to index
      %get3A_89 = tpu.vector_load %arg6[%get3A_88] {strides = array<i32>} : memref<81936xf32, #tpu.memory_space<vmem>>, vector<16xf32>,
      %mul3A_90 = arith.constant 16 : i32
      %mul3A_91 = arith.muli %scan3A_53, %mul3A_90 : i32
      %add3A_92 = arith.constant 30726 : i32
      %add3A_93 = arith.addi %add3A_92, %mul3A_91 : i32
      %get3A_94 = arith.index_cast %add3A_93 : i32 to index
      %get3A_95 = tpu.vector_load %arg6[%get3A_94] {strides = array<i32>} : memref<81936xf32, #tpu.memory_space<vmem>>, vector<16xf32>,
      %mul3A_96 = arith.constant 16 : i32
      %mul3A_97 = arith.muli %scan3A_53, %mul3A_96 : i32
      %add3A_98 = arith.constant 35847 : i32
      %add3A_99 = arith.addi %add3A_98, %mul3A_97 : i32
      %get3A_100 = arith.index_cast %add3A_99 : i32 to index
      %get3A_101 = tpu.vector_load %arg6[%get3A_100] {strides = array<i32>} : memref<81936xf32, #tpu.memory_space<vmem>>, vector<16xf32>,
      %mul3A_102 = arith.constant 16 : i32
      %mul3A_103 = arith.muli %scan3A_53, %mul3A_102 : i32
      %add3A_104 = arith.constant 40968 : i32
      %add3A_105 = arith.addi %add3A_104, %mul3A_103 : i32
      %get3A_106 = arith.index_cast %add3A_105 : i32 to index
      %get3A_107 = tpu.vector_load %arg6[%get3A_106] {strides = array<i32>} : memref<81936xf32, #tpu.memory_space<vmem>>, vector<16xf32>,
      %mul3A_108 = arith.constant 16 : i32
      %mul3A_109 = arith.muli %scan3A_53, %mul3A_108 : i32
      %add3A_110 = arith.constant 46089 : i32
      %add3A_111 = arith.addi %add3A_110, %mul3A_109 : i32
      %get3A_112 = arith.index_cast %add3A_111 : i32 to index
      %get3A_113 = tpu.vector_load %arg6[%get3A_112] {strides = array<i32>} : memref<81936xf32, #tpu.memory_space<vmem>>, vector<16xf32>,
      %mul3A_114 = arith.constant 16 : i32
      %mul3A_115 = arith.muli %scan3A_53, %mul3A_114 : i32
      %add3A_116 = arith.constant 51210 : i32
      %add3A_117 = arith.addi %add3A_116, %mul3A_115 : i32
      %get3A_118 = arith.index_cast %add3A_117 : i32 to index
      %get3A_119 = tpu.vector_load %arg6[%get3A_118] {strides = array<i32>} : memref<81936xf32, #tpu.memory_space<vmem>>, vector<16xf32>,
      %mul3A_120 = arith.constant 16 : i32
      %mul3A_121 = arith.muli %scan3A_53, %mul3A_120 : i32
      %add3A_122 = arith.constant 56331 : i32
      %add3A_123 = arith.addi %add3A_122, %mul3A_121 : i32
      %get3A_124 = arith.index_cast %add3A_123 : i32 to index
      %get3A_125 = tpu.vector_load %arg6[%get3A_124] {strides = array<i32>} : memref<81936xf32, #tpu.memory_space<vmem>>, vector<16xf32>,
      %mul3A_126 = arith.constant 16 : i32
      %mul3A_127 = arith.muli %scan3A_53, %mul3A_126 : i32
      %add3A_128 = arith.constant 61452 : i32
      %add3A_129 = arith.addi %add3A_128, %mul3A_127 : i32
      %get3A_130 = arith.index_cast %add3A_129 : i32 to index
      %get3A_131 = tpu.vector_load %arg6[%get3A_130] {strides = array<i32>} : memref<81936xf32, #tpu.memory_space<vmem>>, vector<16xf32>,
      %mul3A_132 = arith.constant 16 : i32
      %mul3A_133 = arith.muli %scan3A_53, %mul3A_132 : i32
      %add3A_134 = arith.constant 66573 : i32
      %add3A_135 = arith.addi %add3A_134, %mul3A_133 : i32
      %get3A_136 = arith.index_cast %add3A_135 : i32 to index
      %get3A_137 = tpu.vector_load %arg6[%get3A_136] {strides = array<i32>} : memref<81936xf32, #tpu.memory_space<vmem>>, vector<16xf32>,
      %mul3A_138 = arith.constant 16 : i32
      %mul3A_139 = arith.muli %scan3A_53, %mul3A_138 : i32
      %add3A_140 = arith.constant 71694 : i32
      %add3A_141 = arith.addi %add3A_140, %mul3A_139 : i32
      %get3A_142 = arith.index_cast %add3A_141 : i32 to index
      %get3A_143 = tpu.vector_load %arg6[%get3A_142] {strides = array<i32>} : memref<81936xf32, #tpu.memory_space<vmem>>, vector<16xf32>,
      %mul3A_144 = arith.constant 16 : i32
      %mul3A_145 = arith.muli %scan3A_53, %mul3A_144 : i32
      %add3A_146 = arith.constant 76815 : i32
      %add3A_147 = arith.addi %add3A_146, %mul3A_145 : i32
      %get3A_148 = arith.index_cast %add3A_147 : i32 to index
      %get3A_149 = tpu.vector_load %arg6[%get3A_148] {strides = array<i32>} : memref<81936xf32, #tpu.memory_space<vmem>>, vector<16xf32>,
      %add3A_150 = arith.addf %get3A_59, %get3A_65 : vector<16xf32>
      %add3A_151 = arith.addf %get3A_71, %get3A_77 : vector<16xf32>
      %add3A_152 = arith.addf %get3A_83, %get3A_89 : vector<16xf32>
      %add3A_153 = arith.addf %get3A_95, %get3A_101 : vector<16xf32>
      %add3A_154 = arith.addf %get3A_107, %get3A_113 : vector<16xf32>
      %add3A_155 = arith.addf %get3A_119, %get3A_125 : vector<16xf32>
      %add3A_156 = arith.addf %get3A_131, %get3A_137 : vector<16xf32>
      %add3A_157 = arith.addf %get3A_143, %get3A_149 : vector<16xf32>
      %add3A_158 = arith.addf %add3A_150, %add3A_151 : vector<16xf32>
      %add3A_159 = arith.addf %add3A_152, %add3A_153 : vector<16xf32>
      %add3A_160 = arith.addf %add3A_154, %add3A_155 : vector<16xf32>
      %add3A_161 = arith.addf %add3A_156, %add3A_157 : vector<16xf32>
      %add3A_162 = arith.addf %add3A_158, %add3A_159 : vector<16xf32>
      %add3A_163 = arith.addf %add3A_160, %add3A_161 : vector<16xf32>
      %add3A_164 = arith.addf %add3A_162, %add3A_163 : vector<16xf32>
      %mul3A_165 = arith.constant 16 : i32
      %mul3A_166 = arith.muli %scan3A_53, %mul3A_165 : i32
      %swap3A = arith.index_cast %mul3A_166 : i32 to index
      %swap3A_167 = tpu.vector_load %arg7[%swap3A] {strides = array<i32>} : memref<5120xf32, #tpu.memory_space<vmem>>, vector<16xf32>,
      tpu.vector_store %arg7[%swap3A], %add3A_164 {strides = array<i32>} : memref<5120xf32, #tpu.memory_space<vmem>>, vector<16xf32>,
    }
    %scan3A_24 = arith.constant 320 : i32
    "tpu.region"() ({
      %run_scoped3A = tpu.sem_alloc : memref<!tpu.dma_semaphore, #tpu.memory_space<semaphore_mem>>
      %dma_start3A = arith.constant 0 : i32
      %dma_start3A_53 = tpu.memref_slice %arg4[%add3A, %dma_start3A] : memref<32x10240xf32, #tpu.memory_space<hbm>> -> memref<1x5120xf32, #tpu.memory_space<hbm>>
      %dma_start3A_54 = tpu.memref_squeeze %dma_start3A_53 : memref<1x5120xf32, #tpu.memory_space<hbm>> -> memref<5120xf32, #tpu.memory_space<hbm>>
      %dma_start3A_55 = arith.constant 0 : i32
      %dma_start3A_56 = tpu.memref_slice %arg4[%add3A, %dma_start3A_55] : memref<32x10240xf32, #tpu.memory_space<hbm>> -> memref<1x5120xf32, #tpu.memory_space<hbm>>
      %dma_start3A_57 = tpu.memref_squeeze %dma_start3A_56 : memref<1x5120xf32, #tpu.memory_space<hbm>> -> memref<5120xf32, #tpu.memory_space<hbm>>
      tpu.enqueue_dma source(%arg7 : memref<5120xf32, #tpu.memory_space<vmem>>) target(%dma_start3A_57 : memref<5120xf32, #tpu.memory_space<hbm>>) target_semaphore(%run_scoped3A : memref<!tpu.dma_semaphore, #tpu.memory_space<semaphore_mem>>)
      %dma_wait3A = arith.constant 0 : i32
      %dma_wait3A_58 = tpu.memref_slice %arg4[%add3A, %dma_wait3A] : memref<32x10240xf32, #tpu.memory_space<hbm>> -> memref<1x5120xf32, #tpu.memory_space<hbm>>
      %dma_wait3A_59 = tpu.memref_squeeze %dma_wait3A_58 : memref<1x5120xf32, #tpu.memory_space<hbm>> -> memref<5120xf32, #tpu.memory_space<hbm>>
      %dma_wait3A_60 = arith.constant 0 : i32
      %dma_wait3A_61 = tpu.memref_slice %arg4[%add3A, %dma_wait3A_60] : memref<32x10240xf32, #tpu.memory_space<hbm>> -> memref<1x5120xf32, #tpu.memory_space<hbm>>
      %dma_wait3A_62 = tpu.memref_squeeze %dma_wait3A_61 : memref<1x5120xf32, #tpu.memory_space<hbm>> -> memref<5120xf32, #tpu.memory_space<hbm>>
      tpu.wait_dma2 semaphore(%run_scoped3A : memref<!tpu.dma_semaphore, #tpu.memory_space<semaphore_mem>>) src(%arg7 : memref<5120xf32, #tpu.memory_space<vmem>>) dst(%dma_wait3A_62 : memref<5120xf32, #tpu.memory_space<hbm>>)
      tpu.yield
    }) : () -> ()
    "tpu.region"() ({
      %run_scoped3A = tpu.sem_alloc : memref<!tpu.dma_semaphore, #tpu.memory_space<semaphore_mem>>
      tpu.enqueue_dma source(%arg3 : memref<81936xf32, #tpu.memory_space<hbm>>) target(%arg6 : memref<81936xf32, #tpu.memory_space<vmem>>) target_semaphore(%run_scoped3A : memref<!tpu.dma_semaphore, #tpu.memory_space<semaphore_mem>>)
      tpu.wait_dma2 semaphore(%run_scoped3A : memref<!tpu.dma_semaphore, #tpu.memory_space<semaphore_mem>>) src(%arg3 : memref<81936xf32, #tpu.memory_space<hbm>>) dst(%arg6 : memref<81936xf32, #tpu.memory_space<vmem>>)
      tpu.yield
    }) : () -> ()
    %scan3A_25 = arith.constant 0 : i32
    %scan3A_26 = arith.constant 0 : i32
    %scan3A_27 = arith.constant 156 : i32
    %scan3A_28 = arith.addi %scan3A_26, %scan3A_27 : i32
    %scan3A_29 = arith.constant 1 : i32
    scf.for %scan3A_53 = %scan3A_26 to %scan3A_28 step %scan3A_29  : i32 {
      %mul3A_54 = arith.constant 64 : i32
      %mul3A_55 = arith.muli %scan3A_53, %mul3A_54 : i32
      %add3A_56 = arith.constant 0 : i32
      %add3A_57 = arith.addi %mul3A_55, %add3A_56 : i32
      %get3A_58 = arith.index_cast %add3A_57 : i32 to index
      %get3A_59 = tpu.vector_load %arg5[%get3A_58] {strides = array<i32>} : memref<10000xi32, #tpu.memory_space<vmem>>, vector<16xi32>,
      %ge3A_60 = arith.constant 5120 : i32
      %ge3A_61 = vector.broadcast %ge3A_60 : i32 to vector<16xi32>
      %ge3A_62 = arith.cmpi sge, %get3A_59, %ge3A_61 : vector<16xi32>
      %lt3A_63 = arith.constant 10240 : i32
      %lt3A_64 = vector.broadcast %lt3A_63 : i32 to vector<16xi32>
      %lt3A_65 = arith.cmpi slt, %get3A_59, %lt3A_64 : vector<16xi32>
      %and3A_66 = arith.andi %ge3A_62, %lt3A_65 : vector<16xi1>
      %sub3A_67 = arith.constant 5120 : i32
      %sub3A_68 = vector.broadcast %sub3A_67 : i32 to vector<16xi32>
      %sub3A_69 = arith.subi %get3A_59, %sub3A_68 : vector<16xi32>
      %jit3A_70 = arith.constant 0 : i32
      %broadcast_in_dim3A_71 = vector.broadcast %jit3A_70 : i32 to vector<16xi32>
      %select_n3A_72 = arith.select %and3A_66, %sub3A_69, %broadcast_in_dim3A_71 : vector<16xi1>, vector<16xi32>
      %add3A_73 = arith.addi %select_n3A_72, %mul3A_3 : vector<16xi32>
      tpu.vector_store_idx %arg6[%add3A_73], %broadcast_in_dim3A_4 masked %and3A_66 {add = true} : memref<81936xf32, #tpu.memory_space<vmem>>[vector<16xi32>], vector<16xf32>, vector<16xi1>
      %mul3A_74 = arith.constant 64 : i32
      %mul3A_75 = arith.muli %scan3A_53, %mul3A_74 : i32
      %add3A_76 = arith.constant 16 : i32
      %add3A_77 = arith.addi %mul3A_75, %add3A_76 : i32
      %get3A_78 = arith.index_cast %add3A_77 : i32 to index
      %get3A_79 = tpu.vector_load %arg5[%get3A_78] {strides = array<i32>} : memref<10000xi32, #tpu.memory_space<vmem>>, vector<16xi32>,
      %ge3A_80 = arith.constant 5120 : i32
      %ge3A_81 = vector.broadcast %ge3A_80 : i32 to vector<16xi32>
      %ge3A_82 = arith.cmpi sge, %get3A_79, %ge3A_81 : vector<16xi32>
      %lt3A_83 = arith.constant 10240 : i32
      %lt3A_84 = vector.broadcast %lt3A_83 : i32 to vector<16xi32>
      %lt3A_85 = arith.cmpi slt, %get3A_79, %lt3A_84 : vector<16xi32>
      %and3A_86 = arith.andi %ge3A_82, %lt3A_85 : vector<16xi1>
      %sub3A_87 = arith.constant 5120 : i32
      %sub3A_88 = vector.broadcast %sub3A_87 : i32 to vector<16xi32>
      %sub3A_89 = arith.subi %get3A_79, %sub3A_88 : vector<16xi32>
      %jit3A_90 = arith.constant 0 : i32
      %broadcast_in_dim3A_91 = vector.broadcast %jit3A_90 : i32 to vector<16xi32>
      %select_n3A_92 = arith.select %and3A_86, %sub3A_89, %broadcast_in_dim3A_91 : vector<16xi1>, vector<16xi32>
      %add3A_93 = arith.addi %select_n3A_92, %mul3A_3 : vector<16xi32>
      tpu.vector_store_idx %arg6[%add3A_93], %broadcast_in_dim3A_4 masked %and3A_86 {add = true} : memref<81936xf32, #tpu.memory_space<vmem>>[vector<16xi32>], vector<16xf32>, vector<16xi1>
      %mul3A_94 = arith.constant 64 : i32
      %mul3A_95 = arith.muli %scan3A_53, %mul3A_94 : i32
      %add3A_96 = arith.constant 32 : i32
      %add3A_97 = arith.addi %mul3A_95, %add3A_96 : i32
      %get3A_98 = arith.index_cast %add3A_97 : i32 to index
      %get3A_99 = tpu.vector_load %arg5[%get3A_98] {strides = array<i32>} : memref<10000xi32, #tpu.memory_space<vmem>>, vector<16xi32>,
      %ge3A_100 = arith.constant 5120 : i32
      %ge3A_101 = vector.broadcast %ge3A_100 : i32 to vector<16xi32>
      %ge3A_102 = arith.cmpi sge, %get3A_99, %ge3A_101 : vector<16xi32>
      %lt3A_103 = arith.constant 10240 : i32
      %lt3A_104 = vector.broadcast %lt3A_103 : i32 to vector<16xi32>
      %lt3A_105 = arith.cmpi slt, %get3A_99, %lt3A_104 : vector<16xi32>
      %and3A_106 = arith.andi %ge3A_102, %lt3A_105 : vector<16xi1>
      %sub3A_107 = arith.constant 5120 : i32
      %sub3A_108 = vector.broadcast %sub3A_107 : i32 to vector<16xi32>
      %sub3A_109 = arith.subi %get3A_99, %sub3A_108 : vector<16xi32>
      %jit3A_110 = arith.constant 0 : i32
      %broadcast_in_dim3A_111 = vector.broadcast %jit3A_110 : i32 to vector<16xi32>
      %select_n3A_112 = arith.select %and3A_106, %sub3A_109, %broadcast_in_dim3A_111 : vector<16xi1>, vector<16xi32>
      %add3A_113 = arith.addi %select_n3A_112, %mul3A_3 : vector<16xi32>
      tpu.vector_store_idx %arg6[%add3A_113], %broadcast_in_dim3A_4 masked %and3A_106 {add = true} : memref<81936xf32, #tpu.memory_space<vmem>>[vector<16xi32>], vector<16xf32>, vector<16xi1>
      %mul3A_114 = arith.constant 64 : i32
      %mul3A_115 = arith.muli %scan3A_53, %mul3A_114 : i32
      %add3A_116 = arith.constant 48 : i32
      %add3A_117 = arith.addi %mul3A_115, %add3A_116 : i32
      %get3A_118 = arith.index_cast %add3A_117 : i32 to index
      %get3A_119 = tpu.vector_load %arg5[%get3A_118] {strides = array<i32>} : memref<10000xi32, #tpu.memory_space<vmem>>, vector<16xi32>,
      %ge3A_120 = arith.constant 5120 : i32
      %ge3A_121 = vector.broadcast %ge3A_120 : i32 to vector<16xi32>
      %ge3A_122 = arith.cmpi sge, %get3A_119, %ge3A_121 : vector<16xi32>
      %lt3A_123 = arith.constant 10240 : i32
      %lt3A_124 = vector.broadcast %lt3A_123 : i32 to vector<16xi32>
      %lt3A_125 = arith.cmpi slt, %get3A_119, %lt3A_124 : vector<16xi32>
      %and3A_126 = arith.andi %ge3A_122, %lt3A_125 : vector<16xi1>
      %sub3A_127 = arith.constant 5120 : i32
      %sub3A_128 = vector.broadcast %sub3A_127 : i32 to vector<16xi32>
      %sub3A_129 = arith.subi %get3A_119, %sub3A_128 : vector<16xi32>
      %jit3A_130 = arith.constant 0 : i32
      %broadcast_in_dim3A_131 = vector.broadcast %jit3A_130 : i32 to vector<16xi32>
      %select_n3A_132 = arith.select %and3A_126, %sub3A_129, %broadcast_in_dim3A_131 : vector<16xi1>, vector<16xi32>
      %add3A_133 = arith.addi %select_n3A_132, %mul3A_3 : vector<16xi32>
      tpu.vector_store_idx %arg6[%add3A_133], %broadcast_in_dim3A_4 masked %and3A_126 {add = true} : memref<81936xf32, #tpu.memory_space<vmem>>[vector<16xi32>], vector<16xf32>, vector<16xi1>
    }
    %scan3A_30 = arith.constant 156 : i32
    %get3A_31 = arith.constant 9984 : index
    %get3A_32 = tpu.vector_load %arg5[%get3A_31] {strides = array<i32>} : memref<10000xi32, #tpu.memory_space<vmem>>, vector<16xi32>,
    %ge3A_33 = arith.constant 5120 : i32
    %ge3A_34 = vector.broadcast %ge3A_33 : i32 to vector<16xi32>
    %ge3A_35 = arith.cmpi sge, %get3A_32, %ge3A_34 : vector<16xi32>
    %lt3A_36 = arith.constant 10240 : i32
    %lt3A_37 = vector.broadcast %lt3A_36 : i32 to vector<16xi32>
    %lt3A_38 = arith.cmpi slt, %get3A_32, %lt3A_37 : vector<16xi32>
    %and3A_39 = arith.andi %ge3A_35, %lt3A_38 : vector<16xi1>
    %sub3A_40 = arith.constant 5120 : i32
    %sub3A_41 = vector.broadcast %sub3A_40 : i32 to vector<16xi32>
    %sub3A_42 = arith.subi %get3A_32, %sub3A_41 : vector<16xi32>
    %jit3A_43 = arith.constant 0 : i32
    %broadcast_in_dim3A_44 = vector.broadcast %jit3A_43 : i32 to vector<16xi32>
    %select_n3A_45 = arith.select %and3A_39, %sub3A_42, %broadcast_in_dim3A_44 : vector<16xi1>, vector<16xi32>
    %add3A_46 = arith.addi %select_n3A_45, %mul3A_3 : vector<16xi32>
    tpu.vector_store_idx %arg6[%add3A_46], %broadcast_in_dim3A_4 masked %and3A_39 {add = true} : memref<81936xf32, #tpu.memory_space<vmem>>[vector<16xi32>], vector<16xf32>, vector<16xi1>
    %scan3A_47 = arith.constant 0 : i32
    %scan3A_48 = arith.constant 0 : i32
    %scan3A_49 = arith.constant 320 : i32
    %scan3A_50 = arith.addi %scan3A_48, %scan3A_49 : i32
    %scan3A_51 = arith.constant 1 : i32
    scf.for %scan3A_53 = %scan3A_48 to %scan3A_50 step %scan3A_51  : i32 {
      %mul3A_54 = arith.constant 16 : i32
      %mul3A_55 = arith.muli %scan3A_53, %mul3A_54 : i32
      %add3A_56 = arith.constant 0 : i32
      %add3A_57 = arith.addi %add3A_56, %mul3A_55 : i32
      %get3A_58 = arith.index_cast %add3A_57 : i32 to index
      %get3A_59 = tpu.vector_load %arg6[%get3A_58] {strides = array<i32>} : memref<81936xf32, #tpu.memory_space<vmem>>, vector<16xf32>,
      %mul3A_60 = arith.constant 16 : i32
      %mul3A_61 = arith.muli %scan3A_53, %mul3A_60 : i32
      %add3A_62 = arith.constant 5121 : i32
      %add3A_63 = arith.addi %add3A_62, %mul3A_61 : i32
      %get3A_64 = arith.index_cast %add3A_63 : i32 to index
      %get3A_65 = tpu.vector_load %arg6[%get3A_64] {strides = array<i32>} : memref<81936xf32, #tpu.memory_space<vmem>>, vector<16xf32>,
      %mul3A_66 = arith.constant 16 : i32
      %mul3A_67 = arith.muli %scan3A_53, %mul3A_66 : i32
      %add3A_68 = arith.constant 10242 : i32
      %add3A_69 = arith.addi %add3A_68, %mul3A_67 : i32
      %get3A_70 = arith.index_cast %add3A_69 : i32 to index
      %get3A_71 = tpu.vector_load %arg6[%get3A_70] {strides = array<i32>} : memref<81936xf32, #tpu.memory_space<vmem>>, vector<16xf32>,
      %mul3A_72 = arith.constant 16 : i32
      %mul3A_73 = arith.muli %scan3A_53, %mul3A_72 : i32
      %add3A_74 = arith.constant 15363 : i32
      %add3A_75 = arith.addi %add3A_74, %mul3A_73 : i32
      %get3A_76 = arith.index_cast %add3A_75 : i32 to index
      %get3A_77 = tpu.vector_load %arg6[%get3A_76] {strides = array<i32>} : memref<81936xf32, #tpu.memory_space<vmem>>, vector<16xf32>,
      %mul3A_78 = arith.constant 16 : i32
      %mul3A_79 = arith.muli %scan3A_53, %mul3A_78 : i32
      %add3A_80 = arith.constant 20484 : i32
      %add3A_81 = arith.addi %add3A_80, %mul3A_79 : i32
      %get3A_82 = arith.index_cast %add3A_81 : i32 to index
      %get3A_83 = tpu.vector_load %arg6[%get3A_82] {strides = array<i32>} : memref<81936xf32, #tpu.memory_space<vmem>>, vector<16xf32>,
      %mul3A_84 = arith.constant 16 : i32
      %mul3A_85 = arith.muli %scan3A_53, %mul3A_84 : i32
      %add3A_86 = arith.constant 25605 : i32
      %add3A_87 = arith.addi %add3A_86, %mul3A_85 : i32
      %get3A_88 = arith.index_cast %add3A_87 : i32 to index
      %get3A_89 = tpu.vector_load %arg6[%get3A_88] {strides = array<i32>} : memref<81936xf32, #tpu.memory_space<vmem>>, vector<16xf32>,
      %mul3A_90 = arith.constant 16 : i32
      %mul3A_91 = arith.muli %scan3A_53, %mul3A_90 : i32
      %add3A_92 = arith.constant 30726 : i32
      %add3A_93 = arith.addi %add3A_92, %mul3A_91 : i32
      %get3A_94 = arith.index_cast %add3A_93 : i32 to index
      %get3A_95 = tpu.vector_load %arg6[%get3A_94] {strides = array<i32>} : memref<81936xf32, #tpu.memory_space<vmem>>, vector<16xf32>,
      %mul3A_96 = arith.constant 16 : i32
      %mul3A_97 = arith.muli %scan3A_53, %mul3A_96 : i32
      %add3A_98 = arith.constant 35847 : i32
      %add3A_99 = arith.addi %add3A_98, %mul3A_97 : i32
      %get3A_100 = arith.index_cast %add3A_99 : i32 to index
      %get3A_101 = tpu.vector_load %arg6[%get3A_100] {strides = array<i32>} : memref<81936xf32, #tpu.memory_space<vmem>>, vector<16xf32>,
      %mul3A_102 = arith.constant 16 : i32
      %mul3A_103 = arith.muli %scan3A_53, %mul3A_102 : i32
      %add3A_104 = arith.constant 40968 : i32
      %add3A_105 = arith.addi %add3A_104, %mul3A_103 : i32
      %get3A_106 = arith.index_cast %add3A_105 : i32 to index
      %get3A_107 = tpu.vector_load %arg6[%get3A_106] {strides = array<i32>} : memref<81936xf32, #tpu.memory_space<vmem>>, vector<16xf32>,
      %mul3A_108 = arith.constant 16 : i32
      %mul3A_109 = arith.muli %scan3A_53, %mul3A_108 : i32
      %add3A_110 = arith.constant 46089 : i32
      %add3A_111 = arith.addi %add3A_110, %mul3A_109 : i32
      %get3A_112 = arith.index_cast %add3A_111 : i32 to index
      %get3A_113 = tpu.vector_load %arg6[%get3A_112] {strides = array<i32>} : memref<81936xf32, #tpu.memory_space<vmem>>, vector<16xf32>,
      %mul3A_114 = arith.constant 16 : i32
      %mul3A_115 = arith.muli %scan3A_53, %mul3A_114 : i32
      %add3A_116 = arith.constant 51210 : i32
      %add3A_117 = arith.addi %add3A_116, %mul3A_115 : i32
      %get3A_118 = arith.index_cast %add3A_117 : i32 to index
      %get3A_119 = tpu.vector_load %arg6[%get3A_118] {strides = array<i32>} : memref<81936xf32, #tpu.memory_space<vmem>>, vector<16xf32>,
      %mul3A_120 = arith.constant 16 : i32
      %mul3A_121 = arith.muli %scan3A_53, %mul3A_120 : i32
      %add3A_122 = arith.constant 56331 : i32
      %add3A_123 = arith.addi %add3A_122, %mul3A_121 : i32
      %get3A_124 = arith.index_cast %add3A_123 : i32 to index
      %get3A_125 = tpu.vector_load %arg6[%get3A_124] {strides = array<i32>} : memref<81936xf32, #tpu.memory_space<vmem>>, vector<16xf32>,
      %mul3A_126 = arith.constant 16 : i32
      %mul3A_127 = arith.muli %scan3A_53, %mul3A_126 : i32
      %add3A_128 = arith.constant 61452 : i32
      %add3A_129 = arith.addi %add3A_128, %mul3A_127 : i32
      %get3A_130 = arith.index_cast %add3A_129 : i32 to index
      %get3A_131 = tpu.vector_load %arg6[%get3A_130] {strides = array<i32>} : memref<81936xf32, #tpu.memory_space<vmem>>, vector<16xf32>,
      %mul3A_132 = arith.constant 16 : i32
      %mul3A_133 = arith.muli %scan3A_53, %mul3A_132 : i32
      %add3A_134 = arith.constant 66573 : i32
      %add3A_135 = arith.addi %add3A_134, %mul3A_133 : i32
      %get3A_136 = arith.index_cast %add3A_135 : i32 to index
      %get3A_137 = tpu.vector_load %arg6[%get3A_136] {strides = array<i32>} : memref<81936xf32, #tpu.memory_space<vmem>>, vector<16xf32>,
      %mul3A_138 = arith.constant 16 : i32
      %mul3A_139 = arith.muli %scan3A_53, %mul3A_138 : i32
      %add3A_140 = arith.constant 71694 : i32
      %add3A_141 = arith.addi %add3A_140, %mul3A_139 : i32
      %get3A_142 = arith.index_cast %add3A_141 : i32 to index
      %get3A_143 = tpu.vector_load %arg6[%get3A_142] {strides = array<i32>} : memref<81936xf32, #tpu.memory_space<vmem>>, vector<16xf32>,
      %mul3A_144 = arith.constant 16 : i32
      %mul3A_145 = arith.muli %scan3A_53, %mul3A_144 : i32
      %add3A_146 = arith.constant 76815 : i32
      %add3A_147 = arith.addi %add3A_146, %mul3A_145 : i32
      %get3A_148 = arith.index_cast %add3A_147 : i32 to index
      %get3A_149 = tpu.vector_load %arg6[%get3A_148] {strides = array<i32>} : memref<81936xf32, #tpu.memory_space<vmem>>, vector<16xf32>,
      %add3A_150 = arith.addf %get3A_59, %get3A_65 : vector<16xf32>
      %add3A_151 = arith.addf %get3A_71, %get3A_77 : vector<16xf32>
      %add3A_152 = arith.addf %get3A_83, %get3A_89 : vector<16xf32>
      %add3A_153 = arith.addf %get3A_95, %get3A_101 : vector<16xf32>
      %add3A_154 = arith.addf %get3A_107, %get3A_113 : vector<16xf32>
      %add3A_155 = arith.addf %get3A_119, %get3A_125 : vector<16xf32>
      %add3A_156 = arith.addf %get3A_131, %get3A_137 : vector<16xf32>
      %add3A_157 = arith.addf %get3A_143, %get3A_149 : vector<16xf32>
      %add3A_158 = arith.addf %add3A_150, %add3A_151 : vector<16xf32>
      %add3A_159 = arith.addf %add3A_152, %add3A_153 : vector<16xf32>
      %add3A_160 = arith.addf %add3A_154, %add3A_155 : vector<16xf32>
      %add3A_161 = arith.addf %add3A_156, %add3A_157 : vector<16xf32>
      %add3A_162 = arith.addf %add3A_158, %add3A_159 : vector<16xf32>
      %add3A_163 = arith.addf %add3A_160, %add3A_161 : vector<16xf32>
      %add3A_164 = arith.addf %add3A_162, %add3A_163 : vector<16xf32>
      %mul3A_165 = arith.constant 16 : i32
      %mul3A_166 = arith.muli %scan3A_53, %mul3A_165 : i32
      %swap3A = arith.index_cast %mul3A_166 : i32 to index
      %swap3A_167 = tpu.vector_load %arg7[%swap3A] {strides = array<i32>} : memref<5120xf32, #tpu.memory_space<vmem>>, vector<16xf32>,
      tpu.vector_store %arg7[%swap3A], %add3A_164 {strides = array<i32>} : memref<5120xf32, #tpu.memory_space<vmem>>, vector<16xf32>,
    }
    %scan3A_52 = arith.constant 320 : i32
    "tpu.region"() ({
      %run_scoped3A = tpu.sem_alloc : memref<!tpu.dma_semaphore, #tpu.memory_space<semaphore_mem>>
      %dma_start3A = arith.constant 5120 : i32
      %dma_start3A_53 = tpu.memref_slice %arg4[%add3A, %dma_start3A] : memref<32x10240xf32, #tpu.memory_space<hbm>> -> memref<1x5120xf32, #tpu.memory_space<hbm>>
      %dma_start3A_54 = tpu.memref_squeeze %dma_start3A_53 : memref<1x5120xf32, #tpu.memory_space<hbm>> -> memref<5120xf32, #tpu.memory_space<hbm>>
      %dma_start3A_55 = arith.constant 5120 : i32
      %dma_start3A_56 = tpu.memref_slice %arg4[%add3A, %dma_start3A_55] : memref<32x10240xf32, #tpu.memory_space<hbm>> -> memref<1x5120xf32, #tpu.memory_space<hbm>>
      %dma_start3A_57 = tpu.memref_squeeze %dma_start3A_56 : memref<1x5120xf32, #tpu.memory_space<hbm>> -> memref<5120xf32, #tpu.memory_space<hbm>>
      tpu.enqueue_dma source(%arg7 : memref<5120xf32, #tpu.memory_space<vmem>>) target(%dma_start3A_57 : memref<5120xf32, #tpu.memory_space<hbm>>) target_semaphore(%run_scoped3A : memref<!tpu.dma_semaphore, #tpu.memory_space<semaphore_mem>>)
      %dma_wait3A = arith.constant 5120 : i32
      %dma_wait3A_58 = tpu.memref_slice %arg4[%add3A, %dma_wait3A] : memref<32x10240xf32, #tpu.memory_space<hbm>> -> memref<1x5120xf32, #tpu.memory_space<hbm>>
      %dma_wait3A_59 = tpu.memref_squeeze %dma_wait3A_58 : memref<1x5120xf32, #tpu.memory_space<hbm>> -> memref<5120xf32, #tpu.memory_space<hbm>>
      %dma_wait3A_60 = arith.constant 5120 : i32
      %dma_wait3A_61 = tpu.memref_slice %arg4[%add3A, %dma_wait3A_60] : memref<32x10240xf32, #tpu.memory_space<hbm>> -> memref<1x5120xf32, #tpu.memory_space<hbm>>
      %dma_wait3A_62 = tpu.memref_squeeze %dma_wait3A_61 : memref<1x5120xf32, #tpu.memory_space<hbm>> -> memref<5120xf32, #tpu.memory_space<hbm>>
      tpu.wait_dma2 semaphore(%run_scoped3A : memref<!tpu.dma_semaphore, #tpu.memory_space<semaphore_mem>>) src(%arg7 : memref<5120xf32, #tpu.memory_space<vmem>>) dst(%dma_wait3A_62 : memref<5120xf32, #tpu.memory_space<hbm>>)
      tpu.yield
    }) : () -> ()
    return
  }
}

#map = affine_map<(d0, d1) -> (0, 0)>
#map1 = affine_map<(d0, d1) -> (0, 0, 0)>
module attributes {stable_mosaic.version = 14 : i64} {
  func.func @_acc_body(%arg0: i32, %arg1: i32, %arg2: memref<10000x64xbf16, #tpu.memory_space<hbm>>, %arg3: memref<32x80x125xi32, #tpu.memory_space<hbm>>, %arg4: memref<32x80x125xi32, #tpu.memory_space<hbm>>, %arg5: memref<10240x64xbf16, #tpu.memory_space<hbm>>, %arg6: memref<2x10240x64xbf16, #tpu.memory_space<hbm>>, %arg7: memref<80x125xi32, #tpu.memory_space<vmem>>, %arg8: memref<80x125xi32, #tpu.memory_space<vmem>>, %arg9: memref<125x64xbf16, #tpu.memory_space<vmem>>, %arg10: memref<125x64xbf16, #tpu.memory_space<vmem>>, %arg11: memref<125x64xbf16, #tpu.memory_space<vmem>>, %arg12: memref<125x64xbf16, #tpu.memory_space<vmem>>, %arg13: memref<125x64xbf16, #tpu.memory_space<vmem>>, %arg14: memref<125x64xbf16, #tpu.memory_space<vmem>>, %arg15: memref<125x64xbf16, #tpu.memory_space<vmem>>, %arg16: memref<125x64xbf16, #tpu.memory_space<vmem>>, %arg17: memref<!tpu.dma_semaphore, #tpu.memory_space<semaphore_mem>>, %arg18: memref<!tpu.dma_semaphore, #tpu.memory_space<semaphore_mem>>, %arg19: memref<!tpu.dma_semaphore, #tpu.memory_space<semaphore_mem>>, %arg20: memref<!tpu.dma_semaphore, #tpu.memory_space<semaphore_mem>>, %arg21: memref<!tpu.dma_semaphore, #tpu.memory_space<semaphore_mem>>, %arg22: memref<!tpu.dma_semaphore, #tpu.memory_space<semaphore_mem>>, %arg23: memref<!tpu.dma_semaphore, #tpu.memory_space<semaphore_mem>>, %arg24: memref<!tpu.dma_semaphore, #tpu.memory_space<semaphore_mem>>, %arg25: memref<!tpu.dma_semaphore, #tpu.memory_space<semaphore_mem>>, %arg26: memref<!tpu.dma_semaphore, #tpu.memory_space<semaphore_mem>>, %arg27: memref<!tpu.dma_semaphore, #tpu.memory_space<semaphore_mem>>, %arg28: memref<!tpu.dma_semaphore, #tpu.memory_space<semaphore_mem>>, %arg29: memref<!tpu.dma_semaphore, #tpu.memory_space<semaphore_mem>>, %arg30: memref<!tpu.dma_semaphore, #tpu.memory_space<semaphore_mem>>, %arg31: memref<!tpu.dma_semaphore, #tpu.memory_space<semaphore_mem>>, %arg32: memref<!tpu.dma_semaphore, #tpu.memory_space<semaphore_mem>>, %arg33: memref<10240x64xbf16, #tpu.memory_space<vmem_shared>>) attributes {dimension_semantics = [#tpu.dimension_semantics<core_parallel>, #tpu.dimension_semantics<subcore_parallel>], iteration_bounds = array<i64: 2, 16>, scalar_prefetch = 0 : i64, scratch_operands = 27 : i64, tpu.core_type = #tpu.core_type<sc_vector_subcore>, window_params = [{transform_indices = #map}, {transform_indices = #map1}, {transform_indices = #map1}, {transform_indices = #map}, {transform_indices = #map1}]} {
    %mul3A = arith.constant 2 : i32
    %mul3A_0 = arith.muli %arg1, %mul3A : i32
    %add3A = arith.addi %mul3A_0, %arg0 : i32
    %mul3A_1 = arith.constant 640 : i32
    %mul3A_2 = arith.muli %arg1, %mul3A_1 : i32
    %multiple_of3A = tpu.assume_multiple %mul3A_2, 8 : i32
    "tpu.region"() ({
      %run_scoped3A = tpu.sem_alloc : memref<!tpu.dma_semaphore, #tpu.memory_space<semaphore_mem>>
      %dma_start3A_63 = arith.constant 0 : i32
      %dma_start3A_64 = arith.constant 0 : i32
      %dma_start3A_65 = tpu.memref_slice %arg3[%add3A, %dma_start3A_63, %dma_start3A_64] : memref<32x80x125xi32, #tpu.memory_space<hbm>> -> memref<1x80x125xi32, #tpu.memory_space<hbm>>
      %dma_start3A_66 = tpu.memref_squeeze %dma_start3A_65 : memref<1x80x125xi32, #tpu.memory_space<hbm>> -> memref<80x125xi32, #tpu.memory_space<hbm>>
      %dma_start3A_67 = arith.constant 0 : i32
      %dma_start3A_68 = arith.constant 0 : i32
      %dma_start3A_69 = tpu.memref_slice %arg3[%add3A, %dma_start3A_67, %dma_start3A_68] : memref<32x80x125xi32, #tpu.memory_space<hbm>> -> memref<1x80x125xi32, #tpu.memory_space<hbm>>
      %dma_start3A_70 = tpu.memref_squeeze %dma_start3A_69 : memref<1x80x125xi32, #tpu.memory_space<hbm>> -> memref<80x125xi32, #tpu.memory_space<hbm>>
      tpu.enqueue_dma source(%dma_start3A_70 : memref<80x125xi32, #tpu.memory_space<hbm>>) target(%arg7 : memref<80x125xi32, #tpu.memory_space<vmem>>) target_semaphore(%run_scoped3A : memref<!tpu.dma_semaphore, #tpu.memory_space<semaphore_mem>>)
      %dma_wait3A_71 = arith.constant 0 : i32
      %dma_wait3A_72 = arith.constant 0 : i32
      %dma_wait3A_73 = tpu.memref_slice %arg3[%add3A, %dma_wait3A_71, %dma_wait3A_72] : memref<32x80x125xi32, #tpu.memory_space<hbm>> -> memref<1x80x125xi32, #tpu.memory_space<hbm>>
      %dma_wait3A_74 = tpu.memref_squeeze %dma_wait3A_73 : memref<1x80x125xi32, #tpu.memory_space<hbm>> -> memref<80x125xi32, #tpu.memory_space<hbm>>
      %dma_wait3A_75 = arith.constant 0 : i32
      %dma_wait3A_76 = arith.constant 0 : i32
      %dma_wait3A_77 = tpu.memref_slice %arg3[%add3A, %dma_wait3A_75, %dma_wait3A_76] : memref<32x80x125xi32, #tpu.memory_space<hbm>> -> memref<1x80x125xi32, #tpu.memory_space<hbm>>
      %dma_wait3A_78 = tpu.memref_squeeze %dma_wait3A_77 : memref<1x80x125xi32, #tpu.memory_space<hbm>> -> memref<80x125xi32, #tpu.memory_space<hbm>>
      tpu.wait_dma2 semaphore(%run_scoped3A : memref<!tpu.dma_semaphore, #tpu.memory_space<semaphore_mem>>) src(%dma_wait3A_78 : memref<80x125xi32, #tpu.memory_space<hbm>>) dst(%arg7 : memref<80x125xi32, #tpu.memory_space<vmem>>)
      tpu.yield
    }) : () -> ()
    "tpu.region"() ({
      %run_scoped3A = tpu.sem_alloc : memref<!tpu.dma_semaphore, #tpu.memory_space<semaphore_mem>>
      %dma_start3A_63 = arith.constant 0 : i32
      %dma_start3A_64 = arith.constant 0 : i32
      %dma_start3A_65 = tpu.memref_slice %arg4[%add3A, %dma_start3A_63, %dma_start3A_64] : memref<32x80x125xi32, #tpu.memory_space<hbm>> -> memref<1x80x125xi32, #tpu.memory_space<hbm>>
      %dma_start3A_66 = tpu.memref_squeeze %dma_start3A_65 : memref<1x80x125xi32, #tpu.memory_space<hbm>> -> memref<80x125xi32, #tpu.memory_space<hbm>>
      %dma_start3A_67 = arith.constant 0 : i32
      %dma_start3A_68 = arith.constant 0 : i32
      %dma_start3A_69 = tpu.memref_slice %arg4[%add3A, %dma_start3A_67, %dma_start3A_68] : memref<32x80x125xi32, #tpu.memory_space<hbm>> -> memref<1x80x125xi32, #tpu.memory_space<hbm>>
      %dma_start3A_70 = tpu.memref_squeeze %dma_start3A_69 : memref<1x80x125xi32, #tpu.memory_space<hbm>> -> memref<80x125xi32, #tpu.memory_space<hbm>>
      tpu.enqueue_dma source(%dma_start3A_70 : memref<80x125xi32, #tpu.memory_space<hbm>>) target(%arg8 : memref<80x125xi32, #tpu.memory_space<vmem>>) target_semaphore(%run_scoped3A : memref<!tpu.dma_semaphore, #tpu.memory_space<semaphore_mem>>)
      %dma_wait3A_71 = arith.constant 0 : i32
      %dma_wait3A_72 = arith.constant 0 : i32
      %dma_wait3A_73 = tpu.memref_slice %arg4[%add3A, %dma_wait3A_71, %dma_wait3A_72] : memref<32x80x125xi32, #tpu.memory_space<hbm>> -> memref<1x80x125xi32, #tpu.memory_space<hbm>>
      %dma_wait3A_74 = tpu.memref_squeeze %dma_wait3A_73 : memref<1x80x125xi32, #tpu.memory_space<hbm>> -> memref<80x125xi32, #tpu.memory_space<hbm>>
      %dma_wait3A_75 = arith.constant 0 : i32
      %dma_wait3A_76 = arith.constant 0 : i32
      %dma_wait3A_77 = tpu.memref_slice %arg4[%add3A, %dma_wait3A_75, %dma_wait3A_76] : memref<32x80x125xi32, #tpu.memory_space<hbm>> -> memref<1x80x125xi32, #tpu.memory_space<hbm>>
      %dma_wait3A_78 = tpu.memref_squeeze %dma_wait3A_77 : memref<1x80x125xi32, #tpu.memory_space<hbm>> -> memref<80x125xi32, #tpu.memory_space<hbm>>
      tpu.wait_dma2 semaphore(%run_scoped3A : memref<!tpu.dma_semaphore, #tpu.memory_space<semaphore_mem>>) src(%dma_wait3A_78 : memref<80x125xi32, #tpu.memory_space<hbm>>) dst(%arg8 : memref<80x125xi32, #tpu.memory_space<vmem>>)
      tpu.yield
    }) : () -> ()
    "tpu.region"() ({
      %run_scoped3A = tpu.sem_alloc : memref<!tpu.dma_semaphore, #tpu.memory_space<semaphore_mem>>
      %dma_start3A_63 = arith.constant 0 : i32
      %dma_start3A_64 = tpu.memref_slice %arg33[%multiple_of3A, %dma_start3A_63] : memref<10240x64xbf16, #tpu.memory_space<vmem_shared>> -> memref<640x64xbf16, #tpu.memory_space<vmem_shared>>
      %dma_start3A_65 = arith.constant 0 : i32
      %dma_start3A_66 = tpu.memref_slice %arg5[%multiple_of3A, %dma_start3A_65] : memref<10240x64xbf16, #tpu.memory_space<hbm>> -> memref<640x64xbf16, #tpu.memory_space<hbm>>
      tpu.enqueue_dma source(%dma_start3A_66 : memref<640x64xbf16, #tpu.memory_space<hbm>>) target(%dma_start3A_64 : memref<640x64xbf16, #tpu.memory_space<vmem_shared>>) target_semaphore(%run_scoped3A : memref<!tpu.dma_semaphore, #tpu.memory_space<semaphore_mem>>)
      %dma_wait3A_67 = arith.constant 0 : i32
      %dma_wait3A_68 = tpu.memref_slice %arg33[%multiple_of3A, %dma_wait3A_67] : memref<10240x64xbf16, #tpu.memory_space<vmem_shared>> -> memref<640x64xbf16, #tpu.memory_space<vmem_shared>>
      %dma_wait3A_69 = arith.constant 0 : i32
      %dma_wait3A_70 = tpu.memref_slice %arg5[%multiple_of3A, %dma_wait3A_69] : memref<10240x64xbf16, #tpu.memory_space<hbm>> -> memref<640x64xbf16, #tpu.memory_space<hbm>>
      tpu.wait_dma2 semaphore(%run_scoped3A : memref<!tpu.dma_semaphore, #tpu.memory_space<semaphore_mem>>) src(%dma_wait3A_70 : memref<640x64xbf16, #tpu.memory_space<hbm>>) dst(%dma_wait3A_68 : memref<640x64xbf16, #tpu.memory_space<vmem_shared>>)
      tpu.yield
    }) : () -> ()
    %barrier3A = arith.constant 0 : index
    tpu.barrier barrier_id(%barrier3A)
    %dma_start3A = arith.constant 0 : i32
    %dma_start3A_3 = arith.constant 0 : i32
    %dma_start3A_4 = tpu.memref_slice %arg7[%dma_start3A, %dma_start3A_3] : memref<80x125xi32, #tpu.memory_space<vmem>> -> memref<1x125xi32, #tpu.memory_space<vmem>>
    %dma_start3A_5 = tpu.memref_squeeze %dma_start3A_4 : memref<1x125xi32, #tpu.memory_space<vmem>> -> memref<125xi32, #tpu.memory_space<vmem>>
    %dma_start3A_6 = arith.constant 0 : i32
    %dma_start3A_7 = arith.constant 0 : i32
    %dma_start3A_8 = tpu.memref_slice %arg2[%dma_start3A_6, %dma_start3A_7] : memref<10000x64xbf16, #tpu.memory_space<hbm>> -> memref<10000x64xbf16, #tpu.memory_space<hbm>>
    tpu.enqueue_indirect_dma source(%dma_start3A_8 : memref<10000x64xbf16, #tpu.memory_space<hbm>>) target(%arg9 : memref<125x64xbf16, #tpu.memory_space<vmem>>) offsets(%dma_start3A_5 : memref<125xi32, #tpu.memory_space<vmem>>) semaphore(%arg17 : memref<!tpu.dma_semaphore, #tpu.memory_space<semaphore_mem>>)
    %dma_start3A_9 = arith.constant 1 : i32
    %dma_start3A_10 = arith.constant 0 : i32
    %dma_start3A_11 = tpu.memref_slice %arg7[%dma_start3A_9, %dma_start3A_10] : memref<80x125xi32, #tpu.memory_space<vmem>> -> memref<1x125xi32, #tpu.memory_space<vmem>>
    %dma_start3A_12 = tpu.memref_squeeze %dma_start3A_11 : memref<1x125xi32, #tpu.memory_space<vmem>> -> memref<125xi32, #tpu.memory_space<vmem>>
    %dma_start3A_13 = arith.constant 0 : i32
    %dma_start3A_14 = arith.constant 0 : i32
    %dma_start3A_15 = tpu.memref_slice %arg2[%dma_start3A_13, %dma_start3A_14] : memref<10000x64xbf16, #tpu.memory_space<hbm>> -> memref<10000x64xbf16, #tpu.memory_space<hbm>>
    tpu.enqueue_indirect_dma source(%dma_start3A_15 : memref<10000x64xbf16, #tpu.memory_space<hbm>>) target(%arg10 : memref<125x64xbf16, #tpu.memory_space<vmem>>) offsets(%dma_start3A_12 : memref<125xi32, #tpu.memory_space<vmem>>) semaphore(%arg18 : memref<!tpu.dma_semaphore, #tpu.memory_space<semaphore_mem>>)
    %dma_start3A_16 = arith.constant 2 : i32
    %dma_start3A_17 = arith.constant 0 : i32
    %dma_start3A_18 = tpu.memref_slice %arg7[%dma_start3A_16, %dma_start3A_17] : memref<80x125xi32, #tpu.memory_space<vmem>> -> memref<1x125xi32, #tpu.memory_space<vmem>>
    %dma_start3A_19 = tpu.memref_squeeze %dma_start3A_18 : memref<1x125xi32, #tpu.memory_space<vmem>> -> memref<125xi32, #tpu.memory_space<vmem>>
    %dma_start3A_20 = arith.constant 0 : i32
    %dma_start3A_21 = arith.constant 0 : i32
    %dma_start3A_22 = tpu.memref_slice %arg2[%dma_start3A_20, %dma_start3A_21] : memref<10000x64xbf16, #tpu.memory_space<hbm>> -> memref<10000x64xbf16, #tpu.memory_space<hbm>>
    tpu.enqueue_indirect_dma source(%dma_start3A_22 : memref<10000x64xbf16, #tpu.memory_space<hbm>>) target(%arg11 : memref<125x64xbf16, #tpu.memory_space<vmem>>) offsets(%dma_start3A_19 : memref<125xi32, #tpu.memory_space<vmem>>) semaphore(%arg19 : memref<!tpu.dma_semaphore, #tpu.memory_space<semaphore_mem>>)
    %dma_start3A_23 = arith.constant 3 : i32
    %dma_start3A_24 = arith.constant 0 : i32
    %dma_start3A_25 = tpu.memref_slice %arg7[%dma_start3A_23, %dma_start3A_24] : memref<80x125xi32, #tpu.memory_space<vmem>> -> memref<1x125xi32, #tpu.memory_space<vmem>>
    %dma_start3A_26 = tpu.memref_squeeze %dma_start3A_25 : memref<1x125xi32, #tpu.memory_space<vmem>> -> memref<125xi32, #tpu.memory_space<vmem>>
    %dma_start3A_27 = arith.constant 0 : i32
    %dma_start3A_28 = arith.constant 0 : i32
    %dma_start3A_29 = tpu.memref_slice %arg2[%dma_start3A_27, %dma_start3A_28] : memref<10000x64xbf16, #tpu.memory_space<hbm>> -> memref<10000x64xbf16, #tpu.memory_space<hbm>>
    tpu.enqueue_indirect_dma source(%dma_start3A_29 : memref<10000x64xbf16, #tpu.memory_space<hbm>>) target(%arg12 : memref<125x64xbf16, #tpu.memory_space<vmem>>) offsets(%dma_start3A_26 : memref<125xi32, #tpu.memory_space<vmem>>) semaphore(%arg20 : memref<!tpu.dma_semaphore, #tpu.memory_space<semaphore_mem>>)
    %scan3A = arith.constant 0 : i32
    %scan3A_30 = arith.constant 0 : i32
    %scan3A_31 = arith.constant 10 : i32
    %scan3A_32 = arith.addi %scan3A_30, %scan3A_31 : i32
    %scan3A_33 = arith.constant 1 : i32
    scf.for %scan3A_63 = %scan3A_30 to %scan3A_32 step %scan3A_33  : i32 {
      %mul3A_64 = arith.constant 8 : i32
      %mul3A_65 = arith.muli %scan3A_63, %mul3A_64 : i32
      %add3A_66 = arith.constant 0 : i32
      %add3A_67 = arith.addi %mul3A_65, %add3A_66 : i32
      %dma_wait3A_68 = arith.constant 0 : i32
      %dma_wait3A_69 = tpu.memref_slice %arg7[%add3A_67, %dma_wait3A_68] : memref<80x125xi32, #tpu.memory_space<vmem>> -> memref<1x125xi32, #tpu.memory_space<vmem>>
      %dma_wait3A_70 = tpu.memref_squeeze %dma_wait3A_69 : memref<1x125xi32, #tpu.memory_space<vmem>> -> memref<125xi32, #tpu.memory_space<vmem>>
      %dma_wait3A_71 = arith.constant 0 : i32
      %dma_wait3A_72 = arith.constant 0 : i32
      %dma_wait3A_73 = tpu.memref_slice %arg2[%dma_wait3A_71, %dma_wait3A_72] : memref<10000x64xbf16, #tpu.memory_space<hbm>> -> memref<10000x64xbf16, #tpu.memory_space<hbm>>
      tpu.wait_indirect_dma semaphore(%arg17 : memref<!tpu.dma_semaphore, #tpu.memory_space<semaphore_mem>>) src(%dma_wait3A_73 : memref<10000x64xbf16, #tpu.memory_space<hbm>>) dst(%arg9 : memref<125x64xbf16, #tpu.memory_space<vmem>>)
      %dma_start3A_74 = arith.constant 0 : i32
      %dma_start3A_75 = tpu.memref_slice %arg8[%add3A_67, %dma_start3A_74] : memref<80x125xi32, #tpu.memory_space<vmem>> -> memref<1x125xi32, #tpu.memory_space<vmem>>
      %dma_start3A_76 = tpu.memref_squeeze %dma_start3A_75 : memref<1x125xi32, #tpu.memory_space<vmem>> -> memref<125xi32, #tpu.memory_space<vmem>>
      %dma_start3A_77 = arith.constant 0 : i32
      %dma_start3A_78 = arith.constant 0 : i32
      %dma_start3A_79 = tpu.memref_slice %arg33[%dma_start3A_77, %dma_start3A_78] : memref<10240x64xbf16, #tpu.memory_space<vmem_shared>> -> memref<10240x64xbf16, #tpu.memory_space<vmem_shared>>
      tpu.enqueue_indirect_dma source(%arg9 : memref<125x64xbf16, #tpu.memory_space<vmem>>) target(%dma_start3A_79 : memref<10240x64xbf16, #tpu.memory_space<vmem_shared>>) offsets(%dma_start3A_76 : memref<125xi32, #tpu.memory_space<vmem>>) semaphore(%arg25 : memref<!tpu.dma_semaphore, #tpu.memory_space<semaphore_mem>>) {add = true}
      %ge3A = arith.constant 4 : i32
      %ge3A_80 = arith.cmpi sge, %add3A_67, %ge3A : i32
      %convert_element_type3A = arith.extui %ge3A_80 : i1 to i32
      %cond3A = arith.constant 0 : i32
      %cond3A_81 = arith.cmpi ne, %convert_element_type3A, %cond3A : i32
      scf.if %cond3A_81 {
        %sub3A = arith.constant 4 : i32
        %sub3A_284 = arith.subi %add3A_67, %sub3A : i32
        %dma_wait3A_285 = arith.constant 0 : i32
        %dma_wait3A_286 = tpu.memref_slice %arg8[%sub3A_284, %dma_wait3A_285] : memref<80x125xi32, #tpu.memory_space<vmem>> -> memref<1x125xi32, #tpu.memory_space<vmem>>
        %dma_wait3A_287 = tpu.memref_squeeze %dma_wait3A_286 : memref<1x125xi32, #tpu.memory_space<vmem>> -> memref<125xi32, #tpu.memory_space<vmem>>
        %dma_wait3A_288 = arith.constant 0 : i32
        %dma_wait3A_289 = arith.constant 0 : i32
        %dma_wait3A_290 = tpu.memref_slice %arg33[%dma_wait3A_288, %dma_wait3A_289] : memref<10240x64xbf16, #tpu.memory_space<vmem_shared>> -> memref<10240x64xbf16, #tpu.memory_space<vmem_shared>>
        tpu.wait_indirect_dma semaphore(%arg29 : memref<!tpu.dma_semaphore, #tpu.memory_space<semaphore_mem>>) src(%arg13 : memref<125x64xbf16, #tpu.memory_space<vmem>>) dst(%dma_wait3A_290 : memref<10240x64xbf16, #tpu.memory_space<vmem_shared>>)
      } else {
      }
      %add3A_82 = arith.constant 4 : i32
      %add3A_83 = arith.addi %add3A_67, %add3A_82 : i32
      %lt3A = arith.constant 80 : i32
      %lt3A_84 = arith.cmpi slt, %add3A_83, %lt3A : i32
      %convert_element_type3A_85 = arith.extui %lt3A_84 : i1 to i32
      %cond3A_86 = arith.constant 0 : i32
      %cond3A_87 = arith.cmpi ne, %convert_element_type3A_85, %cond3A_86 : i32
      scf.if %cond3A_87 {
        %add3A_284 = arith.constant 4 : i32
        %add3A_285 = arith.addi %add3A_67, %add3A_284 : i32
        %dma_start3A_286 = arith.constant 0 : i32
        %dma_start3A_287 = tpu.memref_slice %arg7[%add3A_285, %dma_start3A_286] : memref<80x125xi32, #tpu.memory_space<vmem>> -> memref<1x125xi32, #tpu.memory_space<vmem>>
        %dma_start3A_288 = tpu.memref_squeeze %dma_start3A_287 : memref<1x125xi32, #tpu.memory_space<vmem>> -> memref<125xi32, #tpu.memory_space<vmem>>
        %dma_start3A_289 = arith.constant 0 : i32
        %dma_start3A_290 = arith.constant 0 : i32
        %dma_start3A_291 = tpu.memref_slice %arg2[%dma_start3A_289, %dma_start3A_290] : memref<10000x64xbf16, #tpu.memory_space<hbm>> -> memref<10000x64xbf16, #tpu.memory_space<hbm>>
        tpu.enqueue_indirect_dma source(%dma_start3A_291 : memref<10000x64xbf16, #tpu.memory_space<hbm>>) target(%arg13 : memref<125x64xbf16, #tpu.memory_space<vmem>>) offsets(%dma_start3A_288 : memref<125xi32, #tpu.memory_space<vmem>>) semaphore(%arg21 : memref<!tpu.dma_semaphore, #tpu.memory_space<semaphore_mem>>)
      } else {
      }
      %mul3A_88 = arith.constant 8 : i32
      %mul3A_89 = arith.muli %scan3A_63, %mul3A_88 : i32
      %add3A_90 = arith.constant 1 : i32
      %add3A_91 = arith.addi %mul3A_89, %add3A_90 : i32
      %dma_wait3A_92 = arith.constant 0 : i32
      %dma_wait3A_93 = tpu.memref_slice %arg7[%add3A_91, %dma_wait3A_92] : memref<80x125xi32, #tpu.memory_space<vmem>> -> memref<1x125xi32, #tpu.memory_space<vmem>>
      %dma_wait3A_94 = tpu.memref_squeeze %dma_wait3A_93 : memref<1x125xi32, #tpu.memory_space<vmem>> -> memref<125xi32, #tpu.memory_space<vmem>>
      %dma_wait3A_95 = arith.constant 0 : i32
      %dma_wait3A_96 = arith.constant 0 : i32
      %dma_wait3A_97 = tpu.memref_slice %arg2[%dma_wait3A_95, %dma_wait3A_96] : memref<10000x64xbf16, #tpu.memory_space<hbm>> -> memref<10000x64xbf16, #tpu.memory_space<hbm>>
      tpu.wait_indirect_dma semaphore(%arg18 : memref<!tpu.dma_semaphore, #tpu.memory_space<semaphore_mem>>) src(%dma_wait3A_97 : memref<10000x64xbf16, #tpu.memory_space<hbm>>) dst(%arg10 : memref<125x64xbf16, #tpu.memory_space<vmem>>)
      %dma_start3A_98 = arith.constant 0 : i32
      %dma_start3A_99 = tpu.memref_slice %arg8[%add3A_91, %dma_start3A_98] : memref<80x125xi32, #tpu.memory_space<vmem>> -> memref<1x125xi32, #tpu.memory_space<vmem>>
      %dma_start3A_100 = tpu.memref_squeeze %dma_start3A_99 : memref<1x125xi32, #tpu.memory_space<vmem>> -> memref<125xi32, #tpu.memory_space<vmem>>
      %dma_start3A_101 = arith.constant 0 : i32
      %dma_start3A_102 = arith.constant 0 : i32
      %dma_start3A_103 = tpu.memref_slice %arg33[%dma_start3A_101, %dma_start3A_102] : memref<10240x64xbf16, #tpu.memory_space<vmem_shared>> -> memref<10240x64xbf16, #tpu.memory_space<vmem_shared>>
      tpu.enqueue_indirect_dma source(%arg10 : memref<125x64xbf16, #tpu.memory_space<vmem>>) target(%dma_start3A_103 : memref<10240x64xbf16, #tpu.memory_space<vmem_shared>>) offsets(%dma_start3A_100 : memref<125xi32, #tpu.memory_space<vmem>>) semaphore(%arg26 : memref<!tpu.dma_semaphore, #tpu.memory_space<semaphore_mem>>) {add = true}
      %ge3A_104 = arith.constant 4 : i32
      %ge3A_105 = arith.cmpi sge, %add3A_91, %ge3A_104 : i32
      %convert_element_type3A_106 = arith.extui %ge3A_105 : i1 to i32
      %cond3A_107 = arith.constant 0 : i32
      %cond3A_108 = arith.cmpi ne, %convert_element_type3A_106, %cond3A_107 : i32
      scf.if %cond3A_108 {
        %sub3A = arith.constant 4 : i32
        %sub3A_284 = arith.subi %add3A_91, %sub3A : i32
        %dma_wait3A_285 = arith.constant 0 : i32
        %dma_wait3A_286 = tpu.memref_slice %arg8[%sub3A_284, %dma_wait3A_285] : memref<80x125xi32, #tpu.memory_space<vmem>> -> memref<1x125xi32, #tpu.memory_space<vmem>>
        %dma_wait3A_287 = tpu.memref_squeeze %dma_wait3A_286 : memref<1x125xi32, #tpu.memory_space<vmem>> -> memref<125xi32, #tpu.memory_space<vmem>>
        %dma_wait3A_288 = arith.constant 0 : i32
        %dma_wait3A_289 = arith.constant 0 : i32
        %dma_wait3A_290 = tpu.memref_slice %arg33[%dma_wait3A_288, %dma_wait3A_289] : memref<10240x64xbf16, #tpu.memory_space<vmem_shared>> -> memref<10240x64xbf16, #tpu.memory_space<vmem_shared>>
        tpu.wait_indirect_dma semaphore(%arg30 : memref<!tpu.dma_semaphore, #tpu.memory_space<semaphore_mem>>) src(%arg14 : memref<125x64xbf16, #tpu.memory_space<vmem>>) dst(%dma_wait3A_290 : memref<10240x64xbf16, #tpu.memory_space<vmem_shared>>)
      } else {
      }
      %add3A_109 = arith.constant 4 : i32
      %add3A_110 = arith.addi %add3A_91, %add3A_109 : i32
      %lt3A_111 = arith.constant 80 : i32
      %lt3A_112 = arith.cmpi slt, %add3A_110, %lt3A_111 : i32
      %convert_element_type3A_113 = arith.extui %lt3A_112 : i1 to i32
      %cond3A_114 = arith.constant 0 : i32
      %cond3A_115 = arith.cmpi ne, %convert_element_type3A_113, %cond3A_114 : i32
      scf.if %cond3A_115 {
        %add3A_284 = arith.constant 4 : i32
        %add3A_285 = arith.addi %add3A_91, %add3A_284 : i32
        %dma_start3A_286 = arith.constant 0 : i32
        %dma_start3A_287 = tpu.memref_slice %arg7[%add3A_285, %dma_start3A_286] : memref<80x125xi32, #tpu.memory_space<vmem>> -> memref<1x125xi32, #tpu.memory_space<vmem>>
        %dma_start3A_288 = tpu.memref_squeeze %dma_start3A_287 : memref<1x125xi32, #tpu.memory_space<vmem>> -> memref<125xi32, #tpu.memory_space<vmem>>
        %dma_start3A_289 = arith.constant 0 : i32
        %dma_start3A_290 = arith.constant 0 : i32
        %dma_start3A_291 = tpu.memref_slice %arg2[%dma_start3A_289, %dma_start3A_290] : memref<10000x64xbf16, #tpu.memory_space<hbm>> -> memref<10000x64xbf16, #tpu.memory_space<hbm>>
        tpu.enqueue_indirect_dma source(%dma_start3A_291 : memref<10000x64xbf16, #tpu.memory_space<hbm>>) target(%arg14 : memref<125x64xbf16, #tpu.memory_space<vmem>>) offsets(%dma_start3A_288 : memref<125xi32, #tpu.memory_space<vmem>>) semaphore(%arg22 : memref<!tpu.dma_semaphore, #tpu.memory_space<semaphore_mem>>)
      } else {
      }
      %mul3A_116 = arith.constant 8 : i32
      %mul3A_117 = arith.muli %scan3A_63, %mul3A_116 : i32
      %add3A_118 = arith.constant 2 : i32
      %add3A_119 = arith.addi %mul3A_117, %add3A_118 : i32
      %dma_wait3A_120 = arith.constant 0 : i32
      %dma_wait3A_121 = tpu.memref_slice %arg7[%add3A_119, %dma_wait3A_120] : memref<80x125xi32, #tpu.memory_space<vmem>> -> memref<1x125xi32, #tpu.memory_space<vmem>>
      %dma_wait3A_122 = tpu.memref_squeeze %dma_wait3A_121 : memref<1x125xi32, #tpu.memory_space<vmem>> -> memref<125xi32, #tpu.memory_space<vmem>>
      %dma_wait3A_123 = arith.constant 0 : i32
      %dma_wait3A_124 = arith.constant 0 : i32
      %dma_wait3A_125 = tpu.memref_slice %arg2[%dma_wait3A_123, %dma_wait3A_124] : memref<10000x64xbf16, #tpu.memory_space<hbm>> -> memref<10000x64xbf16, #tpu.memory_space<hbm>>
      tpu.wait_indirect_dma semaphore(%arg19 : memref<!tpu.dma_semaphore, #tpu.memory_space<semaphore_mem>>) src(%dma_wait3A_125 : memref<10000x64xbf16, #tpu.memory_space<hbm>>) dst(%arg11 : memref<125x64xbf16, #tpu.memory_space<vmem>>)
      %dma_start3A_126 = arith.constant 0 : i32
      %dma_start3A_127 = tpu.memref_slice %arg8[%add3A_119, %dma_start3A_126] : memref<80x125xi32, #tpu.memory_space<vmem>> -> memref<1x125xi32, #tpu.memory_space<vmem>>
      %dma_start3A_128 = tpu.memref_squeeze %dma_start3A_127 : memref<1x125xi32, #tpu.memory_space<vmem>> -> memref<125xi32, #tpu.memory_space<vmem>>
      %dma_start3A_129 = arith.constant 0 : i32
      %dma_start3A_130 = arith.constant 0 : i32
      %dma_start3A_131 = tpu.memref_slice %arg33[%dma_start3A_129, %dma_start3A_130] : memref<10240x64xbf16, #tpu.memory_space<vmem_shared>> -> memref<10240x64xbf16, #tpu.memory_space<vmem_shared>>
      tpu.enqueue_indirect_dma source(%arg11 : memref<125x64xbf16, #tpu.memory_space<vmem>>) target(%dma_start3A_131 : memref<10240x64xbf16, #tpu.memory_space<vmem_shared>>) offsets(%dma_start3A_128 : memref<125xi32, #tpu.memory_space<vmem>>) semaphore(%arg27 : memref<!tpu.dma_semaphore, #tpu.memory_space<semaphore_mem>>) {add = true}
      %ge3A_132 = arith.constant 4 : i32
      %ge3A_133 = arith.cmpi sge, %add3A_119, %ge3A_132 : i32
      %convert_element_type3A_134 = arith.extui %ge3A_133 : i1 to i32
      %cond3A_135 = arith.constant 0 : i32
      %cond3A_136 = arith.cmpi ne, %convert_element_type3A_134, %cond3A_135 : i32
      scf.if %cond3A_136 {
        %sub3A = arith.constant 4 : i32
        %sub3A_284 = arith.subi %add3A_119, %sub3A : i32
        %dma_wait3A_285 = arith.constant 0 : i32
        %dma_wait3A_286 = tpu.memref_slice %arg8[%sub3A_284, %dma_wait3A_285] : memref<80x125xi32, #tpu.memory_space<vmem>> -> memref<1x125xi32, #tpu.memory_space<vmem>>
        %dma_wait3A_287 = tpu.memref_squeeze %dma_wait3A_286 : memref<1x125xi32, #tpu.memory_space<vmem>> -> memref<125xi32, #tpu.memory_space<vmem>>
        %dma_wait3A_288 = arith.constant 0 : i32
        %dma_wait3A_289 = arith.constant 0 : i32
        %dma_wait3A_290 = tpu.memref_slice %arg33[%dma_wait3A_288, %dma_wait3A_289] : memref<10240x64xbf16, #tpu.memory_space<vmem_shared>> -> memref<10240x64xbf16, #tpu.memory_space<vmem_shared>>
        tpu.wait_indirect_dma semaphore(%arg31 : memref<!tpu.dma_semaphore, #tpu.memory_space<semaphore_mem>>) src(%arg15 : memref<125x64xbf16, #tpu.memory_space<vmem>>) dst(%dma_wait3A_290 : memref<10240x64xbf16, #tpu.memory_space<vmem_shared>>)
      } else {
      }
      %add3A_137 = arith.constant 4 : i32
      %add3A_138 = arith.addi %add3A_119, %add3A_137 : i32
      %lt3A_139 = arith.constant 80 : i32
      %lt3A_140 = arith.cmpi slt, %add3A_138, %lt3A_139 : i32
      %convert_element_type3A_141 = arith.extui %lt3A_140 : i1 to i32
      %cond3A_142 = arith.constant 0 : i32
      %cond3A_143 = arith.cmpi ne, %convert_element_type3A_141, %cond3A_142 : i32
      scf.if %cond3A_143 {
        %add3A_284 = arith.constant 4 : i32
        %add3A_285 = arith.addi %add3A_119, %add3A_284 : i32
        %dma_start3A_286 = arith.constant 0 : i32
        %dma_start3A_287 = tpu.memref_slice %arg7[%add3A_285, %dma_start3A_286] : memref<80x125xi32, #tpu.memory_space<vmem>> -> memref<1x125xi32, #tpu.memory_space<vmem>>
        %dma_start3A_288 = tpu.memref_squeeze %dma_start3A_287 : memref<1x125xi32, #tpu.memory_space<vmem>> -> memref<125xi32, #tpu.memory_space<vmem>>
        %dma_start3A_289 = arith.constant 0 : i32
        %dma_start3A_290 = arith.constant 0 : i32
        %dma_start3A_291 = tpu.memref_slice %arg2[%dma_start3A_289, %dma_start3A_290] : memref<10000x64xbf16, #tpu.memory_space<hbm>> -> memref<10000x64xbf16, #tpu.memory_space<hbm>>
        tpu.enqueue_indirect_dma source(%dma_start3A_291 : memref<10000x64xbf16, #tpu.memory_space<hbm>>) target(%arg15 : memref<125x64xbf16, #tpu.memory_space<vmem>>) offsets(%dma_start3A_288 : memref<125xi32, #tpu.memory_space<vmem>>) semaphore(%arg23 : memref<!tpu.dma_semaphore, #tpu.memory_space<semaphore_mem>>)
      } else {
      }
      %mul3A_144 = arith.constant 8 : i32
      %mul3A_145 = arith.muli %scan3A_63, %mul3A_144 : i32
      %add3A_146 = arith.constant 3 : i32
      %add3A_147 = arith.addi %mul3A_145, %add3A_146 : i32
      %dma_wait3A_148 = arith.constant 0 : i32
      %dma_wait3A_149 = tpu.memref_slice %arg7[%add3A_147, %dma_wait3A_148] : memref<80x125xi32, #tpu.memory_space<vmem>> -> memref<1x125xi32, #tpu.memory_space<vmem>>
      %dma_wait3A_150 = tpu.memref_squeeze %dma_wait3A_149 : memref<1x125xi32, #tpu.memory_space<vmem>> -> memref<125xi32, #tpu.memory_space<vmem>>
      %dma_wait3A_151 = arith.constant 0 : i32
      %dma_wait3A_152 = arith.constant 0 : i32
      %dma_wait3A_153 = tpu.memref_slice %arg2[%dma_wait3A_151, %dma_wait3A_152] : memref<10000x64xbf16, #tpu.memory_space<hbm>> -> memref<10000x64xbf16, #tpu.memory_space<hbm>>
      tpu.wait_indirect_dma semaphore(%arg20 : memref<!tpu.dma_semaphore, #tpu.memory_space<semaphore_mem>>) src(%dma_wait3A_153 : memref<10000x64xbf16, #tpu.memory_space<hbm>>) dst(%arg12 : memref<125x64xbf16, #tpu.memory_space<vmem>>)
      %dma_start3A_154 = arith.constant 0 : i32
      %dma_start3A_155 = tpu.memref_slice %arg8[%add3A_147, %dma_start3A_154] : memref<80x125xi32, #tpu.memory_space<vmem>> -> memref<1x125xi32, #tpu.memory_space<vmem>>
      %dma_start3A_156 = tpu.memref_squeeze %dma_start3A_155 : memref<1x125xi32, #tpu.memory_space<vmem>> -> memref<125xi32, #tpu.memory_space<vmem>>
      %dma_start3A_157 = arith.constant 0 : i32
      %dma_start3A_158 = arith.constant 0 : i32
      %dma_start3A_159 = tpu.memref_slice %arg33[%dma_start3A_157, %dma_start3A_158] : memref<10240x64xbf16, #tpu.memory_space<vmem_shared>> -> memref<10240x64xbf16, #tpu.memory_space<vmem_shared>>
      tpu.enqueue_indirect_dma source(%arg12 : memref<125x64xbf16, #tpu.memory_space<vmem>>) target(%dma_start3A_159 : memref<10240x64xbf16, #tpu.memory_space<vmem_shared>>) offsets(%dma_start3A_156 : memref<125xi32, #tpu.memory_space<vmem>>) semaphore(%arg28 : memref<!tpu.dma_semaphore, #tpu.memory_space<semaphore_mem>>) {add = true}
      %ge3A_160 = arith.constant 4 : i32
      %ge3A_161 = arith.cmpi sge, %add3A_147, %ge3A_160 : i32
      %convert_element_type3A_162 = arith.extui %ge3A_161 : i1 to i32
      %cond3A_163 = arith.constant 0 : i32
      %cond3A_164 = arith.cmpi ne, %convert_element_type3A_162, %cond3A_163 : i32
      scf.if %cond3A_164 {
        %sub3A = arith.constant 4 : i32
        %sub3A_284 = arith.subi %add3A_147, %sub3A : i32
        %dma_wait3A_285 = arith.constant 0 : i32
        %dma_wait3A_286 = tpu.memref_slice %arg8[%sub3A_284, %dma_wait3A_285] : memref<80x125xi32, #tpu.memory_space<vmem>> -> memref<1x125xi32, #tpu.memory_space<vmem>>
        %dma_wait3A_287 = tpu.memref_squeeze %dma_wait3A_286 : memref<1x125xi32, #tpu.memory_space<vmem>> -> memref<125xi32, #tpu.memory_space<vmem>>
        %dma_wait3A_288 = arith.constant 0 : i32
        %dma_wait3A_289 = arith.constant 0 : i32
        %dma_wait3A_290 = tpu.memref_slice %arg33[%dma_wait3A_288, %dma_wait3A_289] : memref<10240x64xbf16, #tpu.memory_space<vmem_shared>> -> memref<10240x64xbf16, #tpu.memory_space<vmem_shared>>
        tpu.wait_indirect_dma semaphore(%arg32 : memref<!tpu.dma_semaphore, #tpu.memory_space<semaphore_mem>>) src(%arg16 : memref<125x64xbf16, #tpu.memory_space<vmem>>) dst(%dma_wait3A_290 : memref<10240x64xbf16, #tpu.memory_space<vmem_shared>>)
      } else {
      }
      %add3A_165 = arith.constant 4 : i32
      %add3A_166 = arith.addi %add3A_147, %add3A_165 : i32
      %lt3A_167 = arith.constant 80 : i32
      %lt3A_168 = arith.cmpi slt, %add3A_166, %lt3A_167 : i32
      %convert_element_type3A_169 = arith.extui %lt3A_168 : i1 to i32
      %cond3A_170 = arith.constant 0 : i32
      %cond3A_171 = arith.cmpi ne, %convert_element_type3A_169, %cond3A_170 : i32
      scf.if %cond3A_171 {
        %add3A_284 = arith.constant 4 : i32
        %add3A_285 = arith.addi %add3A_147, %add3A_284 : i32
        %dma_start3A_286 = arith.constant 0 : i32
        %dma_start3A_287 = tpu.memref_slice %arg7[%add3A_285, %dma_start3A_286] : memref<80x125xi32, #tpu.memory_space<vmem>> -> memref<1x125xi32, #tpu.memory_space<vmem>>
        %dma_start3A_288 = tpu.memref_squeeze %dma_start3A_287 : memref<1x125xi32, #tpu.memory_space<vmem>> -> memref<125xi32, #tpu.memory_space<vmem>>
        %dma_start3A_289 = arith.constant 0 : i32
        %dma_start3A_290 = arith.constant 0 : i32
        %dma_start3A_291 = tpu.memref_slice %arg2[%dma_start3A_289, %dma_start3A_290] : memref<10000x64xbf16, #tpu.memory_space<hbm>> -> memref<10000x64xbf16, #tpu.memory_space<hbm>>
        tpu.enqueue_indirect_dma source(%dma_start3A_291 : memref<10000x64xbf16, #tpu.memory_space<hbm>>) target(%arg16 : memref<125x64xbf16, #tpu.memory_space<vmem>>) offsets(%dma_start3A_288 : memref<125xi32, #tpu.memory_space<vmem>>) semaphore(%arg24 : memref<!tpu.dma_semaphore, #tpu.memory_space<semaphore_mem>>)
      } else {
      }
      %mul3A_172 = arith.constant 8 : i32
      %mul3A_173 = arith.muli %scan3A_63, %mul3A_172 : i32
      %add3A_174 = arith.constant 4 : i32
      %add3A_175 = arith.addi %mul3A_173, %add3A_174 : i32
      %dma_wait3A_176 = arith.constant 0 : i32
      %dma_wait3A_177 = tpu.memref_slice %arg7[%add3A_175, %dma_wait3A_176] : memref<80x125xi32, #tpu.memory_space<vmem>> -> memref<1x125xi32, #tpu.memory_space<vmem>>
      %dma_wait3A_178 = tpu.memref_squeeze %dma_wait3A_177 : memref<1x125xi32, #tpu.memory_space<vmem>> -> memref<125xi32, #tpu.memory_space<vmem>>
      %dma_wait3A_179 = arith.constant 0 : i32
      %dma_wait3A_180 = arith.constant 0 : i32
      %dma_wait3A_181 = tpu.memref_slice %arg2[%dma_wait3A_179, %dma_wait3A_180] : memref<10000x64xbf16, #tpu.memory_space<hbm>> -> memref<10000x64xbf16, #tpu.memory_space<hbm>>
      tpu.wait_indirect_dma semaphore(%arg21 : memref<!tpu.dma_semaphore, #tpu.memory_space<semaphore_mem>>) src(%dma_wait3A_181 : memref<10000x64xbf16, #tpu.memory_space<hbm>>) dst(%arg13 : memref<125x64xbf16, #tpu.memory_space<vmem>>)
      %dma_start3A_182 = arith.constant 0 : i32
      %dma_start3A_183 = tpu.memref_slice %arg8[%add3A_175, %dma_start3A_182] : memref<80x125xi32, #tpu.memory_space<vmem>> -> memref<1x125xi32, #tpu.memory_space<vmem>>
      %dma_start3A_184 = tpu.memref_squeeze %dma_start3A_183 : memref<1x125xi32, #tpu.memory_space<vmem>> -> memref<125xi32, #tpu.memory_space<vmem>>
      %dma_start3A_185 = arith.constant 0 : i32
      %dma_start3A_186 = arith.constant 0 : i32
      %dma_start3A_187 = tpu.memref_slice %arg33[%dma_start3A_185, %dma_start3A_186] : memref<10240x64xbf16, #tpu.memory_space<vmem_shared>> -> memref<10240x64xbf16, #tpu.memory_space<vmem_shared>>
      tpu.enqueue_indirect_dma source(%arg13 : memref<125x64xbf16, #tpu.memory_space<vmem>>) target(%dma_start3A_187 : memref<10240x64xbf16, #tpu.memory_space<vmem_shared>>) offsets(%dma_start3A_184 : memref<125xi32, #tpu.memory_space<vmem>>) semaphore(%arg29 : memref<!tpu.dma_semaphore, #tpu.memory_space<semaphore_mem>>) {add = true}
      %ge3A_188 = arith.constant 4 : i32
      %ge3A_189 = arith.cmpi sge, %add3A_175, %ge3A_188 : i32
      %convert_element_type3A_190 = arith.extui %ge3A_189 : i1 to i32
      %cond3A_191 = arith.constant 0 : i32
      %cond3A_192 = arith.cmpi ne, %convert_element_type3A_190, %cond3A_191 : i32
      scf.if %cond3A_192 {
        %sub3A = arith.constant 4 : i32
        %sub3A_284 = arith.subi %add3A_175, %sub3A : i32
        %dma_wait3A_285 = arith.constant 0 : i32
        %dma_wait3A_286 = tpu.memref_slice %arg8[%sub3A_284, %dma_wait3A_285] : memref<80x125xi32, #tpu.memory_space<vmem>> -> memref<1x125xi32, #tpu.memory_space<vmem>>
        %dma_wait3A_287 = tpu.memref_squeeze %dma_wait3A_286 : memref<1x125xi32, #tpu.memory_space<vmem>> -> memref<125xi32, #tpu.memory_space<vmem>>
        %dma_wait3A_288 = arith.constant 0 : i32
        %dma_wait3A_289 = arith.constant 0 : i32
        %dma_wait3A_290 = tpu.memref_slice %arg33[%dma_wait3A_288, %dma_wait3A_289] : memref<10240x64xbf16, #tpu.memory_space<vmem_shared>> -> memref<10240x64xbf16, #tpu.memory_space<vmem_shared>>
        tpu.wait_indirect_dma semaphore(%arg25 : memref<!tpu.dma_semaphore, #tpu.memory_space<semaphore_mem>>) src(%arg9 : memref<125x64xbf16, #tpu.memory_space<vmem>>) dst(%dma_wait3A_290 : memref<10240x64xbf16, #tpu.memory_space<vmem_shared>>)
      } else {
      }
      %add3A_193 = arith.constant 4 : i32
      %add3A_194 = arith.addi %add3A_175, %add3A_193 : i32
      %lt3A_195 = arith.constant 80 : i32
      %lt3A_196 = arith.cmpi slt, %add3A_194, %lt3A_195 : i32
      %convert_element_type3A_197 = arith.extui %lt3A_196 : i1 to i32
      %cond3A_198 = arith.constant 0 : i32
      %cond3A_199 = arith.cmpi ne, %convert_element_type3A_197, %cond3A_198 : i32
      scf.if %cond3A_199 {
        %add3A_284 = arith.constant 4 : i32
        %add3A_285 = arith.addi %add3A_175, %add3A_284 : i32
        %dma_start3A_286 = arith.constant 0 : i32
        %dma_start3A_287 = tpu.memref_slice %arg7[%add3A_285, %dma_start3A_286] : memref<80x125xi32, #tpu.memory_space<vmem>> -> memref<1x125xi32, #tpu.memory_space<vmem>>
        %dma_start3A_288 = tpu.memref_squeeze %dma_start3A_287 : memref<1x125xi32, #tpu.memory_space<vmem>> -> memref<125xi32, #tpu.memory_space<vmem>>
        %dma_start3A_289 = arith.constant 0 : i32
        %dma_start3A_290 = arith.constant 0 : i32
        %dma_start3A_291 = tpu.memref_slice %arg2[%dma_start3A_289, %dma_start3A_290] : memref<10000x64xbf16, #tpu.memory_space<hbm>> -> memref<10000x64xbf16, #tpu.memory_space<hbm>>
        tpu.enqueue_indirect_dma source(%dma_start3A_291 : memref<10000x64xbf16, #tpu.memory_space<hbm>>) target(%arg9 : memref<125x64xbf16, #tpu.memory_space<vmem>>) offsets(%dma_start3A_288 : memref<125xi32, #tpu.memory_space<vmem>>) semaphore(%arg17 : memref<!tpu.dma_semaphore, #tpu.memory_space<semaphore_mem>>)
      } else {
      }
      %mul3A_200 = arith.constant 8 : i32
      %mul3A_201 = arith.muli %scan3A_63, %mul3A_200 : i32
      %add3A_202 = arith.constant 5 : i32
      %add3A_203 = arith.addi %mul3A_201, %add3A_202 : i32
      %dma_wait3A_204 = arith.constant 0 : i32
      %dma_wait3A_205 = tpu.memref_slice %arg7[%add3A_203, %dma_wait3A_204] : memref<80x125xi32, #tpu.memory_space<vmem>> -> memref<1x125xi32, #tpu.memory_space<vmem>>
      %dma_wait3A_206 = tpu.memref_squeeze %dma_wait3A_205 : memref<1x125xi32, #tpu.memory_space<vmem>> -> memref<125xi32, #tpu.memory_space<vmem>>
      %dma_wait3A_207 = arith.constant 0 : i32
      %dma_wait3A_208 = arith.constant 0 : i32
      %dma_wait3A_209 = tpu.memref_slice %arg2[%dma_wait3A_207, %dma_wait3A_208] : memref<10000x64xbf16, #tpu.memory_space<hbm>> -> memref<10000x64xbf16, #tpu.memory_space<hbm>>
      tpu.wait_indirect_dma semaphore(%arg22 : memref<!tpu.dma_semaphore, #tpu.memory_space<semaphore_mem>>) src(%dma_wait3A_209 : memref<10000x64xbf16, #tpu.memory_space<hbm>>) dst(%arg14 : memref<125x64xbf16, #tpu.memory_space<vmem>>)
      %dma_start3A_210 = arith.constant 0 : i32
      %dma_start3A_211 = tpu.memref_slice %arg8[%add3A_203, %dma_start3A_210] : memref<80x125xi32, #tpu.memory_space<vmem>> -> memref<1x125xi32, #tpu.memory_space<vmem>>
      %dma_start3A_212 = tpu.memref_squeeze %dma_start3A_211 : memref<1x125xi32, #tpu.memory_space<vmem>> -> memref<125xi32, #tpu.memory_space<vmem>>
      %dma_start3A_213 = arith.constant 0 : i32
      %dma_start3A_214 = arith.constant 0 : i32
      %dma_start3A_215 = tpu.memref_slice %arg33[%dma_start3A_213, %dma_start3A_214] : memref<10240x64xbf16, #tpu.memory_space<vmem_shared>> -> memref<10240x64xbf16, #tpu.memory_space<vmem_shared>>
      tpu.enqueue_indirect_dma source(%arg14 : memref<125x64xbf16, #tpu.memory_space<vmem>>) target(%dma_start3A_215 : memref<10240x64xbf16, #tpu.memory_space<vmem_shared>>) offsets(%dma_start3A_212 : memref<125xi32, #tpu.memory_space<vmem>>) semaphore(%arg30 : memref<!tpu.dma_semaphore, #tpu.memory_space<semaphore_mem>>) {add = true}
      %ge3A_216 = arith.constant 4 : i32
      %ge3A_217 = arith.cmpi sge, %add3A_203, %ge3A_216 : i32
      %convert_element_type3A_218 = arith.extui %ge3A_217 : i1 to i32
      %cond3A_219 = arith.constant 0 : i32
      %cond3A_220 = arith.cmpi ne, %convert_element_type3A_218, %cond3A_219 : i32
      scf.if %cond3A_220 {
        %sub3A = arith.constant 4 : i32
        %sub3A_284 = arith.subi %add3A_203, %sub3A : i32
        %dma_wait3A_285 = arith.constant 0 : i32
        %dma_wait3A_286 = tpu.memref_slice %arg8[%sub3A_284, %dma_wait3A_285] : memref<80x125xi32, #tpu.memory_space<vmem>> -> memref<1x125xi32, #tpu.memory_space<vmem>>
        %dma_wait3A_287 = tpu.memref_squeeze %dma_wait3A_286 : memref<1x125xi32, #tpu.memory_space<vmem>> -> memref<125xi32, #tpu.memory_space<vmem>>
        %dma_wait3A_288 = arith.constant 0 : i32
        %dma_wait3A_289 = arith.constant 0 : i32
        %dma_wait3A_290 = tpu.memref_slice %arg33[%dma_wait3A_288, %dma_wait3A_289] : memref<10240x64xbf16, #tpu.memory_space<vmem_shared>> -> memref<10240x64xbf16, #tpu.memory_space<vmem_shared>>
        tpu.wait_indirect_dma semaphore(%arg26 : memref<!tpu.dma_semaphore, #tpu.memory_space<semaphore_mem>>) src(%arg10 : memref<125x64xbf16, #tpu.memory_space<vmem>>) dst(%dma_wait3A_290 : memref<10240x64xbf16, #tpu.memory_space<vmem_shared>>)
      } else {
      }
      %add3A_221 = arith.constant 4 : i32
      %add3A_222 = arith.addi %add3A_203, %add3A_221 : i32
      %lt3A_223 = arith.constant 80 : i32
      %lt3A_224 = arith.cmpi slt, %add3A_222, %lt3A_223 : i32
      %convert_element_type3A_225 = arith.extui %lt3A_224 : i1 to i32
      %cond3A_226 = arith.constant 0 : i32
      %cond3A_227 = arith.cmpi ne, %convert_element_type3A_225, %cond3A_226 : i32
      scf.if %cond3A_227 {
        %add3A_284 = arith.constant 4 : i32
        %add3A_285 = arith.addi %add3A_203, %add3A_284 : i32
        %dma_start3A_286 = arith.constant 0 : i32
        %dma_start3A_287 = tpu.memref_slice %arg7[%add3A_285, %dma_start3A_286] : memref<80x125xi32, #tpu.memory_space<vmem>> -> memref<1x125xi32, #tpu.memory_space<vmem>>
        %dma_start3A_288 = tpu.memref_squeeze %dma_start3A_287 : memref<1x125xi32, #tpu.memory_space<vmem>> -> memref<125xi32, #tpu.memory_space<vmem>>
        %dma_start3A_289 = arith.constant 0 : i32
        %dma_start3A_290 = arith.constant 0 : i32
        %dma_start3A_291 = tpu.memref_slice %arg2[%dma_start3A_289, %dma_start3A_290] : memref<10000x64xbf16, #tpu.memory_space<hbm>> -> memref<10000x64xbf16, #tpu.memory_space<hbm>>
        tpu.enqueue_indirect_dma source(%dma_start3A_291 : memref<10000x64xbf16, #tpu.memory_space<hbm>>) target(%arg10 : memref<125x64xbf16, #tpu.memory_space<vmem>>) offsets(%dma_start3A_288 : memref<125xi32, #tpu.memory_space<vmem>>) semaphore(%arg18 : memref<!tpu.dma_semaphore, #tpu.memory_space<semaphore_mem>>)
      } else {
      }
      %mul3A_228 = arith.constant 8 : i32
      %mul3A_229 = arith.muli %scan3A_63, %mul3A_228 : i32
      %add3A_230 = arith.constant 6 : i32
      %add3A_231 = arith.addi %mul3A_229, %add3A_230 : i32
      %dma_wait3A_232 = arith.constant 0 : i32
      %dma_wait3A_233 = tpu.memref_slice %arg7[%add3A_231, %dma_wait3A_232] : memref<80x125xi32, #tpu.memory_space<vmem>> -> memref<1x125xi32, #tpu.memory_space<vmem>>
      %dma_wait3A_234 = tpu.memref_squeeze %dma_wait3A_233 : memref<1x125xi32, #tpu.memory_space<vmem>> -> memref<125xi32, #tpu.memory_space<vmem>>
      %dma_wait3A_235 = arith.constant 0 : i32
      %dma_wait3A_236 = arith.constant 0 : i32
      %dma_wait3A_237 = tpu.memref_slice %arg2[%dma_wait3A_235, %dma_wait3A_236] : memref<10000x64xbf16, #tpu.memory_space<hbm>> -> memref<10000x64xbf16, #tpu.memory_space<hbm>>
      tpu.wait_indirect_dma semaphore(%arg23 : memref<!tpu.dma_semaphore, #tpu.memory_space<semaphore_mem>>) src(%dma_wait3A_237 : memref<10000x64xbf16, #tpu.memory_space<hbm>>) dst(%arg15 : memref<125x64xbf16, #tpu.memory_space<vmem>>)
      %dma_start3A_238 = arith.constant 0 : i32
      %dma_start3A_239 = tpu.memref_slice %arg8[%add3A_231, %dma_start3A_238] : memref<80x125xi32, #tpu.memory_space<vmem>> -> memref<1x125xi32, #tpu.memory_space<vmem>>
      %dma_start3A_240 = tpu.memref_squeeze %dma_start3A_239 : memref<1x125xi32, #tpu.memory_space<vmem>> -> memref<125xi32, #tpu.memory_space<vmem>>
      %dma_start3A_241 = arith.constant 0 : i32
      %dma_start3A_242 = arith.constant 0 : i32
      %dma_start3A_243 = tpu.memref_slice %arg33[%dma_start3A_241, %dma_start3A_242] : memref<10240x64xbf16, #tpu.memory_space<vmem_shared>> -> memref<10240x64xbf16, #tpu.memory_space<vmem_shared>>
      tpu.enqueue_indirect_dma source(%arg15 : memref<125x64xbf16, #tpu.memory_space<vmem>>) target(%dma_start3A_243 : memref<10240x64xbf16, #tpu.memory_space<vmem_shared>>) offsets(%dma_start3A_240 : memref<125xi32, #tpu.memory_space<vmem>>) semaphore(%arg31 : memref<!tpu.dma_semaphore, #tpu.memory_space<semaphore_mem>>) {add = true}
      %ge3A_244 = arith.constant 4 : i32
      %ge3A_245 = arith.cmpi sge, %add3A_231, %ge3A_244 : i32
      %convert_element_type3A_246 = arith.extui %ge3A_245 : i1 to i32
      %cond3A_247 = arith.constant 0 : i32
      %cond3A_248 = arith.cmpi ne, %convert_element_type3A_246, %cond3A_247 : i32
      scf.if %cond3A_248 {
        %sub3A = arith.constant 4 : i32
        %sub3A_284 = arith.subi %add3A_231, %sub3A : i32
        %dma_wait3A_285 = arith.constant 0 : i32
        %dma_wait3A_286 = tpu.memref_slice %arg8[%sub3A_284, %dma_wait3A_285] : memref<80x125xi32, #tpu.memory_space<vmem>> -> memref<1x125xi32, #tpu.memory_space<vmem>>
        %dma_wait3A_287 = tpu.memref_squeeze %dma_wait3A_286 : memref<1x125xi32, #tpu.memory_space<vmem>> -> memref<125xi32, #tpu.memory_space<vmem>>
        %dma_wait3A_288 = arith.constant 0 : i32
        %dma_wait3A_289 = arith.constant 0 : i32
        %dma_wait3A_290 = tpu.memref_slice %arg33[%dma_wait3A_288, %dma_wait3A_289] : memref<10240x64xbf16, #tpu.memory_space<vmem_shared>> -> memref<10240x64xbf16, #tpu.memory_space<vmem_shared>>
        tpu.wait_indirect_dma semaphore(%arg27 : memref<!tpu.dma_semaphore, #tpu.memory_space<semaphore_mem>>) src(%arg11 : memref<125x64xbf16, #tpu.memory_space<vmem>>) dst(%dma_wait3A_290 : memref<10240x64xbf16, #tpu.memory_space<vmem_shared>>)
      } else {
      }
      %add3A_249 = arith.constant 4 : i32
      %add3A_250 = arith.addi %add3A_231, %add3A_249 : i32
      %lt3A_251 = arith.constant 80 : i32
      %lt3A_252 = arith.cmpi slt, %add3A_250, %lt3A_251 : i32
      %convert_element_type3A_253 = arith.extui %lt3A_252 : i1 to i32
      %cond3A_254 = arith.constant 0 : i32
      %cond3A_255 = arith.cmpi ne, %convert_element_type3A_253, %cond3A_254 : i32
      scf.if %cond3A_255 {
        %add3A_284 = arith.constant 4 : i32
        %add3A_285 = arith.addi %add3A_231, %add3A_284 : i32
        %dma_start3A_286 = arith.constant 0 : i32
        %dma_start3A_287 = tpu.memref_slice %arg7[%add3A_285, %dma_start3A_286] : memref<80x125xi32, #tpu.memory_space<vmem>> -> memref<1x125xi32, #tpu.memory_space<vmem>>
        %dma_start3A_288 = tpu.memref_squeeze %dma_start3A_287 : memref<1x125xi32, #tpu.memory_space<vmem>> -> memref<125xi32, #tpu.memory_space<vmem>>
        %dma_start3A_289 = arith.constant 0 : i32
        %dma_start3A_290 = arith.constant 0 : i32
        %dma_start3A_291 = tpu.memref_slice %arg2[%dma_start3A_289, %dma_start3A_290] : memref<10000x64xbf16, #tpu.memory_space<hbm>> -> memref<10000x64xbf16, #tpu.memory_space<hbm>>
        tpu.enqueue_indirect_dma source(%dma_start3A_291 : memref<10000x64xbf16, #tpu.memory_space<hbm>>) target(%arg11 : memref<125x64xbf16, #tpu.memory_space<vmem>>) offsets(%dma_start3A_288 : memref<125xi32, #tpu.memory_space<vmem>>) semaphore(%arg19 : memref<!tpu.dma_semaphore, #tpu.memory_space<semaphore_mem>>)
      } else {
      }
      %mul3A_256 = arith.constant 8 : i32
      %mul3A_257 = arith.muli %scan3A_63, %mul3A_256 : i32
      %add3A_258 = arith.constant 7 : i32
      %add3A_259 = arith.addi %mul3A_257, %add3A_258 : i32
      %dma_wait3A_260 = arith.constant 0 : i32
      %dma_wait3A_261 = tpu.memref_slice %arg7[%add3A_259, %dma_wait3A_260] : memref<80x125xi32, #tpu.memory_space<vmem>> -> memref<1x125xi32, #tpu.memory_space<vmem>>
      %dma_wait3A_262 = tpu.memref_squeeze %dma_wait3A_261 : memref<1x125xi32, #tpu.memory_space<vmem>> -> memref<125xi32, #tpu.memory_space<vmem>>
      %dma_wait3A_263 = arith.constant 0 : i32
      %dma_wait3A_264 = arith.constant 0 : i32
      %dma_wait3A_265 = tpu.memref_slice %arg2[%dma_wait3A_263, %dma_wait3A_264] : memref<10000x64xbf16, #tpu.memory_space<hbm>> -> memref<10000x64xbf16, #tpu.memory_space<hbm>>
      tpu.wait_indirect_dma semaphore(%arg24 : memref<!tpu.dma_semaphore, #tpu.memory_space<semaphore_mem>>) src(%dma_wait3A_265 : memref<10000x64xbf16, #tpu.memory_space<hbm>>) dst(%arg16 : memref<125x64xbf16, #tpu.memory_space<vmem>>)
      %dma_start3A_266 = arith.constant 0 : i32
      %dma_start3A_267 = tpu.memref_slice %arg8[%add3A_259, %dma_start3A_266] : memref<80x125xi32, #tpu.memory_space<vmem>> -> memref<1x125xi32, #tpu.memory_space<vmem>>
      %dma_start3A_268 = tpu.memref_squeeze %dma_start3A_267 : memref<1x125xi32, #tpu.memory_space<vmem>> -> memref<125xi32, #tpu.memory_space<vmem>>
      %dma_start3A_269 = arith.constant 0 : i32
      %dma_start3A_270 = arith.constant 0 : i32
      %dma_start3A_271 = tpu.memref_slice %arg33[%dma_start3A_269, %dma_start3A_270] : memref<10240x64xbf16, #tpu.memory_space<vmem_shared>> -> memref<10240x64xbf16, #tpu.memory_space<vmem_shared>>
      tpu.enqueue_indirect_dma source(%arg16 : memref<125x64xbf16, #tpu.memory_space<vmem>>) target(%dma_start3A_271 : memref<10240x64xbf16, #tpu.memory_space<vmem_shared>>) offsets(%dma_start3A_268 : memref<125xi32, #tpu.memory_space<vmem>>) semaphore(%arg32 : memref<!tpu.dma_semaphore, #tpu.memory_space<semaphore_mem>>) {add = true}
      %ge3A_272 = arith.constant 4 : i32
      %ge3A_273 = arith.cmpi sge, %add3A_259, %ge3A_272 : i32
      %convert_element_type3A_274 = arith.extui %ge3A_273 : i1 to i32
      %cond3A_275 = arith.constant 0 : i32
      %cond3A_276 = arith.cmpi ne, %convert_element_type3A_274, %cond3A_275 : i32
      scf.if %cond3A_276 {
        %sub3A = arith.constant 4 : i32
        %sub3A_284 = arith.subi %add3A_259, %sub3A : i32
        %dma_wait3A_285 = arith.constant 0 : i32
        %dma_wait3A_286 = tpu.memref_slice %arg8[%sub3A_284, %dma_wait3A_285] : memref<80x125xi32, #tpu.memory_space<vmem>> -> memref<1x125xi32, #tpu.memory_space<vmem>>
        %dma_wait3A_287 = tpu.memref_squeeze %dma_wait3A_286 : memref<1x125xi32, #tpu.memory_space<vmem>> -> memref<125xi32, #tpu.memory_space<vmem>>
        %dma_wait3A_288 = arith.constant 0 : i32
        %dma_wait3A_289 = arith.constant 0 : i32
        %dma_wait3A_290 = tpu.memref_slice %arg33[%dma_wait3A_288, %dma_wait3A_289] : memref<10240x64xbf16, #tpu.memory_space<vmem_shared>> -> memref<10240x64xbf16, #tpu.memory_space<vmem_shared>>
        tpu.wait_indirect_dma semaphore(%arg28 : memref<!tpu.dma_semaphore, #tpu.memory_space<semaphore_mem>>) src(%arg12 : memref<125x64xbf16, #tpu.memory_space<vmem>>) dst(%dma_wait3A_290 : memref<10240x64xbf16, #tpu.memory_space<vmem_shared>>)
      } else {
      }
      %add3A_277 = arith.constant 4 : i32
      %add3A_278 = arith.addi %add3A_259, %add3A_277 : i32
      %lt3A_279 = arith.constant 80 : i32
      %lt3A_280 = arith.cmpi slt, %add3A_278, %lt3A_279 : i32
      %convert_element_type3A_281 = arith.extui %lt3A_280 : i1 to i32
      %cond3A_282 = arith.constant 0 : i32
      %cond3A_283 = arith.cmpi ne, %convert_element_type3A_281, %cond3A_282 : i32
      scf.if %cond3A_283 {
        %add3A_284 = arith.constant 4 : i32
        %add3A_285 = arith.addi %add3A_259, %add3A_284 : i32
        %dma_start3A_286 = arith.constant 0 : i32
        %dma_start3A_287 = tpu.memref_slice %arg7[%add3A_285, %dma_start3A_286] : memref<80x125xi32, #tpu.memory_space<vmem>> -> memref<1x125xi32, #tpu.memory_space<vmem>>
        %dma_start3A_288 = tpu.memref_squeeze %dma_start3A_287 : memref<1x125xi32, #tpu.memory_space<vmem>> -> memref<125xi32, #tpu.memory_space<vmem>>
        %dma_start3A_289 = arith.constant 0 : i32
        %dma_start3A_290 = arith.constant 0 : i32
        %dma_start3A_291 = tpu.memref_slice %arg2[%dma_start3A_289, %dma_start3A_290] : memref<10000x64xbf16, #tpu.memory_space<hbm>> -> memref<10000x64xbf16, #tpu.memory_space<hbm>>
        tpu.enqueue_indirect_dma source(%dma_start3A_291 : memref<10000x64xbf16, #tpu.memory_space<hbm>>) target(%arg12 : memref<125x64xbf16, #tpu.memory_space<vmem>>) offsets(%dma_start3A_288 : memref<125xi32, #tpu.memory_space<vmem>>) semaphore(%arg20 : memref<!tpu.dma_semaphore, #tpu.memory_space<semaphore_mem>>)
      } else {
      }
    }
    %scan3A_34 = arith.constant 10 : i32
    %dma_wait3A = arith.constant 76 : i32
    %dma_wait3A_35 = arith.constant 0 : i32
    %dma_wait3A_36 = tpu.memref_slice %arg8[%dma_wait3A, %dma_wait3A_35] : memref<80x125xi32, #tpu.memory_space<vmem>> -> memref<1x125xi32, #tpu.memory_space<vmem>>
    %dma_wait3A_37 = tpu.memref_squeeze %dma_wait3A_36 : memref<1x125xi32, #tpu.memory_space<vmem>> -> memref<125xi32, #tpu.memory_space<vmem>>
    %dma_wait3A_38 = arith.constant 0 : i32
    %dma_wait3A_39 = arith.constant 0 : i32
    %dma_wait3A_40 = tpu.memref_slice %arg33[%dma_wait3A_38, %dma_wait3A_39] : memref<10240x64xbf16, #tpu.memory_space<vmem_shared>> -> memref<10240x64xbf16, #tpu.memory_space<vmem_shared>>
    tpu.wait_indirect_dma semaphore(%arg29 : memref<!tpu.dma_semaphore, #tpu.memory_space<semaphore_mem>>) src(%arg13 : memref<125x64xbf16, #tpu.memory_space<vmem>>) dst(%dma_wait3A_40 : memref<10240x64xbf16, #tpu.memory_space<vmem_shared>>)
    %dma_wait3A_41 = arith.constant 77 : i32
    %dma_wait3A_42 = arith.constant 0 : i32
    %dma_wait3A_43 = tpu.memref_slice %arg8[%dma_wait3A_41, %dma_wait3A_42] : memref<80x125xi32, #tpu.memory_space<vmem>> -> memref<1x125xi32, #tpu.memory_space<vmem>>
    %dma_wait3A_44 = tpu.memref_squeeze %dma_wait3A_43 : memref<1x125xi32, #tpu.memory_space<vmem>> -> memref<125xi32, #tpu.memory_space<vmem>>
    %dma_wait3A_45 = arith.constant 0 : i32
    %dma_wait3A_46 = arith.constant 0 : i32
    %dma_wait3A_47 = tpu.memref_slice %arg33[%dma_wait3A_45, %dma_wait3A_46] : memref<10240x64xbf16, #tpu.memory_space<vmem_shared>> -> memref<10240x64xbf16, #tpu.memory_space<vmem_shared>>
    tpu.wait_indirect_dma semaphore(%arg30 : memref<!tpu.dma_semaphore, #tpu.memory_space<semaphore_mem>>) src(%arg14 : memref<125x64xbf16, #tpu.memory_space<vmem>>) dst(%dma_wait3A_47 : memref<10240x64xbf16, #tpu.memory_space<vmem_shared>>)
    %dma_wait3A_48 = arith.constant 78 : i32
    %dma_wait3A_49 = arith.constant 0 : i32
    %dma_wait3A_50 = tpu.memref_slice %arg8[%dma_wait3A_48, %dma_wait3A_49] : memref<80x125xi32, #tpu.memory_space<vmem>> -> memref<1x125xi32, #tpu.memory_space<vmem>>
    %dma_wait3A_51 = tpu.memref_squeeze %dma_wait3A_50 : memref<1x125xi32, #tpu.memory_space<vmem>> -> memref<125xi32, #tpu.memory_space<vmem>>
    %dma_wait3A_52 = arith.constant 0 : i32
    %dma_wait3A_53 = arith.constant 0 : i32
    %dma_wait3A_54 = tpu.memref_slice %arg33[%dma_wait3A_52, %dma_wait3A_53] : memref<10240x64xbf16, #tpu.memory_space<vmem_shared>> -> memref<10240x64xbf16, #tpu.memory_space<vmem_shared>>
    tpu.wait_indirect_dma semaphore(%arg31 : memref<!tpu.dma_semaphore, #tpu.memory_space<semaphore_mem>>) src(%arg15 : memref<125x64xbf16, #tpu.memory_space<vmem>>) dst(%dma_wait3A_54 : memref<10240x64xbf16, #tpu.memory_space<vmem_shared>>)
    %dma_wait3A_55 = arith.constant 79 : i32
    %dma_wait3A_56 = arith.constant 0 : i32
    %dma_wait3A_57 = tpu.memref_slice %arg8[%dma_wait3A_55, %dma_wait3A_56] : memref<80x125xi32, #tpu.memory_space<vmem>> -> memref<1x125xi32, #tpu.memory_space<vmem>>
    %dma_wait3A_58 = tpu.memref_squeeze %dma_wait3A_57 : memref<1x125xi32, #tpu.memory_space<vmem>> -> memref<125xi32, #tpu.memory_space<vmem>>
    %dma_wait3A_59 = arith.constant 0 : i32
    %dma_wait3A_60 = arith.constant 0 : i32
    %dma_wait3A_61 = tpu.memref_slice %arg33[%dma_wait3A_59, %dma_wait3A_60] : memref<10240x64xbf16, #tpu.memory_space<vmem_shared>> -> memref<10240x64xbf16, #tpu.memory_space<vmem_shared>>
    tpu.wait_indirect_dma semaphore(%arg32 : memref<!tpu.dma_semaphore, #tpu.memory_space<semaphore_mem>>) src(%arg16 : memref<125x64xbf16, #tpu.memory_space<vmem>>) dst(%dma_wait3A_61 : memref<10240x64xbf16, #tpu.memory_space<vmem_shared>>)
    %barrier3A_62 = arith.constant 0 : index
    tpu.barrier barrier_id(%barrier3A_62)
    "tpu.region"() ({
      %run_scoped3A = tpu.sem_alloc : memref<!tpu.dma_semaphore, #tpu.memory_space<semaphore_mem>>
      %dma_start3A_63 = arith.constant 0 : i32
      %dma_start3A_64 = tpu.memref_slice %arg6[%arg0, %multiple_of3A, %dma_start3A_63] : memref<2x10240x64xbf16, #tpu.memory_space<hbm>> -> memref<1x640x64xbf16, #tpu.memory_space<hbm>>
      %dma_start3A_65 = tpu.memref_squeeze %dma_start3A_64 : memref<1x640x64xbf16, #tpu.memory_space<hbm>> -> memref<640x64xbf16, #tpu.memory_space<hbm>>
      %dma_start3A_66 = arith.constant 0 : i32
      %dma_start3A_67 = tpu.memref_slice %arg33[%multiple_of3A, %dma_start3A_66] : memref<10240x64xbf16, #tpu.memory_space<vmem_shared>> -> memref<640x64xbf16, #tpu.memory_space<vmem_shared>>
      tpu.enqueue_dma source(%dma_start3A_67 : memref<640x64xbf16, #tpu.memory_space<vmem_shared>>) target(%dma_start3A_65 : memref<640x64xbf16, #tpu.memory_space<hbm>>) target_semaphore(%run_scoped3A : memref<!tpu.dma_semaphore, #tpu.memory_space<semaphore_mem>>)
      %dma_wait3A_68 = arith.constant 0 : i32
      %dma_wait3A_69 = tpu.memref_slice %arg6[%arg0, %multiple_of3A, %dma_wait3A_68] : memref<2x10240x64xbf16, #tpu.memory_space<hbm>> -> memref<1x640x64xbf16, #tpu.memory_space<hbm>>
      %dma_wait3A_70 = tpu.memref_squeeze %dma_wait3A_69 : memref<1x640x64xbf16, #tpu.memory_space<hbm>> -> memref<640x64xbf16, #tpu.memory_space<hbm>>
      %dma_wait3A_71 = arith.constant 0 : i32
      %dma_wait3A_72 = tpu.memref_slice %arg33[%multiple_of3A, %dma_wait3A_71] : memref<10240x64xbf16, #tpu.memory_space<vmem_shared>> -> memref<640x64xbf16, #tpu.memory_space<vmem_shared>>
      tpu.wait_dma2 semaphore(%run_scoped3A : memref<!tpu.dma_semaphore, #tpu.memory_space<semaphore_mem>>) src(%dma_wait3A_72 : memref<640x64xbf16, #tpu.memory_space<vmem_shared>>) dst(%dma_wait3A_70 : memref<640x64xbf16, #tpu.memory_space<hbm>>)
      tpu.yield
    }) : () -> ()
    return
  }
}

#map = affine_map<(d0, d1) -> (0, 0)>
#map1 = affine_map<(d0, d1) -> (0, 0, 0)>
module attributes {stable_mosaic.version = 14 : i64} {
  func.func @_acc_body(%arg0: i32, %arg1: i32, %arg2: memref<10000x128xbf16, #tpu.memory_space<hbm>>, %arg3: memref<32x80x125xi32, #tpu.memory_space<hbm>>, %arg4: memref<32x80x125xi32, #tpu.memory_space<hbm>>, %arg5: memref<10240x128xbf16, #tpu.memory_space<hbm>>, %arg6: memref<2x10240x128xbf16, #tpu.memory_space<hbm>>, %arg7: memref<80x125xi32, #tpu.memory_space<vmem>>, %arg8: memref<80x125xi32, #tpu.memory_space<vmem>>, %arg9: memref<125x128xbf16, #tpu.memory_space<vmem>>, %arg10: memref<125x128xbf16, #tpu.memory_space<vmem>>, %arg11: memref<125x128xbf16, #tpu.memory_space<vmem>>, %arg12: memref<125x128xbf16, #tpu.memory_space<vmem>>, %arg13: memref<125x128xbf16, #tpu.memory_space<vmem>>, %arg14: memref<125x128xbf16, #tpu.memory_space<vmem>>, %arg15: memref<125x128xbf16, #tpu.memory_space<vmem>>, %arg16: memref<125x128xbf16, #tpu.memory_space<vmem>>, %arg17: memref<!tpu.dma_semaphore, #tpu.memory_space<semaphore_mem>>, %arg18: memref<!tpu.dma_semaphore, #tpu.memory_space<semaphore_mem>>, %arg19: memref<!tpu.dma_semaphore, #tpu.memory_space<semaphore_mem>>, %arg20: memref<!tpu.dma_semaphore, #tpu.memory_space<semaphore_mem>>, %arg21: memref<!tpu.dma_semaphore, #tpu.memory_space<semaphore_mem>>, %arg22: memref<!tpu.dma_semaphore, #tpu.memory_space<semaphore_mem>>, %arg23: memref<!tpu.dma_semaphore, #tpu.memory_space<semaphore_mem>>, %arg24: memref<!tpu.dma_semaphore, #tpu.memory_space<semaphore_mem>>, %arg25: memref<!tpu.dma_semaphore, #tpu.memory_space<semaphore_mem>>, %arg26: memref<!tpu.dma_semaphore, #tpu.memory_space<semaphore_mem>>, %arg27: memref<!tpu.dma_semaphore, #tpu.memory_space<semaphore_mem>>, %arg28: memref<!tpu.dma_semaphore, #tpu.memory_space<semaphore_mem>>, %arg29: memref<!tpu.dma_semaphore, #tpu.memory_space<semaphore_mem>>, %arg30: memref<!tpu.dma_semaphore, #tpu.memory_space<semaphore_mem>>, %arg31: memref<!tpu.dma_semaphore, #tpu.memory_space<semaphore_mem>>, %arg32: memref<!tpu.dma_semaphore, #tpu.memory_space<semaphore_mem>>, %arg33: memref<10240x128xbf16, #tpu.memory_space<vmem_shared>>) attributes {dimension_semantics = [#tpu.dimension_semantics<core_parallel>, #tpu.dimension_semantics<subcore_parallel>], iteration_bounds = array<i64: 2, 16>, scalar_prefetch = 0 : i64, scratch_operands = 27 : i64, tpu.core_type = #tpu.core_type<sc_vector_subcore>, window_params = [{transform_indices = #map}, {transform_indices = #map1}, {transform_indices = #map1}, {transform_indices = #map}, {transform_indices = #map1}]} {
    %mul3A = arith.constant 2 : i32
    %mul3A_0 = arith.muli %arg1, %mul3A : i32
    %add3A = arith.addi %mul3A_0, %arg0 : i32
    %mul3A_1 = arith.constant 640 : i32
    %mul3A_2 = arith.muli %arg1, %mul3A_1 : i32
    %multiple_of3A = tpu.assume_multiple %mul3A_2, 8 : i32
    "tpu.region"() ({
      %run_scoped3A = tpu.sem_alloc : memref<!tpu.dma_semaphore, #tpu.memory_space<semaphore_mem>>
      %dma_start3A_63 = arith.constant 0 : i32
      %dma_start3A_64 = arith.constant 0 : i32
      %dma_start3A_65 = tpu.memref_slice %arg3[%add3A, %dma_start3A_63, %dma_start3A_64] : memref<32x80x125xi32, #tpu.memory_space<hbm>> -> memref<1x80x125xi32, #tpu.memory_space<hbm>>
      %dma_start3A_66 = tpu.memref_squeeze %dma_start3A_65 : memref<1x80x125xi32, #tpu.memory_space<hbm>> -> memref<80x125xi32, #tpu.memory_space<hbm>>
      %dma_start3A_67 = arith.constant 0 : i32
      %dma_start3A_68 = arith.constant 0 : i32
      %dma_start3A_69 = tpu.memref_slice %arg3[%add3A, %dma_start3A_67, %dma_start3A_68] : memref<32x80x125xi32, #tpu.memory_space<hbm>> -> memref<1x80x125xi32, #tpu.memory_space<hbm>>
      %dma_start3A_70 = tpu.memref_squeeze %dma_start3A_69 : memref<1x80x125xi32, #tpu.memory_space<hbm>> -> memref<80x125xi32, #tpu.memory_space<hbm>>
      tpu.enqueue_dma source(%dma_start3A_70 : memref<80x125xi32, #tpu.memory_space<hbm>>) target(%arg7 : memref<80x125xi32, #tpu.memory_space<vmem>>) target_semaphore(%run_scoped3A : memref<!tpu.dma_semaphore, #tpu.memory_space<semaphore_mem>>)
      %dma_wait3A_71 = arith.constant 0 : i32
      %dma_wait3A_72 = arith.constant 0 : i32
      %dma_wait3A_73 = tpu.memref_slice %arg3[%add3A, %dma_wait3A_71, %dma_wait3A_72] : memref<32x80x125xi32, #tpu.memory_space<hbm>> -> memref<1x80x125xi32, #tpu.memory_space<hbm>>
      %dma_wait3A_74 = tpu.memref_squeeze %dma_wait3A_73 : memref<1x80x125xi32, #tpu.memory_space<hbm>> -> memref<80x125xi32, #tpu.memory_space<hbm>>
      %dma_wait3A_75 = arith.constant 0 : i32
      %dma_wait3A_76 = arith.constant 0 : i32
      %dma_wait3A_77 = tpu.memref_slice %arg3[%add3A, %dma_wait3A_75, %dma_wait3A_76] : memref<32x80x125xi32, #tpu.memory_space<hbm>> -> memref<1x80x125xi32, #tpu.memory_space<hbm>>
      %dma_wait3A_78 = tpu.memref_squeeze %dma_wait3A_77 : memref<1x80x125xi32, #tpu.memory_space<hbm>> -> memref<80x125xi32, #tpu.memory_space<hbm>>
      tpu.wait_dma2 semaphore(%run_scoped3A : memref<!tpu.dma_semaphore, #tpu.memory_space<semaphore_mem>>) src(%dma_wait3A_78 : memref<80x125xi32, #tpu.memory_space<hbm>>) dst(%arg7 : memref<80x125xi32, #tpu.memory_space<vmem>>)
      tpu.yield
    }) : () -> ()
    "tpu.region"() ({
      %run_scoped3A = tpu.sem_alloc : memref<!tpu.dma_semaphore, #tpu.memory_space<semaphore_mem>>
      %dma_start3A_63 = arith.constant 0 : i32
      %dma_start3A_64 = arith.constant 0 : i32
      %dma_start3A_65 = tpu.memref_slice %arg4[%add3A, %dma_start3A_63, %dma_start3A_64] : memref<32x80x125xi32, #tpu.memory_space<hbm>> -> memref<1x80x125xi32, #tpu.memory_space<hbm>>
      %dma_start3A_66 = tpu.memref_squeeze %dma_start3A_65 : memref<1x80x125xi32, #tpu.memory_space<hbm>> -> memref<80x125xi32, #tpu.memory_space<hbm>>
      %dma_start3A_67 = arith.constant 0 : i32
      %dma_start3A_68 = arith.constant 0 : i32
      %dma_start3A_69 = tpu.memref_slice %arg4[%add3A, %dma_start3A_67, %dma_start3A_68] : memref<32x80x125xi32, #tpu.memory_space<hbm>> -> memref<1x80x125xi32, #tpu.memory_space<hbm>>
      %dma_start3A_70 = tpu.memref_squeeze %dma_start3A_69 : memref<1x80x125xi32, #tpu.memory_space<hbm>> -> memref<80x125xi32, #tpu.memory_space<hbm>>
      tpu.enqueue_dma source(%dma_start3A_70 : memref<80x125xi32, #tpu.memory_space<hbm>>) target(%arg8 : memref<80x125xi32, #tpu.memory_space<vmem>>) target_semaphore(%run_scoped3A : memref<!tpu.dma_semaphore, #tpu.memory_space<semaphore_mem>>)
      %dma_wait3A_71 = arith.constant 0 : i32
      %dma_wait3A_72 = arith.constant 0 : i32
      %dma_wait3A_73 = tpu.memref_slice %arg4[%add3A, %dma_wait3A_71, %dma_wait3A_72] : memref<32x80x125xi32, #tpu.memory_space<hbm>> -> memref<1x80x125xi32, #tpu.memory_space<hbm>>
      %dma_wait3A_74 = tpu.memref_squeeze %dma_wait3A_73 : memref<1x80x125xi32, #tpu.memory_space<hbm>> -> memref<80x125xi32, #tpu.memory_space<hbm>>
      %dma_wait3A_75 = arith.constant 0 : i32
      %dma_wait3A_76 = arith.constant 0 : i32
      %dma_wait3A_77 = tpu.memref_slice %arg4[%add3A, %dma_wait3A_75, %dma_wait3A_76] : memref<32x80x125xi32, #tpu.memory_space<hbm>> -> memref<1x80x125xi32, #tpu.memory_space<hbm>>
      %dma_wait3A_78 = tpu.memref_squeeze %dma_wait3A_77 : memref<1x80x125xi32, #tpu.memory_space<hbm>> -> memref<80x125xi32, #tpu.memory_space<hbm>>
      tpu.wait_dma2 semaphore(%run_scoped3A : memref<!tpu.dma_semaphore, #tpu.memory_space<semaphore_mem>>) src(%dma_wait3A_78 : memref<80x125xi32, #tpu.memory_space<hbm>>) dst(%arg8 : memref<80x125xi32, #tpu.memory_space<vmem>>)
      tpu.yield
    }) : () -> ()
    "tpu.region"() ({
      %run_scoped3A = tpu.sem_alloc : memref<!tpu.dma_semaphore, #tpu.memory_space<semaphore_mem>>
      %dma_start3A_63 = arith.constant 0 : i32
      %dma_start3A_64 = tpu.memref_slice %arg33[%multiple_of3A, %dma_start3A_63] : memref<10240x128xbf16, #tpu.memory_space<vmem_shared>> -> memref<640x128xbf16, #tpu.memory_space<vmem_shared>>
      %dma_start3A_65 = arith.constant 0 : i32
      %dma_start3A_66 = tpu.memref_slice %arg5[%multiple_of3A, %dma_start3A_65] : memref<10240x128xbf16, #tpu.memory_space<hbm>> -> memref<640x128xbf16, #tpu.memory_space<hbm>>
      tpu.enqueue_dma source(%dma_start3A_66 : memref<640x128xbf16, #tpu.memory_space<hbm>>) target(%dma_start3A_64 : memref<640x128xbf16, #tpu.memory_space<vmem_shared>>) target_semaphore(%run_scoped3A : memref<!tpu.dma_semaphore, #tpu.memory_space<semaphore_mem>>)
      %dma_wait3A_67 = arith.constant 0 : i32
      %dma_wait3A_68 = tpu.memref_slice %arg33[%multiple_of3A, %dma_wait3A_67] : memref<10240x128xbf16, #tpu.memory_space<vmem_shared>> -> memref<640x128xbf16, #tpu.memory_space<vmem_shared>>
      %dma_wait3A_69 = arith.constant 0 : i32
      %dma_wait3A_70 = tpu.memref_slice %arg5[%multiple_of3A, %dma_wait3A_69] : memref<10240x128xbf16, #tpu.memory_space<hbm>> -> memref<640x128xbf16, #tpu.memory_space<hbm>>
      tpu.wait_dma2 semaphore(%run_scoped3A : memref<!tpu.dma_semaphore, #tpu.memory_space<semaphore_mem>>) src(%dma_wait3A_70 : memref<640x128xbf16, #tpu.memory_space<hbm>>) dst(%dma_wait3A_68 : memref<640x128xbf16, #tpu.memory_space<vmem_shared>>)
      tpu.yield
    }) : () -> ()
    %barrier3A = arith.constant 0 : index
    tpu.barrier barrier_id(%barrier3A)
    %dma_start3A = arith.constant 0 : i32
    %dma_start3A_3 = arith.constant 0 : i32
    %dma_start3A_4 = tpu.memref_slice %arg7[%dma_start3A, %dma_start3A_3] : memref<80x125xi32, #tpu.memory_space<vmem>> -> memref<1x125xi32, #tpu.memory_space<vmem>>
    %dma_start3A_5 = tpu.memref_squeeze %dma_start3A_4 : memref<1x125xi32, #tpu.memory_space<vmem>> -> memref<125xi32, #tpu.memory_space<vmem>>
    %dma_start3A_6 = arith.constant 0 : i32
    %dma_start3A_7 = arith.constant 0 : i32
    %dma_start3A_8 = tpu.memref_slice %arg2[%dma_start3A_6, %dma_start3A_7] : memref<10000x128xbf16, #tpu.memory_space<hbm>> -> memref<10000x128xbf16, #tpu.memory_space<hbm>>
    tpu.enqueue_indirect_dma source(%dma_start3A_8 : memref<10000x128xbf16, #tpu.memory_space<hbm>>) target(%arg9 : memref<125x128xbf16, #tpu.memory_space<vmem>>) offsets(%dma_start3A_5 : memref<125xi32, #tpu.memory_space<vmem>>) semaphore(%arg17 : memref<!tpu.dma_semaphore, #tpu.memory_space<semaphore_mem>>)
    %dma_start3A_9 = arith.constant 1 : i32
    %dma_start3A_10 = arith.constant 0 : i32
    %dma_start3A_11 = tpu.memref_slice %arg7[%dma_start3A_9, %dma_start3A_10] : memref<80x125xi32, #tpu.memory_space<vmem>> -> memref<1x125xi32, #tpu.memory_space<vmem>>
    %dma_start3A_12 = tpu.memref_squeeze %dma_start3A_11 : memref<1x125xi32, #tpu.memory_space<vmem>> -> memref<125xi32, #tpu.memory_space<vmem>>
    %dma_start3A_13 = arith.constant 0 : i32
    %dma_start3A_14 = arith.constant 0 : i32
    %dma_start3A_15 = tpu.memref_slice %arg2[%dma_start3A_13, %dma_start3A_14] : memref<10000x128xbf16, #tpu.memory_space<hbm>> -> memref<10000x128xbf16, #tpu.memory_space<hbm>>
    tpu.enqueue_indirect_dma source(%dma_start3A_15 : memref<10000x128xbf16, #tpu.memory_space<hbm>>) target(%arg10 : memref<125x128xbf16, #tpu.memory_space<vmem>>) offsets(%dma_start3A_12 : memref<125xi32, #tpu.memory_space<vmem>>) semaphore(%arg18 : memref<!tpu.dma_semaphore, #tpu.memory_space<semaphore_mem>>)
    %dma_start3A_16 = arith.constant 2 : i32
    %dma_start3A_17 = arith.constant 0 : i32
    %dma_start3A_18 = tpu.memref_slice %arg7[%dma_start3A_16, %dma_start3A_17] : memref<80x125xi32, #tpu.memory_space<vmem>> -> memref<1x125xi32, #tpu.memory_space<vmem>>
    %dma_start3A_19 = tpu.memref_squeeze %dma_start3A_18 : memref<1x125xi32, #tpu.memory_space<vmem>> -> memref<125xi32, #tpu.memory_space<vmem>>
    %dma_start3A_20 = arith.constant 0 : i32
    %dma_start3A_21 = arith.constant 0 : i32
    %dma_start3A_22 = tpu.memref_slice %arg2[%dma_start3A_20, %dma_start3A_21] : memref<10000x128xbf16, #tpu.memory_space<hbm>> -> memref<10000x128xbf16, #tpu.memory_space<hbm>>
    tpu.enqueue_indirect_dma source(%dma_start3A_22 : memref<10000x128xbf16, #tpu.memory_space<hbm>>) target(%arg11 : memref<125x128xbf16, #tpu.memory_space<vmem>>) offsets(%dma_start3A_19 : memref<125xi32, #tpu.memory_space<vmem>>) semaphore(%arg19 : memref<!tpu.dma_semaphore, #tpu.memory_space<semaphore_mem>>)
    %dma_start3A_23 = arith.constant 3 : i32
    %dma_start3A_24 = arith.constant 0 : i32
    %dma_start3A_25 = tpu.memref_slice %arg7[%dma_start3A_23, %dma_start3A_24] : memref<80x125xi32, #tpu.memory_space<vmem>> -> memref<1x125xi32, #tpu.memory_space<vmem>>
    %dma_start3A_26 = tpu.memref_squeeze %dma_start3A_25 : memref<1x125xi32, #tpu.memory_space<vmem>> -> memref<125xi32, #tpu.memory_space<vmem>>
    %dma_start3A_27 = arith.constant 0 : i32
    %dma_start3A_28 = arith.constant 0 : i32
    %dma_start3A_29 = tpu.memref_slice %arg2[%dma_start3A_27, %dma_start3A_28] : memref<10000x128xbf16, #tpu.memory_space<hbm>> -> memref<10000x128xbf16, #tpu.memory_space<hbm>>
    tpu.enqueue_indirect_dma source(%dma_start3A_29 : memref<10000x128xbf16, #tpu.memory_space<hbm>>) target(%arg12 : memref<125x128xbf16, #tpu.memory_space<vmem>>) offsets(%dma_start3A_26 : memref<125xi32, #tpu.memory_space<vmem>>) semaphore(%arg20 : memref<!tpu.dma_semaphore, #tpu.memory_space<semaphore_mem>>)
    %scan3A = arith.constant 0 : i32
    %scan3A_30 = arith.constant 0 : i32
    %scan3A_31 = arith.constant 10 : i32
    %scan3A_32 = arith.addi %scan3A_30, %scan3A_31 : i32
    %scan3A_33 = arith.constant 1 : i32
    scf.for %scan3A_63 = %scan3A_30 to %scan3A_32 step %scan3A_33  : i32 {
      %mul3A_64 = arith.constant 8 : i32
      %mul3A_65 = arith.muli %scan3A_63, %mul3A_64 : i32
      %add3A_66 = arith.constant 0 : i32
      %add3A_67 = arith.addi %mul3A_65, %add3A_66 : i32
      %dma_wait3A_68 = arith.constant 0 : i32
      %dma_wait3A_69 = tpu.memref_slice %arg7[%add3A_67, %dma_wait3A_68] : memref<80x125xi32, #tpu.memory_space<vmem>> -> memref<1x125xi32, #tpu.memory_space<vmem>>
      %dma_wait3A_70 = tpu.memref_squeeze %dma_wait3A_69 : memref<1x125xi32, #tpu.memory_space<vmem>> -> memref<125xi32, #tpu.memory_space<vmem>>
      %dma_wait3A_71 = arith.constant 0 : i32
      %dma_wait3A_72 = arith.constant 0 : i32
      %dma_wait3A_73 = tpu.memref_slice %arg2[%dma_wait3A_71, %dma_wait3A_72] : memref<10000x128xbf16, #tpu.memory_space<hbm>> -> memref<10000x128xbf16, #tpu.memory_space<hbm>>
      tpu.wait_indirect_dma semaphore(%arg17 : memref<!tpu.dma_semaphore, #tpu.memory_space<semaphore_mem>>) src(%dma_wait3A_73 : memref<10000x128xbf16, #tpu.memory_space<hbm>>) dst(%arg9 : memref<125x128xbf16, #tpu.memory_space<vmem>>)
      %dma_start3A_74 = arith.constant 0 : i32
      %dma_start3A_75 = tpu.memref_slice %arg8[%add3A_67, %dma_start3A_74] : memref<80x125xi32, #tpu.memory_space<vmem>> -> memref<1x125xi32, #tpu.memory_space<vmem>>
      %dma_start3A_76 = tpu.memref_squeeze %dma_start3A_75 : memref<1x125xi32, #tpu.memory_space<vmem>> -> memref<125xi32, #tpu.memory_space<vmem>>
      %dma_start3A_77 = arith.constant 0 : i32
      %dma_start3A_78 = arith.constant 0 : i32
      %dma_start3A_79 = tpu.memref_slice %arg33[%dma_start3A_77, %dma_start3A_78] : memref<10240x128xbf16, #tpu.memory_space<vmem_shared>> -> memref<10240x128xbf16, #tpu.memory_space<vmem_shared>>
      tpu.enqueue_indirect_dma source(%arg9 : memref<125x128xbf16, #tpu.memory_space<vmem>>) target(%dma_start3A_79 : memref<10240x128xbf16, #tpu.memory_space<vmem_shared>>) offsets(%dma_start3A_76 : memref<125xi32, #tpu.memory_space<vmem>>) semaphore(%arg25 : memref<!tpu.dma_semaphore, #tpu.memory_space<semaphore_mem>>) {add = true}
      %ge3A = arith.constant 4 : i32
      %ge3A_80 = arith.cmpi sge, %add3A_67, %ge3A : i32
      %convert_element_type3A = arith.extui %ge3A_80 : i1 to i32
      %cond3A = arith.constant 0 : i32
      %cond3A_81 = arith.cmpi ne, %convert_element_type3A, %cond3A : i32
      scf.if %cond3A_81 {
        %sub3A = arith.constant 4 : i32
        %sub3A_284 = arith.subi %add3A_67, %sub3A : i32
        %dma_wait3A_285 = arith.constant 0 : i32
        %dma_wait3A_286 = tpu.memref_slice %arg8[%sub3A_284, %dma_wait3A_285] : memref<80x125xi32, #tpu.memory_space<vmem>> -> memref<1x125xi32, #tpu.memory_space<vmem>>
        %dma_wait3A_287 = tpu.memref_squeeze %dma_wait3A_286 : memref<1x125xi32, #tpu.memory_space<vmem>> -> memref<125xi32, #tpu.memory_space<vmem>>
        %dma_wait3A_288 = arith.constant 0 : i32
        %dma_wait3A_289 = arith.constant 0 : i32
        %dma_wait3A_290 = tpu.memref_slice %arg33[%dma_wait3A_288, %dma_wait3A_289] : memref<10240x128xbf16, #tpu.memory_space<vmem_shared>> -> memref<10240x128xbf16, #tpu.memory_space<vmem_shared>>
        tpu.wait_indirect_dma semaphore(%arg29 : memref<!tpu.dma_semaphore, #tpu.memory_space<semaphore_mem>>) src(%arg13 : memref<125x128xbf16, #tpu.memory_space<vmem>>) dst(%dma_wait3A_290 : memref<10240x128xbf16, #tpu.memory_space<vmem_shared>>)
      } else {
      }
      %add3A_82 = arith.constant 4 : i32
      %add3A_83 = arith.addi %add3A_67, %add3A_82 : i32
      %lt3A = arith.constant 80 : i32
      %lt3A_84 = arith.cmpi slt, %add3A_83, %lt3A : i32
      %convert_element_type3A_85 = arith.extui %lt3A_84 : i1 to i32
      %cond3A_86 = arith.constant 0 : i32
      %cond3A_87 = arith.cmpi ne, %convert_element_type3A_85, %cond3A_86 : i32
      scf.if %cond3A_87 {
        %add3A_284 = arith.constant 4 : i32
        %add3A_285 = arith.addi %add3A_67, %add3A_284 : i32
        %dma_start3A_286 = arith.constant 0 : i32
        %dma_start3A_287 = tpu.memref_slice %arg7[%add3A_285, %dma_start3A_286] : memref<80x125xi32, #tpu.memory_space<vmem>> -> memref<1x125xi32, #tpu.memory_space<vmem>>
        %dma_start3A_288 = tpu.memref_squeeze %dma_start3A_287 : memref<1x125xi32, #tpu.memory_space<vmem>> -> memref<125xi32, #tpu.memory_space<vmem>>
        %dma_start3A_289 = arith.constant 0 : i32
        %dma_start3A_290 = arith.constant 0 : i32
        %dma_start3A_291 = tpu.memref_slice %arg2[%dma_start3A_289, %dma_start3A_290] : memref<10000x128xbf16, #tpu.memory_space<hbm>> -> memref<10000x128xbf16, #tpu.memory_space<hbm>>
        tpu.enqueue_indirect_dma source(%dma_start3A_291 : memref<10000x128xbf16, #tpu.memory_space<hbm>>) target(%arg13 : memref<125x128xbf16, #tpu.memory_space<vmem>>) offsets(%dma_start3A_288 : memref<125xi32, #tpu.memory_space<vmem>>) semaphore(%arg21 : memref<!tpu.dma_semaphore, #tpu.memory_space<semaphore_mem>>)
      } else {
      }
      %mul3A_88 = arith.constant 8 : i32
      %mul3A_89 = arith.muli %scan3A_63, %mul3A_88 : i32
      %add3A_90 = arith.constant 1 : i32
      %add3A_91 = arith.addi %mul3A_89, %add3A_90 : i32
      %dma_wait3A_92 = arith.constant 0 : i32
      %dma_wait3A_93 = tpu.memref_slice %arg7[%add3A_91, %dma_wait3A_92] : memref<80x125xi32, #tpu.memory_space<vmem>> -> memref<1x125xi32, #tpu.memory_space<vmem>>
      %dma_wait3A_94 = tpu.memref_squeeze %dma_wait3A_93 : memref<1x125xi32, #tpu.memory_space<vmem>> -> memref<125xi32, #tpu.memory_space<vmem>>
      %dma_wait3A_95 = arith.constant 0 : i32
      %dma_wait3A_96 = arith.constant 0 : i32
      %dma_wait3A_97 = tpu.memref_slice %arg2[%dma_wait3A_95, %dma_wait3A_96] : memref<10000x128xbf16, #tpu.memory_space<hbm>> -> memref<10000x128xbf16, #tpu.memory_space<hbm>>
      tpu.wait_indirect_dma semaphore(%arg18 : memref<!tpu.dma_semaphore, #tpu.memory_space<semaphore_mem>>) src(%dma_wait3A_97 : memref<10000x128xbf16, #tpu.memory_space<hbm>>) dst(%arg10 : memref<125x128xbf16, #tpu.memory_space<vmem>>)
      %dma_start3A_98 = arith.constant 0 : i32
      %dma_start3A_99 = tpu.memref_slice %arg8[%add3A_91, %dma_start3A_98] : memref<80x125xi32, #tpu.memory_space<vmem>> -> memref<1x125xi32, #tpu.memory_space<vmem>>
      %dma_start3A_100 = tpu.memref_squeeze %dma_start3A_99 : memref<1x125xi32, #tpu.memory_space<vmem>> -> memref<125xi32, #tpu.memory_space<vmem>>
      %dma_start3A_101 = arith.constant 0 : i32
      %dma_start3A_102 = arith.constant 0 : i32
      %dma_start3A_103 = tpu.memref_slice %arg33[%dma_start3A_101, %dma_start3A_102] : memref<10240x128xbf16, #tpu.memory_space<vmem_shared>> -> memref<10240x128xbf16, #tpu.memory_space<vmem_shared>>
      tpu.enqueue_indirect_dma source(%arg10 : memref<125x128xbf16, #tpu.memory_space<vmem>>) target(%dma_start3A_103 : memref<10240x128xbf16, #tpu.memory_space<vmem_shared>>) offsets(%dma_start3A_100 : memref<125xi32, #tpu.memory_space<vmem>>) semaphore(%arg26 : memref<!tpu.dma_semaphore, #tpu.memory_space<semaphore_mem>>) {add = true}
      %ge3A_104 = arith.constant 4 : i32
      %ge3A_105 = arith.cmpi sge, %add3A_91, %ge3A_104 : i32
      %convert_element_type3A_106 = arith.extui %ge3A_105 : i1 to i32
      %cond3A_107 = arith.constant 0 : i32
      %cond3A_108 = arith.cmpi ne, %convert_element_type3A_106, %cond3A_107 : i32
      scf.if %cond3A_108 {
        %sub3A = arith.constant 4 : i32
        %sub3A_284 = arith.subi %add3A_91, %sub3A : i32
        %dma_wait3A_285 = arith.constant 0 : i32
        %dma_wait3A_286 = tpu.memref_slice %arg8[%sub3A_284, %dma_wait3A_285] : memref<80x125xi32, #tpu.memory_space<vmem>> -> memref<1x125xi32, #tpu.memory_space<vmem>>
        %dma_wait3A_287 = tpu.memref_squeeze %dma_wait3A_286 : memref<1x125xi32, #tpu.memory_space<vmem>> -> memref<125xi32, #tpu.memory_space<vmem>>
        %dma_wait3A_288 = arith.constant 0 : i32
        %dma_wait3A_289 = arith.constant 0 : i32
        %dma_wait3A_290 = tpu.memref_slice %arg33[%dma_wait3A_288, %dma_wait3A_289] : memref<10240x128xbf16, #tpu.memory_space<vmem_shared>> -> memref<10240x128xbf16, #tpu.memory_space<vmem_shared>>
        tpu.wait_indirect_dma semaphore(%arg30 : memref<!tpu.dma_semaphore, #tpu.memory_space<semaphore_mem>>) src(%arg14 : memref<125x128xbf16, #tpu.memory_space<vmem>>) dst(%dma_wait3A_290 : memref<10240x128xbf16, #tpu.memory_space<vmem_shared>>)
      } else {
      }
      %add3A_109 = arith.constant 4 : i32
      %add3A_110 = arith.addi %add3A_91, %add3A_109 : i32
      %lt3A_111 = arith.constant 80 : i32
      %lt3A_112 = arith.cmpi slt, %add3A_110, %lt3A_111 : i32
      %convert_element_type3A_113 = arith.extui %lt3A_112 : i1 to i32
      %cond3A_114 = arith.constant 0 : i32
      %cond3A_115 = arith.cmpi ne, %convert_element_type3A_113, %cond3A_114 : i32
      scf.if %cond3A_115 {
        %add3A_284 = arith.constant 4 : i32
        %add3A_285 = arith.addi %add3A_91, %add3A_284 : i32
        %dma_start3A_286 = arith.constant 0 : i32
        %dma_start3A_287 = tpu.memref_slice %arg7[%add3A_285, %dma_start3A_286] : memref<80x125xi32, #tpu.memory_space<vmem>> -> memref<1x125xi32, #tpu.memory_space<vmem>>
        %dma_start3A_288 = tpu.memref_squeeze %dma_start3A_287 : memref<1x125xi32, #tpu.memory_space<vmem>> -> memref<125xi32, #tpu.memory_space<vmem>>
        %dma_start3A_289 = arith.constant 0 : i32
        %dma_start3A_290 = arith.constant 0 : i32
        %dma_start3A_291 = tpu.memref_slice %arg2[%dma_start3A_289, %dma_start3A_290] : memref<10000x128xbf16, #tpu.memory_space<hbm>> -> memref<10000x128xbf16, #tpu.memory_space<hbm>>
        tpu.enqueue_indirect_dma source(%dma_start3A_291 : memref<10000x128xbf16, #tpu.memory_space<hbm>>) target(%arg14 : memref<125x128xbf16, #tpu.memory_space<vmem>>) offsets(%dma_start3A_288 : memref<125xi32, #tpu.memory_space<vmem>>) semaphore(%arg22 : memref<!tpu.dma_semaphore, #tpu.memory_space<semaphore_mem>>)
      } else {
      }
      %mul3A_116 = arith.constant 8 : i32
      %mul3A_117 = arith.muli %scan3A_63, %mul3A_116 : i32
      %add3A_118 = arith.constant 2 : i32
      %add3A_119 = arith.addi %mul3A_117, %add3A_118 : i32
      %dma_wait3A_120 = arith.constant 0 : i32
      %dma_wait3A_121 = tpu.memref_slice %arg7[%add3A_119, %dma_wait3A_120] : memref<80x125xi32, #tpu.memory_space<vmem>> -> memref<1x125xi32, #tpu.memory_space<vmem>>
      %dma_wait3A_122 = tpu.memref_squeeze %dma_wait3A_121 : memref<1x125xi32, #tpu.memory_space<vmem>> -> memref<125xi32, #tpu.memory_space<vmem>>
      %dma_wait3A_123 = arith.constant 0 : i32
      %dma_wait3A_124 = arith.constant 0 : i32
      %dma_wait3A_125 = tpu.memref_slice %arg2[%dma_wait3A_123, %dma_wait3A_124] : memref<10000x128xbf16, #tpu.memory_space<hbm>> -> memref<10000x128xbf16, #tpu.memory_space<hbm>>
      tpu.wait_indirect_dma semaphore(%arg19 : memref<!tpu.dma_semaphore, #tpu.memory_space<semaphore_mem>>) src(%dma_wait3A_125 : memref<10000x128xbf16, #tpu.memory_space<hbm>>) dst(%arg11 : memref<125x128xbf16, #tpu.memory_space<vmem>>)
      %dma_start3A_126 = arith.constant 0 : i32
      %dma_start3A_127 = tpu.memref_slice %arg8[%add3A_119, %dma_start3A_126] : memref<80x125xi32, #tpu.memory_space<vmem>> -> memref<1x125xi32, #tpu.memory_space<vmem>>
      %dma_start3A_128 = tpu.memref_squeeze %dma_start3A_127 : memref<1x125xi32, #tpu.memory_space<vmem>> -> memref<125xi32, #tpu.memory_space<vmem>>
      %dma_start3A_129 = arith.constant 0 : i32
      %dma_start3A_130 = arith.constant 0 : i32
      %dma_start3A_131 = tpu.memref_slice %arg33[%dma_start3A_129, %dma_start3A_130] : memref<10240x128xbf16, #tpu.memory_space<vmem_shared>> -> memref<10240x128xbf16, #tpu.memory_space<vmem_shared>>
      tpu.enqueue_indirect_dma source(%arg11 : memref<125x128xbf16, #tpu.memory_space<vmem>>) target(%dma_start3A_131 : memref<10240x128xbf16, #tpu.memory_space<vmem_shared>>) offsets(%dma_start3A_128 : memref<125xi32, #tpu.memory_space<vmem>>) semaphore(%arg27 : memref<!tpu.dma_semaphore, #tpu.memory_space<semaphore_mem>>) {add = true}
      %ge3A_132 = arith.constant 4 : i32
      %ge3A_133 = arith.cmpi sge, %add3A_119, %ge3A_132 : i32
      %convert_element_type3A_134 = arith.extui %ge3A_133 : i1 to i32
      %cond3A_135 = arith.constant 0 : i32
      %cond3A_136 = arith.cmpi ne, %convert_element_type3A_134, %cond3A_135 : i32
      scf.if %cond3A_136 {
        %sub3A = arith.constant 4 : i32
        %sub3A_284 = arith.subi %add3A_119, %sub3A : i32
        %dma_wait3A_285 = arith.constant 0 : i32
        %dma_wait3A_286 = tpu.memref_slice %arg8[%sub3A_284, %dma_wait3A_285] : memref<80x125xi32, #tpu.memory_space<vmem>> -> memref<1x125xi32, #tpu.memory_space<vmem>>
        %dma_wait3A_287 = tpu.memref_squeeze %dma_wait3A_286 : memref<1x125xi32, #tpu.memory_space<vmem>> -> memref<125xi32, #tpu.memory_space<vmem>>
        %dma_wait3A_288 = arith.constant 0 : i32
        %dma_wait3A_289 = arith.constant 0 : i32
        %dma_wait3A_290 = tpu.memref_slice %arg33[%dma_wait3A_288, %dma_wait3A_289] : memref<10240x128xbf16, #tpu.memory_space<vmem_shared>> -> memref<10240x128xbf16, #tpu.memory_space<vmem_shared>>
        tpu.wait_indirect_dma semaphore(%arg31 : memref<!tpu.dma_semaphore, #tpu.memory_space<semaphore_mem>>) src(%arg15 : memref<125x128xbf16, #tpu.memory_space<vmem>>) dst(%dma_wait3A_290 : memref<10240x128xbf16, #tpu.memory_space<vmem_shared>>)
      } else {
      }
      %add3A_137 = arith.constant 4 : i32
      %add3A_138 = arith.addi %add3A_119, %add3A_137 : i32
      %lt3A_139 = arith.constant 80 : i32
      %lt3A_140 = arith.cmpi slt, %add3A_138, %lt3A_139 : i32
      %convert_element_type3A_141 = arith.extui %lt3A_140 : i1 to i32
      %cond3A_142 = arith.constant 0 : i32
      %cond3A_143 = arith.cmpi ne, %convert_element_type3A_141, %cond3A_142 : i32
      scf.if %cond3A_143 {
        %add3A_284 = arith.constant 4 : i32
        %add3A_285 = arith.addi %add3A_119, %add3A_284 : i32
        %dma_start3A_286 = arith.constant 0 : i32
        %dma_start3A_287 = tpu.memref_slice %arg7[%add3A_285, %dma_start3A_286] : memref<80x125xi32, #tpu.memory_space<vmem>> -> memref<1x125xi32, #tpu.memory_space<vmem>>
        %dma_start3A_288 = tpu.memref_squeeze %dma_start3A_287 : memref<1x125xi32, #tpu.memory_space<vmem>> -> memref<125xi32, #tpu.memory_space<vmem>>
        %dma_start3A_289 = arith.constant 0 : i32
        %dma_start3A_290 = arith.constant 0 : i32
        %dma_start3A_291 = tpu.memref_slice %arg2[%dma_start3A_289, %dma_start3A_290] : memref<10000x128xbf16, #tpu.memory_space<hbm>> -> memref<10000x128xbf16, #tpu.memory_space<hbm>>
        tpu.enqueue_indirect_dma source(%dma_start3A_291 : memref<10000x128xbf16, #tpu.memory_space<hbm>>) target(%arg15 : memref<125x128xbf16, #tpu.memory_space<vmem>>) offsets(%dma_start3A_288 : memref<125xi32, #tpu.memory_space<vmem>>) semaphore(%arg23 : memref<!tpu.dma_semaphore, #tpu.memory_space<semaphore_mem>>)
      } else {
      }
      %mul3A_144 = arith.constant 8 : i32
      %mul3A_145 = arith.muli %scan3A_63, %mul3A_144 : i32
      %add3A_146 = arith.constant 3 : i32
      %add3A_147 = arith.addi %mul3A_145, %add3A_146 : i32
      %dma_wait3A_148 = arith.constant 0 : i32
      %dma_wait3A_149 = tpu.memref_slice %arg7[%add3A_147, %dma_wait3A_148] : memref<80x125xi32, #tpu.memory_space<vmem>> -> memref<1x125xi32, #tpu.memory_space<vmem>>
      %dma_wait3A_150 = tpu.memref_squeeze %dma_wait3A_149 : memref<1x125xi32, #tpu.memory_space<vmem>> -> memref<125xi32, #tpu.memory_space<vmem>>
      %dma_wait3A_151 = arith.constant 0 : i32
      %dma_wait3A_152 = arith.constant 0 : i32
      %dma_wait3A_153 = tpu.memref_slice %arg2[%dma_wait3A_151, %dma_wait3A_152] : memref<10000x128xbf16, #tpu.memory_space<hbm>> -> memref<10000x128xbf16, #tpu.memory_space<hbm>>
      tpu.wait_indirect_dma semaphore(%arg20 : memref<!tpu.dma_semaphore, #tpu.memory_space<semaphore_mem>>) src(%dma_wait3A_153 : memref<10000x128xbf16, #tpu.memory_space<hbm>>) dst(%arg12 : memref<125x128xbf16, #tpu.memory_space<vmem>>)
      %dma_start3A_154 = arith.constant 0 : i32
      %dma_start3A_155 = tpu.memref_slice %arg8[%add3A_147, %dma_start3A_154] : memref<80x125xi32, #tpu.memory_space<vmem>> -> memref<1x125xi32, #tpu.memory_space<vmem>>
      %dma_start3A_156 = tpu.memref_squeeze %dma_start3A_155 : memref<1x125xi32, #tpu.memory_space<vmem>> -> memref<125xi32, #tpu.memory_space<vmem>>
      %dma_start3A_157 = arith.constant 0 : i32
      %dma_start3A_158 = arith.constant 0 : i32
      %dma_start3A_159 = tpu.memref_slice %arg33[%dma_start3A_157, %dma_start3A_158] : memref<10240x128xbf16, #tpu.memory_space<vmem_shared>> -> memref<10240x128xbf16, #tpu.memory_space<vmem_shared>>
      tpu.enqueue_indirect_dma source(%arg12 : memref<125x128xbf16, #tpu.memory_space<vmem>>) target(%dma_start3A_159 : memref<10240x128xbf16, #tpu.memory_space<vmem_shared>>) offsets(%dma_start3A_156 : memref<125xi32, #tpu.memory_space<vmem>>) semaphore(%arg28 : memref<!tpu.dma_semaphore, #tpu.memory_space<semaphore_mem>>) {add = true}
      %ge3A_160 = arith.constant 4 : i32
      %ge3A_161 = arith.cmpi sge, %add3A_147, %ge3A_160 : i32
      %convert_element_type3A_162 = arith.extui %ge3A_161 : i1 to i32
      %cond3A_163 = arith.constant 0 : i32
      %cond3A_164 = arith.cmpi ne, %convert_element_type3A_162, %cond3A_163 : i32
      scf.if %cond3A_164 {
        %sub3A = arith.constant 4 : i32
        %sub3A_284 = arith.subi %add3A_147, %sub3A : i32
        %dma_wait3A_285 = arith.constant 0 : i32
        %dma_wait3A_286 = tpu.memref_slice %arg8[%sub3A_284, %dma_wait3A_285] : memref<80x125xi32, #tpu.memory_space<vmem>> -> memref<1x125xi32, #tpu.memory_space<vmem>>
        %dma_wait3A_287 = tpu.memref_squeeze %dma_wait3A_286 : memref<1x125xi32, #tpu.memory_space<vmem>> -> memref<125xi32, #tpu.memory_space<vmem>>
        %dma_wait3A_288 = arith.constant 0 : i32
        %dma_wait3A_289 = arith.constant 0 : i32
        %dma_wait3A_290 = tpu.memref_slice %arg33[%dma_wait3A_288, %dma_wait3A_289] : memref<10240x128xbf16, #tpu.memory_space<vmem_shared>> -> memref<10240x128xbf16, #tpu.memory_space<vmem_shared>>
        tpu.wait_indirect_dma semaphore(%arg32 : memref<!tpu.dma_semaphore, #tpu.memory_space<semaphore_mem>>) src(%arg16 : memref<125x128xbf16, #tpu.memory_space<vmem>>) dst(%dma_wait3A_290 : memref<10240x128xbf16, #tpu.memory_space<vmem_shared>>)
      } else {
      }
      %add3A_165 = arith.constant 4 : i32
      %add3A_166 = arith.addi %add3A_147, %add3A_165 : i32
      %lt3A_167 = arith.constant 80 : i32
      %lt3A_168 = arith.cmpi slt, %add3A_166, %lt3A_167 : i32
      %convert_element_type3A_169 = arith.extui %lt3A_168 : i1 to i32
      %cond3A_170 = arith.constant 0 : i32
      %cond3A_171 = arith.cmpi ne, %convert_element_type3A_169, %cond3A_170 : i32
      scf.if %cond3A_171 {
        %add3A_284 = arith.constant 4 : i32
        %add3A_285 = arith.addi %add3A_147, %add3A_284 : i32
        %dma_start3A_286 = arith.constant 0 : i32
        %dma_start3A_287 = tpu.memref_slice %arg7[%add3A_285, %dma_start3A_286] : memref<80x125xi32, #tpu.memory_space<vmem>> -> memref<1x125xi32, #tpu.memory_space<vmem>>
        %dma_start3A_288 = tpu.memref_squeeze %dma_start3A_287 : memref<1x125xi32, #tpu.memory_space<vmem>> -> memref<125xi32, #tpu.memory_space<vmem>>
        %dma_start3A_289 = arith.constant 0 : i32
        %dma_start3A_290 = arith.constant 0 : i32
        %dma_start3A_291 = tpu.memref_slice %arg2[%dma_start3A_289, %dma_start3A_290] : memref<10000x128xbf16, #tpu.memory_space<hbm>> -> memref<10000x128xbf16, #tpu.memory_space<hbm>>
        tpu.enqueue_indirect_dma source(%dma_start3A_291 : memref<10000x128xbf16, #tpu.memory_space<hbm>>) target(%arg16 : memref<125x128xbf16, #tpu.memory_space<vmem>>) offsets(%dma_start3A_288 : memref<125xi32, #tpu.memory_space<vmem>>) semaphore(%arg24 : memref<!tpu.dma_semaphore, #tpu.memory_space<semaphore_mem>>)
      } else {
      }
      %mul3A_172 = arith.constant 8 : i32
      %mul3A_173 = arith.muli %scan3A_63, %mul3A_172 : i32
      %add3A_174 = arith.constant 4 : i32
      %add3A_175 = arith.addi %mul3A_173, %add3A_174 : i32
      %dma_wait3A_176 = arith.constant 0 : i32
      %dma_wait3A_177 = tpu.memref_slice %arg7[%add3A_175, %dma_wait3A_176] : memref<80x125xi32, #tpu.memory_space<vmem>> -> memref<1x125xi32, #tpu.memory_space<vmem>>
      %dma_wait3A_178 = tpu.memref_squeeze %dma_wait3A_177 : memref<1x125xi32, #tpu.memory_space<vmem>> -> memref<125xi32, #tpu.memory_space<vmem>>
      %dma_wait3A_179 = arith.constant 0 : i32
      %dma_wait3A_180 = arith.constant 0 : i32
      %dma_wait3A_181 = tpu.memref_slice %arg2[%dma_wait3A_179, %dma_wait3A_180] : memref<10000x128xbf16, #tpu.memory_space<hbm>> -> memref<10000x128xbf16, #tpu.memory_space<hbm>>
      tpu.wait_indirect_dma semaphore(%arg21 : memref<!tpu.dma_semaphore, #tpu.memory_space<semaphore_mem>>) src(%dma_wait3A_181 : memref<10000x128xbf16, #tpu.memory_space<hbm>>) dst(%arg13 : memref<125x128xbf16, #tpu.memory_space<vmem>>)
      %dma_start3A_182 = arith.constant 0 : i32
      %dma_start3A_183 = tpu.memref_slice %arg8[%add3A_175, %dma_start3A_182] : memref<80x125xi32, #tpu.memory_space<vmem>> -> memref<1x125xi32, #tpu.memory_space<vmem>>
      %dma_start3A_184 = tpu.memref_squeeze %dma_start3A_183 : memref<1x125xi32, #tpu.memory_space<vmem>> -> memref<125xi32, #tpu.memory_space<vmem>>
      %dma_start3A_185 = arith.constant 0 : i32
      %dma_start3A_186 = arith.constant 0 : i32
      %dma_start3A_187 = tpu.memref_slice %arg33[%dma_start3A_185, %dma_start3A_186] : memref<10240x128xbf16, #tpu.memory_space<vmem_shared>> -> memref<10240x128xbf16, #tpu.memory_space<vmem_shared>>
      tpu.enqueue_indirect_dma source(%arg13 : memref<125x128xbf16, #tpu.memory_space<vmem>>) target(%dma_start3A_187 : memref<10240x128xbf16, #tpu.memory_space<vmem_shared>>) offsets(%dma_start3A_184 : memref<125xi32, #tpu.memory_space<vmem>>) semaphore(%arg29 : memref<!tpu.dma_semaphore, #tpu.memory_space<semaphore_mem>>) {add = true}
      %ge3A_188 = arith.constant 4 : i32
      %ge3A_189 = arith.cmpi sge, %add3A_175, %ge3A_188 : i32
      %convert_element_type3A_190 = arith.extui %ge3A_189 : i1 to i32
      %cond3A_191 = arith.constant 0 : i32
      %cond3A_192 = arith.cmpi ne, %convert_element_type3A_190, %cond3A_191 : i32
      scf.if %cond3A_192 {
        %sub3A = arith.constant 4 : i32
        %sub3A_284 = arith.subi %add3A_175, %sub3A : i32
        %dma_wait3A_285 = arith.constant 0 : i32
        %dma_wait3A_286 = tpu.memref_slice %arg8[%sub3A_284, %dma_wait3A_285] : memref<80x125xi32, #tpu.memory_space<vmem>> -> memref<1x125xi32, #tpu.memory_space<vmem>>
        %dma_wait3A_287 = tpu.memref_squeeze %dma_wait3A_286 : memref<1x125xi32, #tpu.memory_space<vmem>> -> memref<125xi32, #tpu.memory_space<vmem>>
        %dma_wait3A_288 = arith.constant 0 : i32
        %dma_wait3A_289 = arith.constant 0 : i32
        %dma_wait3A_290 = tpu.memref_slice %arg33[%dma_wait3A_288, %dma_wait3A_289] : memref<10240x128xbf16, #tpu.memory_space<vmem_shared>> -> memref<10240x128xbf16, #tpu.memory_space<vmem_shared>>
        tpu.wait_indirect_dma semaphore(%arg25 : memref<!tpu.dma_semaphore, #tpu.memory_space<semaphore_mem>>) src(%arg9 : memref<125x128xbf16, #tpu.memory_space<vmem>>) dst(%dma_wait3A_290 : memref<10240x128xbf16, #tpu.memory_space<vmem_shared>>)
      } else {
      }
      %add3A_193 = arith.constant 4 : i32
      %add3A_194 = arith.addi %add3A_175, %add3A_193 : i32
      %lt3A_195 = arith.constant 80 : i32
      %lt3A_196 = arith.cmpi slt, %add3A_194, %lt3A_195 : i32
      %convert_element_type3A_197 = arith.extui %lt3A_196 : i1 to i32
      %cond3A_198 = arith.constant 0 : i32
      %cond3A_199 = arith.cmpi ne, %convert_element_type3A_197, %cond3A_198 : i32
      scf.if %cond3A_199 {
        %add3A_284 = arith.constant 4 : i32
        %add3A_285 = arith.addi %add3A_175, %add3A_284 : i32
        %dma_start3A_286 = arith.constant 0 : i32
        %dma_start3A_287 = tpu.memref_slice %arg7[%add3A_285, %dma_start3A_286] : memref<80x125xi32, #tpu.memory_space<vmem>> -> memref<1x125xi32, #tpu.memory_space<vmem>>
        %dma_start3A_288 = tpu.memref_squeeze %dma_start3A_287 : memref<1x125xi32, #tpu.memory_space<vmem>> -> memref<125xi32, #tpu.memory_space<vmem>>
        %dma_start3A_289 = arith.constant 0 : i32
        %dma_start3A_290 = arith.constant 0 : i32
        %dma_start3A_291 = tpu.memref_slice %arg2[%dma_start3A_289, %dma_start3A_290] : memref<10000x128xbf16, #tpu.memory_space<hbm>> -> memref<10000x128xbf16, #tpu.memory_space<hbm>>
        tpu.enqueue_indirect_dma source(%dma_start3A_291 : memref<10000x128xbf16, #tpu.memory_space<hbm>>) target(%arg9 : memref<125x128xbf16, #tpu.memory_space<vmem>>) offsets(%dma_start3A_288 : memref<125xi32, #tpu.memory_space<vmem>>) semaphore(%arg17 : memref<!tpu.dma_semaphore, #tpu.memory_space<semaphore_mem>>)
      } else {
      }
      %mul3A_200 = arith.constant 8 : i32
      %mul3A_201 = arith.muli %scan3A_63, %mul3A_200 : i32
      %add3A_202 = arith.constant 5 : i32
      %add3A_203 = arith.addi %mul3A_201, %add3A_202 : i32
      %dma_wait3A_204 = arith.constant 0 : i32
      %dma_wait3A_205 = tpu.memref_slice %arg7[%add3A_203, %dma_wait3A_204] : memref<80x125xi32, #tpu.memory_space<vmem>> -> memref<1x125xi32, #tpu.memory_space<vmem>>
      %dma_wait3A_206 = tpu.memref_squeeze %dma_wait3A_205 : memref<1x125xi32, #tpu.memory_space<vmem>> -> memref<125xi32, #tpu.memory_space<vmem>>
      %dma_wait3A_207 = arith.constant 0 : i32
      %dma_wait3A_208 = arith.constant 0 : i32
      %dma_wait3A_209 = tpu.memref_slice %arg2[%dma_wait3A_207, %dma_wait3A_208] : memref<10000x128xbf16, #tpu.memory_space<hbm>> -> memref<10000x128xbf16, #tpu.memory_space<hbm>>
      tpu.wait_indirect_dma semaphore(%arg22 : memref<!tpu.dma_semaphore, #tpu.memory_space<semaphore_mem>>) src(%dma_wait3A_209 : memref<10000x128xbf16, #tpu.memory_space<hbm>>) dst(%arg14 : memref<125x128xbf16, #tpu.memory_space<vmem>>)
      %dma_start3A_210 = arith.constant 0 : i32
      %dma_start3A_211 = tpu.memref_slice %arg8[%add3A_203, %dma_start3A_210] : memref<80x125xi32, #tpu.memory_space<vmem>> -> memref<1x125xi32, #tpu.memory_space<vmem>>
      %dma_start3A_212 = tpu.memref_squeeze %dma_start3A_211 : memref<1x125xi32, #tpu.memory_space<vmem>> -> memref<125xi32, #tpu.memory_space<vmem>>
      %dma_start3A_213 = arith.constant 0 : i32
      %dma_start3A_214 = arith.constant 0 : i32
      %dma_start3A_215 = tpu.memref_slice %arg33[%dma_start3A_213, %dma_start3A_214] : memref<10240x128xbf16, #tpu.memory_space<vmem_shared>> -> memref<10240x128xbf16, #tpu.memory_space<vmem_shared>>
      tpu.enqueue_indirect_dma source(%arg14 : memref<125x128xbf16, #tpu.memory_space<vmem>>) target(%dma_start3A_215 : memref<10240x128xbf16, #tpu.memory_space<vmem_shared>>) offsets(%dma_start3A_212 : memref<125xi32, #tpu.memory_space<vmem>>) semaphore(%arg30 : memref<!tpu.dma_semaphore, #tpu.memory_space<semaphore_mem>>) {add = true}
      %ge3A_216 = arith.constant 4 : i32
      %ge3A_217 = arith.cmpi sge, %add3A_203, %ge3A_216 : i32
      %convert_element_type3A_218 = arith.extui %ge3A_217 : i1 to i32
      %cond3A_219 = arith.constant 0 : i32
      %cond3A_220 = arith.cmpi ne, %convert_element_type3A_218, %cond3A_219 : i32
      scf.if %cond3A_220 {
        %sub3A = arith.constant 4 : i32
        %sub3A_284 = arith.subi %add3A_203, %sub3A : i32
        %dma_wait3A_285 = arith.constant 0 : i32
        %dma_wait3A_286 = tpu.memref_slice %arg8[%sub3A_284, %dma_wait3A_285] : memref<80x125xi32, #tpu.memory_space<vmem>> -> memref<1x125xi32, #tpu.memory_space<vmem>>
        %dma_wait3A_287 = tpu.memref_squeeze %dma_wait3A_286 : memref<1x125xi32, #tpu.memory_space<vmem>> -> memref<125xi32, #tpu.memory_space<vmem>>
        %dma_wait3A_288 = arith.constant 0 : i32
        %dma_wait3A_289 = arith.constant 0 : i32
        %dma_wait3A_290 = tpu.memref_slice %arg33[%dma_wait3A_288, %dma_wait3A_289] : memref<10240x128xbf16, #tpu.memory_space<vmem_shared>> -> memref<10240x128xbf16, #tpu.memory_space<vmem_shared>>
        tpu.wait_indirect_dma semaphore(%arg26 : memref<!tpu.dma_semaphore, #tpu.memory_space<semaphore_mem>>) src(%arg10 : memref<125x128xbf16, #tpu.memory_space<vmem>>) dst(%dma_wait3A_290 : memref<10240x128xbf16, #tpu.memory_space<vmem_shared>>)
      } else {
      }
      %add3A_221 = arith.constant 4 : i32
      %add3A_222 = arith.addi %add3A_203, %add3A_221 : i32
      %lt3A_223 = arith.constant 80 : i32
      %lt3A_224 = arith.cmpi slt, %add3A_222, %lt3A_223 : i32
      %convert_element_type3A_225 = arith.extui %lt3A_224 : i1 to i32
      %cond3A_226 = arith.constant 0 : i32
      %cond3A_227 = arith.cmpi ne, %convert_element_type3A_225, %cond3A_226 : i32
      scf.if %cond3A_227 {
        %add3A_284 = arith.constant 4 : i32
        %add3A_285 = arith.addi %add3A_203, %add3A_284 : i32
        %dma_start3A_286 = arith.constant 0 : i32
        %dma_start3A_287 = tpu.memref_slice %arg7[%add3A_285, %dma_start3A_286] : memref<80x125xi32, #tpu.memory_space<vmem>> -> memref<1x125xi32, #tpu.memory_space<vmem>>
        %dma_start3A_288 = tpu.memref_squeeze %dma_start3A_287 : memref<1x125xi32, #tpu.memory_space<vmem>> -> memref<125xi32, #tpu.memory_space<vmem>>
        %dma_start3A_289 = arith.constant 0 : i32
        %dma_start3A_290 = arith.constant 0 : i32
        %dma_start3A_291 = tpu.memref_slice %arg2[%dma_start3A_289, %dma_start3A_290] : memref<10000x128xbf16, #tpu.memory_space<hbm>> -> memref<10000x128xbf16, #tpu.memory_space<hbm>>
        tpu.enqueue_indirect_dma source(%dma_start3A_291 : memref<10000x128xbf16, #tpu.memory_space<hbm>>) target(%arg10 : memref<125x128xbf16, #tpu.memory_space<vmem>>) offsets(%dma_start3A_288 : memref<125xi32, #tpu.memory_space<vmem>>) semaphore(%arg18 : memref<!tpu.dma_semaphore, #tpu.memory_space<semaphore_mem>>)
      } else {
      }
      %mul3A_228 = arith.constant 8 : i32
      %mul3A_229 = arith.muli %scan3A_63, %mul3A_228 : i32
      %add3A_230 = arith.constant 6 : i32
      %add3A_231 = arith.addi %mul3A_229, %add3A_230 : i32
      %dma_wait3A_232 = arith.constant 0 : i32
      %dma_wait3A_233 = tpu.memref_slice %arg7[%add3A_231, %dma_wait3A_232] : memref<80x125xi32, #tpu.memory_space<vmem>> -> memref<1x125xi32, #tpu.memory_space<vmem>>
      %dma_wait3A_234 = tpu.memref_squeeze %dma_wait3A_233 : memref<1x125xi32, #tpu.memory_space<vmem>> -> memref<125xi32, #tpu.memory_space<vmem>>
      %dma_wait3A_235 = arith.constant 0 : i32
      %dma_wait3A_236 = arith.constant 0 : i32
      %dma_wait3A_237 = tpu.memref_slice %arg2[%dma_wait3A_235, %dma_wait3A_236] : memref<10000x128xbf16, #tpu.memory_space<hbm>> -> memref<10000x128xbf16, #tpu.memory_space<hbm>>
      tpu.wait_indirect_dma semaphore(%arg23 : memref<!tpu.dma_semaphore, #tpu.memory_space<semaphore_mem>>) src(%dma_wait3A_237 : memref<10000x128xbf16, #tpu.memory_space<hbm>>) dst(%arg15 : memref<125x128xbf16, #tpu.memory_space<vmem>>)
      %dma_start3A_238 = arith.constant 0 : i32
      %dma_start3A_239 = tpu.memref_slice %arg8[%add3A_231, %dma_start3A_238] : memref<80x125xi32, #tpu.memory_space<vmem>> -> memref<1x125xi32, #tpu.memory_space<vmem>>
      %dma_start3A_240 = tpu.memref_squeeze %dma_start3A_239 : memref<1x125xi32, #tpu.memory_space<vmem>> -> memref<125xi32, #tpu.memory_space<vmem>>
      %dma_start3A_241 = arith.constant 0 : i32
      %dma_start3A_242 = arith.constant 0 : i32
      %dma_start3A_243 = tpu.memref_slice %arg33[%dma_start3A_241, %dma_start3A_242] : memref<10240x128xbf16, #tpu.memory_space<vmem_shared>> -> memref<10240x128xbf16, #tpu.memory_space<vmem_shared>>
      tpu.enqueue_indirect_dma source(%arg15 : memref<125x128xbf16, #tpu.memory_space<vmem>>) target(%dma_start3A_243 : memref<10240x128xbf16, #tpu.memory_space<vmem_shared>>) offsets(%dma_start3A_240 : memref<125xi32, #tpu.memory_space<vmem>>) semaphore(%arg31 : memref<!tpu.dma_semaphore, #tpu.memory_space<semaphore_mem>>) {add = true}
      %ge3A_244 = arith.constant 4 : i32
      %ge3A_245 = arith.cmpi sge, %add3A_231, %ge3A_244 : i32
      %convert_element_type3A_246 = arith.extui %ge3A_245 : i1 to i32
      %cond3A_247 = arith.constant 0 : i32
      %cond3A_248 = arith.cmpi ne, %convert_element_type3A_246, %cond3A_247 : i32
      scf.if %cond3A_248 {
        %sub3A = arith.constant 4 : i32
        %sub3A_284 = arith.subi %add3A_231, %sub3A : i32
        %dma_wait3A_285 = arith.constant 0 : i32
        %dma_wait3A_286 = tpu.memref_slice %arg8[%sub3A_284, %dma_wait3A_285] : memref<80x125xi32, #tpu.memory_space<vmem>> -> memref<1x125xi32, #tpu.memory_space<vmem>>
        %dma_wait3A_287 = tpu.memref_squeeze %dma_wait3A_286 : memref<1x125xi32, #tpu.memory_space<vmem>> -> memref<125xi32, #tpu.memory_space<vmem>>
        %dma_wait3A_288 = arith.constant 0 : i32
        %dma_wait3A_289 = arith.constant 0 : i32
        %dma_wait3A_290 = tpu.memref_slice %arg33[%dma_wait3A_288, %dma_wait3A_289] : memref<10240x128xbf16, #tpu.memory_space<vmem_shared>> -> memref<10240x128xbf16, #tpu.memory_space<vmem_shared>>
        tpu.wait_indirect_dma semaphore(%arg27 : memref<!tpu.dma_semaphore, #tpu.memory_space<semaphore_mem>>) src(%arg11 : memref<125x128xbf16, #tpu.memory_space<vmem>>) dst(%dma_wait3A_290 : memref<10240x128xbf16, #tpu.memory_space<vmem_shared>>)
      } else {
      }
      %add3A_249 = arith.constant 4 : i32
      %add3A_250 = arith.addi %add3A_231, %add3A_249 : i32
      %lt3A_251 = arith.constant 80 : i32
      %lt3A_252 = arith.cmpi slt, %add3A_250, %lt3A_251 : i32
      %convert_element_type3A_253 = arith.extui %lt3A_252 : i1 to i32
      %cond3A_254 = arith.constant 0 : i32
      %cond3A_255 = arith.cmpi ne, %convert_element_type3A_253, %cond3A_254 : i32
      scf.if %cond3A_255 {
        %add3A_284 = arith.constant 4 : i32
        %add3A_285 = arith.addi %add3A_231, %add3A_284 : i32
        %dma_start3A_286 = arith.constant 0 : i32
        %dma_start3A_287 = tpu.memref_slice %arg7[%add3A_285, %dma_start3A_286] : memref<80x125xi32, #tpu.memory_space<vmem>> -> memref<1x125xi32, #tpu.memory_space<vmem>>
        %dma_start3A_288 = tpu.memref_squeeze %dma_start3A_287 : memref<1x125xi32, #tpu.memory_space<vmem>> -> memref<125xi32, #tpu.memory_space<vmem>>
        %dma_start3A_289 = arith.constant 0 : i32
        %dma_start3A_290 = arith.constant 0 : i32
        %dma_start3A_291 = tpu.memref_slice %arg2[%dma_start3A_289, %dma_start3A_290] : memref<10000x128xbf16, #tpu.memory_space<hbm>> -> memref<10000x128xbf16, #tpu.memory_space<hbm>>
        tpu.enqueue_indirect_dma source(%dma_start3A_291 : memref<10000x128xbf16, #tpu.memory_space<hbm>>) target(%arg11 : memref<125x128xbf16, #tpu.memory_space<vmem>>) offsets(%dma_start3A_288 : memref<125xi32, #tpu.memory_space<vmem>>) semaphore(%arg19 : memref<!tpu.dma_semaphore, #tpu.memory_space<semaphore_mem>>)
      } else {
      }
      %mul3A_256 = arith.constant 8 : i32
      %mul3A_257 = arith.muli %scan3A_63, %mul3A_256 : i32
      %add3A_258 = arith.constant 7 : i32
      %add3A_259 = arith.addi %mul3A_257, %add3A_258 : i32
      %dma_wait3A_260 = arith.constant 0 : i32
      %dma_wait3A_261 = tpu.memref_slice %arg7[%add3A_259, %dma_wait3A_260] : memref<80x125xi32, #tpu.memory_space<vmem>> -> memref<1x125xi32, #tpu.memory_space<vmem>>
      %dma_wait3A_262 = tpu.memref_squeeze %dma_wait3A_261 : memref<1x125xi32, #tpu.memory_space<vmem>> -> memref<125xi32, #tpu.memory_space<vmem>>
      %dma_wait3A_263 = arith.constant 0 : i32
      %dma_wait3A_264 = arith.constant 0 : i32
      %dma_wait3A_265 = tpu.memref_slice %arg2[%dma_wait3A_263, %dma_wait3A_264] : memref<10000x128xbf16, #tpu.memory_space<hbm>> -> memref<10000x128xbf16, #tpu.memory_space<hbm>>
      tpu.wait_indirect_dma semaphore(%arg24 : memref<!tpu.dma_semaphore, #tpu.memory_space<semaphore_mem>>) src(%dma_wait3A_265 : memref<10000x128xbf16, #tpu.memory_space<hbm>>) dst(%arg16 : memref<125x128xbf16, #tpu.memory_space<vmem>>)
      %dma_start3A_266 = arith.constant 0 : i32
      %dma_start3A_267 = tpu.memref_slice %arg8[%add3A_259, %dma_start3A_266] : memref<80x125xi32, #tpu.memory_space<vmem>> -> memref<1x125xi32, #tpu.memory_space<vmem>>
      %dma_start3A_268 = tpu.memref_squeeze %dma_start3A_267 : memref<1x125xi32, #tpu.memory_space<vmem>> -> memref<125xi32, #tpu.memory_space<vmem>>
      %dma_start3A_269 = arith.constant 0 : i32
      %dma_start3A_270 = arith.constant 0 : i32
      %dma_start3A_271 = tpu.memref_slice %arg33[%dma_start3A_269, %dma_start3A_270] : memref<10240x128xbf16, #tpu.memory_space<vmem_shared>> -> memref<10240x128xbf16, #tpu.memory_space<vmem_shared>>
      tpu.enqueue_indirect_dma source(%arg16 : memref<125x128xbf16, #tpu.memory_space<vmem>>) target(%dma_start3A_271 : memref<10240x128xbf16, #tpu.memory_space<vmem_shared>>) offsets(%dma_start3A_268 : memref<125xi32, #tpu.memory_space<vmem>>) semaphore(%arg32 : memref<!tpu.dma_semaphore, #tpu.memory_space<semaphore_mem>>) {add = true}
      %ge3A_272 = arith.constant 4 : i32
      %ge3A_273 = arith.cmpi sge, %add3A_259, %ge3A_272 : i32
      %convert_element_type3A_274 = arith.extui %ge3A_273 : i1 to i32
      %cond3A_275 = arith.constant 0 : i32
      %cond3A_276 = arith.cmpi ne, %convert_element_type3A_274, %cond3A_275 : i32
      scf.if %cond3A_276 {
        %sub3A = arith.constant 4 : i32
        %sub3A_284 = arith.subi %add3A_259, %sub3A : i32
        %dma_wait3A_285 = arith.constant 0 : i32
        %dma_wait3A_286 = tpu.memref_slice %arg8[%sub3A_284, %dma_wait3A_285] : memref<80x125xi32, #tpu.memory_space<vmem>> -> memref<1x125xi32, #tpu.memory_space<vmem>>
        %dma_wait3A_287 = tpu.memref_squeeze %dma_wait3A_286 : memref<1x125xi32, #tpu.memory_space<vmem>> -> memref<125xi32, #tpu.memory_space<vmem>>
        %dma_wait3A_288 = arith.constant 0 : i32
        %dma_wait3A_289 = arith.constant 0 : i32
        %dma_wait3A_290 = tpu.memref_slice %arg33[%dma_wait3A_288, %dma_wait3A_289] : memref<10240x128xbf16, #tpu.memory_space<vmem_shared>> -> memref<10240x128xbf16, #tpu.memory_space<vmem_shared>>
        tpu.wait_indirect_dma semaphore(%arg28 : memref<!tpu.dma_semaphore, #tpu.memory_space<semaphore_mem>>) src(%arg12 : memref<125x128xbf16, #tpu.memory_space<vmem>>) dst(%dma_wait3A_290 : memref<10240x128xbf16, #tpu.memory_space<vmem_shared>>)
      } else {
      }
      %add3A_277 = arith.constant 4 : i32
      %add3A_278 = arith.addi %add3A_259, %add3A_277 : i32
      %lt3A_279 = arith.constant 80 : i32
      %lt3A_280 = arith.cmpi slt, %add3A_278, %lt3A_279 : i32
      %convert_element_type3A_281 = arith.extui %lt3A_280 : i1 to i32
      %cond3A_282 = arith.constant 0 : i32
      %cond3A_283 = arith.cmpi ne, %convert_element_type3A_281, %cond3A_282 : i32
      scf.if %cond3A_283 {
        %add3A_284 = arith.constant 4 : i32
        %add3A_285 = arith.addi %add3A_259, %add3A_284 : i32
        %dma_start3A_286 = arith.constant 0 : i32
        %dma_start3A_287 = tpu.memref_slice %arg7[%add3A_285, %dma_start3A_286] : memref<80x125xi32, #tpu.memory_space<vmem>> -> memref<1x125xi32, #tpu.memory_space<vmem>>
        %dma_start3A_288 = tpu.memref_squeeze %dma_start3A_287 : memref<1x125xi32, #tpu.memory_space<vmem>> -> memref<125xi32, #tpu.memory_space<vmem>>
        %dma_start3A_289 = arith.constant 0 : i32
        %dma_start3A_290 = arith.constant 0 : i32
        %dma_start3A_291 = tpu.memref_slice %arg2[%dma_start3A_289, %dma_start3A_290] : memref<10000x128xbf16, #tpu.memory_space<hbm>> -> memref<10000x128xbf16, #tpu.memory_space<hbm>>
        tpu.enqueue_indirect_dma source(%dma_start3A_291 : memref<10000x128xbf16, #tpu.memory_space<hbm>>) target(%arg12 : memref<125x128xbf16, #tpu.memory_space<vmem>>) offsets(%dma_start3A_288 : memref<125xi32, #tpu.memory_space<vmem>>) semaphore(%arg20 : memref<!tpu.dma_semaphore, #tpu.memory_space<semaphore_mem>>)
      } else {
      }
    }
    %scan3A_34 = arith.constant 10 : i32
    %dma_wait3A = arith.constant 76 : i32
    %dma_wait3A_35 = arith.constant 0 : i32
    %dma_wait3A_36 = tpu.memref_slice %arg8[%dma_wait3A, %dma_wait3A_35] : memref<80x125xi32, #tpu.memory_space<vmem>> -> memref<1x125xi32, #tpu.memory_space<vmem>>
    %dma_wait3A_37 = tpu.memref_squeeze %dma_wait3A_36 : memref<1x125xi32, #tpu.memory_space<vmem>> -> memref<125xi32, #tpu.memory_space<vmem>>
    %dma_wait3A_38 = arith.constant 0 : i32
    %dma_wait3A_39 = arith.constant 0 : i32
    %dma_wait3A_40 = tpu.memref_slice %arg33[%dma_wait3A_38, %dma_wait3A_39] : memref<10240x128xbf16, #tpu.memory_space<vmem_shared>> -> memref<10240x128xbf16, #tpu.memory_space<vmem_shared>>
    tpu.wait_indirect_dma semaphore(%arg29 : memref<!tpu.dma_semaphore, #tpu.memory_space<semaphore_mem>>) src(%arg13 : memref<125x128xbf16, #tpu.memory_space<vmem>>) dst(%dma_wait3A_40 : memref<10240x128xbf16, #tpu.memory_space<vmem_shared>>)
    %dma_wait3A_41 = arith.constant 77 : i32
    %dma_wait3A_42 = arith.constant 0 : i32
    %dma_wait3A_43 = tpu.memref_slice %arg8[%dma_wait3A_41, %dma_wait3A_42] : memref<80x125xi32, #tpu.memory_space<vmem>> -> memref<1x125xi32, #tpu.memory_space<vmem>>
    %dma_wait3A_44 = tpu.memref_squeeze %dma_wait3A_43 : memref<1x125xi32, #tpu.memory_space<vmem>> -> memref<125xi32, #tpu.memory_space<vmem>>
    %dma_wait3A_45 = arith.constant 0 : i32
    %dma_wait3A_46 = arith.constant 0 : i32
    %dma_wait3A_47 = tpu.memref_slice %arg33[%dma_wait3A_45, %dma_wait3A_46] : memref<10240x128xbf16, #tpu.memory_space<vmem_shared>> -> memref<10240x128xbf16, #tpu.memory_space<vmem_shared>>
    tpu.wait_indirect_dma semaphore(%arg30 : memref<!tpu.dma_semaphore, #tpu.memory_space<semaphore_mem>>) src(%arg14 : memref<125x128xbf16, #tpu.memory_space<vmem>>) dst(%dma_wait3A_47 : memref<10240x128xbf16, #tpu.memory_space<vmem_shared>>)
    %dma_wait3A_48 = arith.constant 78 : i32
    %dma_wait3A_49 = arith.constant 0 : i32
    %dma_wait3A_50 = tpu.memref_slice %arg8[%dma_wait3A_48, %dma_wait3A_49] : memref<80x125xi32, #tpu.memory_space<vmem>> -> memref<1x125xi32, #tpu.memory_space<vmem>>
    %dma_wait3A_51 = tpu.memref_squeeze %dma_wait3A_50 : memref<1x125xi32, #tpu.memory_space<vmem>> -> memref<125xi32, #tpu.memory_space<vmem>>
    %dma_wait3A_52 = arith.constant 0 : i32
    %dma_wait3A_53 = arith.constant 0 : i32
    %dma_wait3A_54 = tpu.memref_slice %arg33[%dma_wait3A_52, %dma_wait3A_53] : memref<10240x128xbf16, #tpu.memory_space<vmem_shared>> -> memref<10240x128xbf16, #tpu.memory_space<vmem_shared>>
    tpu.wait_indirect_dma semaphore(%arg31 : memref<!tpu.dma_semaphore, #tpu.memory_space<semaphore_mem>>) src(%arg15 : memref<125x128xbf16, #tpu.memory_space<vmem>>) dst(%dma_wait3A_54 : memref<10240x128xbf16, #tpu.memory_space<vmem_shared>>)
    %dma_wait3A_55 = arith.constant 79 : i32
    %dma_wait3A_56 = arith.constant 0 : i32
    %dma_wait3A_57 = tpu.memref_slice %arg8[%dma_wait3A_55, %dma_wait3A_56] : memref<80x125xi32, #tpu.memory_space<vmem>> -> memref<1x125xi32, #tpu.memory_space<vmem>>
    %dma_wait3A_58 = tpu.memref_squeeze %dma_wait3A_57 : memref<1x125xi32, #tpu.memory_space<vmem>> -> memref<125xi32, #tpu.memory_space<vmem>>
    %dma_wait3A_59 = arith.constant 0 : i32
    %dma_wait3A_60 = arith.constant 0 : i32
    %dma_wait3A_61 = tpu.memref_slice %arg33[%dma_wait3A_59, %dma_wait3A_60] : memref<10240x128xbf16, #tpu.memory_space<vmem_shared>> -> memref<10240x128xbf16, #tpu.memory_space<vmem_shared>>
    tpu.wait_indirect_dma semaphore(%arg32 : memref<!tpu.dma_semaphore, #tpu.memory_space<semaphore_mem>>) src(%arg16 : memref<125x128xbf16, #tpu.memory_space<vmem>>) dst(%dma_wait3A_61 : memref<10240x128xbf16, #tpu.memory_space<vmem_shared>>)
    %barrier3A_62 = arith.constant 0 : index
    tpu.barrier barrier_id(%barrier3A_62)
    "tpu.region"() ({
      %run_scoped3A = tpu.sem_alloc : memref<!tpu.dma_semaphore, #tpu.memory_space<semaphore_mem>>
      %dma_start3A_63 = arith.constant 0 : i32
      %dma_start3A_64 = tpu.memref_slice %arg6[%arg0, %multiple_of3A, %dma_start3A_63] : memref<2x10240x128xbf16, #tpu.memory_space<hbm>> -> memref<1x640x128xbf16, #tpu.memory_space<hbm>>
      %dma_start3A_65 = tpu.memref_squeeze %dma_start3A_64 : memref<1x640x128xbf16, #tpu.memory_space<hbm>> -> memref<640x128xbf16, #tpu.memory_space<hbm>>
      %dma_start3A_66 = arith.constant 0 : i32
      %dma_start3A_67 = tpu.memref_slice %arg33[%multiple_of3A, %dma_start3A_66] : memref<10240x128xbf16, #tpu.memory_space<vmem_shared>> -> memref<640x128xbf16, #tpu.memory_space<vmem_shared>>
      tpu.enqueue_dma source(%dma_start3A_67 : memref<640x128xbf16, #tpu.memory_space<vmem_shared>>) target(%dma_start3A_65 : memref<640x128xbf16, #tpu.memory_space<hbm>>) target_semaphore(%run_scoped3A : memref<!tpu.dma_semaphore, #tpu.memory_space<semaphore_mem>>)
      %dma_wait3A_68 = arith.constant 0 : i32
      %dma_wait3A_69 = tpu.memref_slice %arg6[%arg0, %multiple_of3A, %dma_wait3A_68] : memref<2x10240x128xbf16, #tpu.memory_space<hbm>> -> memref<1x640x128xbf16, #tpu.memory_space<hbm>>
      %dma_wait3A_70 = tpu.memref_squeeze %dma_wait3A_69 : memref<1x640x128xbf16, #tpu.memory_space<hbm>> -> memref<640x128xbf16, #tpu.memory_space<hbm>>
      %dma_wait3A_71 = arith.constant 0 : i32
      %dma_wait3A_72 = tpu.memref_slice %arg33[%multiple_of3A, %dma_wait3A_71] : memref<10240x128xbf16, #tpu.memory_space<vmem_shared>> -> memref<640x128xbf16, #tpu.memory_space<vmem_shared>>
      tpu.wait_dma2 semaphore(%run_scoped3A : memref<!tpu.dma_semaphore, #tpu.memory_space<semaphore_mem>>) src(%dma_wait3A_72 : memref<640x128xbf16, #tpu.memory_space<vmem_shared>>) dst(%dma_wait3A_70 : memref<640x128xbf16, #tpu.memory_space<hbm>>)
      tpu.yield
    }) : () -> ()
    return
  }
}

module attributes {stable_mosaic.version = 14 : i64} {
  func.func @_tc_h1_body(%arg0: i32, %arg1: memref<1000x128xf32, #tpu.memory_space<vmem>>, %arg2: memref<128x128xf32, #tpu.memory_space<vmem>>, %arg3: memref<1000x128xf32, #tpu.memory_space<vmem>>) attributes {dimension_semantics = [#tpu.dimension_semantics<arbitrary>], iteration_bounds = array<i64: 10>, scalar_prefetch = 0 : i64, scratch_operands = 0 : i64, tpu.core_type = #tpu.core_type<tc>, window_params = [{transform_indices = @transform_0, window_bounds = array<i64: 1000, 128>}, {pipeline_mode = #tpu.pipeline_mode<synchronous>, transform_indices = @transform_1, window_bounds = array<i64: 128, 128>}, {transform_indices = @transform_2, window_bounds = array<i64: 1000, 128>}]} {
    %get3A = arith.constant 0 : index
    %get3A_0 = arith.constant 0 : index
    %get3A_1 = vector.load %arg1[%get3A, %get3A_0] : memref<1000x128xf32, #tpu.memory_space<vmem>>, vector<1000x128xf32>
    %get3A_2 = arith.constant 0 : index
    %get3A_3 = arith.constant 0 : index
    %get3A_4 = vector.load %arg2[%get3A_2, %get3A_3] : memref<128x128xf32, #tpu.memory_space<vmem>>, vector<128x128xf32>
    %dot_general3A = arith.constant dense<0.000000e+00> : vector<1000x128xf32>
    %dot_general3A_5 = tpu.matmul %get3A_1, %get3A_4, %dot_general3A {dimension_numbers = #tpu.dot_dimension_numbers<[1], [0], [0], [1], [0, 0, 1, 1], [], []>, transpose_lhs_hint = false} : vector<1000x128xf32>, vector<128x128xf32>, vector<1000x128xf32> -> vector<1000x128xf32>
    %swap3A = arith.constant 0 : index
    %swap3A_6 = arith.constant 0 : index
    %swap3A_7 = vector.load %arg3[%swap3A, %swap3A_6] : memref<1000x128xf32, #tpu.memory_space<vmem>>, vector<1000x128xf32>
    tpu.vector_store %arg3[%swap3A, %swap3A_6], %dot_general3A_5 {strides = array<i32>} : memref<1000x128xf32, #tpu.memory_space<vmem>>, vector<1000x128xf32>,
    return
  }
  func.func @transform_0(%arg0: i32) -> (i32, i32) {
    %c0_i32 = arith.constant 0 : i32
    %c0_i32_0 = arith.constant 0 : i32
    return %arg0, %c0_i32 : i32, i32
  }
  func.func @transform_1(%arg0: i32) -> (i32, i32) {
    %c0_i32 = arith.constant 0 : i32
    %c0_i32_0 = arith.constant 0 : i32
    %c0_i32_1 = arith.constant 0 : i32
    return %c0_i32, %c0_i32_0 : i32, i32
  }
  func.func @transform_2(%arg0: i32) -> (i32, i32) {
    %c0_i32 = arith.constant 0 : i32
    %c0_i32_0 = arith.constant 0 : i32
    return %arg0, %c0_i32 : i32, i32
  }
}

module attributes {stable_mosaic.version = 14 : i64} {
  func.func @_tc_first_body(%arg0: i32, %arg1: memref<1000x32xf32, #tpu.memory_space<vmem>>, %arg2: memref<1000x128xf32, #tpu.memory_space<vmem>>, %arg3: memref<1000x128xbf16, #tpu.memory_space<vmem>>, %arg4: memref<1000x1xf32, #tpu.memory_space<vmem>>) attributes {dimension_semantics = [#tpu.dimension_semantics<arbitrary>], iteration_bounds = array<i64: 10>, scalar_prefetch = 0 : i64, scratch_operands = 0 : i64, tpu.core_type = #tpu.core_type<tc>, window_params = [{transform_indices = @transform_0, window_bounds = array<i64: 1000, 32>}, {transform_indices = @transform_1, window_bounds = array<i64: 1000, 128>}, {transform_indices = @transform_2, window_bounds = array<i64: 1000, 128>}, {transform_indices = @transform_3, window_bounds = array<i64: 1000, 1>}]} {
    %get3A = arith.constant 0 : index
    %get3A_0 = arith.constant 0 : index
    %get3A_1 = vector.load %arg1[%get3A, %get3A_0] : memref<1000x32xf32, #tpu.memory_space<vmem>>, vector<1000x32xf32>
    %reduce_sum3A = arith.constant dense<0.000000e+00> : vector<1000xf32>
    %reduce_sum3A_2 = vector.multi_reduction <add>, %get3A_1, %reduce_sum3A [1] : vector<1000x32xf32> to vector<1000xf32>
    %add3A = arith.constant 1.000000e+00 : f32
    %add3A_3 = vector.broadcast %add3A : f32 to vector<1000xf32>
    %add3A_4 = arith.addf %reduce_sum3A_2, %add3A_3 : vector<1000xf32>
    %rsqrt3A = math.rsqrt %add3A_4 : vector<1000xf32>
    %broadcast_in_dim3A = vector.shape_cast %rsqrt3A : vector<1000xf32> to vector<1000x1xf32>
    %swap3A = arith.constant 0 : index
    %swap3A_5 = arith.constant 0 : index
    %swap3A_6 = vector.load %arg4[%swap3A, %swap3A_5] : memref<1000x1xf32, #tpu.memory_space<vmem>>, vector<1000x1xf32>
    tpu.vector_store %arg4[%swap3A, %swap3A_5], %broadcast_in_dim3A {strides = array<i32>} : memref<1000x1xf32, #tpu.memory_space<vmem>>, vector<1000x1xf32>,
    %get3A_7 = arith.constant 0 : index
    %get3A_8 = arith.constant 0 : index
    %get3A_9 = vector.load %arg2[%get3A_7, %get3A_8] : memref<1000x128xf32, #tpu.memory_space<vmem>>, vector<1000x128xf32>
    %mul3A = vector.broadcast %broadcast_in_dim3A : vector<1000x1xf32> to vector<1000x128xf32>
    %mul3A_10 = arith.mulf %get3A_9, %mul3A : vector<1000x128xf32>
    %convert_element_type3A = arith.truncf %mul3A_10 : vector<1000x128xf32> to vector<1000x128xbf16>
    %swap3A_11 = arith.constant 0 : index
    %swap3A_12 = arith.constant 0 : index
    %swap3A_13 = vector.load %arg3[%swap3A_11, %swap3A_12] : memref<1000x128xbf16, #tpu.memory_space<vmem>>, vector<1000x128xbf16>
    tpu.vector_store %arg3[%swap3A_11, %swap3A_12], %convert_element_type3A {strides = array<i32>} : memref<1000x128xbf16, #tpu.memory_space<vmem>>, vector<1000x128xbf16>,
    return
  }
  func.func @transform_0(%arg0: i32) -> (i32, i32) {
    %c0_i32 = arith.constant 0 : i32
    %c0_i32_0 = arith.constant 0 : i32
    return %arg0, %c0_i32 : i32, i32
  }
  func.func @transform_1(%arg0: i32) -> (i32, i32) {
    %c0_i32 = arith.constant 0 : i32
    %c0_i32_0 = arith.constant 0 : i32
    return %arg0, %c0_i32 : i32, i32
  }
  func.func @transform_2(%arg0: i32) -> (i32, i32) {
    %c0_i32 = arith.constant 0 : i32
    %c0_i32_0 = arith.constant 0 : i32
    return %arg0, %c0_i32 : i32, i32
  }
  func.func @transform_3(%arg0: i32) -> (i32, i32) {
    %c0_i32 = arith.constant 0 : i32
    %c0_i32_0 = arith.constant 0 : i32
    return %arg0, %c0_i32 : i32, i32
  }
}

module attributes {stable_mosaic.version = 14 : i64} {
  func.func @_tc_mid_body(%arg0: i32, %arg1: memref<2x1000x128xbf16, #tpu.memory_space<vmem>>, %arg2: memref<1000x128xbf16, #tpu.memory_space<vmem>>, %arg3: memref<1000x1xf32, #tpu.memory_space<vmem>>, %arg4: memref<1x128xf32, #tpu.memory_space<vmem>>, %arg5: memref<128x128xf32, #tpu.memory_space<vmem>>, %arg6: memref<1000x128xbf16, #tpu.memory_space<vmem>>) attributes {dimension_semantics = [#tpu.dimension_semantics<arbitrary>], iteration_bounds = array<i64: 10>, scalar_prefetch = 0 : i64, scratch_operands = 0 : i64, tpu.core_type = #tpu.core_type<tc>, window_params = [{transform_indices = @transform_0, window_bounds = array<i64: 2, 1000, 128>}, {transform_indices = @transform_1, window_bounds = array<i64: 1000, 128>}, {transform_indices = @transform_2, window_bounds = array<i64: 1000, 1>}, {pipeline_mode = #tpu.pipeline_mode<synchronous>, transform_indices = @transform_3, window_bounds = array<i64: 1, 128>}, {pipeline_mode = #tpu.pipeline_mode<synchronous>, transform_indices = @transform_4, window_bounds = array<i64: 128, 128>}, {transform_indices = @transform_5, window_bounds = array<i64: 1000, 128>}]} {
    %get3A = arith.constant 0 : index
    %get3A_0 = arith.constant 0 : index
    %get3A_1 = vector.load %arg3[%get3A, %get3A_0] : memref<1000x1xf32, #tpu.memory_space<vmem>>, vector<1000x1xf32>
    %get3A_2 = arith.constant 0 : index
    %get3A_3 = arith.constant 0 : index
    %get3A_4 = arith.constant 0 : index
    %get3A_5 = vector.load %arg1[%get3A_2, %get3A_3, %get3A_4] : memref<2x1000x128xbf16, #tpu.memory_space<vmem>>, vector<1x1000x128xbf16>
    %get3A_6 = vector.shape_cast %get3A_5 : vector<1x1000x128xbf16> to vector<1000x128xbf16>
    %convert_element_type3A = arith.extf %get3A_6 : vector<1000x128xbf16> to vector<1000x128xf32>
    %get3A_7 = arith.constant 1 : index
    %get3A_8 = arith.constant 0 : index
    %get3A_9 = arith.constant 0 : index
    %get3A_10 = vector.load %arg1[%get3A_7, %get3A_8, %get3A_9] : memref<2x1000x128xbf16, #tpu.memory_space<vmem>>, vector<1x1000x128xbf16>
    %get3A_11 = vector.shape_cast %get3A_10 : vector<1x1000x128xbf16> to vector<1000x128xbf16>
    %convert_element_type3A_12 = arith.extf %get3A_11 : vector<1000x128xbf16> to vector<1000x128xf32>
    %add3A = arith.addf %convert_element_type3A, %convert_element_type3A_12 : vector<1000x128xf32>
    %get3A_13 = arith.constant 0 : index
    %get3A_14 = arith.constant 0 : index
    %get3A_15 = vector.load %arg2[%get3A_13, %get3A_14] : memref<1000x128xbf16, #tpu.memory_space<vmem>>, vector<1000x128xbf16>
    %convert_element_type3A_16 = arith.extf %get3A_15 : vector<1000x128xbf16> to vector<1000x128xf32>
    %add3A_17 = arith.addf %add3A, %convert_element_type3A_16 : vector<1000x128xf32>
    %mul3A = vector.broadcast %get3A_1 : vector<1000x1xf32> to vector<1000x128xf32>
    %mul3A_18 = arith.mulf %mul3A, %add3A_17 : vector<1000x128xf32>
    %get3A_19 = arith.constant 0 : index
    %get3A_20 = arith.constant 0 : index
    %get3A_21 = vector.load %arg4[%get3A_19, %get3A_20] : memref<1x128xf32, #tpu.memory_space<vmem>>, vector<1x128xf32>
    %add3A_22 = vector.broadcast %get3A_21 : vector<1x128xf32> to vector<1000x128xf32>
    %add3A_23 = arith.addf %mul3A_18, %add3A_22 : vector<1000x128xf32>
    %max3A = arith.constant 0.000000e+00 : f32
    %max3A_24 = vector.broadcast %max3A : f32 to vector<1000x128xf32>
    %max3A_25 = arith.maximumf %add3A_23, %max3A_24 : vector<1000x128xf32>
    %mul3A_26 = vector.broadcast %get3A_1 : vector<1000x1xf32> to vector<1000x128xf32>
    %mul3A_27 = arith.mulf %max3A_25, %mul3A_26 : vector<1000x128xf32>
    %get3A_28 = arith.constant 0 : index
    %get3A_29 = arith.constant 0 : index
    %get3A_30 = vector.load %arg5[%get3A_28, %get3A_29] : memref<128x128xf32, #tpu.memory_space<vmem>>, vector<128x128xf32>
    %dot_general3A = arith.constant dense<0.000000e+00> : vector<1000x128xf32>
    %dot_general3A_31 = tpu.matmul %mul3A_27, %get3A_30, %dot_general3A {dimension_numbers = #tpu.dot_dimension_numbers<[1], [0], [0], [1], [0, 0, 1, 1], [], []>, transpose_lhs_hint = false} : vector<1000x128xf32>, vector<128x128xf32>, vector<1000x128xf32> -> vector<1000x128xf32>
    %convert_element_type3A_32 = arith.truncf %dot_general3A_31 : vector<1000x128xf32> to vector<1000x128xbf16>
    %swap3A = arith.constant 0 : index
    %swap3A_33 = arith.constant 0 : index
    %swap3A_34 = vector.load %arg6[%swap3A, %swap3A_33] : memref<1000x128xbf16, #tpu.memory_space<vmem>>, vector<1000x128xbf16>
    tpu.vector_store %arg6[%swap3A, %swap3A_33], %convert_element_type3A_32 {strides = array<i32>} : memref<1000x128xbf16, #tpu.memory_space<vmem>>, vector<1000x128xbf16>,
    return
  }
  func.func @transform_0(%arg0: i32) -> (i32, i32, i32) {
    %c0_i32 = arith.constant 0 : i32
    %c0_i32_0 = arith.constant 0 : i32
    %c0_i32_1 = arith.constant 0 : i32
    return %c0_i32, %arg0, %c0_i32_0 : i32, i32, i32
  }
  func.func @transform_1(%arg0: i32) -> (i32, i32) {
    %c0_i32 = arith.constant 0 : i32
    %c0_i32_0 = arith.constant 0 : i32
    return %arg0, %c0_i32 : i32, i32
  }
  func.func @transform_2(%arg0: i32) -> (i32, i32) {
    %c0_i32 = arith.constant 0 : i32
    %c0_i32_0 = arith.constant 0 : i32
    return %arg0, %c0_i32 : i32, i32
  }
  func.func @transform_3(%arg0: i32) -> (i32, i32) {
    %c0_i32 = arith.constant 0 : i32
    %c0_i32_0 = arith.constant 0 : i32
    %c0_i32_1 = arith.constant 0 : i32
    return %c0_i32, %c0_i32_0 : i32, i32
  }
  func.func @transform_4(%arg0: i32) -> (i32, i32) {
    %c0_i32 = arith.constant 0 : i32
    %c0_i32_0 = arith.constant 0 : i32
    %c0_i32_1 = arith.constant 0 : i32
    return %c0_i32, %c0_i32_0 : i32, i32
  }
  func.func @transform_5(%arg0: i32) -> (i32, i32) {
    %c0_i32 = arith.constant 0 : i32
    %c0_i32_0 = arith.constant 0 : i32
    return %arg0, %c0_i32 : i32, i32
  }
}

module attributes {stable_mosaic.version = 14 : i64} {
  func.func @_tc_mid_body(%arg0: i32, %arg1: memref<2x1000x128xbf16, #tpu.memory_space<vmem>>, %arg2: memref<1000x128xbf16, #tpu.memory_space<vmem>>, %arg3: memref<1000x1xf32, #tpu.memory_space<vmem>>, %arg4: memref<1x128xf32, #tpu.memory_space<vmem>>, %arg5: memref<128x64xf32, #tpu.memory_space<vmem>>, %arg6: memref<1000x64xbf16, #tpu.memory_space<vmem>>) attributes {dimension_semantics = [#tpu.dimension_semantics<arbitrary>], iteration_bounds = array<i64: 10>, scalar_prefetch = 0 : i64, scratch_operands = 0 : i64, tpu.core_type = #tpu.core_type<tc>, window_params = [{transform_indices = @transform_0, window_bounds = array<i64: 2, 1000, 128>}, {transform_indices = @transform_1, window_bounds = array<i64: 1000, 128>}, {transform_indices = @transform_2, window_bounds = array<i64: 1000, 1>}, {pipeline_mode = #tpu.pipeline_mode<synchronous>, transform_indices = @transform_3, window_bounds = array<i64: 1, 128>}, {pipeline_mode = #tpu.pipeline_mode<synchronous>, transform_indices = @transform_4, window_bounds = array<i64: 128, 64>}, {transform_indices = @transform_5, window_bounds = array<i64: 1000, 64>}]} {
    %get3A = arith.constant 0 : index
    %get3A_0 = arith.constant 0 : index
    %get3A_1 = vector.load %arg3[%get3A, %get3A_0] : memref<1000x1xf32, #tpu.memory_space<vmem>>, vector<1000x1xf32>
    %get3A_2 = arith.constant 0 : index
    %get3A_3 = arith.constant 0 : index
    %get3A_4 = arith.constant 0 : index
    %get3A_5 = vector.load %arg1[%get3A_2, %get3A_3, %get3A_4] : memref<2x1000x128xbf16, #tpu.memory_space<vmem>>, vector<1x1000x128xbf16>
    %get3A_6 = vector.shape_cast %get3A_5 : vector<1x1000x128xbf16> to vector<1000x128xbf16>
    %convert_element_type3A = arith.extf %get3A_6 : vector<1000x128xbf16> to vector<1000x128xf32>
    %get3A_7 = arith.constant 1 : index
    %get3A_8 = arith.constant 0 : index
    %get3A_9 = arith.constant 0 : index
    %get3A_10 = vector.load %arg1[%get3A_7, %get3A_8, %get3A_9] : memref<2x1000x128xbf16, #tpu.memory_space<vmem>>, vector<1x1000x128xbf16>
    %get3A_11 = vector.shape_cast %get3A_10 : vector<1x1000x128xbf16> to vector<1000x128xbf16>
    %convert_element_type3A_12 = arith.extf %get3A_11 : vector<1000x128xbf16> to vector<1000x128xf32>
    %add3A = arith.addf %convert_element_type3A, %convert_element_type3A_12 : vector<1000x128xf32>
    %get3A_13 = arith.constant 0 : index
    %get3A_14 = arith.constant 0 : index
    %get3A_15 = vector.load %arg2[%get3A_13, %get3A_14] : memref<1000x128xbf16, #tpu.memory_space<vmem>>, vector<1000x128xbf16>
    %convert_element_type3A_16 = arith.extf %get3A_15 : vector<1000x128xbf16> to vector<1000x128xf32>
    %add3A_17 = arith.addf %add3A, %convert_element_type3A_16 : vector<1000x128xf32>
    %mul3A = vector.broadcast %get3A_1 : vector<1000x1xf32> to vector<1000x128xf32>
    %mul3A_18 = arith.mulf %mul3A, %add3A_17 : vector<1000x128xf32>
    %get3A_19 = arith.constant 0 : index
    %get3A_20 = arith.constant 0 : index
    %get3A_21 = vector.load %arg4[%get3A_19, %get3A_20] : memref<1x128xf32, #tpu.memory_space<vmem>>, vector<1x128xf32>
    %add3A_22 = vector.broadcast %get3A_21 : vector<1x128xf32> to vector<1000x128xf32>
    %add3A_23 = arith.addf %mul3A_18, %add3A_22 : vector<1000x128xf32>
    %max3A = arith.constant 0.000000e+00 : f32
    %max3A_24 = vector.broadcast %max3A : f32 to vector<1000x128xf32>
    %max3A_25 = arith.maximumf %add3A_23, %max3A_24 : vector<1000x128xf32>
    %mul3A_26 = vector.broadcast %get3A_1 : vector<1000x1xf32> to vector<1000x128xf32>
    %mul3A_27 = arith.mulf %max3A_25, %mul3A_26 : vector<1000x128xf32>
    %get3A_28 = arith.constant 0 : index
    %get3A_29 = arith.constant 0 : index
    %get3A_30 = vector.load %arg5[%get3A_28, %get3A_29] : memref<128x64xf32, #tpu.memory_space<vmem>>, vector<128x64xf32>
    %dot_general3A = arith.constant dense<0.000000e+00> : vector<1000x64xf32>
    %dot_general3A_31 = tpu.matmul %mul3A_27, %get3A_30, %dot_general3A {dimension_numbers = #tpu.dot_dimension_numbers<[1], [0], [0], [1], [0, 0, 1, 1], [], []>, transpose_lhs_hint = false} : vector<1000x128xf32>, vector<128x64xf32>, vector<1000x64xf32> -> vector<1000x64xf32>
    %convert_element_type3A_32 = arith.truncf %dot_general3A_31 : vector<1000x64xf32> to vector<1000x64xbf16>
    %swap3A = arith.constant 0 : index
    %swap3A_33 = arith.constant 0 : index
    %swap3A_34 = vector.load %arg6[%swap3A, %swap3A_33] : memref<1000x64xbf16, #tpu.memory_space<vmem>>, vector<1000x64xbf16>
    tpu.vector_store %arg6[%swap3A, %swap3A_33], %convert_element_type3A_32 {strides = array<i32>} : memref<1000x64xbf16, #tpu.memory_space<vmem>>, vector<1000x64xbf16>,
    return
  }
  func.func @transform_0(%arg0: i32) -> (i32, i32, i32) {
    %c0_i32 = arith.constant 0 : i32
    %c0_i32_0 = arith.constant 0 : i32
    %c0_i32_1 = arith.constant 0 : i32
    return %c0_i32, %arg0, %c0_i32_0 : i32, i32, i32
  }
  func.func @transform_1(%arg0: i32) -> (i32, i32) {
    %c0_i32 = arith.constant 0 : i32
    %c0_i32_0 = arith.constant 0 : i32
    return %arg0, %c0_i32 : i32, i32
  }
  func.func @transform_2(%arg0: i32) -> (i32, i32) {
    %c0_i32 = arith.constant 0 : i32
    %c0_i32_0 = arith.constant 0 : i32
    return %arg0, %c0_i32 : i32, i32
  }
  func.func @transform_3(%arg0: i32) -> (i32, i32) {
    %c0_i32 = arith.constant 0 : i32
    %c0_i32_0 = arith.constant 0 : i32
    %c0_i32_1 = arith.constant 0 : i32
    return %c0_i32, %c0_i32_0 : i32, i32
  }
  func.func @transform_4(%arg0: i32) -> (i32, i32) {
    %c0_i32 = arith.constant 0 : i32
    %c0_i32_0 = arith.constant 0 : i32
    %c0_i32_1 = arith.constant 0 : i32
    return %c0_i32, %c0_i32_0 : i32, i32
  }
  func.func @transform_5(%arg0: i32) -> (i32, i32) {
    %c0_i32 = arith.constant 0 : i32
    %c0_i32_0 = arith.constant 0 : i32
    return %arg0, %c0_i32 : i32, i32
  }
}

module attributes {stable_mosaic.version = 14 : i64} {
  func.func @_tc_final_body(%arg0: i32, %arg1: memref<2x1000x64xbf16, #tpu.memory_space<vmem>>, %arg2: memref<1000x64xbf16, #tpu.memory_space<vmem>>, %arg3: memref<1000x1xf32, #tpu.memory_space<vmem>>, %arg4: memref<1x64xf32, #tpu.memory_space<vmem>>, %arg5: memref<1000x64xf32, #tpu.memory_space<vmem>>) attributes {dimension_semantics = [#tpu.dimension_semantics<arbitrary>], iteration_bounds = array<i64: 10>, scalar_prefetch = 0 : i64, scratch_operands = 0 : i64, tpu.core_type = #tpu.core_type<tc>, window_params = [{transform_indices = @transform_0, window_bounds = array<i64: 2, 1000, 64>}, {transform_indices = @transform_1, window_bounds = array<i64: 1000, 64>}, {transform_indices = @transform_2, window_bounds = array<i64: 1000, 1>}, {pipeline_mode = #tpu.pipeline_mode<synchronous>, transform_indices = @transform_3, window_bounds = array<i64: 1, 64>}, {transform_indices = @transform_4, window_bounds = array<i64: 1000, 64>}]} {
    %get3A = arith.constant 0 : index
    %get3A_0 = arith.constant 0 : index
    %get3A_1 = arith.constant 0 : index
    %get3A_2 = vector.load %arg1[%get3A, %get3A_0, %get3A_1] : memref<2x1000x64xbf16, #tpu.memory_space<vmem>>, vector<1x1000x64xbf16>
    %get3A_3 = vector.shape_cast %get3A_2 : vector<1x1000x64xbf16> to vector<1000x64xbf16>
    %convert_element_type3A = arith.extf %get3A_3 : vector<1000x64xbf16> to vector<1000x64xf32>
    %get3A_4 = arith.constant 1 : index
    %get3A_5 = arith.constant 0 : index
    %get3A_6 = arith.constant 0 : index
    %get3A_7 = vector.load %arg1[%get3A_4, %get3A_5, %get3A_6] : memref<2x1000x64xbf16, #tpu.memory_space<vmem>>, vector<1x1000x64xbf16>
    %get3A_8 = vector.shape_cast %get3A_7 : vector<1x1000x64xbf16> to vector<1000x64xbf16>
    %convert_element_type3A_9 = arith.extf %get3A_8 : vector<1000x64xbf16> to vector<1000x64xf32>
    %add3A = arith.addf %convert_element_type3A, %convert_element_type3A_9 : vector<1000x64xf32>
    %get3A_10 = arith.constant 0 : index
    %get3A_11 = arith.constant 0 : index
    %get3A_12 = vector.load %arg2[%get3A_10, %get3A_11] : memref<1000x64xbf16, #tpu.memory_space<vmem>>, vector<1000x64xbf16>
    %convert_element_type3A_13 = arith.extf %get3A_12 : vector<1000x64xbf16> to vector<1000x64xf32>
    %add3A_14 = arith.addf %add3A, %convert_element_type3A_13 : vector<1000x64xf32>
    %get3A_15 = arith.constant 0 : index
    %get3A_16 = arith.constant 0 : index
    %get3A_17 = vector.load %arg3[%get3A_15, %get3A_16] : memref<1000x1xf32, #tpu.memory_space<vmem>>, vector<1000x1xf32>
    %mul3A = vector.broadcast %get3A_17 : vector<1000x1xf32> to vector<1000x64xf32>
    %mul3A_18 = arith.mulf %mul3A, %add3A_14 : vector<1000x64xf32>
    %get3A_19 = arith.constant 0 : index
    %get3A_20 = arith.constant 0 : index
    %get3A_21 = vector.load %arg4[%get3A_19, %get3A_20] : memref<1x64xf32, #tpu.memory_space<vmem>>, vector<1x64xf32>
    %add3A_22 = vector.broadcast %get3A_21 : vector<1x64xf32> to vector<1000x64xf32>
    %add3A_23 = arith.addf %mul3A_18, %add3A_22 : vector<1000x64xf32>
    %swap3A = arith.constant 0 : index
    %swap3A_24 = arith.constant 0 : index
    %swap3A_25 = vector.load %arg5[%swap3A, %swap3A_24] : memref<1000x64xf32, #tpu.memory_space<vmem>>, vector<1000x64xf32>
    tpu.vector_store %arg5[%swap3A, %swap3A_24], %add3A_23 {strides = array<i32>} : memref<1000x64xf32, #tpu.memory_space<vmem>>, vector<1000x64xf32>,
    return
  }
  func.func @transform_0(%arg0: i32) -> (i32, i32, i32) {
    %c0_i32 = arith.constant 0 : i32
    %c0_i32_0 = arith.constant 0 : i32
    %c0_i32_1 = arith.constant 0 : i32
    return %c0_i32, %arg0, %c0_i32_0 : i32, i32, i32
  }
  func.func @transform_1(%arg0: i32) -> (i32, i32) {
    %c0_i32 = arith.constant 0 : i32
    %c0_i32_0 = arith.constant 0 : i32
    return %arg0, %c0_i32 : i32, i32
  }
  func.func @transform_2(%arg0: i32) -> (i32, i32) {
    %c0_i32 = arith.constant 0 : i32
    %c0_i32_0 = arith.constant 0 : i32
    return %arg0, %c0_i32 : i32, i32
  }
  func.func @transform_3(%arg0: i32) -> (i32, i32) {
    %c0_i32 = arith.constant 0 : i32
    %c0_i32_0 = arith.constant 0 : i32
    %c0_i32_1 = arith.constant 0 : i32
    return %c0_i32, %c0_i32_0 : i32, i32
  }
  func.func @transform_4(%arg0: i32) -> (i32, i32) {
    %c0_i32 = arith.constant 0 : i32
    %c0_i32_0 = arith.constant 0 : i32
    return %arg0, %c0_i32 : i32, i32
  }
}

</mosaic_0001>

<sc_bundles>
// kernel: kernel.11.cloned.1.call-start
scs
__scs_entry_jumppad:
0x0: {  	(pc) =	sbr.rel $0x88, $3  }
0x1: {  	(tag) =	ssettag $0x0;
	lr =	simm.s32 $0x1  }
0x2: {  	[smem:$0x3F99] =	sst lr;
	_ =	strace $0xD0000000  }
0x3: {  	_ = 	snop  }
0x4: {  	_ = 	snop  }
0x5: {  	_ = 	snop  }
0x6: {  	_ = 	snop  }
0x7: {  	_ = 	snop  }
__scs_overlays_trampoline_lowered:
0x8: {  	[smem:$0x3FA8] =	sst s0  }
0x9: {  	[smem:$0x3FA9] =	sst s1  }
0xa: {  	[smem:$0x3FAA] =	sst s2  }
0xb: {  	[smem:$0x3FAB] =	sst s3  }
0xc: {  	[smem:$0x3FAC] =	sst s4  }
0xd: {  	[smem:$0x3FAD] =	sst s5  }
0xe: {  	[smem:$0x3FAE] =	sst s6  }
0xf: {  	[smem:$0x3FAF] =	sst s7  }
0x10: {  	[smem:$0x3FB0] =	sst s8  }
0x11: {  	[smem:$0x3FB1] =	sst s9;
	s0 =	simm.s32 @!p0 $0x0  }
0x12: {  	s1 =	sld [smem:$0x3F97];
	s0 =	simm.s32 @p0 $0x1  }
0x13: {  	[smem:$0x3FB2] =	sst s0;
	s0 =	simm.s32 @!p1 $0x0  }
0x14: {  	s2 =	sld [smem:$0x3F96];
	s0 =	simm.s32 @p1 $0x1  }
0x15: {  	[smem:$0x3FB3] =	sst s0;
	s0 =	simm.s32 @!p2 $0x0  }
0x16: {  	s3 =	sld [smem:$0x3FDB];
	s0 =	simm.s32 @p2 $0x1  }
0x17: {  	s4 =	simm.s32 $0x1BF5;
	[smem:$0x3FB5] =	sst s0  }
0x18: {  	s0 =	sld [smem:$0x3F98];
	_ =	swait.ge [sflag:s4], $0x0  }
0x19: {  	s7 =	sld [smem:$0x3F99]  }
0x1a: {  	s8 =	sadd.s32 $0xFFFFE003, lr  }
0x1b: {  	s9 =	sadd.s32 $0xFFFFFEF7, lr;
	s5 =	simm.s32 $0xFFFFFFFF;
	p2 =	slt.u32 s8, $0xFFFFF086  }
0x1c: {  	p1 =	slt.u32 s9, $0xF7A;
	s5 =	simm.s32 @!p2 $0x0  }
0x1d: {  	s5 =	simm.s32 @p1 $0x1;
	p0 =	seq.s32 s7, s2  }
0x1e: {  	s7 =	smul.u32 @!p0 $0xF7A, s2;
	p2 =	seq.s32 @!p0 s5, $0x0  }
0x1f: {  	s9 =	smul.u32 $0xF7A, s1;
	s8 =	simm.s32 @!p0 $0x1BF5;
	p2 =	por !p2, p0  }
0x20: {  	[sflag:s8] =	ssyncset.s32 @!p0 $0xFFFFF086;
	s6 =	sadd.s32 @!p0 s3, s7;
	s7 =	simm.s32 @!p0 $0x108  }
0x21: {  	s3 =	sadd.s32 s3, s9;
	s6 =	sadd.s32 @!p0 $0x88, s6;
	s7 =	simm.s32 @p2 $0x1082  }
0x22: {  	[simem:s7], [sflag:s8] =	dma.local @!p0 [hbm:s6], $0xF7A  }
0x23: {  	s9 =	sor.u32 $0xD0000000, s2;
	s6 =	simm.s32 $0x108;
	_ =	swait.ge @!p0 [sflag:s8], $0x0  }
0x24: {  	s3 =	sadd.s32 $0x88, s3;
	s6 =	simm.s32 @!p1 $0x1082;
	[sflag:s4] =	ssyncset.s32 $0xFFFFF086  }
0x25: {  	[simem:s6], [sflag:s4] =	dma.local [hbm:s3], $0xF7A  }
0x26: {  	[smem:$0x3F99] =	sst s1;
	(tag) =	ssettag s2;
	_ =	strace s9  }
0x27: {  	s1 =	sld [smem:$0x3FA9]  }
0x28: {  	s2 =	sld [smem:$0x3FAA]  }
0x29: {  	s4 =	sld [smem:$0x3FAC]  }
0x2a: {  	p0 =	seq.s32 s5, $0x0;
	s5 =	sld [smem:$0x3FAD]  }
0x2b: {  	s6 =	sld [smem:$0x3FAE]  }
0x2c: {  	s7 =	sld [smem:$0x3FAF]  }
0x2d: {  	s3 =	simm.s32 $0x108;
	s8 =	sld [smem:$0x3FB0]  }
0x2e: {  	s3 =	simm.s32 @!p0 $0x1082;
	s9 =	sld [smem:$0x3FB1]  }
0x2f: {  	lr =	sadd.s32 s0, s3;
	s0 =	sld [smem:$0x3FA8]  }
0x30: {  	s3 =	sld [smem:$0x3FAB]  }
0x31: {  	[smem:$0x3FB4] =	sst s10  }
0x32: {  	s10 =	sld [smem:$0x3FB2];
	_ =	sdelay $0x3  }
0x33: {  	p0 =	seq.s32 s10, $0x1;
	s10 =	sld [smem:$0x3FB4];
	_ =	sdelay $0x3  }
0x34: {  	[smem:$0x3FB4] =	sst s10  }
0x35: {  	s10 =	sld [smem:$0x3FB3];
	_ =	sdelay $0x3  }
0x36: {  	p1 =	seq.s32 s10, $0x1;
	s10 =	sld [smem:$0x3FB4];
	_ =	sdelay $0x3  }
0x37: {  	[smem:$0x3FB4] =	sst s10  }
0x38: {  	s10 =	sld [smem:$0x3FB5]  }
0x39: {  	_ = 	snop;
	(pc) =	sbr.ind lr, $3  }
0x3a: {  	_ = 	snop  }
0x3b: {  	_ = 	snop  }
0x3c: {  	p2 =	seq.s32 s10, $0x1;
	s10 =	sld [smem:$0x3FB4]  }
0x3d: {  	_ =	shalt  }
0x3e: {  	_ =	shalt  }
0x3f: {  	_ =	shalt  }
0x40: {  	_ =	shalt  }
0x41: {  	_ =	shalt  }
0x42: {  	_ =	shalt  }
0x43: {  	_ =	shalt  }
0x44: {  	_ =	shalt  }
0x45: {  	_ =	shalt  }
0x46: {  	_ =	shalt  }
0x47: {  	_ =	shalt  }
0x48: {  	_ =	shalt  }
0x49: {  	_ =	shalt  }
0x4a: {  	_ =	shalt  }
0x4b: {  	_ =	shalt  }
0x4c: {  	_ =	shalt  }
0x4d: {  	_ =	shalt  }
0x4e: {  	_ =	shalt  }
0x4f: {  	_ =	shalt  }
0x50: {  	_ =	shalt  }
0x51: {  	_ =	shalt  }
0x52: {  	_ =	shalt  }
0x53: {  	_ =	shalt  }
0x54: {  	_ =	shalt  }
0x55: {  	_ =	shalt  }
0x56: {  	_ =	shalt  }
0x57: {  	_ =	shalt  }
0x58: {  	_ =	shalt  }
0x59: {  	_ =	shalt  }
0x5a: {  	_ =	shalt  }
0x5b: {  	_ =	shalt  }
0x5c: {  	_ =	shalt  }
0x5d: {  	_ =	shalt  }
0x5e: {  	_ =	shalt  }
0x5f: {  	_ =	shalt  }
0x60: {  	_ =	shalt  }
0x61: {  	_ =	shalt  }
0x62: {  	_ =	shalt  }
0x63: {  	_ =	shalt  }
0x64: {  	_ =	shalt  }
0x65: {  	_ =	shalt  }
0x66: {  	_ =	shalt  }
0x67: {  	_ =	shalt  }
0x68: {  	_ =	shalt  }
0x69: {  	_ =	shalt  }
0x6a: {  	_ =	shalt  }
0x6b: {  	_ =	shalt  }
0x6c: {  	_ =	shalt  }
0x6d: {  	_ =	shalt  }
0x6e: {  	_ =	shalt  }
0x6f: {  	_ =	shalt  }
0x70: {  	_ =	shalt  }
0x71: {  	_ =	shalt  }
0x72: {  	_ =	shalt  }
0x73: {  	_ =	shalt  }
0x74: {  	_ =	shalt  }
0x75: {  	_ =	shalt  }
0x76: {  	_ =	shalt  }
0x77: {  	_ =	shalt  }
0x78: {  	_ =	shalt  }
0x79: {  	_ =	shalt  }
0x7a: {  	_ =	shalt  }
0x7b: {  	_ =	shalt  }
0x7c: {  	_ =	shalt  }
0x7d: {  	_ =	shalt  }
0x7e: {  	_ =	shalt  }
0x7f: {  	_ =	shalt  }
0x80: {  	_ =	shalt  }
0x81: {  	_ =	shalt  }
0x82: {  	_ =	shalt  }
0x83: {  	_ =	shalt  }
0x84: {  	_ =	shalt  }
0x85: {  	_ =	shalt  }
0x86: {  	_ =	shalt  }
0x87: {  	_ =	shalt  }
.Lfunc_end0:
.L_simem_size_0:
called_computation_lowered:
.L_overlay_start_0:
0x88: {  	s2 =	sld [smem:$0x3FD9]  }
0x89: {  	s3 =	sld [smem:$0x3FFE];
	_ =	sdelay $0x1  }
0x8a: {  	s1 =	srdreg.scid  }
0x8b: {  	s0 =	sand.u32 $0x1, s1  }
0x8c: {  	s17 =	sshll.u32 s0, $0xA;
	s2 =	sadd.s32 s3, s2  }
0x8d: {  	s2 =	sadd.s32 s2, s17  }
0x8e: {  	[smem:$0x3FC0] =	sst s2  }
0x8f: {  	_ = 	snop  }
0x90: {  	s2 =	sld [smem:$0x3FD0];
	(tm) =	ssettm $0x1  }
0x91: {  	s18 =	sld [smem:$0x3FFB];
	_ =	sdelay $0x3  }
0x92: {  	_ =	strace s18  }
0x93: {  	s3 =	sld [smem:$0x3FFC];
	_ =	sdelay $0x3  }
0x94: {  	_ =	strace s3  }
0x95: {  	s3 =	sld [smem:$0x3FFD];
	_ =	sdelay $0x3  }
0x96: {  	_ =	strace s3  }
0x97: {  	_ =	strace $0x8FFFFFFF  }
0x98: {  	s19 =	sld [smem:$0x3FDB];
	_ =	sdelay $0x1  }
0x99: {  	s4 =	simm.s32 $_scs_section_size  }
0x9a: {  	s5 =	simm.s32 $_size__tile_overlayer_lowered;
	s6 =	simm.s32 $_tile_overlayer_lowered  }
0x9b: {  	s22 =	simm.s32 $0x1BFF;
	s21 =	sshll.u32 s6, $0x1;
	s3 =	sadd.s32 s4, s19  }
0x9c: {  	s7 =	simm.s32 $0x0;
	s20 =	sshll.u32 s5, $0x1;
	s5 =	sadd.s32 s21, s3  }
0x9d: {  	[timem:s7], [sflag:s22] =	dma.local [hbm:s5], s20  }
0x9e: {  	_ =	swait.ge [sflag:s22], s20  }
0x9f: {  	s4 =	ssub.s32 $0x0, s20;
	[sflag:s22] =	ssyncset.done $0x0  }
0xa0: {  	[sflag:s22] =	ssyncadd.s32 s4;
	_ =	sdelay $0x1  }
0xa1: {  	s23 =	simm.s32 $0x1B8B  }
0xa2: {  	_ =	swait.ge [sflag:s23], $0x1  }
0xa3: {  	[sflag:s23] =	ssyncset.done $0x0  }
0xa4: {  	s25 =	simm.s32 $0x1B8E;
	s24 =	sld [smem:$0x3FFE];
	[sflag:s23] =	ssyncadd.s32 $0xFFFFFFFF  }
0xa5: {  	s26 =	simm.s32 $execute0_lowered;
	[smem:$0x3FD2] =	sst s25  }
0xa6: {  	s5 =	sshll.u32 s26, $0x1;
	_ =	strace $0x80000046;
	[dreg:$0x1] =	wrdreg $0xFFFFFFFF  }
0xa7: {  	s28 =	simm.s32 $_size_execute0_lowered;
	s3 =	sadd.s32 s3, s5;
	[dreg:$0x0] =	wrdreg $0x0  }
0xa8: {  	s5 =	sshll.u32 s28, $0x1;
	[dreg:$0x2] =	wrdreg s3  }
0xa9: {  	[dreg:$0x3] =	wrdreg s5  }
0xaa: {  	[dreg:$0x4] =	wrdreg $0xC0  }
0xab: {  	_ =	task [dreg:s7], $0x5FFFF  }
0xac: {  	[dreg:$0x1] =	wrdreg $0xFFFFFFFF  }
0xad: {  	[dreg:$0x0] =	wrdreg $0x60  }
0xae: {  	[dreg:$0x2] =	wrdreg s24  }
0xaf: {  	[dreg:$0x3] =	wrdreg s2  }
0xb0: {  	[dreg:$0x4] =	wrdreg $0x9  }
0xb1: {  	_ =	task.clear_ibuf [dreg:s7], $0x5FFFF;
	_ =	strace $0x90000046  }
0xb2: {  	s29 =	simm.s32 $0x9;
	_ =	strace $0x80000048  }
0xb3: {  	_ =	swait.ge [sflag:s29], $0x1  }
0xb4: {  	[sflag:s29] =	ssyncadd.s32 $0xFFFFFFFF  }
0xb5: {  	_ =	strace $0x90000048  }
0xb6: {  	_ =	sfence  }
0xb7: {  	s30 =	sld [smem:$0x0];
	_ =	sdelay $0x2  }
0xb8: {  	s31 =	sshll.u32 s1, $0xD;
	s1 =	sshrl.u32 s1, $0x2  }
0xb9: {  	s3 =	sand.u32 $0x4000, s31;
	s1 =	sadd.s32 s1, s30  }
0xba: {  	s0 =	sor.u32 s3, s0;
	s1 =	sshll.u32 s1, $0x11  }
0xbb: {  	s0 =	sor.u32 s1, s0  }
0xbc: {  	s0 =	sadd.s32 $0x8F2B, s0  }
0xbd: {  	[sflag:s0] =	ssyncadd.remote.s32 $0x1  }
0xbe: {  	_ =	sfence.sel $0xFFFF  }
0xbf: {  	[dreg:$0x0] =	wrdreg $0xFFFFFFFF;
	(pc) =	sbr.abs _section_cstart, $3  }
0xc0: {  	[dreg:$0x1] =	wrdreg $0xFFFFFFFF  }
0xc1: {  	_ =	task.clear_ibuf [dreg:s7], $0x2FFFF;
	_ =	strace $0x9FFFFFFF  }
0xc2: {  	(tm) =	ssettm $0x7FFFFFFF  }
0xc3: {  	_ =	shalt  }
tec
execute0_lowered:
.L_overlay_start_1:
0x0: {  	(tag) =	ssettag $0x1  }
0x1: {  	s3 =	rddreg [dreg:$0x0]  }
0x2: {  	s6 =	rddreg [dreg:$0x1]  }
0x3: {  	s1 =	srdreg.scid;
	s0 =	stileid.u32  }
0x4: {  	s2 =	simm.s32 $0x0;
	s10 =	simm.s32 $0x1;
	s11 =	simm.s32 $0x2780  }
0x5: {  	s12 =	simm.s32 $0x16800;
	s13 =	simm.s32 $0x0;
	s4 =	sand.u32 $0x1, s1  }
0x6: {  	s5 =	sshrl.u32 s0, $0x2;
	s26 =	sshll.u32 s0, $0x8;
	s1 =	rddreg [dreg:$0x2]  }
0x7: {  	[smem:$0x7FF] =	sst s2;
	s7 =	sshll.u32 s4, $0x7;
	s9 =	smul.u32 $0x13C00, s5  }
0x8: {  	s8 =	sand.u32 $0x300, s26;
	s5 =	smul.u32 $0x14000, s5;
	s4 =	ssub.s32 $0x2, s4  }
0x9: {  	_ =	strace $0x80000047;
	s7 =	sor.u32 s7, s8;
	s28 =	sshrl.u32 s4, $0x1  }
0xa: {  	s8 =	sor.u32 s9, s7;
	s5 =	sor.u32 s5, s7;
	s29 =	ssub.s32 s4, s28  }
0xb: {  	v0 =	vlaneseq.u32;
	s9 =	simm.s32 $0x400;
	s8 =	sshrl.u32 s8, $0x3;
	s30 =	sadd.s32 $0xA000, s5  }
0xc: {  	v0 =	vmul.u32 $0x1401, v0;
	s5 =	sshrl.u32 s5, $0x3;
	s7 =	smax.u32 s29, $0x1;
	s8 =	sadd.s32 s8, s3  }
0xd: {  	s3 =	sadd.s32 $0xBC00, s3;
	s31 =	sshrl.u32 s30, $0x3;
	s5 =	sadd.s32 s6, s5  }
0xe: {  	v1 =	vimm.f32 $1.000000000e+00;
	v2 =	vadd.s32 $0xFFFFEC00, v0;
	s4 =	sadd.s32 $0x1E00, s8;
	s6 =	sadd.s32 s6, s31;
	s8 =	simm.s32 $0x80  }
.LBB2_1:
0xf: {  	[tilespmem:s2], [sflag:$0x1] =	stream.strided.gather [hbm4b:s4+s8], $0x2780, s9, s8, $0x38;
	[tilespmem:$0x17C00] =	vst v63  }
0x10: {  	_ =	swait.ge [sflag:s10], $0x2780  }
0x11: {  	[sflag:s10] =	ssyncset.done $0x0  }
0x12: {  	[sflag:s10] =	ssyncadd.s32 $0xFFFFD880  }
0x13: {  	[tilespmem:s11], [sflag:$0x1] =	stream.linear.gather [hbm4b:s3+s2], $0x14080, $0x38;
	[tilespmem:$0x17C00] =	vst v63  }
0x14: {  	_ =	swait.ge [sflag:s10], $0x14080  }
0x15: {  	[sflag:s10] =	ssyncset.done $0x0  }
0x16: {  	s14 =	simm.s32 $0x0;
	[sflag:s10] =	ssyncadd.s32 $0xFFFEBF80  }
.LBB2_2:
0x17: {  	s15 =	sshra.s32 s14, $0x2  }
0x18: {  	v3 =	vld [tilespmem:s15+$0x0];
	_ =	sdelay $0x4  }
0x19: {  	vm0 =	vlt.u32 v3, $0x1400;
	v3 =	vadd.s32 v0, v3  }
0x1a: {  	v3 =	vsel vm0, v3, v0;
	_ =	sdelay $0x4  }
0x1b: {  	[tilespmem:v3+s11+$0x0] =	vst.idx.add.f32.msk vm0, v1  }
0x1c: {  	v3 =	vld [tilespmem:s15+$0x10];
	_ =	sdelay $0x4  }
0x1d: {  	vm13 =	vlt.u32 v3, $0x1400;
	v3 =	vadd.s32 v0, v3  }
0x1e: {  	v3 =	vsel vm13, v3, v0;
	_ =	sdelay $0x4  }
0x1f: {  	[tilespmem:v3+s11+$0x0] =	vst.idx.add.f32.msk vm13, v1  }
0x20: {  	v3 =	vld [tilespmem:s15+$0x20];
	_ =	sdelay $0x4  }
0x21: {  	vm14 =	vlt.u32 v3, $0x1400;
	v3 =	vadd.s32 v0, v3  }
0x22: {  	v3 =	vsel vm14, v3, v0;
	_ =	sdelay $0x4  }
0x23: {  	[tilespmem:v3+s11+$0x0] =	vst.idx.add.f32.msk vm14, v1  }
0x24: {  	v3 =	vld [tilespmem:s15+$0x30];
	_ =	sdelay $0x4  }
0x25: {  	vm15 =	vlt.u32 v3, $0x1400;
	v3 =	vadd.s32 v0, v3  }
0x26: {  	p0 =	sne.s32 s14, $0x9B00;
	v3 =	vsel vm15, v3, v0  }
.Ltmp0:
0x27: {  	_ = 	snop;
	(pc) =	sbr.rel @p0 .LBB2_2-.Ltmp0, $2  }
0x28: {  	_ =	sdelay $0x2  }
0x29: {  	s14 =	sadd.s32 $0x100, s14;
	[tilespmem:v3+s11+$0x0] =	vst.idx.add.f32.msk vm15, v1  }
0x2a: {  	v3 =	vld [tilespmem:$0x2700];
	_ =	sdelay $0x4  }
0x2b: {  	vm0 =	vlt.u32 v3, $0x1400;
	v3 =	vadd.s32 v0, v3  }
0x2c: {  	v3 =	vsel vm0, v3, v0;
	_ =	sdelay $0x4  }
0x2d: {  	s14 =	simm.s32 $0x0;
	[tilespmem:v3+s11+$0x0] =	vst.idx.add.f32.msk vm0, v1  }
0x2e: {  	v9 =	vld [tilespmem:s14+$0x2780]  }
0x2f: {  	v3 =	vld [tilespmem:s14+$0x3B81]  }
0x30: {  	v4 =	vld [tilespmem:s14+$0x4F82]  }
0x31: {  	v5 =	vld [tilespmem:s14+$0x6383]  }
0x32: {  	v6 =	vld [tilespmem:s14+$0x7784]  }
0x33: {  	v7 =	vld [tilespmem:s14+$0x8B85]  }
0x34: {  	v8 =	vld [tilespmem:s14+$0x9F86]  }
0x35: {  	v11 =	vld [tilespmem:s14+$0xB387]  }
0x36: {  	v10 =	vld [tilespmem:s14+$0xC788]  }
0x37: {  	v12 =	vld [tilespmem:s14+$0xDB89]  }
0x38: {  	v13 =	vld [tilespmem:s14+$0xEF8A]  }
0x39: {  	v15 =	vld [tilespmem:s14+$0x1038B]  }
0x3a: {  	v14 =	vld [tilespmem:s14+$0x1178C]  }
0x3b: {  	v16 =	vld [tilespmem:s14+$0x12B8D]  }
0x3c: {  	s15 =	simm.s32 $0x40;
	v17 =	vld [tilespmem:s14+$0x13F8E]  }
.LBB2_4:
0x3d: {  	s16 =	sshra.s32 s15, $0x2;
	p0 =	sne.s32 s15, $0x4FC0;
	v18 =	vld [tilespmem:s14+$0x1538F]  }
0x3e: {  	v19 =	vld [tilespmem:s16+$0x2780]  }
0x3f: {  	v9 =	vadd.f32 v3, v9;
	v20 =	vadd.f32 v5, v4;
	v3 =	vld [tilespmem:s16+$0x3B81]  }
0x40: {  	v21 =	vadd.f32 v7, v6;
	v8 =	vadd.f32 v11, v8;
	v4 =	vld [tilespmem:s16+$0x4F82]  }
0x41: {  	v10 =	vadd.f32 v12, v10;
	v11 =	vadd.f32 v15, v13;
	v5 =	vld [tilespmem:s16+$0x6383]  }
0x42: {  	v12 =	vadd.f32 v16, v14;
	v6 =	vld [tilespmem:s16+$0x7784];
	v13 =	vadd.f32 v18, v17  }
0x43: {  	v15 =	vadd.f32 v8, v21;
	v14 =	vadd.f32 v20, v9;
	v7 =	vld [tilespmem:s16+$0x8B85];
	v9 =	vmov v19  }
0x44: {  	v16 =	vadd.f32 v11, v10;
	v8 =	vld [tilespmem:s16+$0x9F86];
	v12 =	vadd.f32 v13, v12  }
0x45: {  	v11 =	vld [tilespmem:s16+$0xB387]  }
0x46: {  	v14 =	vadd.f32 v15, v14;
	v10 =	vld [tilespmem:s16+$0xC788];
	v15 =	vadd.f32 v12, v16  }
0x47: {  	v12 =	vld [tilespmem:s16+$0xDB89]  }
.Ltmp1:
0x48: {  	v13 =	vld [tilespmem:s16+$0xEF8A];
	v16 =	vadd.f32 v15, v14;
	(pc) =	sbr.rel @p0 .LBB2_4-.Ltmp1, $4  }
0x49: {  	v15 =	vld [tilespmem:s16+$0x1038B]  }
0x4a: {  	v14 =	vld [tilespmem:s16+$0x1178C];
	[tilespmem:s14+$0x16800] =	vst v16;
	s14 =	smov.u32 s16  }
0x4b: {  	v16 =	vld [tilespmem:s14+$0x12B8D]  }
0x4c: {  	s15 =	sadd.s32 $0x40, s15;
	v17 =	vld [tilespmem:s14+$0x13F8E]  }
0x4d: {  	v18 =	vld [tilespmem:s14+$0x1538F];
	_ =	sdelay $0x1  }
0x4e: {  	v3 =	vadd.f32 v3, v9;
	v4 =	vadd.f32 v5, v4  }
0x4f: {  	v54 =	vadd.f32 v7, v6;
	v55 =	vadd.f32 v11, v8  }
0x50: {  	v56 =	vadd.f32 v12, v10;
	v57 =	vadd.f32 v15, v13  }
0x51: {  	v58 =	vadd.f32 v16, v14;
	v59 =	vadd.f32 v18, v17  }
0x52: {  	v3 =	vadd.f32 v4, v3;
	v60 =	vadd.f32 v55, v54  }
0x53: {  	v61 =	vadd.f32 v57, v56;
	v62 =	vadd.f32 v59, v58;
	_ =	sdelay $0x1  }
0x54: {  	v3 =	vadd.f32 v60, v3;
	v63 =	vadd.f32 v62, v61;
	_ =	sdelay $0x1  }
0x55: {  	v3 =	vadd.f32 v63, v3;
	_ =	sdelay $0x1  }
0x56: {  	[tilespmem:s14+$0x16800] =	vst v3  }
0x57: {  	[hbm4b:s5+s8] =	stream.strided.scatter [tilespmem:s12], [sflag:$0x1], $0x1400, s9, s8, $0x38;
	[tilespmem:$0x17C00] =	vst v63  }
0x58: {  	_ =	swait.ge [sflag:s10], $0x1400  }
0x59: {  	[sflag:s10] =	ssyncset.done $0x0  }
0x5a: {  	s14 =	simm.s32 $0x0;
	[sflag:s10] =	ssyncadd.s32 $0xFFFFEC00  }
0x5b: {  	[tilespmem:s11], [sflag:$0x1] =	stream.linear.gather [hbm4b:s3+s14], $0x14080, $0x38;
	[tilespmem:$0x17C00] =	vst v63  }
0x5c: {  	_ =	swait.ge [sflag:s10], $0x14080  }
0x5d: {  	[sflag:s10] =	ssyncset.done $0x0  }
0x5e: {  	[sflag:s10] =	ssyncadd.s32 $0xFFFEBF80  }
.LBB2_6:
0x5f: {  	s15 =	sshra.s32 s14, $0x2  }
0x60: {  	v3 =	vld [tilespmem:s15+$0x0];
	_ =	sdelay $0x4  }
0x61: {  	v4 =	vadd.s32 $0xFFFFEC00, v3  }
0x62: {  	v3 =	vadd.s32 v2, v3;
	vm0 =	vlt.u32 v4, $0x1400  }
0x63: {  	v3 =	vsel vm0, v3, v0;
	_ =	sdelay $0x4  }
0x64: {  	[tilespmem:v3+s11+$0x0] =	vst.idx.add.f32.msk vm0, v1  }
0x65: {  	v3 =	vld [tilespmem:s15+$0x10];
	_ =	sdelay $0x4  }
0x66: {  	v61 =	vadd.s32 $0xFFFFEC00, v3  }
0x67: {  	v3 =	vadd.s32 v2, v3;
	vm13 =	vlt.u32 v61, $0x1400  }
0x68: {  	v3 =	vsel vm13, v3, v0;
	_ =	sdelay $0x4  }
0x69: {  	[tilespmem:v3+s11+$0x0] =	vst.idx.add.f32.msk vm13, v1  }
0x6a: {  	v3 =	vld [tilespmem:s15+$0x20];
	_ =	sdelay $0x4  }
0x6b: {  	v62 =	vadd.s32 $0xFFFFEC00, v3  }
0x6c: {  	v3 =	vadd.s32 v2, v3;
	vm14 =	vlt.u32 v62, $0x1400  }
0x6d: {  	v3 =	vsel vm14, v3, v0;
	_ =	sdelay $0x4  }
0x6e: {  	[tilespmem:v3+s11+$0x0] =	vst.idx.add.f32.msk vm14, v1  }
0x6f: {  	v3 =	vld [tilespmem:s15+$0x30];
	_ =	sdelay $0x4  }
0x70: {  	v63 =	vadd.s32 $0xFFFFEC00, v3  }
0x71: {  	v3 =	vadd.s32 v2, v3;
	vm15 =	vlt.u32 v63, $0x1400  }
0x72: {  	p0 =	sne.s32 s14, $0x9B00;
	v3 =	vsel vm15, v3, v0  }
.Ltmp2:
0x73: {  	_ = 	snop;
	(pc) =	sbr.rel @p0 .LBB2_6-.Ltmp2, $2  }
0x74: {  	_ =	sdelay $0x2  }
0x75: {  	s14 =	sadd.s32 $0x100, s14;
	[tilespmem:v3+s11+$0x0] =	vst.idx.add.f32.msk vm15, v1  }
0x76: {  	v3 =	vld [tilespmem:$0x2700];
	_ =	sdelay $0x4  }
0x77: {  	v4 =	vadd.s32 $0xFFFFEC00, v3  }
0x78: {  	v3 =	vadd.s32 v2, v3;
	vm0 =	vlt.u32 v4, $0x1400  }
0x79: {  	v3 =	vsel vm0, v3, v0;
	_ =	sdelay $0x4  }
0x7a: {  	s14 =	simm.s32 $0x0;
	[tilespmem:v3+s11+$0x0] =	vst.idx.add.f32.msk vm0, v1  }
0x7b: {  	v9 =	vld [tilespmem:s14+$0x2780]  }
0x7c: {  	v3 =	vld [tilespmem:s14+$0x3B81]  }
0x7d: {  	v4 =	vld [tilespmem:s14+$0x4F82]  }
0x7e: {  	v5 =	vld [tilespmem:s14+$0x6383]  }
0x7f: {  	v6 =	vld [tilespmem:s14+$0x7784]  }
0x80: {  	v7 =	vld [tilespmem:s14+$0x8B85]  }
0x81: {  	v8 =	vld [tilespmem:s14+$0x9F86]  }
0x82: {  	v11 =	vld [tilespmem:s14+$0xB387]  }
0x83: {  	v10 =	vld [tilespmem:s14+$0xC788]  }
0x84: {  	v12 =	vld [tilespmem:s14+$0xDB89]  }
0x85: {  	v13 =	vld [tilespmem:s14+$0xEF8A]  }
0x86: {  	v15 =	vld [tilespmem:s14+$0x1038B]  }
0x87: {  	v14 =	vld [tilespmem:s14+$0x1178C]  }
0x88: {  	v16 =	vld [tilespmem:s14+$0x12B8D]  }
0x89: {  	s15 =	simm.s32 $0x40;
	v17 =	vld [tilespmem:s14+$0x13F8E]  }
.LBB2_8:
0x8a: {  	s16 =	sshra.s32 s15, $0x2;
	p0 =	sne.s32 s15, $0x4FC0;
	v18 =	vld [tilespmem:s14+$0x1538F]  }
0x8b: {  	v19 =	vld [tilespmem:s16+$0x2780]  }
0x8c: {  	v9 =	vadd.f32 v3, v9;
	v20 =	vadd.f32 v5, v4;
	v3 =	vld [tilespmem:s16+$0x3B81]  }
0x8d: {  	v21 =	vadd.f32 v7, v6;
	v8 =	vadd.f32 v11, v8;
	v4 =	vld [tilespmem:s16+$0x4F82]  }
0x8e: {  	v10 =	vadd.f32 v12, v10;
	v11 =	vadd.f32 v15, v13;
	v5 =	vld [tilespmem:s16+$0x6383]  }
0x8f: {  	v12 =	vadd.f32 v16, v14;
	v6 =	vld [tilespmem:s16+$0x7784];
	v13 =	vadd.f32 v18, v17  }
0x90: {  	v15 =	vadd.f32 v8, v21;
	v14 =	vadd.f32 v20, v9;
	v7 =	vld [tilespmem:s16+$0x8B85];
	v9 =	vmov v19  }
0x91: {  	v16 =	vadd.f32 v11, v10;
	v8 =	vld [tilespmem:s16+$0x9F86];
	v12 =	vadd.f32 v13, v12  }
0x92: {  	v11 =	vld [tilespmem:s16+$0xB387]  }
0x93: {  	v14 =	vadd.f32 v15, v14;
	v10 =	vld [tilespmem:s16+$0xC788];
	v15 =	vadd.f32 v12, v16  }
0x94: {  	v12 =	vld [tilespmem:s16+$0xDB89]  }
.Ltmp3:
0x95: {  	v13 =	vld [tilespmem:s16+$0xEF8A];
	v16 =	vadd.f32 v15, v14;
	(pc) =	sbr.rel @p0 .LBB2_8-.Ltmp3, $4  }
0x96: {  	v15 =	vld [tilespmem:s16+$0x1038B]  }
0x97: {  	v14 =	vld [tilespmem:s16+$0x1178C];
	[tilespmem:s14+$0x16800] =	vst v16;
	s14 =	smov.u32 s16  }
0x98: {  	v16 =	vld [tilespmem:s14+$0x12B8D]  }
0x99: {  	s15 =	sadd.s32 $0x40, s15;
	v17 =	vld [tilespmem:s14+$0x13F8E]  }
0x9a: {  	v18 =	vld [tilespmem:s14+$0x1538F];
	_ =	sdelay $0x1  }
0x9b: {  	v3 =	vadd.f32 v3, v9;
	v4 =	vadd.f32 v5, v4  }
0x9c: {  	v54 =	vadd.f32 v7, v6;
	v55 =	vadd.f32 v11, v8  }
0x9d: {  	v56 =	vadd.f32 v12, v10;
	v57 =	vadd.f32 v15, v13  }
0x9e: {  	v58 =	vadd.f32 v16, v14;
	v59 =	vadd.f32 v18, v17  }
0x9f: {  	v3 =	vadd.f32 v4, v3;
	v60 =	vadd.f32 v55, v54  }
0xa0: {  	v61 =	vadd.f32 v57, v56;
	v62 =	vadd.f32 v59, v58;
	_ =	sdelay $0x1  }
0xa1: {  	v3 =	vadd.f32 v60, v3;
	v63 =	vadd.f32 v62, v61;
	_ =	sdelay $0x1  }
0xa2: {  	s13 =	sadd.s32 $0x1, s13;
	v3 =	vadd.f32 v63, v3  }
0xa3: {  	p0 =	sne.s32 s13, s7  }
.Ltmp4:
0xa4: {  	[tilespmem:s14+$0x16800] =	vst v3;
	(pc) =	sbr.rel @p0 .LBB2_1-.Ltmp4, $4  }
0xa5: {  	[hbm4b:s6+s8] =	stream.strided.scatter [tilespmem:s12], [sflag:$0x1], $0x1400, s9, s8, $0x38;
	[tilespmem:$0x17C00] =	vst v63  }
0xa6: {  	_ =	swait.ge [sflag:s10], $0x1400  }
0xa7: {  	[sflag:s10] =	ssyncset.done $0x0  }
0xa8: {  	[sflag:s10] =	ssyncadd.s32 $0xFFFFEC00  }
0xa9: {  	_ =	sfence.sel $0x180000  }
0xaa: {  	[bflag:$0x0] =	sbarrier.arrive $0xFFFF  }
0xab: {  	p0 =	sne.s32 s0, $0x0;
	_ =	strace $0x90000047  }
0xac: {  	s0 =	sadd.s32 @!p0 $0x100000, s1;
	[bflag:$0x2] =	sbarrier.arrive $0xFFFF  }
0xad: {  	[sflag:s0] =	ssyncadd.tile.s32 @!p0 $0x1;
	_ =	shalt  }
.Lfunc_end2:
_tile_overlayer_lowered:
.L_overlay_start_2:
0xae: {  	(tag) =	ssettag $0x2  }
0xaf: {  	s0 =	rddreg [dreg:$0x0];
	s2 =	stileid.u32  }
0xb0: {  	s1 =	rddreg [dreg:$0x1];
	p0 =	sne.s32 s2, $0x0  }
0xb1: {  	s3 =	rddreg [dreg:$0x2];
	[bflag:$0x3] =	sbarrier.arrive $0xFFFF;
	s2 =	simm.s32 @!p0 $0x1C01  }
0xb2: {  	[timem:s3], [sflag:s2] =	dma.local @!p0 [hbm:s0], s1  }
0xb3: {  	s0 =	simm.s32 @!p0 $0x1  }
0xb4: {  	_ =	swait.ge @!p0 [sflag:s0], s1  }
0xb5: {  	s1 =	ssub.s32 @!p0 $0x0, s1;
	[sflag:s0] =	ssyncset.done @!p0 $0x0  }
0xb6: {  	[sflag:s0] =	ssyncadd.s32 @!p0 s1  }
0xb7: {  	[bflag:$0x3] =	sbarrier.arrive $0xFFFF  }
0xb8: {  	_ =	shalt  }

// kernel: kernel.14.cloned.1.call-start
scs
__scs_entry_jumppad:
0x0: {  	(pc) =	sbr.rel $0x88, $3  }
0x1: {  	(tag) =	ssettag $0x0;
	lr =	simm.s32 $0x1  }
0x2: {  	[smem:$0x3F99] =	sst lr;
	_ =	strace $0xD0000000  }
0x3: {  	_ = 	snop  }
0x4: {  	_ = 	snop  }
0x5: {  	_ = 	snop  }
0x6: {  	_ = 	snop  }
0x7: {  	_ = 	snop  }
__scs_overlays_trampoline_lowered:
0x8: {  	[smem:$0x3FA8] =	sst s0  }
0x9: {  	[smem:$0x3FA9] =	sst s1  }
0xa: {  	[smem:$0x3FAA] =	sst s2  }
0xb: {  	[smem:$0x3FAB] =	sst s3  }
0xc: {  	[smem:$0x3FAC] =	sst s4  }
0xd: {  	[smem:$0x3FAD] =	sst s5  }
0xe: {  	[smem:$0x3FAE] =	sst s6  }
0xf: {  	[smem:$0x3FAF] =	sst s7  }
0x10: {  	[smem:$0x3FB0] =	sst s8  }
0x11: {  	[smem:$0x3FB1] =	sst s9;
	s0 =	simm.s32 @!p0 $0x0  }
0x12: {  	s1 =	sld [smem:$0x3F97];
	s0 =	simm.s32 @p0 $0x1  }
0x13: {  	[smem:$0x3FB2] =	sst s0;
	s0 =	simm.s32 @!p1 $0x0  }
0x14: {  	s2 =	sld [smem:$0x3F96];
	s0 =	simm.s32 @p1 $0x1  }
0x15: {  	[smem:$0x3FB3] =	sst s0;
	s0 =	simm.s32 @!p2 $0x0  }
0x16: {  	s3 =	sld [smem:$0x3FDB];
	s0 =	simm.s32 @p2 $0x1  }
0x17: {  	s4 =	simm.s32 $0x1BF5;
	[smem:$0x3FB5] =	sst s0  }
0x18: {  	s0 =	sld [smem:$0x3F98];
	_ =	swait.ge [sflag:s4], $0x0  }
0x19: {  	s7 =	sld [smem:$0x3F99]  }
0x1a: {  	s8 =	sadd.s32 $0xFFFFE003, lr  }
0x1b: {  	s9 =	sadd.s32 $0xFFFFFEF7, lr;
	s5 =	simm.s32 $0xFFFFFFFF;
	p2 =	slt.u32 s8, $0xFFFFF086  }
0x1c: {  	p1 =	slt.u32 s9, $0xF7A;
	s5 =	simm.s32 @!p2 $0x0  }
0x1d: {  	s5 =	simm.s32 @p1 $0x1;
	p0 =	seq.s32 s7, s2  }
0x1e: {  	s7 =	smul.u32 @!p0 $0xF7A, s2;
	p2 =	seq.s32 @!p0 s5, $0x0  }
0x1f: {  	s9 =	smul.u32 $0xF7A, s1;
	s8 =	simm.s32 @!p0 $0x1BF5;
	p2 =	por !p2, p0  }
0x20: {  	[sflag:s8] =	ssyncset.s32 @!p0 $0xFFFFF086;
	s6 =	sadd.s32 @!p0 s3, s7;
	s7 =	simm.s32 @!p0 $0x108  }
0x21: {  	s3 =	sadd.s32 s3, s9;
	s6 =	sadd.s32 @!p0 $0x88, s6;
	s7 =	simm.s32 @p2 $0x1082  }
0x22: {  	[simem:s7], [sflag:s8] =	dma.local @!p0 [hbm:s6], $0xF7A  }
0x23: {  	s9 =	sor.u32 $0xD0000000, s2;
	s6 =	simm.s32 $0x108;
	_ =	swait.ge @!p0 [sflag:s8], $0x0  }
0x24: {  	s3 =	sadd.s32 $0x88, s3;
	s6 =	simm.s32 @!p1 $0x1082;
	[sflag:s4] =	ssyncset.s32 $0xFFFFF086  }
0x25: {  	[simem:s6], [sflag:s4] =	dma.local [hbm:s3], $0xF7A  }
0x26: {  	[smem:$0x3F99] =	sst s1;
	(tag) =	ssettag s2;
	_ =	strace s9  }
0x27: {  	s1 =	sld [smem:$0x3FA9]  }
0x28: {  	s2 =	sld [smem:$0x3FAA]  }
0x29: {  	s4 =	sld [smem:$0x3FAC]  }
0x2a: {  	p0 =	seq.s32 s5, $0x0;
	s5 =	sld [smem:$0x3FAD]  }
0x2b: {  	s6 =	sld [smem:$0x3FAE]  }
0x2c: {  	s7 =	sld [smem:$0x3FAF]  }
0x2d: {  	s3 =	simm.s32 $0x108;
	s8 =	sld [smem:$0x3FB0]  }
0x2e: {  	s3 =	simm.s32 @!p0 $0x1082;
	s9 =	sld [smem:$0x3FB1]  }
0x2f: {  	lr =	sadd.s32 s0, s3;
	s0 =	sld [smem:$0x3FA8]  }
0x30: {  	s3 =	sld [smem:$0x3FAB]  }
0x31: {  	[smem:$0x3FB4] =	sst s10  }
0x32: {  	s10 =	sld [smem:$0x3FB2];
	_ =	sdelay $0x3  }
0x33: {  	p0 =	seq.s32 s10, $0x1;
	s10 =	sld [smem:$0x3FB4];
	_ =	sdelay $0x3  }
0x34: {  	[smem:$0x3FB4] =	sst s10  }
0x35: {  	s10 =	sld [smem:$0x3FB3];
	_ =	sdelay $0x3  }
0x36: {  	p1 =	seq.s32 s10, $0x1;
	s10 =	sld [smem:$0x3FB4];
	_ =	sdelay $0x3  }
0x37: {  	[smem:$0x3FB4] =	sst s10  }
0x38: {  	s10 =	sld [smem:$0x3FB5]  }
0x39: {  	_ = 	snop;
	(pc) =	sbr.ind lr, $3  }
0x3a: {  	_ = 	snop  }
0x3b: {  	_ = 	snop  }
0x3c: {  	p2 =	seq.s32 s10, $0x1;
	s10 =	sld [smem:$0x3FB4]  }
0x3d: {  	_ =	shalt  }
0x3e: {  	_ =	shalt  }
0x3f: {  	_ =	shalt  }
0x40: {  	_ =	shalt  }
0x41: {  	_ =	shalt  }
0x42: {  	_ =	shalt  }
0x43: {  	_ =	shalt  }
0x44: {  	_ =	shalt  }
0x45: {  	_ =	shalt  }
0x46: {  	_ =	shalt  }
0x47: {  	_ =	shalt  }
0x48: {  	_ =	shalt  }
0x49: {  	_ =	shalt  }
0x4a: {  	_ =	shalt  }
0x4b: {  	_ =	shalt  }
0x4c: {  	_ =	shalt  }
0x4d: {  	_ =	shalt  }
0x4e: {  	_ =	shalt  }
0x4f: {  	_ =	shalt  }
0x50: {  	_ =	shalt  }
0x51: {  	_ =	shalt  }
0x52: {  	_ =	shalt  }
0x53: {  	_ =	shalt  }
0x54: {  	_ =	shalt  }
0x55: {  	_ =	shalt  }
0x56: {  	_ =	shalt  }
0x57: {  	_ =	shalt  }
0x58: {  	_ =	shalt  }
0x59: {  	_ =	shalt  }
0x5a: {  	_ =	shalt  }
0x5b: {  	_ =	shalt  }
0x5c: {  	_ =	shalt  }
0x5d: {  	_ =	shalt  }
0x5e: {  	_ =	shalt  }
0x5f: {  	_ =	shalt  }
0x60: {  	_ =	shalt  }
0x61: {  	_ =	shalt  }
0x62: {  	_ =	shalt  }
0x63: {  	_ =	shalt  }
0x64: {  	_ =	shalt  }
0x65: {  	_ =	shalt  }
0x66: {  	_ =	shalt  }
0x67: {  	_ =	shalt  }
0x68: {  	_ =	shalt  }
0x69: {  	_ =	shalt  }
0x6a: {  	_ =	shalt  }
0x6b: {  	_ =	shalt  }
0x6c: {  	_ =	shalt  }
0x6d: {  	_ =	shalt  }
0x6e: {  	_ =	shalt  }
0x6f: {  	_ =	shalt  }
0x70: {  	_ =	shalt  }
0x71: {  	_ =	shalt  }
0x72: {  	_ =	shalt  }
0x73: {  	_ =	shalt  }
0x74: {  	_ =	shalt  }
0x75: {  	_ =	shalt  }
0x76: {  	_ =	shalt  }
0x77: {  	_ =	shalt  }
0x78: {  	_ =	shalt  }
0x79: {  	_ =	shalt  }
0x7a: {  	_ =	shalt  }
0x7b: {  	_ =	shalt  }
0x7c: {  	_ =	shalt  }
0x7d: {  	_ =	shalt  }
0x7e: {  	_ =	shalt  }
0x7f: {  	_ =	shalt  }
0x80: {  	_ =	shalt  }
0x81: {  	_ =	shalt  }
0x82: {  	_ =	shalt  }
0x83: {  	_ =	shalt  }
0x84: {  	_ =	shalt  }
0x85: {  	_ =	shalt  }
0x86: {  	_ =	shalt  }
0x87: {  	_ =	shalt  }
.Lfunc_end0:
.L_simem_size_0:
called_computation.1_lowered:
.L_overlay_start_0:
0x88: {  	s2 =	sld [smem:$0x3FD9]  }
0x89: {  	s3 =	sld [smem:$0x3FFE];
	_ =	sdelay $0x1  }
0x8a: {  	s1 =	srdreg.scid  }
0x8b: {  	s0 =	sand.u32 $0x1, s1  }
0x8c: {  	s17 =	sshll.u32 s0, $0xA;
	s2 =	sadd.s32 s3, s2  }
0x8d: {  	s2 =	sadd.s32 s2, s17  }
0x8e: {  	[smem:$0x3FC0] =	sst s2  }
0x8f: {  	_ = 	snop  }
0x90: {  	s2 =	sld [smem:$0x3FD0];
	(tm) =	ssettm $0x1  }
0x91: {  	s18 =	sld [smem:$0x3FFB];
	_ =	sdelay $0x3  }
0x92: {  	_ =	strace s18  }
0x93: {  	s3 =	sld [smem:$0x3FFC];
	_ =	sdelay $0x3  }
0x94: {  	_ =	strace s3  }
0x95: {  	s3 =	sld [smem:$0x3FFD];
	_ =	sdelay $0x3  }
0x96: {  	_ =	strace s3  }
0x97: {  	_ =	strace $0x8FFFFFFF  }
0x98: {  	s19 =	sld [smem:$0x3FDB];
	_ =	sdelay $0x1  }
0x99: {  	s4 =	simm.s32 $_scs_section_size  }
0x9a: {  	s5 =	simm.s32 $_size__tile_overlayer_lowered;
	s6 =	simm.s32 $_tile_overlayer_lowered  }
0x9b: {  	s22 =	simm.s32 $0x1BFF;
	s21 =	sshll.u32 s6, $0x1;
	s3 =	sadd.s32 s4, s19  }
0x9c: {  	s7 =	simm.s32 $0x0;
	s20 =	sshll.u32 s5, $0x1;
	s5 =	sadd.s32 s21, s3  }
0x9d: {  	[timem:s7], [sflag:s22] =	dma.local [hbm:s5], s20  }
0x9e: {  	_ =	swait.ge [sflag:s22], s20  }
0x9f: {  	s4 =	ssub.s32 $0x0, s20;
	[sflag:s22] =	ssyncset.done $0x0  }
0xa0: {  	[sflag:s22] =	ssyncadd.s32 s4;
	_ =	sdelay $0x1  }
0xa1: {  	s23 =	simm.s32 $0x1B8B  }
0xa2: {  	_ =	swait.ge [sflag:s23], $0x1  }
0xa3: {  	[sflag:s23] =	ssyncset.done $0x0  }
0xa4: {  	s25 =	simm.s32 $0x1B8E;
	s24 =	sld [smem:$0x3FFE];
	[sflag:s23] =	ssyncadd.s32 $0xFFFFFFFF  }
0xa5: {  	s26 =	simm.s32 $execute0_lowered;
	[smem:$0x3FD2] =	sst s25  }
0xa6: {  	s5 =	sshll.u32 s26, $0x1;
	_ =	strace $0x80000049;
	[dreg:$0x1] =	wrdreg $0xFFFFFFFF  }
0xa7: {  	s28 =	simm.s32 $_size_execute0_lowered;
	s3 =	sadd.s32 s3, s5;
	[dreg:$0x0] =	wrdreg $0x0  }
0xa8: {  	s5 =	sshll.u32 s28, $0x1;
	[dreg:$0x2] =	wrdreg s3  }
0xa9: {  	[dreg:$0x3] =	wrdreg s5  }
0xaa: {  	[dreg:$0x4] =	wrdreg $0xC0  }
0xab: {  	_ =	task [dreg:s7], $0x5FFFF  }
0xac: {  	[dreg:$0x1] =	wrdreg $0xFFFFFFFF  }
0xad: {  	[dreg:$0x0] =	wrdreg $0x60  }
0xae: {  	[dreg:$0x2] =	wrdreg s2  }
0xaf: {  	[dreg:$0x3] =	wrdreg s24  }
0xb0: {  	[dreg:$0x4] =	wrdreg $0x14A000  }
0xb1: {  	[dreg:$0x5] =	wrdreg $0x9  }
0xb2: {  	_ =	task.clear_ibuf [dreg:s7], $0x6FFFF;
	_ =	strace $0x90000049  }
0xb3: {  	s29 =	simm.s32 $0x9;
	_ =	strace $0x8000004B  }
0xb4: {  	_ =	swait.ge [sflag:s29], $0x1  }
0xb5: {  	[sflag:s29] =	ssyncadd.s32 $0xFFFFFFFF  }
0xb6: {  	_ =	strace $0x9000004B  }
0xb7: {  	_ =	sfence  }
0xb8: {  	s30 =	sld [smem:$0x0];
	_ =	sdelay $0x2  }
0xb9: {  	s31 =	sshll.u32 s1, $0xD;
	s1 =	sshrl.u32 s1, $0x2  }
0xba: {  	s3 =	sand.u32 $0x4000, s31;
	s1 =	sadd.s32 s1, s30  }
0xbb: {  	s0 =	sor.u32 s3, s0;
	s1 =	sshll.u32 s1, $0x11  }
0xbc: {  	s0 =	sor.u32 s1, s0  }
0xbd: {  	s0 =	sadd.s32 $0x8F2B, s0  }
0xbe: {  	[sflag:s0] =	ssyncadd.remote.s32 $0x1  }
0xbf: {  	_ =	sfence.sel $0xFFFF  }
0xc0: {  	[dreg:$0x0] =	wrdreg $0xFFFFFFFF;
	(pc) =	sbr.abs _section_cstart, $3  }
0xc1: {  	[dreg:$0x1] =	wrdreg $0xFFFFFFFF  }
0xc2: {  	_ =	task.clear_ibuf [dreg:s7], $0x2FFFF;
	_ =	strace $0x9FFFFFFF  }
0xc3: {  	(tm) =	ssettm $0x7FFFFFFF  }
tec
execute0_lowered:
.L_overlay_start_1:
0x0: {  	(tag) =	ssettag $0x1  }
0x1: {  	s1 =	rddreg [dreg:$0x0]  }
0x2: {  	s0 =	srdreg.scid;
	s4 =	rddreg [dreg:$0x1]  }
0x3: {  	s9 =	stileid.u32;
	s3 =	rddreg [dreg:$0x2];
	s6 =	simm.s32 $0x0  }
0x4: {  	s10 =	simm.s32 $0x11;
	s14 =	simm.s32 $0x7D;
	s15 =	simm.s32 $0x5000  }
0x5: {  	s17 =	simm.s32 $0x6F40;
	s19 =	simm.s32 $0x8E80;
	s21 =	simm.s32 $0xADC0  }
0x6: {  	s28 =	simm.s32 $0x10B80;
	s29 =	simm.s32 $0x4;
	s30 =	simm.s32 $0x12AC0  }
0x7: {  	s31 =	simm.s32 $0x5;
	s11 =	simm.s32 $0xB;
	s16 =	simm.s32 $0x8  }
0x8: {  	s18 =	simm.s32 $0xC;
	s0 =	sand.u32 $0x1, s0;
	s2 =	sshll.u32 s9, $0x1  }
0x9: {  	s5 =	smul.u32 $0x14000, s9;
	[smem:$0x7FF] =	sst s6;
	s26 =	sshll.u32 s9, $0x6  }
0xa: {  	s2 =	sor.u32 s0, s2;
	s22 =	smul.u32 $0x140000, s0;
	_ =	strace $0x8000004A  }
0xb: {  	s0 =	ssub.s32 $0x2, s0;
	s12 =	sor.u32 $0x1C11, s26;
	s26 =	simm.s32 $0x3  }
0xc: {  	s2 =	smul.u32 $0x500, s2;
	s7 =	sshrl.u32 s5, $0x4;
	s8 =	sshrl.u32 s0, $0x1  }
0xd: {  	s24 =	sshrl.u32 s5, $0x1;
	s6 =	sadd.s32 s5, s22;
	s7 =	sadd.s32 s7, s4  }
0xe: {  	s0 =	ssub.s32 s0, s8;
	s22 =	simm.s32 $0x1;
	s8 =	simm.s32 $0x0  }
0xf: {  	s2 =	sadd.s32 s2, s4;
	s6 =	sshrl.u32 s6, $0x4;
	s25 =	sadd.s32 $0x22600, s7  }
0x10: {  	s0 =	smax.u32 s0, $0x1;
	s4 =	sadd.s32 s6, s4;
	[dreg:$0x6] =	wrdreg s25  }
.Ltmp0:
0x11: {  	s23 =	sadd.s32 $0x18600, s2;
	[dreg:$0x8] =	wrdreg s0;
	(pc) =	sbr.rel .LBB2_1-.Ltmp0, $4  }
0x12: {  	s2 =	sadd.s32 $0xE600, s2;
	s25 =	simm.s32 $0xEC40;
	[dreg:$0x4] =	wrdreg s23  }
0x13: {  	s0 =	simm.s32 $0x7;
	[dreg:$0x5] =	wrdreg s2;
	s2 =	sadd.s32 s24, s3  }
0x14: {  	s4 =	sadd.s32 $0x36600, s4;
	s23 =	simm.s32 $0xCD00;
	s24 =	simm.s32 $0x2  }
0x15: {  	[dreg:$0x7] =	wrdreg s4;
	s13 =	sshrl.u32 s2, $0x3;
	s2 =	simm.s32 $0x9  }
.LBB2_4:
0x16: {  	_ =	swait.ge [sflag:s16], $0x1F40  }
0x17: {  	[sflag:s16] =	ssyncset.done $0x0  }
0x18: {  	[sflag:s16] =	ssyncadd.s32 $0xFFFFE0C0  }
0x19: {  	[spmem:s3] =	stream.indirect.scatter.add.bf16 [tilespmem:s30], [sflag:$0x10], $0x40, s20, s14, $0xb8;
	[tilespmem:$0x1EA00] =	vst v63  }
0x1a: {  	_ =	swait.ge [sflag:s18], $0x1F40  }
0x1b: {  	[sflag:s18] =	ssyncset.done $0x0  }
0x1c: {  	s4 =	simm.s32 $0xD;
	[sflag:s18] =	ssyncadd.s32 $0xFFFFE0C0  }
0x1d: {  	_ =	swait.ge [sflag:s4], $0x1F40  }
0x1e: {  	[sflag:s4] =	ssyncset.done $0x0  }
0x1f: {  	s5 =	simm.s32 $0xE;
	[sflag:s4] =	ssyncadd.s32 $0xFFFFE0C0  }
0x20: {  	_ =	swait.ge [sflag:s5], $0x1F40  }
0x21: {  	[sflag:s5] =	ssyncset.done $0x0  }
0x22: {  	s6 =	simm.s32 $0xF;
	[sflag:s5] =	ssyncadd.s32 $0xFFFFE0C0  }
0x23: {  	_ =	swait.ge [sflag:s6], $0x1F40  }
0x24: {  	[sflag:s6] =	ssyncset.done $0x0  }
0x25: {  	s7 =	simm.s32 $0x10;
	[sflag:s6] =	ssyncadd.s32 $0xFFFFE0C0  }
0x26: {  	_ =	swait.ge [sflag:s7], $0x1F40  }
0x27: {  	[sflag:s7] =	ssyncset.done $0x0  }
0x28: {  	[sflag:s7] =	ssyncadd.s32 $0xFFFFE0C0  }
0x29: {  	[bflag:$0x0] =	sbarrier.arrive $0xFFFF  }
0x2a: {  	s9 =	rddreg [dreg:$0x7]  }
0x2b: {  	[hbm:s9], [sflag:s12] =	dma.local [spmem:s13], $0x1400  }
0x2c: {  	_ =	swait.ge [sflag:s10], $0x1400  }
0x2d: {  	s8 =	sadd.s32 $0x1, s8;
	s20 =	rddreg [dreg:$0x8]  }
0x2e: {  	p0 =	sne.s32 s8, s20  }
.Ltmp1:
0x2f: {  	_ = 	snop;
	(pc) =	sbr.rel @!p0 .LBB2_5-.Ltmp1, $3  }
0x30: {  	_ =	sdelay $0x1  }
0x31: {  	[sflag:s10] =	ssyncset.done $0x0  }
0x32: {  	[sflag:s10] =	ssyncadd.s32 $0xFFFFEC00  }
.LBB2_1:
0x33: {  	s4 =	simm.s32 $0x0;
	s5 =	rddreg [dreg:$0x4]  }
0x34: {  	[tilespmem:s4], [sflag:$0x11] =	stream.linear.gather [hbm4b:s5+s4], $0x2800, $0x38;
	[tilespmem:$0x1EA00] =	vst v63  }
0x35: {  	_ =	swait.ge [sflag:s10], $0x2800  }
0x36: {  	[sflag:s10] =	ssyncset.done $0x0  }
0x37: {  	s6 =	simm.s32 $0x2800;
	s20 =	rddreg [dreg:$0x5];
	[sflag:s10] =	ssyncadd.s32 $0xFFFFD800  }
0x38: {  	[tilespmem:s6], [sflag:$0x11] =	stream.linear.gather [hbm4b:s20+s4], $0x2800, $0x38;
	[tilespmem:$0x1EA00] =	vst v63  }
0x39: {  	_ =	swait.ge [sflag:s10], $0x2800  }
0x3a: {  	[sflag:s10] =	ssyncset.done $0x0  }
0x3b: {  	s6 =	rddreg [dreg:$0x6];
	[sflag:s10] =	ssyncadd.s32 $0xFFFFD800  }
0x3c: {  	[spmem:s13], [sflag:s12] =	dma.local [hbm:s6], $0x1400  }
0x3d: {  	_ =	swait.ge [sflag:s10], $0x1400  }
0x3e: {  	[sflag:s10] =	ssyncset.done $0x0  }
0x3f: {  	[sflag:s10] =	ssyncadd.s32 $0xFFFFEC00  }
0x40: {  	[bflag:$0x0] =	sbarrier.arrive $0xFFFF  }
0x41: {  	[tilespmem:s15], [sflag:$0x1] =	stream.indirect.gather [hbm4b:s1+s14], $0x40, s4, s14, $0xb8;
	[tilespmem:$0x1EA00] =	vst v63  }
0x42: {  	s7 =	simm.s32 $0x80  }
0x43: {  	[tilespmem:s17], [sflag:$0x2] =	stream.indirect.gather [hbm4b:s1+s14], $0x40, s7, s14, $0xb8;
	[tilespmem:$0x1EA00] =	vst v63  }
0x44: {  	s9 =	simm.s32 $0x100  }
0x45: {  	[tilespmem:s19], [sflag:$0x3] =	stream.indirect.gather [hbm4b:s1+s14], $0x40, s9, s14, $0xb8;
	[tilespmem:$0x1EA00] =	vst v63  }
0x46: {  	s20 =	simm.s32 $0x180;
	s9 =	simm.s32 $0x0  }
0x47: {  	[tilespmem:s21], [sflag:$0x4] =	stream.indirect.gather [hbm4b:s1+s14], $0x40, s20, s14, $0xb8;
	[tilespmem:$0x1EA00] =	vst v63  }
.LBB2_2:
0x48: {  	_ =	swait.ge [sflag:s22], $0x1F40  }
0x49: {  	s4 =	sshra.s32 s9, $0x2;
	[sflag:s22] =	ssyncset.done $0x0  }
0x4a: {  	p0 =	seq.s32 s9, $0x0;
	s20 =	sadd.s32 $0x2800, s4;
	[sflag:s22] =	ssyncadd.s32 $0xFFFFE0C0  }
0x4b: {  	[spmem:s3] =	stream.indirect.scatter.add.bf16 [tilespmem:s15], [sflag:$0x9], $0x40, s20, s14, $0xb8;
	[tilespmem:$0x1EA00] =	vst v63  }
0x4c: {  	s20 =	simm.s32 @!p0 $0xD  }
0x4d: {  	_ =	swait.ge @!p0 [sflag:s20], $0x1F40  }
0x4e: {  	[sflag:s20] =	ssyncset.done @!p0 $0x0  }
0x4f: {  	s6 =	sadd.s32 $0x200, s4;
	[sflag:s20] =	ssyncadd.s32 @!p0 $0xFFFFE0C0  }
0x50: {  	[tilespmem:s23], [sflag:$0x5] =	stream.indirect.gather [hbm4b:s1+s14], $0x40, s6, s14, $0xb8;
	[tilespmem:$0x1EA00] =	vst v63  }
0x51: {  	_ =	swait.ge [sflag:s24], $0x1F40  }
0x52: {  	[sflag:s24] =	ssyncset.done $0x0  }
0x53: {  	s7 =	sadd.s32 $0x2880, s4;
	s20 =	simm.s32 @!p0 $0xE;
	[sflag:s24] =	ssyncadd.s32 $0xFFFFE0C0  }
0x54: {  	[spmem:s3] =	stream.indirect.scatter.add.bf16 [tilespmem:s17], [sflag:$0xA], $0x40, s7, s14, $0xb8;
	[tilespmem:$0x1EA00] =	vst v63  }
0x55: {  	_ =	swait.ge @!p0 [sflag:s20], $0x1F40  }
0x56: {  	[sflag:s20] =	ssyncset.done @!p0 $0x0  }
0x57: {  	s5 =	sadd.s32 $0x280, s4;
	[sflag:s20] =	ssyncadd.s32 @!p0 $0xFFFFE0C0  }
0x58: {  	[tilespmem:s25], [sflag:$0x6] =	stream.indirect.gather [hbm4b:s1+s14], $0x40, s5, s14, $0xb8;
	[tilespmem:$0x1EA00] =	vst v63  }
0x59: {  	_ =	swait.ge [sflag:s26], $0x1F40  }
0x5a: {  	[sflag:s26] =	ssyncset.done $0x0  }
0x5b: {  	s6 =	sadd.s32 $0x2900, s4;
	s20 =	simm.s32 @!p0 $0xF;
	[sflag:s26] =	ssyncadd.s32 $0xFFFFE0C0  }
0x5c: {  	[spmem:s3] =	stream.indirect.scatter.add.bf16 [tilespmem:s19], [sflag:$0xB], $0x40, s6, s14, $0xb8;
	[tilespmem:$0x1EA00] =	vst v63  }
0x5d: {  	_ =	swait.ge @!p0 [sflag:s20], $0x1F40  }
0x5e: {  	[sflag:s20] =	ssyncset.done @!p0 $0x0  }
0x5f: {  	s7 =	sadd.s32 $0x300, s4;
	[sflag:s20] =	ssyncadd.s32 @!p0 $0xFFFFE0C0  }
0x60: {  	[tilespmem:s28], [sflag:$0x7] =	stream.indirect.gather [hbm4b:s1+s14], $0x40, s7, s14, $0xb8;
	[tilespmem:$0x1EA00] =	vst v63  }
0x61: {  	_ =	swait.ge [sflag:s29], $0x1F40  }
0x62: {  	[sflag:s29] =	ssyncset.done $0x0  }
0x63: {  	s5 =	sadd.s32 $0x2980, s4;
	s20 =	simm.s32 @!p0 $0x10;
	[sflag:s29] =	ssyncadd.s32 $0xFFFFE0C0  }
0x64: {  	[spmem:s3] =	stream.indirect.scatter.add.bf16 [tilespmem:s21], [sflag:$0xC], $0x40, s5, s14, $0xb8;
	[tilespmem:$0x1EA00] =	vst v63  }
0x65: {  	_ =	swait.ge @!p0 [sflag:s20], $0x1F40  }
0x66: {  	[sflag:s20] =	ssyncset.done @!p0 $0x0  }
0x67: {  	s6 =	sadd.s32 $0x380, s4;
	[sflag:s20] =	ssyncadd.s32 @!p0 $0xFFFFE0C0  }
0x68: {  	[tilespmem:s30], [sflag:$0x8] =	stream.indirect.gather [hbm4b:s1+s14], $0x40, s6, s14, $0xb8;
	[tilespmem:$0x1EA00] =	vst v63  }
0x69: {  	_ =	swait.ge [sflag:s31], $0x1F40  }
0x6a: {  	[sflag:s31] =	ssyncset.done $0x0  }
0x6b: {  	s7 =	sadd.s32 $0x2A00, s4;
	[sflag:s31] =	ssyncadd.s32 $0xFFFFE0C0  }
0x6c: {  	[spmem:s3] =	stream.indirect.scatter.add.bf16 [tilespmem:s23], [sflag:$0xD], $0x40, s7, s14, $0xb8;
	[tilespmem:$0x1EA00] =	vst v63  }
0x6d: {  	_ =	swait.ge [sflag:s2], $0x1F40  }
0x6e: {  	p0 =	seq.s32 s9, $0x9000;
	[sflag:s2] =	ssyncset.done $0x0  }
0x6f: {  	s20 =	simm.s32 @p0 $0x6;
	[sflag:s2] =	ssyncadd.s32 $0xFFFFE0C0  }
0x70: {  	_ =	swait.ge @p0 [sflag:s20], $0x1F40  }
0x71: {  	[sflag:s20] =	ssyncset.done @p0 $0x0  }
0x72: {  	[sflag:s20] =	ssyncadd.s32 @p0 $0xFFFFE0C0;
	s20 =	sshra.s32 @p0 s9, $0x2  }
0x73: {  	s5 =	simm.s32 @p0 $0x7D;
	s6 =	simm.s32 @p0 $0xEC40;
	s20 =	sadd.s32 @p0 $0x2A80, s20  }
0x74: {  	[spmem:s3] =	stream.indirect.scatter.add.bf16 @p0 [tilespmem:s6], [sflag:$0xE], $0x40, s20, s5, $0xb8;
	[tilespmem:$0x1EA00] =	vst v63  }
0x75: {  	s5 =	simm.s32 @p0 $0xA  }
0x76: {  	_ =	swait.ge @p0 [sflag:s5], $0x1F40  }
0x77: {  	[sflag:s5] =	ssyncset.done @p0 $0x0  }
0x78: {  	[sflag:s5] =	ssyncadd.s32 @p0 $0xFFFFE0C0;
	s5 =	sshra.s32 @!p0 s9, $0x2  }
0x79: {  	s7 =	simm.s32 @!p0 $0x5000;
	s20 =	simm.s32 @!p0 $0x7D;
	s6 =	sadd.s32 @!p0 $0x400, s5  }
0x7a: {  	[tilespmem:s7], [sflag:$0x1] =	stream.indirect.gather @!p0 [hbm4b:s1+s20], $0x40, s6, s20, $0xb8;
	[tilespmem:$0x1EA00] =	vst v63  }
0x7b: {  	s6 =	simm.s32 @!p0 $0x6  }
0x7c: {  	_ =	swait.ge @!p0 [sflag:s6], $0x1F40  }
0x7d: {  	[sflag:s6] =	ssyncset.done @!p0 $0x0  }
0x7e: {  	s7 =	simm.s32 @!p0 $0xEC40;
	[sflag:s6] =	ssyncadd.s32 @!p0 $0xFFFFE0C0;
	s6 =	sadd.s32 @!p0 $0x2A80, s5  }
0x7f: {  	[spmem:s3] =	stream.indirect.scatter.add.bf16 @!p0 [tilespmem:s7], [sflag:$0xE], $0x40, s6, s20, $0xb8;
	[tilespmem:$0x1EA00] =	vst v63  }
0x80: {  	s6 =	simm.s32 @!p0 $0xA  }
0x81: {  	_ =	swait.ge @!p0 [sflag:s6], $0x1F40  }
0x82: {  	[sflag:s6] =	ssyncset.done @!p0 $0x0  }
0x83: {  	s5 =	sadd.s32 @!p0 $0x480, s5;
	[sflag:s6] =	ssyncadd.s32 @!p0 $0xFFFFE0C0;
	s6 =	simm.s32 @!p0 $0x6F40  }
0x84: {  	[tilespmem:s6], [sflag:$0x2] =	stream.indirect.gather @!p0 [hbm4b:s1+s20], $0x40, s5, s20, $0xb8;
	[tilespmem:$0x1EA00] =	vst v63  }
0x85: {  	_ =	swait.ge [sflag:s0], $0x1F40  }
0x86: {  	[sflag:s0] =	ssyncset.done $0x0  }
.Ltmp2:
0x87: {  	s20 =	sadd.s32 $0x2B00, s4;
	[sflag:s0] =	ssyncadd.s32 $0xFFFFE0C0;
	(pc) =	sbr.rel @p0 .LBB2_4-.Ltmp2, $4  }
0x88: {  	[spmem:s3] =	stream.indirect.scatter.add.bf16 [tilespmem:s28], [sflag:$0xF], $0x40, s20, s14, $0xb8;
	[tilespmem:$0x1EA00] =	vst v63  }
0x89: {  	_ =	swait.ge [sflag:s11], $0x1F40  }
0x8a: {  	[sflag:s11] =	ssyncset.done $0x0  }
0x8b: {  	s20 =	sadd.s32 $0x2B80, s4;
	[sflag:s11] =	ssyncadd.s32 $0xFFFFE0C0  }
0x8c: {  	s5 =	sadd.s32 $0x500, s4  }
0x8d: {  	[tilespmem:s19], [sflag:$0x3] =	stream.indirect.gather [hbm4b:s1+s14], $0x40, s5, s14, $0xb8;
	[tilespmem:$0x1EA00] =	vst v63  }
0x8e: {  	_ =	swait.ge [sflag:s16], $0x1F40  }
0x8f: {  	[sflag:s16] =	ssyncset.done $0x0  }
0x90: {  	[sflag:s16] =	ssyncadd.s32 $0xFFFFE0C0  }
0x91: {  	[spmem:s3] =	stream.indirect.scatter.add.bf16 [tilespmem:s30], [sflag:$0x10], $0x40, s20, s14, $0xb8;
	[tilespmem:$0x1EA00] =	vst v63  }
.Ltmp3:
0x92: {  	_ = 	snop;
	(pc) =	sbr.rel .LBB2_2-.Ltmp3, $4  }
0x93: {  	_ =	swait.ge [sflag:s18], $0x1F40  }
0x94: {  	[sflag:s18] =	ssyncset.done $0x0  }
0x95: {  	s9 =	sadd.s32 $0x1000, s9;
	s20 =	sadd.s32 $0x580, s4;
	[sflag:s18] =	ssyncadd.s32 $0xFFFFE0C0  }
0x96: {  	[tilespmem:s21], [sflag:$0x4] =	stream.indirect.gather [hbm4b:s1+s14], $0x40, s20, s14, $0xb8;
	[tilespmem:$0x1EA00] =	vst v63  }
.LBB2_5:
0x97: {  	_ =	sfence.sel $0x180000  }
0x98: {  	[bflag:$0x0] =	sbarrier.arrive $0xFFFF  }
0x99: {  	_ =	strace $0x9000004A  }
0x9a: {  	s0 =	stileid.u32;
	[bflag:$0x2] =	sbarrier.arrive $0xFFFF  }
0x9b: {  	p0 =	sne.s32 s0, $0x0;
	s0 =	rddreg [dreg:$0x3]  }
0x9c: {  	s0 =	sadd.s32 @!p0 $0x100000, s0  }
0x9d: {  	[sflag:s0] =	ssyncadd.tile.s32 @!p0 $0x1;
	_ =	shalt  }
.Lfunc_end2:
_tile_overlayer_lowered:
.L_overlay_start_2:
0x9e: {  	(tag) =	ssettag $0x2  }
0x9f: {  	s0 =	rddreg [dreg:$0x0];
	s2 =	stileid.u32  }
0xa0: {  	s1 =	rddreg [dreg:$0x1];
	p0 =	sne.s32 s2, $0x0  }
0xa1: {  	s3 =	rddreg [dreg:$0x2];
	[bflag:$0x3] =	sbarrier.arrive $0xFFFF;
	s2 =	simm.s32 @!p0 $0x1C11  }
0xa2: {  	[timem:s3], [sflag:s2] =	dma.local @!p0 [hbm:s0], s1  }
0xa3: {  	s0 =	simm.s32 @!p0 $0x11  }
0xa4: {  	_ =	swait.ge @!p0 [sflag:s0], s1  }
0xa5: {  	s1 =	ssub.s32 @!p0 $0x0, s1;
	[sflag:s0] =	ssyncset.done @!p0 $0x0  }
0xa6: {  	[sflag:s0] =	ssyncadd.s32 @!p0 s1  }
0xa7: {  	[bflag:$0x3] =	sbarrier.arrive $0xFFFF  }
0xa8: {  	_ =	shalt  }

// kernel: kernel.17.cloned.1.call-start
scs
__scs_entry_jumppad:
0x0: {  	(pc) =	sbr.rel $0x88, $3  }
0x1: {  	(tag) =	ssettag $0x0;
	lr =	simm.s32 $0x1  }
0x2: {  	[smem:$0x3F99] =	sst lr;
	_ =	strace $0xD0000000  }
0x3: {  	_ = 	snop  }
0x4: {  	_ = 	snop  }
0x5: {  	_ = 	snop  }
0x6: {  	_ = 	snop  }
0x7: {  	_ = 	snop  }
__scs_overlays_trampoline_lowered:
0x8: {  	[smem:$0x3FA8] =	sst s0  }
0x9: {  	[smem:$0x3FA9] =	sst s1  }
0xa: {  	[smem:$0x3FAA] =	sst s2  }
0xb: {  	[smem:$0x3FAB] =	sst s3  }
0xc: {  	[smem:$0x3FAC] =	sst s4  }
0xd: {  	[smem:$0x3FAD] =	sst s5  }
0xe: {  	[smem:$0x3FAE] =	sst s6  }
0xf: {  	[smem:$0x3FAF] =	sst s7  }
0x10: {  	[smem:$0x3FB0] =	sst s8  }
0x11: {  	[smem:$0x3FB1] =	sst s9;
	s0 =	simm.s32 @!p0 $0x0  }
0x12: {  	s1 =	sld [smem:$0x3F97];
	s0 =	simm.s32 @p0 $0x1  }
0x13: {  	[smem:$0x3FB2] =	sst s0;
	s0 =	simm.s32 @!p1 $0x0  }
0x14: {  	s2 =	sld [smem:$0x3F96];
	s0 =	simm.s32 @p1 $0x1  }
0x15: {  	[smem:$0x3FB3] =	sst s0;
	s0 =	simm.s32 @!p2 $0x0  }
0x16: {  	s3 =	sld [smem:$0x3FDB];
	s0 =	simm.s32 @p2 $0x1  }
0x17: {  	s4 =	simm.s32 $0x1BF5;
	[smem:$0x3FB5] =	sst s0  }
0x18: {  	s0 =	sld [smem:$0x3F98];
	_ =	swait.ge [sflag:s4], $0x0  }
0x19: {  	s7 =	sld [smem:$0x3F99]  }
0x1a: {  	s8 =	sadd.s32 $0xFFFFE003, lr  }
0x1b: {  	s9 =	sadd.s32 $0xFFFFFEF7, lr;
	s5 =	simm.s32 $0xFFFFFFFF;
	p2 =	slt.u32 s8, $0xFFFFF086  }
0x1c: {  	p1 =	slt.u32 s9, $0xF7A;
	s5 =	simm.s32 @!p2 $0x0  }
0x1d: {  	s5 =	simm.s32 @p1 $0x1;
	p0 =	seq.s32 s7, s2  }
0x1e: {  	s7 =	smul.u32 @!p0 $0xF7A, s2;
	p2 =	seq.s32 @!p0 s5, $0x0  }
0x1f: {  	s9 =	smul.u32 $0xF7A, s1;
	s8 =	simm.s32 @!p0 $0x1BF5;
	p2 =	por !p2, p0  }
0x20: {  	[sflag:s8] =	ssyncset.s32 @!p0 $0xFFFFF086;
	s6 =	sadd.s32 @!p0 s3, s7;
	s7 =	simm.s32 @!p0 $0x108  }
0x21: {  	s3 =	sadd.s32 s3, s9;
	s6 =	sadd.s32 @!p0 $0x88, s6;
	s7 =	simm.s32 @p2 $0x1082  }
0x22: {  	[simem:s7], [sflag:s8] =	dma.local @!p0 [hbm:s6], $0xF7A  }
0x23: {  	s9 =	sor.u32 $0xD0000000, s2;
	s6 =	simm.s32 $0x108;
	_ =	swait.ge @!p0 [sflag:s8], $0x0  }
0x24: {  	s3 =	sadd.s32 $0x88, s3;
	s6 =	simm.s32 @!p1 $0x1082;
	[sflag:s4] =	ssyncset.s32 $0xFFFFF086  }
0x25: {  	[simem:s6], [sflag:s4] =	dma.local [hbm:s3], $0xF7A  }
0x26: {  	[smem:$0x3F99] =	sst s1;
	(tag) =	ssettag s2;
	_ =	strace s9  }
0x27: {  	s1 =	sld [smem:$0x3FA9]  }
0x28: {  	s2 =	sld [smem:$0x3FAA]  }
0x29: {  	s4 =	sld [smem:$0x3FAC]  }
0x2a: {  	p0 =	seq.s32 s5, $0x0;
	s5 =	sld [smem:$0x3FAD]  }
0x2b: {  	s6 =	sld [smem:$0x3FAE]  }
0x2c: {  	s7 =	sld [smem:$0x3FAF]  }
0x2d: {  	s3 =	simm.s32 $0x108;
	s8 =	sld [smem:$0x3FB0]  }
0x2e: {  	s3 =	simm.s32 @!p0 $0x1082;
	s9 =	sld [smem:$0x3FB1]  }
0x2f: {  	lr =	sadd.s32 s0, s3;
	s0 =	sld [smem:$0x3FA8]  }
0x30: {  	s3 =	sld [smem:$0x3FAB]  }
0x31: {  	[smem:$0x3FB4] =	sst s10  }
0x32: {  	s10 =	sld [smem:$0x3FB2];
	_ =	sdelay $0x3  }
0x33: {  	p0 =	seq.s32 s10, $0x1;
	s10 =	sld [smem:$0x3FB4];
	_ =	sdelay $0x3  }
0x34: {  	[smem:$0x3FB4] =	sst s10  }
0x35: {  	s10 =	sld [smem:$0x3FB3];
	_ =	sdelay $0x3  }
0x36: {  	p1 =	seq.s32 s10, $0x1;
	s10 =	sld [smem:$0x3FB4];
	_ =	sdelay $0x3  }
0x37: {  	[smem:$0x3FB4] =	sst s10  }
0x38: {  	s10 =	sld [smem:$0x3FB5]  }
0x39: {  	_ = 	snop;
	(pc) =	sbr.ind lr, $3  }
0x3a: {  	_ = 	snop  }
0x3b: {  	_ = 	snop  }
0x3c: {  	p2 =	seq.s32 s10, $0x1;
	s10 =	sld [smem:$0x3FB4]  }
0x3d: {  	_ =	shalt  }
0x3e: {  	_ =	shalt  }
0x3f: {  	_ =	shalt  }
0x40: {  	_ =	shalt  }
0x41: {  	_ =	shalt  }
0x42: {  	_ =	shalt  }
0x43: {  	_ =	shalt  }
0x44: {  	_ =	shalt  }
0x45: {  	_ =	shalt  }
0x46: {  	_ =	shalt  }
0x47: {  	_ =	shalt  }
0x48: {  	_ =	shalt  }
0x49: {  	_ =	shalt  }
0x4a: {  	_ =	shalt  }
0x4b: {  	_ =	shalt  }
0x4c: {  	_ =	shalt  }
0x4d: {  	_ =	shalt  }
0x4e: {  	_ =	shalt  }
0x4f: {  	_ =	shalt  }
0x50: {  	_ =	shalt  }
0x51: {  	_ =	shalt  }
0x52: {  	_ =	shalt  }
0x53: {  	_ =	shalt  }
0x54: {  	_ =	shalt  }
0x55: {  	_ =	shalt  }
0x56: {  	_ =	shalt  }
0x57: {  	_ =	shalt  }
0x58: {  	_ =	shalt  }
0x59: {  	_ =	shalt  }
0x5a: {  	_ =	shalt  }
0x5b: {  	_ =	shalt  }
0x5c: {  	_ =	shalt  }
0x5d: {  	_ =	shalt  }
0x5e: {  	_ =	shalt  }
0x5f: {  	_ =	shalt  }
0x60: {  	_ =	shalt  }
0x61: {  	_ =	shalt  }
0x62: {  	_ =	shalt  }
0x63: {  	_ =	shalt  }
0x64: {  	_ =	shalt  }
0x65: {  	_ =	shalt  }
0x66: {  	_ =	shalt  }
0x67: {  	_ =	shalt  }
0x68: {  	_ =	shalt  }
0x69: {  	_ =	shalt  }
0x6a: {  	_ =	shalt  }
0x6b: {  	_ =	shalt  }
0x6c: {  	_ =	shalt  }
0x6d: {  	_ =	shalt  }
0x6e: {  	_ =	shalt  }
0x6f: {  	_ =	shalt  }
0x70: {  	_ =	shalt  }
0x71: {  	_ =	shalt  }
0x72: {  	_ =	shalt  }
0x73: {  	_ =	shalt  }
0x74: {  	_ =	shalt  }
0x75: {  	_ =	shalt  }
0x76: {  	_ =	shalt  }
0x77: {  	_ =	shalt  }
0x78: {  	_ =	shalt  }
0x79: {  	_ =	shalt  }
0x7a: {  	_ =	shalt  }
0x7b: {  	_ =	shalt  }
0x7c: {  	_ =	shalt  }
0x7d: {  	_ =	shalt  }
0x7e: {  	_ =	shalt  }
0x7f: {  	_ =	shalt  }
0x80: {  	_ =	shalt  }
0x81: {  	_ =	shalt  }
0x82: {  	_ =	shalt  }
0x83: {  	_ =	shalt  }
0x84: {  	_ =	shalt  }
0x85: {  	_ =	shalt  }
0x86: {  	_ =	shalt  }
0x87: {  	_ =	shalt  }
.Lfunc_end0:
.L_simem_size_0:
called_computation.2_lowered:
.L_overlay_start_0:
0x88: {  	s2 =	sld [smem:$0x3FD9]  }
0x89: {  	s3 =	sld [smem:$0x3FFE];
	_ =	sdelay $0x1  }
0x8a: {  	s1 =	srdreg.scid  }
0x8b: {  	s0 =	sand.u32 $0x1, s1  }
0x8c: {  	s17 =	sshll.u32 s0, $0xA;
	s2 =	sadd.s32 s3, s2  }
0x8d: {  	s2 =	sadd.s32 s2, s17  }
0x8e: {  	[smem:$0x3FC0] =	sst s2  }
0x8f: {  	_ = 	snop  }
0x90: {  	s2 =	sld [smem:$0x3FD0];
	(tm) =	ssettm $0x1  }
0x91: {  	s18 =	sld [smem:$0x3FFB];
	_ =	sdelay $0x3  }
0x92: {  	_ =	strace s18  }
0x93: {  	s3 =	sld [smem:$0x3FFC];
	_ =	sdelay $0x3  }
0x94: {  	_ =	strace s3  }
0x95: {  	s3 =	sld [smem:$0x3FFD];
	_ =	sdelay $0x3  }
0x96: {  	_ =	strace s3  }
0x97: {  	_ =	strace $0x8FFFFFFF  }
0x98: {  	s19 =	sld [smem:$0x3FDB];
	_ =	sdelay $0x1  }
0x99: {  	s4 =	simm.s32 $_scs_section_size  }
0x9a: {  	s5 =	simm.s32 $_size__tile_overlayer_lowered;
	s6 =	simm.s32 $_tile_overlayer_lowered  }
0x9b: {  	s22 =	simm.s32 $0x1BFF;
	s21 =	sshll.u32 s6, $0x1;
	s3 =	sadd.s32 s4, s19  }
0x9c: {  	s7 =	simm.s32 $0x0;
	s20 =	sshll.u32 s5, $0x1;
	s5 =	sadd.s32 s21, s3  }
0x9d: {  	[timem:s7], [sflag:s22] =	dma.local [hbm:s5], s20  }
0x9e: {  	_ =	swait.ge [sflag:s22], s20  }
0x9f: {  	s4 =	ssub.s32 $0x0, s20;
	[sflag:s22] =	ssyncset.done $0x0  }
0xa0: {  	[sflag:s22] =	ssyncadd.s32 s4;
	_ =	sdelay $0x1  }
0xa1: {  	s23 =	simm.s32 $0x1B8B  }
0xa2: {  	_ =	swait.ge [sflag:s23], $0x1  }
0xa3: {  	[sflag:s23] =	ssyncset.done $0x0  }
0xa4: {  	s25 =	simm.s32 $0x1B8E;
	s24 =	sld [smem:$0x3FFE];
	[sflag:s23] =	ssyncadd.s32 $0xFFFFFFFF  }
0xa5: {  	s26 =	simm.s32 $execute0_lowered;
	[smem:$0x3FD2] =	sst s25  }
0xa6: {  	s5 =	sshll.u32 s26, $0x1;
	_ =	strace $0x8000004C;
	[dreg:$0x1] =	wrdreg $0xFFFFFFFF  }
0xa7: {  	s28 =	simm.s32 $_size_execute0_lowered;
	s3 =	sadd.s32 s3, s5;
	[dreg:$0x0] =	wrdreg $0x0  }
0xa8: {  	s5 =	sshll.u32 s28, $0x1;
	[dreg:$0x2] =	wrdreg s3  }
0xa9: {  	[dreg:$0x3] =	wrdreg s5  }
0xaa: {  	[dreg:$0x4] =	wrdreg $0xC0  }
0xab: {  	_ =	task [dreg:s7], $0x5FFFF  }
0xac: {  	[dreg:$0x1] =	wrdreg $0xFFFFFFFF  }
0xad: {  	[dreg:$0x0] =	wrdreg $0x60  }
0xae: {  	[dreg:$0x2] =	wrdreg s2  }
0xaf: {  	[dreg:$0x3] =	wrdreg s24  }
0xb0: {  	[dreg:$0x4] =	wrdreg $0x14A000  }
0xb1: {  	[dreg:$0x5] =	wrdreg $0x9  }
0xb2: {  	_ =	task.clear_ibuf [dreg:s7], $0x6FFFF;
	_ =	strace $0x9000004C  }
0xb3: {  	s29 =	simm.s32 $0x9;
	_ =	strace $0x8000004E  }
0xb4: {  	_ =	swait.ge [sflag:s29], $0x1  }
0xb5: {  	[sflag:s29] =	ssyncadd.s32 $0xFFFFFFFF  }
0xb6: {  	_ =	strace $0x9000004E  }
0xb7: {  	_ =	sfence  }
0xb8: {  	s30 =	sld [smem:$0x0];
	_ =	sdelay $0x2  }
0xb9: {  	s31 =	sshll.u32 s1, $0xD;
	s1 =	sshrl.u32 s1, $0x2  }
0xba: {  	s3 =	sand.u32 $0x4000, s31;
	s1 =	sadd.s32 s1, s30  }
0xbb: {  	s0 =	sor.u32 s3, s0;
	s1 =	sshll.u32 s1, $0x11  }
0xbc: {  	s0 =	sor.u32 s1, s0  }
0xbd: {  	s0 =	sadd.s32 $0x8F2B, s0  }
0xbe: {  	[sflag:s0] =	ssyncadd.remote.s32 $0x1  }
0xbf: {  	_ =	sfence.sel $0xFFFF  }
0xc0: {  	[dreg:$0x0] =	wrdreg $0xFFFFFFFF;
	(pc) =	sbr.abs _section_cstart, $3  }
0xc1: {  	[dreg:$0x1] =	wrdreg $0xFFFFFFFF  }
0xc2: {  	_ =	task.clear_ibuf [dreg:s7], $0x2FFFF;
	_ =	strace $0x9FFFFFFF  }
0xc3: {  	(tm) =	ssettm $0x7FFFFFFF  }
tec
execute0_lowered:
.L_overlay_start_1:
0x0: {  	(tag) =	ssettag $0x1  }
0x1: {  	s1 =	rddreg [dreg:$0x0]  }
0x2: {  	s0 =	srdreg.scid;
	s4 =	rddreg [dreg:$0x1]  }
0x3: {  	s9 =	stileid.u32;
	s3 =	rddreg [dreg:$0x2];
	s6 =	simm.s32 $0x0  }
0x4: {  	s10 =	simm.s32 $0x11;
	s14 =	simm.s32 $0x7D;
	s15 =	simm.s32 $0x5000  }
0x5: {  	s17 =	simm.s32 $0x6F40;
	s19 =	simm.s32 $0x8E80;
	s21 =	simm.s32 $0xADC0  }
0x6: {  	s28 =	simm.s32 $0x10B80;
	s29 =	simm.s32 $0x4;
	s30 =	simm.s32 $0x12AC0  }
0x7: {  	s31 =	simm.s32 $0x5;
	s11 =	simm.s32 $0xB;
	s16 =	simm.s32 $0x8  }
0x8: {  	s18 =	simm.s32 $0xC;
	s0 =	sand.u32 $0x1, s0;
	s2 =	sshll.u32 s9, $0x1  }
0x9: {  	s5 =	smul.u32 $0x14000, s9;
	[smem:$0x7FF] =	sst s6;
	s26 =	sshll.u32 s9, $0x6  }
0xa: {  	s2 =	sor.u32 s0, s2;
	s22 =	smul.u32 $0x140000, s0;
	_ =	strace $0x8000004D  }
0xb: {  	s0 =	ssub.s32 $0x2, s0;
	s12 =	sor.u32 $0x1C11, s26;
	s26 =	simm.s32 $0x3  }
0xc: {  	s2 =	smul.u32 $0x500, s2;
	s7 =	sshrl.u32 s5, $0x4;
	s8 =	sshrl.u32 s0, $0x1  }
0xd: {  	s24 =	sshrl.u32 s5, $0x1;
	s6 =	sadd.s32 s5, s22;
	s7 =	sadd.s32 s7, s4  }
0xe: {  	s0 =	ssub.s32 s0, s8;
	s22 =	simm.s32 $0x1;
	s8 =	simm.s32 $0x0  }
0xf: {  	s2 =	sadd.s32 s2, s4;
	s6 =	sshrl.u32 s6, $0x4;
	s25 =	sadd.s32 $0x22600, s7  }
0x10: {  	s0 =	smax.u32 s0, $0x1;
	s4 =	sadd.s32 s6, s4;
	[dreg:$0x6] =	wrdreg s25  }
.Ltmp0:
0x11: {  	s23 =	sadd.s32 $0x18600, s2;
	[dreg:$0x8] =	wrdreg s0;
	(pc) =	sbr.rel .LBB2_1-.Ltmp0, $4  }
0x12: {  	s2 =	sadd.s32 $0xE600, s2;
	s25 =	simm.s32 $0xEC40;
	[dreg:$0x4] =	wrdreg s23  }
0x13: {  	s0 =	simm.s32 $0x7;
	[dreg:$0x5] =	wrdreg s2;
	s2 =	sadd.s32 s24, s3  }
0x14: {  	s4 =	sadd.s32 $0x36600, s4;
	s23 =	simm.s32 $0xCD00;
	s24 =	simm.s32 $0x2  }
0x15: {  	[dreg:$0x7] =	wrdreg s4;
	s13 =	sshrl.u32 s2, $0x3;
	s2 =	simm.s32 $0x9  }
.LBB2_4:
0x16: {  	_ =	swait.ge [sflag:s16], $0x1F40  }
0x17: {  	[sflag:s16] =	ssyncset.done $0x0  }
0x18: {  	[sflag:s16] =	ssyncadd.s32 $0xFFFFE0C0  }
0x19: {  	[spmem:s3] =	stream.indirect.scatter.add.bf16 [tilespmem:s30], [sflag:$0x10], $0x40, s20, s14, $0xb8;
	[tilespmem:$0x1EA00] =	vst v63  }
0x1a: {  	_ =	swait.ge [sflag:s18], $0x1F40  }
0x1b: {  	[sflag:s18] =	ssyncset.done $0x0  }
0x1c: {  	s4 =	simm.s32 $0xD;
	[sflag:s18] =	ssyncadd.s32 $0xFFFFE0C0  }
0x1d: {  	_ =	swait.ge [sflag:s4], $0x1F40  }
0x1e: {  	[sflag:s4] =	ssyncset.done $0x0  }
0x1f: {  	s5 =	simm.s32 $0xE;
	[sflag:s4] =	ssyncadd.s32 $0xFFFFE0C0  }
0x20: {  	_ =	swait.ge [sflag:s5], $0x1F40  }
0x21: {  	[sflag:s5] =	ssyncset.done $0x0  }
0x22: {  	s6 =	simm.s32 $0xF;
	[sflag:s5] =	ssyncadd.s32 $0xFFFFE0C0  }
0x23: {  	_ =	swait.ge [sflag:s6], $0x1F40  }
0x24: {  	[sflag:s6] =	ssyncset.done $0x0  }
0x25: {  	s7 =	simm.s32 $0x10;
	[sflag:s6] =	ssyncadd.s32 $0xFFFFE0C0  }
0x26: {  	_ =	swait.ge [sflag:s7], $0x1F40  }
0x27: {  	[sflag:s7] =	ssyncset.done $0x0  }
0x28: {  	[sflag:s7] =	ssyncadd.s32 $0xFFFFE0C0  }
0x29: {  	[bflag:$0x0] =	sbarrier.arrive $0xFFFF  }
0x2a: {  	s9 =	rddreg [dreg:$0x7]  }
0x2b: {  	[hbm:s9], [sflag:s12] =	dma.local [spmem:s13], $0x1400  }
0x2c: {  	_ =	swait.ge [sflag:s10], $0x1400  }
0x2d: {  	s8 =	sadd.s32 $0x1, s8;
	s20 =	rddreg [dreg:$0x8]  }
0x2e: {  	p0 =	sne.s32 s8, s20  }
.Ltmp1:
0x2f: {  	_ = 	snop;
	(pc) =	sbr.rel @!p0 .LBB2_5-.Ltmp1, $3  }
0x30: {  	_ =	sdelay $0x1  }
0x31: {  	[sflag:s10] =	ssyncset.done $0x0  }
0x32: {  	[sflag:s10] =	ssyncadd.s32 $0xFFFFEC00  }
.LBB2_1:
0x33: {  	s4 =	simm.s32 $0x0;
	s5 =	rddreg [dreg:$0x4]  }
0x34: {  	[tilespmem:s4], [sflag:$0x11] =	stream.linear.gather [hbm4b:s5+s4], $0x2800, $0x38;
	[tilespmem:$0x1EA00] =	vst v63  }
0x35: {  	_ =	swait.ge [sflag:s10], $0x2800  }
0x36: {  	[sflag:s10] =	ssyncset.done $0x0  }
0x37: {  	s6 =	simm.s32 $0x2800;
	s20 =	rddreg [dreg:$0x5];
	[sflag:s10] =	ssyncadd.s32 $0xFFFFD800  }
0x38: {  	[tilespmem:s6], [sflag:$0x11] =	stream.linear.gather [hbm4b:s20+s4], $0x2800, $0x38;
	[tilespmem:$0x1EA00] =	vst v63  }
0x39: {  	_ =	swait.ge [sflag:s10], $0x2800  }
0x3a: {  	[sflag:s10] =	ssyncset.done $0x0  }
0x3b: {  	s6 =	rddreg [dreg:$0x6];
	[sflag:s10] =	ssyncadd.s32 $0xFFFFD800  }
0x3c: {  	[spmem:s13], [sflag:s12] =	dma.local [hbm:s6], $0x1400  }
0x3d: {  	_ =	swait.ge [sflag:s10], $0x1400  }
0x3e: {  	[sflag:s10] =	ssyncset.done $0x0  }
0x3f: {  	[sflag:s10] =	ssyncadd.s32 $0xFFFFEC00  }
0x40: {  	[bflag:$0x0] =	sbarrier.arrive $0xFFFF  }
0x41: {  	[tilespmem:s15], [sflag:$0x1] =	stream.indirect.gather [hbm4b:s1+s14], $0x40, s4, s14, $0xb8;
	[tilespmem:$0x1EA00] =	vst v63  }
0x42: {  	s7 =	simm.s32 $0x80  }
0x43: {  	[tilespmem:s17], [sflag:$0x2] =	stream.indirect.gather [hbm4b:s1+s14], $0x40, s7, s14, $0xb8;
	[tilespmem:$0x1EA00] =	vst v63  }
0x44: {  	s9 =	simm.s32 $0x100  }
0x45: {  	[tilespmem:s19], [sflag:$0x3] =	stream.indirect.gather [hbm4b:s1+s14], $0x40, s9, s14, $0xb8;
	[tilespmem:$0x1EA00] =	vst v63  }
0x46: {  	s20 =	simm.s32 $0x180;
	s9 =	simm.s32 $0x0  }
0x47: {  	[tilespmem:s21], [sflag:$0x4] =	stream.indirect.gather [hbm4b:s1+s14], $0x40, s20, s14, $0xb8;
	[tilespmem:$0x1EA00] =	vst v63  }
.LBB2_2:
0x48: {  	_ =	swait.ge [sflag:s22], $0x1F40  }
0x49: {  	s4 =	sshra.s32 s9, $0x2;
	[sflag:s22] =	ssyncset.done $0x0  }
0x4a: {  	p0 =	seq.s32 s9, $0x0;
	s20 =	sadd.s32 $0x2800, s4;
	[sflag:s22] =	ssyncadd.s32 $0xFFFFE0C0  }
0x4b: {  	[spmem:s3] =	stream.indirect.scatter.add.bf16 [tilespmem:s15], [sflag:$0x9], $0x40, s20, s14, $0xb8;
	[tilespmem:$0x1EA00] =	vst v63  }
0x4c: {  	s20 =	simm.s32 @!p0 $0xD  }
0x4d: {  	_ =	swait.ge @!p0 [sflag:s20], $0x1F40  }
0x4e: {  	[sflag:s20] =	ssyncset.done @!p0 $0x0  }
0x4f: {  	s6 =	sadd.s32 $0x200, s4;
	[sflag:s20] =	ssyncadd.s32 @!p0 $0xFFFFE0C0  }
0x50: {  	[tilespmem:s23], [sflag:$0x5] =	stream.indirect.gather [hbm4b:s1+s14], $0x40, s6, s14, $0xb8;
	[tilespmem:$0x1EA00] =	vst v63  }
0x51: {  	_ =	swait.ge [sflag:s24], $0x1F40  }
0x52: {  	[sflag:s24] =	ssyncset.done $0x0  }
0x53: {  	s7 =	sadd.s32 $0x2880, s4;
	s20 =	simm.s32 @!p0 $0xE;
	[sflag:s24] =	ssyncadd.s32 $0xFFFFE0C0  }
0x54: {  	[spmem:s3] =	stream.indirect.scatter.add.bf16 [tilespmem:s17], [sflag:$0xA], $0x40, s7, s14, $0xb8;
	[tilespmem:$0x1EA00] =	vst v63  }
0x55: {  	_ =	swait.ge @!p0 [sflag:s20], $0x1F40  }
0x56: {  	[sflag:s20] =	ssyncset.done @!p0 $0x0  }
0x57: {  	s5 =	sadd.s32 $0x280, s4;
	[sflag:s20] =	ssyncadd.s32 @!p0 $0xFFFFE0C0  }
0x58: {  	[tilespmem:s25], [sflag:$0x6] =	stream.indirect.gather [hbm4b:s1+s14], $0x40, s5, s14, $0xb8;
	[tilespmem:$0x1EA00] =	vst v63  }
0x59: {  	_ =	swait.ge [sflag:s26], $0x1F40  }
0x5a: {  	[sflag:s26] =	ssyncset.done $0x0  }
0x5b: {  	s6 =	sadd.s32 $0x2900, s4;
	s20 =	simm.s32 @!p0 $0xF;
	[sflag:s26] =	ssyncadd.s32 $0xFFFFE0C0  }
0x5c: {  	[spmem:s3] =	stream.indirect.scatter.add.bf16 [tilespmem:s19], [sflag:$0xB], $0x40, s6, s14, $0xb8;
	[tilespmem:$0x1EA00] =	vst v63  }
0x5d: {  	_ =	swait.ge @!p0 [sflag:s20], $0x1F40  }
0x5e: {  	[sflag:s20] =	ssyncset.done @!p0 $0x0  }
0x5f: {  	s7 =	sadd.s32 $0x300, s4;
	[sflag:s20] =	ssyncadd.s32 @!p0 $0xFFFFE0C0  }
0x60: {  	[tilespmem:s28], [sflag:$0x7] =	stream.indirect.gather [hbm4b:s1+s14], $0x40, s7, s14, $0xb8;
	[tilespmem:$0x1EA00] =	vst v63  }
0x61: {  	_ =	swait.ge [sflag:s29], $0x1F40  }
0x62: {  	[sflag:s29] =	ssyncset.done $0x0  }
0x63: {  	s5 =	sadd.s32 $0x2980, s4;
	s20 =	simm.s32 @!p0 $0x10;
	[sflag:s29] =	ssyncadd.s32 $0xFFFFE0C0  }
0x64: {  	[spmem:s3] =	stream.indirect.scatter.add.bf16 [tilespmem:s21], [sflag:$0xC], $0x40, s5, s14, $0xb8;
	[tilespmem:$0x1EA00] =	vst v63  }
0x65: {  	_ =	swait.ge @!p0 [sflag:s20], $0x1F40  }
0x66: {  	[sflag:s20] =	ssyncset.done @!p0 $0x0  }
0x67: {  	s6 =	sadd.s32 $0x380, s4;
	[sflag:s20] =	ssyncadd.s32 @!p0 $0xFFFFE0C0  }
0x68: {  	[tilespmem:s30], [sflag:$0x8] =	stream.indirect.gather [hbm4b:s1+s14], $0x40, s6, s14, $0xb8;
	[tilespmem:$0x1EA00] =	vst v63  }
0x69: {  	_ =	swait.ge [sflag:s31], $0x1F40  }
0x6a: {  	[sflag:s31] =	ssyncset.done $0x0  }
0x6b: {  	s7 =	sadd.s32 $0x2A00, s4;
	[sflag:s31] =	ssyncadd.s32 $0xFFFFE0C0  }
0x6c: {  	[spmem:s3] =	stream.indirect.scatter.add.bf16 [tilespmem:s23], [sflag:$0xD], $0x40, s7, s14, $0xb8;
	[tilespmem:$0x1EA00] =	vst v63  }
0x6d: {  	_ =	swait.ge [sflag:s2], $0x1F40  }
0x6e: {  	p0 =	seq.s32 s9, $0x9000;
	[sflag:s2] =	ssyncset.done $0x0  }
0x6f: {  	s20 =	simm.s32 @p0 $0x6;
	[sflag:s2] =	ssyncadd.s32 $0xFFFFE0C0  }
0x70: {  	_ =	swait.ge @p0 [sflag:s20], $0x1F40  }
0x71: {  	[sflag:s20] =	ssyncset.done @p0 $0x0  }
0x72: {  	[sflag:s20] =	ssyncadd.s32 @p0 $0xFFFFE0C0;
	s20 =	sshra.s32 @p0 s9, $0x2  }
0x73: {  	s5 =	simm.s32 @p0 $0x7D;
	s6 =	simm.s32 @p0 $0xEC40;
	s20 =	sadd.s32 @p0 $0x2A80, s20  }
0x74: {  	[spmem:s3] =	stream.indirect.scatter.add.bf16 @p0 [tilespmem:s6], [sflag:$0xE], $0x40, s20, s5, $0xb8;
	[tilespmem:$0x1EA00] =	vst v63  }
0x75: {  	s5 =	simm.s32 @p0 $0xA  }
0x76: {  	_ =	swait.ge @p0 [sflag:s5], $0x1F40  }
0x77: {  	[sflag:s5] =	ssyncset.done @p0 $0x0  }
0x78: {  	[sflag:s5] =	ssyncadd.s32 @p0 $0xFFFFE0C0;
	s5 =	sshra.s32 @!p0 s9, $0x2  }
0x79: {  	s7 =	simm.s32 @!p0 $0x5000;
	s20 =	simm.s32 @!p0 $0x7D;
	s6 =	sadd.s32 @!p0 $0x400, s5  }
0x7a: {  	[tilespmem:s7], [sflag:$0x1] =	stream.indirect.gather @!p0 [hbm4b:s1+s20], $0x40, s6, s20, $0xb8;
	[tilespmem:$0x1EA00] =	vst v63  }
0x7b: {  	s6 =	simm.s32 @!p0 $0x6  }
0x7c: {  	_ =	swait.ge @!p0 [sflag:s6], $0x1F40  }
0x7d: {  	[sflag:s6] =	ssyncset.done @!p0 $0x0  }
0x7e: {  	s7 =	simm.s32 @!p0 $0xEC40;
	[sflag:s6] =	ssyncadd.s32 @!p0 $0xFFFFE0C0;
	s6 =	sadd.s32 @!p0 $0x2A80, s5  }
0x7f: {  	[spmem:s3] =	stream.indirect.scatter.add.bf16 @!p0 [tilespmem:s7], [sflag:$0xE], $0x40, s6, s20, $0xb8;
	[tilespmem:$0x1EA00] =	vst v63  }
0x80: {  	s6 =	simm.s32 @!p0 $0xA  }
0x81: {  	_ =	swait.ge @!p0 [sflag:s6], $0x1F40  }
0x82: {  	[sflag:s6] =	ssyncset.done @!p0 $0x0  }
0x83: {  	s5 =	sadd.s32 @!p0 $0x480, s5;
	[sflag:s6] =	ssyncadd.s32 @!p0 $0xFFFFE0C0;
	s6 =	simm.s32 @!p0 $0x6F40  }
0x84: {  	[tilespmem:s6], [sflag:$0x2] =	stream.indirect.gather @!p0 [hbm4b:s1+s20], $0x40, s5, s20, $0xb8;
	[tilespmem:$0x1EA00] =	vst v63  }
0x85: {  	_ =	swait.ge [sflag:s0], $0x1F40  }
0x86: {  	[sflag:s0] =	ssyncset.done $0x0  }
.Ltmp2:
0x87: {  	s20 =	sadd.s32 $0x2B00, s4;
	[sflag:s0] =	ssyncadd.s32 $0xFFFFE0C0;
	(pc) =	sbr.rel @p0 .LBB2_4-.Ltmp2, $4  }
0x88: {  	[spmem:s3] =	stream.indirect.scatter.add.bf16 [tilespmem:s28], [sflag:$0xF], $0x40, s20, s14, $0xb8;
	[tilespmem:$0x1EA00] =	vst v63  }
0x89: {  	_ =	swait.ge [sflag:s11], $0x1F40  }
0x8a: {  	[sflag:s11] =	ssyncset.done $0x0  }
0x8b: {  	s20 =	sadd.s32 $0x2B80, s4;
	[sflag:s11] =	ssyncadd.s32 $0xFFFFE0C0  }
0x8c: {  	s5 =	sadd.s32 $0x500, s4  }
0x8d: {  	[tilespmem:s19], [sflag:$0x3] =	stream.indirect.gather [hbm4b:s1+s14], $0x40, s5, s14, $0xb8;
	[tilespmem:$0x1EA00] =	vst v63  }
0x8e: {  	_ =	swait.ge [sflag:s16], $0x1F40  }
0x8f: {  	[sflag:s16] =	ssyncset.done $0x0  }
0x90: {  	[sflag:s16] =	ssyncadd.s32 $0xFFFFE0C0  }
0x91: {  	[spmem:s3] =	stream.indirect.scatter.add.bf16 [tilespmem:s30], [sflag:$0x10], $0x40, s20, s14, $0xb8;
	[tilespmem:$0x1EA00] =	vst v63  }
.Ltmp3:
0x92: {  	_ = 	snop;
	(pc) =	sbr.rel .LBB2_2-.Ltmp3, $4  }
0x93: {  	_ =	swait.ge [sflag:s18], $0x1F40  }
0x94: {  	[sflag:s18] =	ssyncset.done $0x0  }
0x95: {  	s9 =	sadd.s32 $0x1000, s9;
	s20 =	sadd.s32 $0x580, s4;
	[sflag:s18] =	ssyncadd.s32 $0xFFFFE0C0  }
0x96: {  	[tilespmem:s21], [sflag:$0x4] =	stream.indirect.gather [hbm4b:s1+s14], $0x40, s20, s14, $0xb8;
	[tilespmem:$0x1EA00] =	vst v63  }
.LBB2_5:
0x97: {  	_ =	sfence.sel $0x180000  }
0x98: {  	[bflag:$0x0] =	sbarrier.arrive $0xFFFF  }
0x99: {  	_ =	strace $0x9000004D  }
0x9a: {  	s0 =	stileid.u32;
	[bflag:$0x2] =	sbarrier.arrive $0xFFFF  }
0x9b: {  	p0 =	sne.s32 s0, $0x0;
	s0 =	rddreg [dreg:$0x3]  }
0x9c: {  	s0 =	sadd.s32 @!p0 $0x100000, s0  }
0x9d: {  	[sflag:s0] =	ssyncadd.tile.s32 @!p0 $0x1;
	_ =	shalt  }
.Lfunc_end2:
_tile_overlayer_lowered:
.L_overlay_start_2:
0x9e: {  	(tag) =	ssettag $0x2  }
0x9f: {  	s0 =	rddreg [dreg:$0x0];
	s2 =	stileid.u32  }
0xa0: {  	s1 =	rddreg [dreg:$0x1];
	p0 =	sne.s32 s2, $0x0  }
0xa1: {  	s3 =	rddreg [dreg:$0x2];
	[bflag:$0x3] =	sbarrier.arrive $0xFFFF;
	s2 =	simm.s32 @!p0 $0x1C11  }
0xa2: {  	[timem:s3], [sflag:s2] =	dma.local @!p0 [hbm:s0], s1  }
0xa3: {  	s0 =	simm.s32 @!p0 $0x11  }
0xa4: {  	_ =	swait.ge @!p0 [sflag:s0], s1  }
0xa5: {  	s1 =	ssub.s32 @!p0 $0x0, s1;
	[sflag:s0] =	ssyncset.done @!p0 $0x0  }
0xa6: {  	[sflag:s0] =	ssyncadd.s32 @!p0 s1  }
0xa7: {  	[bflag:$0x3] =	sbarrier.arrive $0xFFFF  }
0xa8: {  	_ =	shalt  }

// kernel: kernel.20.cloned.1.call-start
scs
__scs_entry_jumppad:
0x0: {  	(pc) =	sbr.rel $0x88, $3  }
0x1: {  	(tag) =	ssettag $0x0;
	lr =	simm.s32 $0x1  }
0x2: {  	[smem:$0x3F99] =	sst lr;
	_ =	strace $0xD0000000  }
0x3: {  	_ = 	snop  }
0x4: {  	_ = 	snop  }
0x5: {  	_ = 	snop  }
0x6: {  	_ = 	snop  }
0x7: {  	_ = 	snop  }
__scs_overlays_trampoline_lowered:
0x8: {  	[smem:$0x3FA8] =	sst s0  }
0x9: {  	[smem:$0x3FA9] =	sst s1  }
0xa: {  	[smem:$0x3FAA] =	sst s2  }
0xb: {  	[smem:$0x3FAB] =	sst s3  }
0xc: {  	[smem:$0x3FAC] =	sst s4  }
0xd: {  	[smem:$0x3FAD] =	sst s5  }
0xe: {  	[smem:$0x3FAE] =	sst s6  }
0xf: {  	[smem:$0x3FAF] =	sst s7  }
0x10: {  	[smem:$0x3FB0] =	sst s8  }
0x11: {  	[smem:$0x3FB1] =	sst s9;
	s0 =	simm.s32 @!p0 $0x0  }
0x12: {  	s1 =	sld [smem:$0x3F97];
	s0 =	simm.s32 @p0 $0x1  }
0x13: {  	[smem:$0x3FB2] =	sst s0;
	s0 =	simm.s32 @!p1 $0x0  }
0x14: {  	s2 =	sld [smem:$0x3F96];
	s0 =	simm.s32 @p1 $0x1  }
0x15: {  	[smem:$0x3FB3] =	sst s0;
	s0 =	simm.s32 @!p2 $0x0  }
0x16: {  	s3 =	sld [smem:$0x3FDB];
	s0 =	simm.s32 @p2 $0x1  }
0x17: {  	s4 =	simm.s32 $0x1BF5;
	[smem:$0x3FB5] =	sst s0  }
0x18: {  	s0 =	sld [smem:$0x3F98];
	_ =	swait.ge [sflag:s4], $0x0  }
0x19: {  	s7 =	sld [smem:$0x3F99]  }
0x1a: {  	s8 =	sadd.s32 $0xFFFFE003, lr  }
0x1b: {  	s9 =	sadd.s32 $0xFFFFFEF7, lr;
	s5 =	simm.s32 $0xFFFFFFFF;
	p2 =	slt.u32 s8, $0xFFFFF086  }
0x1c: {  	p1 =	slt.u32 s9, $0xF7A;
	s5 =	simm.s32 @!p2 $0x0  }
0x1d: {  	s5 =	simm.s32 @p1 $0x1;
	p0 =	seq.s32 s7, s2  }
0x1e: {  	s7 =	smul.u32 @!p0 $0xF7A, s2;
	p2 =	seq.s32 @!p0 s5, $0x0  }
0x1f: {  	s9 =	smul.u32 $0xF7A, s1;
	s8 =	simm.s32 @!p0 $0x1BF5;
	p2 =	por !p2, p0  }
0x20: {  	[sflag:s8] =	ssyncset.s32 @!p0 $0xFFFFF086;
	s6 =	sadd.s32 @!p0 s3, s7;
	s7 =	simm.s32 @!p0 $0x108  }
0x21: {  	s3 =	sadd.s32 s3, s9;
	s6 =	sadd.s32 @!p0 $0x88, s6;
	s7 =	simm.s32 @p2 $0x1082  }
0x22: {  	[simem:s7], [sflag:s8] =	dma.local @!p0 [hbm:s6], $0xF7A  }
0x23: {  	s9 =	sor.u32 $0xD0000000, s2;
	s6 =	simm.s32 $0x108;
	_ =	swait.ge @!p0 [sflag:s8], $0x0  }
0x24: {  	s3 =	sadd.s32 $0x88, s3;
	s6 =	simm.s32 @!p1 $0x1082;
	[sflag:s4] =	ssyncset.s32 $0xFFFFF086  }
0x25: {  	[simem:s6], [sflag:s4] =	dma.local [hbm:s3], $0xF7A  }
0x26: {  	[smem:$0x3F99] =	sst s1;
	(tag) =	ssettag s2;
	_ =	strace s9  }
0x27: {  	s1 =	sld [smem:$0x3FA9]  }
0x28: {  	s2 =	sld [smem:$0x3FAA]  }
0x29: {  	s4 =	sld [smem:$0x3FAC]  }
0x2a: {  	p0 =	seq.s32 s5, $0x0;
	s5 =	sld [smem:$0x3FAD]  }
0x2b: {  	s6 =	sld [smem:$0x3FAE]  }
0x2c: {  	s7 =	sld [smem:$0x3FAF]  }
0x2d: {  	s3 =	simm.s32 $0x108;
	s8 =	sld [smem:$0x3FB0]  }
0x2e: {  	s3 =	simm.s32 @!p0 $0x1082;
	s9 =	sld [smem:$0x3FB1]  }
0x2f: {  	lr =	sadd.s32 s0, s3;
	s0 =	sld [smem:$0x3FA8]  }
0x30: {  	s3 =	sld [smem:$0x3FAB]  }
0x31: {  	[smem:$0x3FB4] =	sst s10  }
0x32: {  	s10 =	sld [smem:$0x3FB2];
	_ =	sdelay $0x3  }
0x33: {  	p0 =	seq.s32 s10, $0x1;
	s10 =	sld [smem:$0x3FB4];
	_ =	sdelay $0x3  }
0x34: {  	[smem:$0x3FB4] =	sst s10  }
0x35: {  	s10 =	sld [smem:$0x3FB3];
	_ =	sdelay $0x3  }
0x36: {  	p1 =	seq.s32 s10, $0x1;
	s10 =	sld [smem:$0x3FB4];
	_ =	sdelay $0x3  }
0x37: {  	[smem:$0x3FB4] =	sst s10  }
0x38: {  	s10 =	sld [smem:$0x3FB5]  }
0x39: {  	_ = 	snop;
	(pc) =	sbr.ind lr, $3  }
0x3a: {  	_ = 	snop  }
0x3b: {  	_ = 	snop  }
0x3c: {  	p2 =	seq.s32 s10, $0x1;
	s10 =	sld [smem:$0x3FB4]  }
0x3d: {  	_ =	shalt  }
0x3e: {  	_ =	shalt  }
0x3f: {  	_ =	shalt  }
0x40: {  	_ =	shalt  }
0x41: {  	_ =	shalt  }
0x42: {  	_ =	shalt  }
0x43: {  	_ =	shalt  }
0x44: {  	_ =	shalt  }
0x45: {  	_ =	shalt  }
0x46: {  	_ =	shalt  }
0x47: {  	_ =	shalt  }
0x48: {  	_ =	shalt  }
0x49: {  	_ =	shalt  }
0x4a: {  	_ =	shalt  }
0x4b: {  	_ =	shalt  }
0x4c: {  	_ =	shalt  }
0x4d: {  	_ =	shalt  }
0x4e: {  	_ =	shalt  }
0x4f: {  	_ =	shalt  }
0x50: {  	_ =	shalt  }
0x51: {  	_ =	shalt  }
0x52: {  	_ =	shalt  }
0x53: {  	_ =	shalt  }
0x54: {  	_ =	shalt  }
0x55: {  	_ =	shalt  }
0x56: {  	_ =	shalt  }
0x57: {  	_ =	shalt  }
0x58: {  	_ =	shalt  }
0x59: {  	_ =	shalt  }
0x5a: {  	_ =	shalt  }
0x5b: {  	_ =	shalt  }
0x5c: {  	_ =	shalt  }
0x5d: {  	_ =	shalt  }
0x5e: {  	_ =	shalt  }
0x5f: {  	_ =	shalt  }
0x60: {  	_ =	shalt  }
0x61: {  	_ =	shalt  }
0x62: {  	_ =	shalt  }
0x63: {  	_ =	shalt  }
0x64: {  	_ =	shalt  }
0x65: {  	_ =	shalt  }
0x66: {  	_ =	shalt  }
0x67: {  	_ =	shalt  }
0x68: {  	_ =	shalt  }
0x69: {  	_ =	shalt  }
0x6a: {  	_ =	shalt  }
0x6b: {  	_ =	shalt  }
0x6c: {  	_ =	shalt  }
0x6d: {  	_ =	shalt  }
0x6e: {  	_ =	shalt  }
0x6f: {  	_ =	shalt  }
0x70: {  	_ =	shalt  }
0x71: {  	_ =	shalt  }
0x72: {  	_ =	shalt  }
0x73: {  	_ =	shalt  }
0x74: {  	_ =	shalt  }
0x75: {  	_ =	shalt  }
0x76: {  	_ =	shalt  }
0x77: {  	_ =	shalt  }
0x78: {  	_ =	shalt  }
0x79: {  	_ =	shalt  }
0x7a: {  	_ =	shalt  }
0x7b: {  	_ =	shalt  }
0x7c: {  	_ =	shalt  }
0x7d: {  	_ =	shalt  }
0x7e: {  	_ =	shalt  }
0x7f: {  	_ =	shalt  }
0x80: {  	_ =	shalt  }
0x81: {  	_ =	shalt  }
0x82: {  	_ =	shalt  }
0x83: {  	_ =	shalt  }
0x84: {  	_ =	shalt  }
0x85: {  	_ =	shalt  }
0x86: {  	_ =	shalt  }
0x87: {  	_ =	shalt  }
.Lfunc_end0:
.L_simem_size_0:
called_computation.3_lowered:
.L_overlay_start_0:
0x88: {  	s2 =	sld [smem:$0x3FD9]  }
0x89: {  	s3 =	sld [smem:$0x3FFE];
	_ =	sdelay $0x1  }
0x8a: {  	s1 =	srdreg.scid  }
0x8b: {  	s0 =	sand.u32 $0x1, s1  }
0x8c: {  	s17 =	sshll.u32 s0, $0xA;
	s2 =	sadd.s32 s3, s2  }
0x8d: {  	s2 =	sadd.s32 s2, s17  }
0x8e: {  	[smem:$0x3FC0] =	sst s2  }
0x8f: {  	_ = 	snop  }
0x90: {  	s2 =	sld [smem:$0x3FD0];
	(tm) =	ssettm $0x1  }
0x91: {  	s18 =	sld [smem:$0x3FFB];
	_ =	sdelay $0x3  }
0x92: {  	_ =	strace s18  }
0x93: {  	s3 =	sld [smem:$0x3FFC];
	_ =	sdelay $0x3  }
0x94: {  	_ =	strace s3  }
0x95: {  	s3 =	sld [smem:$0x3FFD];
	_ =	sdelay $0x3  }
0x96: {  	_ =	strace s3  }
0x97: {  	_ =	strace $0x8FFFFFFF  }
0x98: {  	s19 =	sld [smem:$0x3FDB];
	_ =	sdelay $0x1  }
0x99: {  	s4 =	simm.s32 $_scs_section_size  }
0x9a: {  	s5 =	simm.s32 $_size__tile_overlayer_lowered;
	s6 =	simm.s32 $_tile_overlayer_lowered  }
0x9b: {  	s22 =	simm.s32 $0x1BFF;
	s21 =	sshll.u32 s6, $0x1;
	s3 =	sadd.s32 s4, s19  }
0x9c: {  	s7 =	simm.s32 $0x0;
	s20 =	sshll.u32 s5, $0x1;
	s5 =	sadd.s32 s21, s3  }
0x9d: {  	[timem:s7], [sflag:s22] =	dma.local [hbm:s5], s20  }
0x9e: {  	_ =	swait.ge [sflag:s22], s20  }
0x9f: {  	s4 =	ssub.s32 $0x0, s20;
	[sflag:s22] =	ssyncset.done $0x0  }
0xa0: {  	[sflag:s22] =	ssyncadd.s32 s4;
	_ =	sdelay $0x1  }
0xa1: {  	s23 =	simm.s32 $0x1B8B  }
0xa2: {  	_ =	swait.ge [sflag:s23], $0x1  }
0xa3: {  	[sflag:s23] =	ssyncset.done $0x0  }
0xa4: {  	s25 =	simm.s32 $0x1B8E;
	s24 =	sld [smem:$0x3FFE];
	[sflag:s23] =	ssyncadd.s32 $0xFFFFFFFF  }
0xa5: {  	s26 =	simm.s32 $execute0_lowered;
	[smem:$0x3FD2] =	sst s25  }
0xa6: {  	s5 =	sshll.u32 s26, $0x1;
	_ =	strace $0x8000004F;
	[dreg:$0x1] =	wrdreg $0xFFFFFFFF  }
0xa7: {  	s28 =	simm.s32 $_size_execute0_lowered;
	s3 =	sadd.s32 s3, s5;
	[dreg:$0x0] =	wrdreg $0x0  }
0xa8: {  	s5 =	sshll.u32 s28, $0x1;
	[dreg:$0x2] =	wrdreg s3  }
0xa9: {  	[dreg:$0x3] =	wrdreg s5  }
0xaa: {  	[dreg:$0x4] =	wrdreg $0xC0  }
0xab: {  	_ =	task [dreg:s7], $0x5FFFF  }
0xac: {  	[dreg:$0x1] =	wrdreg $0xFFFFFFFF  }
0xad: {  	[dreg:$0x0] =	wrdreg $0x60  }
0xae: {  	[dreg:$0x2] =	wrdreg s2  }
0xaf: {  	[dreg:$0x3] =	wrdreg s24  }
0xb0: {  	[dreg:$0x4] =	wrdreg $0xCD000  }
0xb1: {  	[dreg:$0x5] =	wrdreg $0x9  }
0xb2: {  	_ =	task.clear_ibuf [dreg:s7], $0x6FFFF;
	_ =	strace $0x9000004F  }
0xb3: {  	s29 =	simm.s32 $0x9;
	_ =	strace $0x80000051  }
0xb4: {  	_ =	swait.ge [sflag:s29], $0x1  }
0xb5: {  	[sflag:s29] =	ssyncadd.s32 $0xFFFFFFFF  }
0xb6: {  	_ =	strace $0x90000051  }
0xb7: {  	_ =	sfence  }
0xb8: {  	s30 =	sld [smem:$0x0];
	_ =	sdelay $0x2  }
0xb9: {  	s31 =	sshll.u32 s1, $0xD;
	s1 =	sshrl.u32 s1, $0x2  }
0xba: {  	s3 =	sand.u32 $0x4000, s31;
	s1 =	sadd.s32 s1, s30  }
0xbb: {  	s0 =	sor.u32 s3, s0;
	s1 =	sshll.u32 s1, $0x11  }
0xbc: {  	s0 =	sor.u32 s1, s0  }
0xbd: {  	s0 =	sadd.s32 $0x8F2B, s0  }
0xbe: {  	[sflag:s0] =	ssyncadd.remote.s32 $0x1  }
0xbf: {  	_ =	sfence.sel $0xFFFF  }
0xc0: {  	[dreg:$0x0] =	wrdreg $0xFFFFFFFF;
	(pc) =	sbr.abs _section_cstart, $3  }
0xc1: {  	[dreg:$0x1] =	wrdreg $0xFFFFFFFF  }
0xc2: {  	_ =	task.clear_ibuf [dreg:s7], $0x2FFFF;
	_ =	strace $0x9FFFFFFF  }
0xc3: {  	(tm) =	ssettm $0x7FFFFFFF  }
tec
execute0_lowered:
.L_overlay_start_1:
0x0: {  	(tag) =	ssettag $0x1  }
0x1: {  	s1 =	rddreg [dreg:$0x0]  }
0x2: {  	s0 =	srdreg.scid;
	s4 =	rddreg [dreg:$0x1]  }
0x3: {  	s9 =	stileid.u32;
	s3 =	rddreg [dreg:$0x2];
	s6 =	simm.s32 $0x0  }
0x4: {  	s10 =	simm.s32 $0x11;
	s14 =	simm.s32 $0x7D;
	s15 =	simm.s32 $0x5000  }
0x5: {  	s17 =	simm.s32 $0x5FA0;
	s19 =	simm.s32 $0x6F40;
	s21 =	simm.s32 $0x7EE0  }
0x6: {  	s28 =	simm.s32 $0xADC0;
	s29 =	simm.s32 $0x4;
	s30 =	simm.s32 $0xBD60  }
0x7: {  	s31 =	simm.s32 $0x5;
	s11 =	simm.s32 $0xB;
	s16 =	simm.s32 $0x8  }
0x8: {  	s18 =	simm.s32 $0xC;
	s0 =	sand.u32 $0x1, s0;
	s2 =	sshll.u32 s9, $0x1  }
0x9: {  	s5 =	smul.u32 $0xA000, s9;
	[smem:$0x7FF] =	sst s6;
	s26 =	sshll.u32 s9, $0x6  }
0xa: {  	s2 =	sor.u32 s0, s2;
	s22 =	smul.u32 $0xA0000, s0;
	_ =	strace $0x80000050  }
0xb: {  	s0 =	ssub.s32 $0x2, s0;
	s12 =	sor.u32 $0x1C11, s26;
	s26 =	simm.s32 $0x3  }
0xc: {  	s2 =	smul.u32 $0x500, s2;
	s7 =	sshrl.u32 s5, $0x4;
	s8 =	sshrl.u32 s0, $0x1  }
0xd: {  	s24 =	sshrl.u32 s5, $0x1;
	s6 =	sadd.s32 s5, s22;
	s7 =	sadd.s32 s7, s4  }
0xe: {  	s0 =	ssub.s32 s0, s8;
	s22 =	simm.s32 $0x1;
	s8 =	simm.s32 $0x0  }
0xf: {  	s2 =	sadd.s32 s2, s4;
	s6 =	sshrl.u32 s6, $0x4;
	s25 =	sadd.s32 $0x1E00, s7  }
0x10: {  	s0 =	smax.u32 s0, $0x1;
	s4 =	sadd.s32 s6, s4;
	[dreg:$0x6] =	wrdreg s25  }
.Ltmp0:
0x11: {  	s23 =	sadd.s32 $0x18600, s2;
	[dreg:$0x8] =	wrdreg s0;
	(pc) =	sbr.rel .LBB2_1-.Ltmp0, $4  }
0x12: {  	s2 =	sadd.s32 $0xE600, s2;
	s25 =	simm.s32 $0x9E20;
	[dreg:$0x4] =	wrdreg s23  }
0x13: {  	s0 =	simm.s32 $0x7;
	[dreg:$0x5] =	wrdreg s2;
	s2 =	sadd.s32 s24, s3  }
0x14: {  	s4 =	sadd.s32 $0x22600, s4;
	s23 =	simm.s32 $0x8E80;
	s24 =	simm.s32 $0x2  }
0x15: {  	[dreg:$0x7] =	wrdreg s4;
	s13 =	sshrl.u32 s2, $0x3;
	s2 =	simm.s32 $0x9  }
.LBB2_4:
0x16: {  	_ =	swait.ge [sflag:s16], $0xFA0  }
0x17: {  	[sflag:s16] =	ssyncset.done $0x0  }
0x18: {  	[sflag:s16] =	ssyncadd.s32 $0xFFFFF060  }
0x19: {  	[spmem:s3] =	stream.indirect.scatter.add.bf16 [tilespmem:s30], [sflag:$0x10], $0x20, s20, s14, $0xb8;
	[tilespmem:$0x11D00] =	vst v63  }
0x1a: {  	_ =	swait.ge [sflag:s18], $0xFA0  }
0x1b: {  	[sflag:s18] =	ssyncset.done $0x0  }
0x1c: {  	s4 =	simm.s32 $0xD;
	[sflag:s18] =	ssyncadd.s32 $0xFFFFF060  }
0x1d: {  	_ =	swait.ge [sflag:s4], $0xFA0  }
0x1e: {  	[sflag:s4] =	ssyncset.done $0x0  }
0x1f: {  	s5 =	simm.s32 $0xE;
	[sflag:s4] =	ssyncadd.s32 $0xFFFFF060  }
0x20: {  	_ =	swait.ge [sflag:s5], $0xFA0  }
0x21: {  	[sflag:s5] =	ssyncset.done $0x0  }
0x22: {  	s6 =	simm.s32 $0xF;
	[sflag:s5] =	ssyncadd.s32 $0xFFFFF060  }
0x23: {  	_ =	swait.ge [sflag:s6], $0xFA0  }
0x24: {  	[sflag:s6] =	ssyncset.done $0x0  }
0x25: {  	s7 =	simm.s32 $0x10;
	[sflag:s6] =	ssyncadd.s32 $0xFFFFF060  }
0x26: {  	_ =	swait.ge [sflag:s7], $0xFA0  }
0x27: {  	[sflag:s7] =	ssyncset.done $0x0  }
0x28: {  	[sflag:s7] =	ssyncadd.s32 $0xFFFFF060  }
0x29: {  	[bflag:$0x0] =	sbarrier.arrive $0xFFFF  }
0x2a: {  	s9 =	rddreg [dreg:$0x7]  }
0x2b: {  	[hbm:s9], [sflag:s12] =	dma.local [spmem:s13], $0xA00  }
0x2c: {  	_ =	swait.ge [sflag:s10], $0xA00  }
0x2d: {  	s8 =	sadd.s32 $0x1, s8;
	s20 =	rddreg [dreg:$0x8]  }
0x2e: {  	p0 =	sne.s32 s8, s20  }
.Ltmp1:
0x2f: {  	_ = 	snop;
	(pc) =	sbr.rel @!p0 .LBB2_5-.Ltmp1, $3  }
0x30: {  	_ =	sdelay $0x1  }
0x31: {  	[sflag:s10] =	ssyncset.done $0x0  }
0x32: {  	[sflag:s10] =	ssyncadd.s32 $0xFFFFF600  }
.LBB2_1:
0x33: {  	s4 =	simm.s32 $0x0;
	s5 =	rddreg [dreg:$0x4]  }
0x34: {  	[tilespmem:s4], [sflag:$0x11] =	stream.linear.gather [hbm4b:s5+s4], $0x2800, $0x38;
	[tilespmem:$0x11D00] =	vst v63  }
0x35: {  	_ =	swait.ge [sflag:s10], $0x2800  }
0x36: {  	[sflag:s10] =	ssyncset.done $0x0  }
0x37: {  	s6 =	simm.s32 $0x2800;
	s20 =	rddreg [dreg:$0x5];
	[sflag:s10] =	ssyncadd.s32 $0xFFFFD800  }
0x38: {  	[tilespmem:s6], [sflag:$0x11] =	stream.linear.gather [hbm4b:s20+s4], $0x2800, $0x38;
	[tilespmem:$0x11D00] =	vst v63  }
0x39: {  	_ =	swait.ge [sflag:s10], $0x2800  }
0x3a: {  	[sflag:s10] =	ssyncset.done $0x0  }
0x3b: {  	s6 =	rddreg [dreg:$0x6];
	[sflag:s10] =	ssyncadd.s32 $0xFFFFD800  }
0x3c: {  	[spmem:s13], [sflag:s12] =	dma.local [hbm:s6], $0xA00  }
0x3d: {  	_ =	swait.ge [sflag:s10], $0xA00  }
0x3e: {  	[sflag:s10] =	ssyncset.done $0x0  }
0x3f: {  	[sflag:s10] =	ssyncadd.s32 $0xFFFFF600  }
0x40: {  	[bflag:$0x0] =	sbarrier.arrive $0xFFFF  }
0x41: {  	[tilespmem:s15], [sflag:$0x1] =	stream.indirect.gather [hbm4b:s1+s14], $0x20, s4, s14, $0xb8;
	[tilespmem:$0x11D00] =	vst v63  }
0x42: {  	s7 =	simm.s32 $0x80  }
0x43: {  	[tilespmem:s17], [sflag:$0x2] =	stream.indirect.gather [hbm4b:s1+s14], $0x20, s7, s14, $0xb8;
	[tilespmem:$0x11D00] =	vst v63  }
0x44: {  	s9 =	simm.s32 $0x100  }
0x45: {  	[tilespmem:s19], [sflag:$0x3] =	stream.indirect.gather [hbm4b:s1+s14], $0x20, s9, s14, $0xb8;
	[tilespmem:$0x11D00] =	vst v63  }
0x46: {  	s20 =	simm.s32 $0x180;
	s9 =	simm.s32 $0x0  }
0x47: {  	[tilespmem:s21], [sflag:$0x4] =	stream.indirect.gather [hbm4b:s1+s14], $0x20, s20, s14, $0xb8;
	[tilespmem:$0x11D00] =	vst v63  }
.LBB2_2:
0x48: {  	_ =	swait.ge [sflag:s22], $0xFA0  }
0x49: {  	s4 =	sshra.s32 s9, $0x2;
	[sflag:s22] =	ssyncset.done $0x0  }
0x4a: {  	p0 =	seq.s32 s9, $0x0;
	s20 =	sadd.s32 $0x2800, s4;
	[sflag:s22] =	ssyncadd.s32 $0xFFFFF060  }
0x4b: {  	[spmem:s3] =	stream.indirect.scatter.add.bf16 [tilespmem:s15], [sflag:$0x9], $0x20, s20, s14, $0xb8;
	[tilespmem:$0x11D00] =	vst v63  }
0x4c: {  	s20 =	simm.s32 @!p0 $0xD  }
0x4d: {  	_ =	swait.ge @!p0 [sflag:s20], $0xFA0  }
0x4e: {  	[sflag:s20] =	ssyncset.done @!p0 $0x0  }
0x4f: {  	s6 =	sadd.s32 $0x200, s4;
	[sflag:s20] =	ssyncadd.s32 @!p0 $0xFFFFF060  }
0x50: {  	[tilespmem:s23], [sflag:$0x5] =	stream.indirect.gather [hbm4b:s1+s14], $0x20, s6, s14, $0xb8;
	[tilespmem:$0x11D00] =	vst v63  }
0x51: {  	_ =	swait.ge [sflag:s24], $0xFA0  }
0x52: {  	[sflag:s24] =	ssyncset.done $0x0  }
0x53: {  	s7 =	sadd.s32 $0x2880, s4;
	s20 =	simm.s32 @!p0 $0xE;
	[sflag:s24] =	ssyncadd.s32 $0xFFFFF060  }
0x54: {  	[spmem:s3] =	stream.indirect.scatter.add.bf16 [tilespmem:s17], [sflag:$0xA], $0x20, s7, s14, $0xb8;
	[tilespmem:$0x11D00] =	vst v63  }
0x55: {  	_ =	swait.ge @!p0 [sflag:s20], $0xFA0  }
0x56: {  	[sflag:s20] =	ssyncset.done @!p0 $0x0  }
0x57: {  	s5 =	sadd.s32 $0x280, s4;
	[sflag:s20] =	ssyncadd.s32 @!p0 $0xFFFFF060  }
0x58: {  	[tilespmem:s25], [sflag:$0x6] =	stream.indirect.gather [hbm4b:s1+s14], $0x20, s5, s14, $0xb8;
	[tilespmem:$0x11D00] =	vst v63  }
0x59: {  	_ =	swait.ge [sflag:s26], $0xFA0  }
0x5a: {  	[sflag:s26] =	ssyncset.done $0x0  }
0x5b: {  	s6 =	sadd.s32 $0x2900, s4;
	s20 =	simm.s32 @!p0 $0xF;
	[sflag:s26] =	ssyncadd.s32 $0xFFFFF060  }
0x5c: {  	[spmem:s3] =	stream.indirect.scatter.add.bf16 [tilespmem:s19], [sflag:$0xB], $0x20, s6, s14, $0xb8;
	[tilespmem:$0x11D00] =	vst v63  }
0x5d: {  	_ =	swait.ge @!p0 [sflag:s20], $0xFA0  }
0x5e: {  	[sflag:s20] =	ssyncset.done @!p0 $0x0  }
0x5f: {  	s7 =	sadd.s32 $0x300, s4;
	[sflag:s20] =	ssyncadd.s32 @!p0 $0xFFFFF060  }
0x60: {  	[tilespmem:s28], [sflag:$0x7] =	stream.indirect.gather [hbm4b:s1+s14], $0x20, s7, s14, $0xb8;
	[tilespmem:$0x11D00] =	vst v63  }
0x61: {  	_ =	swait.ge [sflag:s29], $0xFA0  }
0x62: {  	[sflag:s29] =	ssyncset.done $0x0  }
0x63: {  	s5 =	sadd.s32 $0x2980, s4;
	s20 =	simm.s32 @!p0 $0x10;
	[sflag:s29] =	ssyncadd.s32 $0xFFFFF060  }
0x64: {  	[spmem:s3] =	stream.indirect.scatter.add.bf16 [tilespmem:s21], [sflag:$0xC], $0x20, s5, s14, $0xb8;
	[tilespmem:$0x11D00] =	vst v63  }
0x65: {  	_ =	swait.ge @!p0 [sflag:s20], $0xFA0  }
0x66: {  	[sflag:s20] =	ssyncset.done @!p0 $0x0  }
0x67: {  	s6 =	sadd.s32 $0x380, s4;
	[sflag:s20] =	ssyncadd.s32 @!p0 $0xFFFFF060  }
0x68: {  	[tilespmem:s30], [sflag:$0x8] =	stream.indirect.gather [hbm4b:s1+s14], $0x20, s6, s14, $0xb8;
	[tilespmem:$0x11D00] =	vst v63  }
0x69: {  	_ =	swait.ge [sflag:s31], $0xFA0  }
0x6a: {  	[sflag:s31] =	ssyncset.done $0x0  }
0x6b: {  	s7 =	sadd.s32 $0x2A00, s4;
	[sflag:s31] =	ssyncadd.s32 $0xFFFFF060  }
0x6c: {  	[spmem:s3] =	stream.indirect.scatter.add.bf16 [tilespmem:s23], [sflag:$0xD], $0x20, s7, s14, $0xb8;
	[tilespmem:$0x11D00] =	vst v63  }
0x6d: {  	_ =	swait.ge [sflag:s2], $0xFA0  }
0x6e: {  	p0 =	seq.s32 s9, $0x9000;
	[sflag:s2] =	ssyncset.done $0x0  }
0x6f: {  	s20 =	simm.s32 @p0 $0x6;
	[sflag:s2] =	ssyncadd.s32 $0xFFFFF060  }
0x70: {  	_ =	swait.ge @p0 [sflag:s20], $0xFA0  }
0x71: {  	[sflag:s20] =	ssyncset.done @p0 $0x0  }
0x72: {  	[sflag:s20] =	ssyncadd.s32 @p0 $0xFFFFF060;
	s20 =	sshra.s32 @p0 s9, $0x2  }
0x73: {  	s5 =	simm.s32 @p0 $0x7D;
	s6 =	simm.s32 @p0 $0x9E20;
	s20 =	sadd.s32 @p0 $0x2A80, s20  }
0x74: {  	[spmem:s3] =	stream.indirect.scatter.add.bf16 @p0 [tilespmem:s6], [sflag:$0xE], $0x20, s20, s5, $0xb8;
	[tilespmem:$0x11D00] =	vst v63  }
0x75: {  	s5 =	simm.s32 @p0 $0xA  }
0x76: {  	_ =	swait.ge @p0 [sflag:s5], $0xFA0  }
0x77: {  	[sflag:s5] =	ssyncset.done @p0 $0x0  }
0x78: {  	[sflag:s5] =	ssyncadd.s32 @p0 $0xFFFFF060;
	s5 =	sshra.s32 @!p0 s9, $0x2  }
0x79: {  	s7 =	simm.s32 @!p0 $0x5000;
	s20 =	simm.s32 @!p0 $0x7D;
	s6 =	sadd.s32 @!p0 $0x400, s5  }
0x7a: {  	[tilespmem:s7], [sflag:$0x1] =	stream.indirect.gather @!p0 [hbm4b:s1+s20], $0x20, s6, s20, $0xb8;
	[tilespmem:$0x11D00] =	vst v63  }
0x7b: {  	s6 =	simm.s32 @!p0 $0x6  }
0x7c: {  	_ =	swait.ge @!p0 [sflag:s6], $0xFA0  }
0x7d: {  	[sflag:s6] =	ssyncset.done @!p0 $0x0  }
0x7e: {  	s7 =	simm.s32 @!p0 $0x9E20;
	[sflag:s6] =	ssyncadd.s32 @!p0 $0xFFFFF060;
	s6 =	sadd.s32 @!p0 $0x2A80, s5  }
0x7f: {  	[spmem:s3] =	stream.indirect.scatter.add.bf16 @!p0 [tilespmem:s7], [sflag:$0xE], $0x20, s6, s20, $0xb8;
	[tilespmem:$0x11D00] =	vst v63  }
0x80: {  	s6 =	simm.s32 @!p0 $0xA  }
0x81: {  	_ =	swait.ge @!p0 [sflag:s6], $0xFA0  }
0x82: {  	[sflag:s6] =	ssyncset.done @!p0 $0x0  }
0x83: {  	s5 =	sadd.s32 @!p0 $0x480, s5;
	[sflag:s6] =	ssyncadd.s32 @!p0 $0xFFFFF060;
	s6 =	simm.s32 @!p0 $0x5FA0  }
0x84: {  	[tilespmem:s6], [sflag:$0x2] =	stream.indirect.gather @!p0 [hbm4b:s1+s20], $0x20, s5, s20, $0xb8;
	[tilespmem:$0x11D00] =	vst v63  }
0x85: {  	_ =	swait.ge [sflag:s0], $0xFA0  }
0x86: {  	[sflag:s0] =	ssyncset.done $0x0  }
.Ltmp2:
0x87: {  	s20 =	sadd.s32 $0x2B00, s4;
	[sflag:s0] =	ssyncadd.s32 $0xFFFFF060;
	(pc) =	sbr.rel @p0 .LBB2_4-.Ltmp2, $4  }
0x88: {  	[spmem:s3] =	stream.indirect.scatter.add.bf16 [tilespmem:s28], [sflag:$0xF], $0x20, s20, s14, $0xb8;
	[tilespmem:$0x11D00] =	vst v63  }
0x89: {  	_ =	swait.ge [sflag:s11], $0xFA0  }
0x8a: {  	[sflag:s11] =	ssyncset.done $0x0  }
0x8b: {  	s20 =	sadd.s32 $0x2B80, s4;
	[sflag:s11] =	ssyncadd.s32 $0xFFFFF060  }
0x8c: {  	s5 =	sadd.s32 $0x500, s4  }
0x8d: {  	[tilespmem:s19], [sflag:$0x3] =	stream.indirect.gather [hbm4b:s1+s14], $0x20, s5, s14, $0xb8;
	[tilespmem:$0x11D00] =	vst v63  }
0x8e: {  	_ =	swait.ge [sflag:s16], $0xFA0  }
0x8f: {  	[sflag:s16] =	ssyncset.done $0x0  }
0x90: {  	[sflag:s16] =	ssyncadd.s32 $0xFFFFF060  }
0x91: {  	[spmem:s3] =	stream.indirect.scatter.add.bf16 [tilespmem:s30], [sflag:$0x10], $0x20, s20, s14, $0xb8;
	[tilespmem:$0x11D00] =	vst v63  }
.Ltmp3:
0x92: {  	_ = 	snop;
	(pc) =	sbr.rel .LBB2_2-.Ltmp3, $4  }
0x93: {  	_ =	swait.ge [sflag:s18], $0xFA0  }
0x94: {  	[sflag:s18] =	ssyncset.done $0x0  }
0x95: {  	s9 =	sadd.s32 $0x1000, s9;
	s20 =	sadd.s32 $0x580, s4;
	[sflag:s18] =	ssyncadd.s32 $0xFFFFF060  }
0x96: {  	[tilespmem:s21], [sflag:$0x4] =	stream.indirect.gather [hbm4b:s1+s14], $0x20, s20, s14, $0xb8;
	[tilespmem:$0x11D00] =	vst v63  }
.LBB2_5:
0x97: {  	_ =	sfence.sel $0x180000  }
0x98: {  	[bflag:$0x0] =	sbarrier.arrive $0xFFFF  }
0x99: {  	_ =	strace $0x90000050  }
0x9a: {  	s0 =	stileid.u32;
	[bflag:$0x2] =	sbarrier.arrive $0xFFFF  }
0x9b: {  	p0 =	sne.s32 s0, $0x0;
	s0 =	rddreg [dreg:$0x3]  }
0x9c: {  	s0 =	sadd.s32 @!p0 $0x100000, s0  }
0x9d: {  	[sflag:s0] =	ssyncadd.tile.s32 @!p0 $0x1;
	_ =	shalt  }
.Lfunc_end2:
_tile_overlayer_lowered:
.L_overlay_start_2:
0x9e: {  	(tag) =	ssettag $0x2  }
0x9f: {  	s0 =	rddreg [dreg:$0x0];
	s2 =	stileid.u32  }
0xa0: {  	s1 =	rddreg [dreg:$0x1];
	p0 =	sne.s32 s2, $0x0  }
0xa1: {  	s3 =	rddreg [dreg:$0x2];
	[bflag:$0x3] =	sbarrier.arrive $0xFFFF;
	s2 =	simm.s32 @!p0 $0x1C11  }
0xa2: {  	[timem:s3], [sflag:s2] =	dma.local @!p0 [hbm:s0], s1  }
0xa3: {  	s0 =	simm.s32 @!p0 $0x11  }
0xa4: {  	_ =	swait.ge @!p0 [sflag:s0], s1  }
0xa5: {  	s1 =	ssub.s32 @!p0 $0x0, s1;
	[sflag:s0] =	ssyncset.done @!p0 $0x0  }
0xa6: {  	[sflag:s0] =	ssyncadd.s32 @!p0 s1  }
0xa7: {  	[bflag:$0x3] =	sbarrier.arrive $0xFFFF  }
0xa8: {  	_ =	shalt  }

</sc_bundles>
